<compile_context>
chip_gen: v7x
topology: tpu7x:2x2x1
jax: 0.10.2.dev20260603
libtpu: 0.0.44.dev20260713+nightly
codegen_flags: <defaults>
</compile_context>

<pallas_src>
import jax
import jax.numpy as jnp
from jax import lax
from jax.experimental import pallas as pl
from jax.experimental.pallas import tpu as pltpu
from jax.experimental.pallas import tpu_sc as plsc

N = 10000
E = 320000
D = 128

NC = 2
NS = 16
NW = NC * NS

CHUNK = 80
CPS = 25
NSUP = 5
EDGES_PER_TILE = CHUNK * CPS * NSUP
N_PAD = N
ROWS_MAIN = 624
REM_BASE = NS * ROWS_MAIN
REM = N - REM_BASE


def _mm_body(x_ref, w_ref, a_ref, wh_ref, s_ref):
    xv = x_ref[...]
    wh = lax.dot_general(xv, w_ref[...], (((1,), (1,)), ((), ())),
                         preferred_element_type=jnp.float32)
    wh_ref[...] = wh
    s_ref[...] = lax.dot_general(wh, a_ref[...], (((1,), (1,)), ((), ())),
                                 preferred_element_type=jnp.float32)


def _matmul(x, W, A):
    blk = 1000
    grid = N // blk
    return pl.pallas_call(
        _mm_body,
        grid=(grid,),
        in_specs=[
            pl.BlockSpec((blk, D), lambda i: (i, 0)),
            pl.BlockSpec((D, D), lambda i: (0, 0)),
            pl.BlockSpec((8, D), lambda i: (0, 0)),
        ],
        out_specs=[
            pl.BlockSpec((blk, D), lambda i: (i, 0)),
            pl.BlockSpec((blk, 8), lambda i: (i, 0)),
        ],
        out_shape=[
            jax.ShapeDtypeStruct((N, D), jnp.float32),
            jax.ShapeDtypeStruct((N, 8), jnp.float32),
        ],
    )(x, W, A)


def _epi_body(num_ref, den_ref, wh_ref, b_ref, o_ref):
    num = num_ref[0] + num_ref[1]
    den = jnp.sum(den_ref[...], axis=1)
    den = jnp.maximum(den, 1e-9)
    o_ref[...] = jnp.maximum(num / den[:, None] + wh_ref[...] + b_ref[...],
                             0.0)


def _epilogue(num, den, Wh, bias):
    blk = 1000
    grid = N // blk
    return pl.pallas_call(
        _epi_body,
        grid=(grid,),
        in_specs=[
            pl.BlockSpec((2, blk, D), lambda i: (0, i, 0)),
            pl.BlockSpec((blk, NW), lambda i: (i, 0)),
            pl.BlockSpec((blk, D), lambda i: (i, 0)),
            pl.BlockSpec((1, D), lambda i: (0, 0)),
        ],
        out_specs=pl.BlockSpec((blk, D), lambda i: (i, 0)),
        out_shape=jax.ShapeDtypeStruct((N, D), jnp.float32),
    )(num, den, Wh, bias)


def _sc_body(src_hbm, dst_hbm, s1_hbm, s2_hbm, wh_hbm,
             num_out, den_out,
             denom_v, sidx, didx,
             rows0, s1g0, s2g0, rows1, s1g1, s2g1, rows2, s1g2, s2g2,
             eexp_v,
             gsem0, gsem1, gsem2, ssem0, ssem1, ssem2, num_sh):
    cid = lax.axis_index("c")
    sid = lax.axis_index("s")
    wid = cid * NS + sid

    rows = (rows0, rows1, rows2)
    s1g = (s1g0, s1g1, s1g2)
    s2g = (s2g0, s2g1, s2g2)
    gsem = (gsem0, gsem1, gsem2)
    ssem = (ssem0, ssem1, ssem2)

    zv = jnp.zeros((16,), jnp.float32)

    def _zero_denom(r, _):
        denom_v[pl.ds(r * 16, 16)] = zv
        return 0

    lax.fori_loop(0, N_PAD // 16, _zero_denom, 0)

    def _zero_rows(r, _):
        for v in range(D // 16):
            rows0[r, pl.ds(v * 16, 16)] = zv
        return 0

    lax.fori_loop(0, CHUNK, _zero_rows, 0)

    for p in range(ROWS_MAIN // CHUNK):
        pltpu.sync_copy(rows0,
                        num_sh.at[pl.ds(sid * ROWS_MAIN + p * CHUNK, CHUNK)])
    pltpu.sync_copy(
        rows0.at[pl.ds(0, ROWS_MAIN % CHUNK)],
        num_sh.at[pl.ds(sid * ROWS_MAIN + (ROWS_MAIN // CHUNK) * CHUNK,
                        ROWS_MAIN % CHUNK)])

    @pl.when(sid == NS - 1)
    def _zero_rem():
        pltpu.sync_copy(rows0.at[pl.ds(0, REM)],
                        num_sh.at[pl.ds(REM_BASE, REM)])

    plsc.subcore_barrier()

    lane0 = lax.iota(jnp.int32, 16) == 0

    def _issue(c, b):
        pltpu.async_copy(wh_hbm.at[sidx.at[c]], rows[b], gsem[b])
        pltpu.async_copy(s1_hbm.at[sidx.at[c]], s1g[b], gsem[b])
        pltpu.async_copy(s2_hbm.at[didx.at[c]], s2g[b], gsem[b])

    def _wait_gather(b):
        pltpu.make_async_copy(wh_hbm.at[sidx.at[0]], rows[b], gsem[b]).wait()
        pltpu.make_async_copy(s1_hbm.at[sidx.at[0]], s1g[b], gsem[b]).wait()
        pltpu.make_async_copy(s2_hbm.at[didx.at[0]], s2g[b], gsem[b]).wait()

    def _compute(c, b):
        cc = jnp.broadcast_to(c, (16,)).astype(jnp.int32)
        rows_, s1g_, s2g_ = rows[b], s1g[b], s2g[b]
        for g in range(CHUNK // 16):
            sl = pl.ds(g * 16, 16)
            e = s1g_[sl] + s2g_[sl]
            e = jnp.where(e >= 0.0, e, 0.2 * e)
            eexp_v[sl] = jnp.exp(e)

        def _scale(k, _):
            kk = jnp.broadcast_to(k, (16,)).astype(jnp.int32)
            ab = plsc.load_gather(eexp_v, [kk])
            dk = plsc.load_gather(didx, [cc, kk])
            plsc.addupdate_scatter(denom_v, [dk], ab, mask=lane0)
            for v in range(D // 16):
                sl = pl.ds(v * 16, 16)
                rows_[k, sl] = rows_[k, sl] * ab
            return 0

        lax.fori_loop(0, CHUNK, _scale, 0, unroll=4)

    def _step(c, b, prefetch):
        _wait_gather(b)
        _compute(c, b)
        pltpu.async_copy(rows[b], num_sh.at[didx.at[c]], ssem[b], add=True)
        if prefetch:
            bp = (b + 2) % 3

            @pl.when(c == 0)
            def _pf0():
                _issue(2, bp)

            @pl.when((c >= 1) & (c + 2 < CPS))
            def _pf():
                pltpu.make_async_copy(rows[bp], num_sh.at[didx.at[0]],
                                      ssem[bp]).wait()
                _issue(c + 2, bp)

    def _superchunk(s, _):
        g = wid * NSUP + s
        pltpu.sync_copy(src_hbm.at[g], sidx)
        pltpu.sync_copy(dst_hbm.at[g], didx)

        _issue(0, 0)
        _issue(1, 1)

        def _triple(c2, _):
            c = c2 * 3
            for b in range(3):
                _step(c + b, b, True)
            return 0

        lax.fori_loop(0, CPS // 3, _triple, 0)

        _step(CPS - 1, (CPS - 1) % 3, False)
        for b in range(3):
            pltpu.make_async_copy(rows[b], num_sh.at[didx.at[0]],
                                  ssem[b]).wait()
        return 0

    lax.fori_loop(0, NSUP, _superchunk, 0)

    plsc.subcore_barrier()

    r0 = sid * ROWS_MAIN
    pltpu.sync_copy(num_sh.at[pl.ds(r0, ROWS_MAIN)],
                    num_out.at[cid, pl.ds(r0, ROWS_MAIN)])

    @pl.when(sid == NS - 1)
    def _copy_rem():
        pltpu.sync_copy(num_sh.at[pl.ds(REM_BASE, REM)],
                        num_out.at[cid, pl.ds(REM_BASE, REM)])

    pltpu.sync_copy(
        denom_v.at[pl.ds(0, N)],
        den_out.at[pl.ds(pl.multiple_of(wid * N, 8), N)])


def _sc_edge_pass(src, dst, s1, s2, Wh):
    mesh = plsc.VectorSubcoreMesh(core_axis_name="c", subcore_axis_name="s")
    f = pl.kernel(
        _sc_body,
        mesh=mesh,
        compiler_params=pltpu.CompilerParams(needs_layout_passes=False),
        out_type=[
            jax.ShapeDtypeStruct((NC, N, D), jnp.float32),
            jax.ShapeDtypeStruct((NW * N,), jnp.float32),
        ],
        scratch_types=[
            pltpu.VMEM((N_PAD,), jnp.float32),
            pltpu.VMEM((CPS, CHUNK), jnp.int32),
            pltpu.VMEM((CPS, CHUNK), jnp.int32),
            pltpu.VMEM((CHUNK, D), jnp.float32),
            pltpu.VMEM((CHUNK,), jnp.float32),
            pltpu.VMEM((CHUNK,), jnp.float32),
            pltpu.VMEM((CHUNK, D), jnp.float32),
            pltpu.VMEM((CHUNK,), jnp.float32),
            pltpu.VMEM((CHUNK,), jnp.float32),
            pltpu.VMEM((CHUNK, D), jnp.float32),
            pltpu.VMEM((CHUNK,), jnp.float32),
            pltpu.VMEM((CHUNK,), jnp.float32),
            pltpu.VMEM((CHUNK,), jnp.float32),
            pltpu.SemaphoreType.DMA,
            pltpu.SemaphoreType.DMA,
            pltpu.SemaphoreType.DMA,
            pltpu.SemaphoreType.DMA,
            pltpu.SemaphoreType.DMA,
            pltpu.SemaphoreType.DMA,
            pltpu.VMEM_SHARED((N_PAD, D), jnp.float32),
        ],
    )
    return f(src, dst, s1, s2, Wh)


def kernel(x, edge_index, W, a_w, bias):
    src_r = edge_index[0].reshape(NW * NSUP, CPS, CHUNK)
    dst_r = edge_index[1].reshape(NW * NSUP, CPS, CHUNK)
    A = jnp.zeros((8, D), jnp.float32)
    A = A.at[0].set(a_w[0, :D]).at[1].set(a_w[0, D:])
    Wh, s = _matmul(x, W, A)
    num, den = _sc_edge_pass(src_r, dst_r, s[:, 0], s[:, 1], Wh)
    return _epilogue(num, den.reshape(NW, N).T, Wh, bias)

# --- scband reference (transcript-rebuilt; emitter-appended) ---
"""Pipeline reference for scband-gatsingle-attention-head-11828339933782 (READ-ONLY COPY).

The authoritative reference and input builder live on the scoring server;
editing this copy changes nothing except your own understanding.
"""

import jax, jax.numpy as jnp
import numpy as np

N = 10000
E = 320000
D_IN = 128
D_OUT = 128


def setup_inputs(seed: int = 0) -> dict:
    key = jax.random.key(seed)
    k1, k2, k3, k4, k5 = jax.random.split(key, 5)
    x = jax.random.normal(k1, (N, D_IN), dtype=jnp.float32)
    edge_index = jax.random.randint(k2, (2, E), 0, N, dtype=jnp.int32)
    # Learned parameters (dropout is identity in eval mode)
    W = jax.random.normal(k3, (D_OUT, D_IN), dtype=jnp.float32) * (1.0 / np.sqrt(D_IN))
    a_w = jax.random.normal(k4, (1, 2 * D_OUT), dtype=jnp.float32) * (1.0 / np.sqrt(2 * D_OUT))
    bias = jax.random.normal(k5, (1, D_OUT), dtype=jnp.float32) * 0.1
    return {"x": x, "edge_index": edge_index, "W": W, "a_w": a_w, "bias": bias}


def reference(x, edge_index, W, a_w, bias):
    src = edge_index[0]
    dst = edge_index[1]
    # Wh = linear(dropout(feature)); dropout is identity in eval
    Wh = x @ W.T  # [N, D_OUT]
    # per-edge attention logits: e = leaky_relu(a^T [Wh_src || Wh_dst])
    h_concat = jnp.concatenate([Wh[src], Wh[dst]], axis=1)  # [E, 2*D_OUT]
    e = h_concat @ a_w.T  # [E, 1]
    e = jax.nn.leaky_relu(e, negative_slope=0.2)[:, 0]  # [E]
    # softmax over incoming edges per destination node (mailbox softmax)
    m = jax.ops.segment_max(e, dst, num_segments=N)
    m = jnp.where(jnp.isfinite(m), m, 0.0)
    e_exp = jnp.exp(e - m[dst])
    denom = jax.ops.segment_sum(e_exp, dst, num_segments=N)
    alpha = e_exp / jnp.maximum(denom[dst], 1e-9)  # [E]
    # weighted message aggregation: h_new = sum_j alpha_ij * Wh_j
    h_new = jax.ops.segment_sum(alpha[:, None] * Wh[src], dst, num_segments=N)
    # residual connection
    h_new = h_new + Wh
    # activation(h_new + bias) with activation = relu
    return jax.nn.relu(h_new + bias)

if __name__ == "__main__":
    import jax
    _d = setup_inputs()
    print(jax.jit(kernel)(*tuple(_d.values())))

</pallas_src>

<mosaic_0001>
#map = affine_map<(d0, d1) -> (0, 0, 0)>
#map1 = affine_map<(d0, d1) -> (0)>
#map2 = affine_map<(d0, d1) -> (0, 0)>
module attributes {stable_mosaic.version = 14 : i64} {
  func.func @_sc_body(%arg0: i32, %arg1: i32, %arg2: memref<160x25x80xi32, #tpu.memory_space<hbm>>, %arg3: memref<160x25x80xi32, #tpu.memory_space<hbm>>, %arg4: memref<10000xf32, #tpu.memory_space<hbm>>, %arg5: memref<10000xf32, #tpu.memory_space<hbm>>, %arg6: memref<10000x128xf32, #tpu.memory_space<hbm>>, %arg7: memref<2x10000x128xf32, #tpu.memory_space<hbm>>, %arg8: memref<320000xf32, #tpu.memory_space<hbm>>, %arg9: memref<10000xf32, #tpu.memory_space<vmem>>, %arg10: memref<25x80xi32, #tpu.memory_space<vmem>>, %arg11: memref<25x80xi32, #tpu.memory_space<vmem>>, %arg12: memref<80x128xf32, #tpu.memory_space<vmem>>, %arg13: memref<80xf32, #tpu.memory_space<vmem>>, %arg14: memref<80xf32, #tpu.memory_space<vmem>>, %arg15: memref<80x128xf32, #tpu.memory_space<vmem>>, %arg16: memref<80xf32, #tpu.memory_space<vmem>>, %arg17: memref<80xf32, #tpu.memory_space<vmem>>, %arg18: memref<80x128xf32, #tpu.memory_space<vmem>>, %arg19: memref<80xf32, #tpu.memory_space<vmem>>, %arg20: memref<80xf32, #tpu.memory_space<vmem>>, %arg21: memref<80xf32, #tpu.memory_space<vmem>>, %arg22: memref<!tpu.dma_semaphore, #tpu.memory_space<semaphore_mem>>, %arg23: memref<!tpu.dma_semaphore, #tpu.memory_space<semaphore_mem>>, %arg24: memref<!tpu.dma_semaphore, #tpu.memory_space<semaphore_mem>>, %arg25: memref<!tpu.dma_semaphore, #tpu.memory_space<semaphore_mem>>, %arg26: memref<!tpu.dma_semaphore, #tpu.memory_space<semaphore_mem>>, %arg27: memref<!tpu.dma_semaphore, #tpu.memory_space<semaphore_mem>>, %arg28: memref<10000x128xf32, #tpu.memory_space<vmem_shared>>) attributes {dimension_semantics = [#tpu.dimension_semantics<core_parallel>, #tpu.dimension_semantics<subcore_parallel>], iteration_bounds = array<i64: 2, 16>, scalar_prefetch = 0 : i64, scratch_operands = 20 : i64, tpu.core_type = #tpu.core_type<sc_vector_subcore>, window_params = [{transform_indices = #map}, {transform_indices = #map}, {transform_indices = #map1}, {transform_indices = #map1}, {transform_indices = #map2}, {transform_indices = #map}, {transform_indices = #map1}]} {
    %mul3A = arith.constant 16 : i32
    %mul3A_0 = arith.muli %arg0, %mul3A : i32
    %add3A = arith.addi %mul3A_0, %arg1 : i32
    %broadcast_in_dim3A = arith.constant 0.000000e+00 : f32
    %broadcast_in_dim3A_1 = vector.broadcast %broadcast_in_dim3A : f32 to vector<16xf32>
    %scan3A = arith.constant 0 : i32
    %scan3A_2 = arith.constant 0 : i32
    %scan3A_3 = arith.constant 625 : i32
    %scan3A_4 = arith.addi %scan3A_2, %scan3A_3 : i32
    %scan3A_5 = arith.constant 1 : i32
    %scan3A_6 = scf.for %scan3A_69 = %scan3A_2 to %scan3A_4 step %scan3A_5 iter_args(%scan3A_70 = %scan3A) -> (i32)  : i32 {
      %mul3A_71 = arith.constant 16 : i32
      %mul3A_72 = arith.muli %scan3A_69, %mul3A_71 : i32
      %swap3A = arith.index_cast %mul3A_72 : i32 to index
      %swap3A_73 = tpu.vector_load %arg9[%swap3A] {strides = array<i32>} : memref<10000xf32, #tpu.memory_space<vmem>>, vector<16xf32>,
      tpu.vector_store %arg9[%swap3A], %broadcast_in_dim3A_1 {strides = array<i32>} : memref<10000xf32, #tpu.memory_space<vmem>>, vector<16xf32>,
      %scan3A_74 = arith.constant 0 : i32
      scf.yield %scan3A_74 : i32
    }
    %scan3A_7 = arith.constant 625 : i32
    %scan3A_8 = arith.constant 0 : i32
    %scan3A_9 = arith.constant 0 : i32
    %scan3A_10 = arith.constant 80 : i32
    %scan3A_11 = arith.addi %scan3A_9, %scan3A_10 : i32
    %scan3A_12 = arith.constant 1 : i32
    %scan3A_13 = scf.for %scan3A_69 = %scan3A_9 to %scan3A_11 step %scan3A_12 iter_args(%scan3A_70 = %scan3A_8) -> (i32)  : i32 {
      %swap3A = arith.index_cast %scan3A_69 : i32 to index
      %swap3A_71 = arith.constant 0 : index
      %swap3A_72 = tpu.vector_load %arg12[%swap3A, %swap3A_71] {strides = array<i32>} : memref<80x128xf32, #tpu.memory_space<vmem>>, vector<16xf32>,
      tpu.vector_store %arg12[%swap3A, %swap3A_71], %broadcast_in_dim3A_1 {strides = array<i32>} : memref<80x128xf32, #tpu.memory_space<vmem>>, vector<16xf32>,
      %swap3A_73 = arith.index_cast %scan3A_69 : i32 to index
      %swap3A_74 = arith.constant 16 : index
      %swap3A_75 = tpu.vector_load %arg12[%swap3A_73, %swap3A_74] {strides = array<i32>} : memref<80x128xf32, #tpu.memory_space<vmem>>, vector<16xf32>,
      tpu.vector_store %arg12[%swap3A_73, %swap3A_74], %broadcast_in_dim3A_1 {strides = array<i32>} : memref<80x128xf32, #tpu.memory_space<vmem>>, vector<16xf32>,
      %swap3A_76 = arith.index_cast %scan3A_69 : i32 to index
      %swap3A_77 = arith.constant 32 : index
      %swap3A_78 = tpu.vector_load %arg12[%swap3A_76, %swap3A_77] {strides = array<i32>} : memref<80x128xf32, #tpu.memory_space<vmem>>, vector<16xf32>,
      tpu.vector_store %arg12[%swap3A_76, %swap3A_77], %broadcast_in_dim3A_1 {strides = array<i32>} : memref<80x128xf32, #tpu.memory_space<vmem>>, vector<16xf32>,
      %swap3A_79 = arith.index_cast %scan3A_69 : i32 to index
      %swap3A_80 = arith.constant 48 : index
      %swap3A_81 = tpu.vector_load %arg12[%swap3A_79, %swap3A_80] {strides = array<i32>} : memref<80x128xf32, #tpu.memory_space<vmem>>, vector<16xf32>,
      tpu.vector_store %arg12[%swap3A_79, %swap3A_80], %broadcast_in_dim3A_1 {strides = array<i32>} : memref<80x128xf32, #tpu.memory_space<vmem>>, vector<16xf32>,
      %swap3A_82 = arith.index_cast %scan3A_69 : i32 to index
      %swap3A_83 = arith.constant 64 : index
      %swap3A_84 = tpu.vector_load %arg12[%swap3A_82, %swap3A_83] {strides = array<i32>} : memref<80x128xf32, #tpu.memory_space<vmem>>, vector<16xf32>,
      tpu.vector_store %arg12[%swap3A_82, %swap3A_83], %broadcast_in_dim3A_1 {strides = array<i32>} : memref<80x128xf32, #tpu.memory_space<vmem>>, vector<16xf32>,
      %swap3A_85 = arith.index_cast %scan3A_69 : i32 to index
      %swap3A_86 = arith.constant 80 : index
      %swap3A_87 = tpu.vector_load %arg12[%swap3A_85, %swap3A_86] {strides = array<i32>} : memref<80x128xf32, #tpu.memory_space<vmem>>, vector<16xf32>,
      tpu.vector_store %arg12[%swap3A_85, %swap3A_86], %broadcast_in_dim3A_1 {strides = array<i32>} : memref<80x128xf32, #tpu.memory_space<vmem>>, vector<16xf32>,
      %swap3A_88 = arith.index_cast %scan3A_69 : i32 to index
      %swap3A_89 = arith.constant 96 : index
      %swap3A_90 = tpu.vector_load %arg12[%swap3A_88, %swap3A_89] {strides = array<i32>} : memref<80x128xf32, #tpu.memory_space<vmem>>, vector<16xf32>,
      tpu.vector_store %arg12[%swap3A_88, %swap3A_89], %broadcast_in_dim3A_1 {strides = array<i32>} : memref<80x128xf32, #tpu.memory_space<vmem>>, vector<16xf32>,
      %swap3A_91 = arith.index_cast %scan3A_69 : i32 to index
      %swap3A_92 = arith.constant 112 : index
      %swap3A_93 = tpu.vector_load %arg12[%swap3A_91, %swap3A_92] {strides = array<i32>} : memref<80x128xf32, #tpu.memory_space<vmem>>, vector<16xf32>,
      tpu.vector_store %arg12[%swap3A_91, %swap3A_92], %broadcast_in_dim3A_1 {strides = array<i32>} : memref<80x128xf32, #tpu.memory_space<vmem>>, vector<16xf32>,
      %scan3A_94 = arith.constant 0 : i32
      scf.yield %scan3A_94 : i32
    }
    %scan3A_14 = arith.constant 80 : i32
    %mul3A_15 = arith.constant 624 : i32
    %mul3A_16 = arith.muli %arg1, %mul3A_15 : i32
    %add3A_17 = arith.constant 0 : i32
    %add3A_18 = arith.addi %mul3A_16, %add3A_17 : i32
    "tpu.region"() ({
      %run_scoped3A = tpu.sem_alloc : memref<!tpu.dma_semaphore, #tpu.memory_space<semaphore_mem>>
      %dma_start3A = arith.constant 0 : i32
      %dma_start3A_69 = tpu.memref_slice %arg28[%add3A_18, %dma_start3A] : memref<10000x128xf32, #tpu.memory_space<vmem_shared>> -> memref<80x128xf32, #tpu.memory_space<vmem_shared>>
      %dma_start3A_70 = arith.constant 0 : i32
      %dma_start3A_71 = tpu.memref_slice %arg28[%add3A_18, %dma_start3A_70] : memref<10000x128xf32, #tpu.memory_space<vmem_shared>> -> memref<80x128xf32, #tpu.memory_space<vmem_shared>>
      tpu.enqueue_dma source(%arg12 : memref<80x128xf32, #tpu.memory_space<vmem>>) target(%dma_start3A_71 : memref<80x128xf32, #tpu.memory_space<vmem_shared>>) target_semaphore(%run_scoped3A : memref<!tpu.dma_semaphore, #tpu.memory_space<semaphore_mem>>)
      %dma_wait3A = arith.constant 0 : i32
      %dma_wait3A_72 = tpu.memref_slice %arg28[%add3A_18, %dma_wait3A] : memref<10000x128xf32, #tpu.memory_space<vmem_shared>> -> memref<80x128xf32, #tpu.memory_space<vmem_shared>>
      %dma_wait3A_73 = arith.constant 0 : i32
      %dma_wait3A_74 = tpu.memref_slice %arg28[%add3A_18, %dma_wait3A_73] : memref<10000x128xf32, #tpu.memory_space<vmem_shared>> -> memref<80x128xf32, #tpu.memory_space<vmem_shared>>
      tpu.wait_dma2 semaphore(%run_scoped3A : memref<!tpu.dma_semaphore, #tpu.memory_space<semaphore_mem>>) src(%arg12 : memref<80x128xf32, #tpu.memory_space<vmem>>) dst(%dma_wait3A_74 : memref<80x128xf32, #tpu.memory_space<vmem_shared>>)
      tpu.yield
    }) : () -> ()
    %mul3A_19 = arith.constant 624 : i32
    %mul3A_20 = arith.muli %arg1, %mul3A_19 : i32
    %add3A_21 = arith.constant 80 : i32
    %add3A_22 = arith.addi %mul3A_20, %add3A_21 : i32
    "tpu.region"() ({
      %run_scoped3A = tpu.sem_alloc : memref<!tpu.dma_semaphore, #tpu.memory_space<semaphore_mem>>
      %dma_start3A = arith.constant 0 : i32
      %dma_start3A_69 = tpu.memref_slice %arg28[%add3A_22, %dma_start3A] : memref<10000x128xf32, #tpu.memory_space<vmem_shared>> -> memref<80x128xf32, #tpu.memory_space<vmem_shared>>
      %dma_start3A_70 = arith.constant 0 : i32
      %dma_start3A_71 = tpu.memref_slice %arg28[%add3A_22, %dma_start3A_70] : memref<10000x128xf32, #tpu.memory_space<vmem_shared>> -> memref<80x128xf32, #tpu.memory_space<vmem_shared>>
      tpu.enqueue_dma source(%arg12 : memref<80x128xf32, #tpu.memory_space<vmem>>) target(%dma_start3A_71 : memref<80x128xf32, #tpu.memory_space<vmem_shared>>) target_semaphore(%run_scoped3A : memref<!tpu.dma_semaphore, #tpu.memory_space<semaphore_mem>>)
      %dma_wait3A = arith.constant 0 : i32
      %dma_wait3A_72 = tpu.memref_slice %arg28[%add3A_22, %dma_wait3A] : memref<10000x128xf32, #tpu.memory_space<vmem_shared>> -> memref<80x128xf32, #tpu.memory_space<vmem_shared>>
      %dma_wait3A_73 = arith.constant 0 : i32
      %dma_wait3A_74 = tpu.memref_slice %arg28[%add3A_22, %dma_wait3A_73] : memref<10000x128xf32, #tpu.memory_space<vmem_shared>> -> memref<80x128xf32, #tpu.memory_space<vmem_shared>>
      tpu.wait_dma2 semaphore(%run_scoped3A : memref<!tpu.dma_semaphore, #tpu.memory_space<semaphore_mem>>) src(%arg12 : memref<80x128xf32, #tpu.memory_space<vmem>>) dst(%dma_wait3A_74 : memref<80x128xf32, #tpu.memory_space<vmem_shared>>)
      tpu.yield
    }) : () -> ()
    %mul3A_23 = arith.constant 624 : i32
    %mul3A_24 = arith.muli %arg1, %mul3A_23 : i32
    %add3A_25 = arith.constant 160 : i32
    %add3A_26 = arith.addi %mul3A_24, %add3A_25 : i32
    "tpu.region"() ({
      %run_scoped3A = tpu.sem_alloc : memref<!tpu.dma_semaphore, #tpu.memory_space<semaphore_mem>>
      %dma_start3A = arith.constant 0 : i32
      %dma_start3A_69 = tpu.memref_slice %arg28[%add3A_26, %dma_start3A] : memref<10000x128xf32, #tpu.memory_space<vmem_shared>> -> memref<80x128xf32, #tpu.memory_space<vmem_shared>>
      %dma_start3A_70 = arith.constant 0 : i32
      %dma_start3A_71 = tpu.memref_slice %arg28[%add3A_26, %dma_start3A_70] : memref<10000x128xf32, #tpu.memory_space<vmem_shared>> -> memref<80x128xf32, #tpu.memory_space<vmem_shared>>
      tpu.enqueue_dma source(%arg12 : memref<80x128xf32, #tpu.memory_space<vmem>>) target(%dma_start3A_71 : memref<80x128xf32, #tpu.memory_space<vmem_shared>>) target_semaphore(%run_scoped3A : memref<!tpu.dma_semaphore, #tpu.memory_space<semaphore_mem>>)
      %dma_wait3A = arith.constant 0 : i32
      %dma_wait3A_72 = tpu.memref_slice %arg28[%add3A_26, %dma_wait3A] : memref<10000x128xf32, #tpu.memory_space<vmem_shared>> -> memref<80x128xf32, #tpu.memory_space<vmem_shared>>
      %dma_wait3A_73 = arith.constant 0 : i32
      %dma_wait3A_74 = tpu.memref_slice %arg28[%add3A_26, %dma_wait3A_73] : memref<10000x128xf32, #tpu.memory_space<vmem_shared>> -> memref<80x128xf32, #tpu.memory_space<vmem_shared>>
      tpu.wait_dma2 semaphore(%run_scoped3A : memref<!tpu.dma_semaphore, #tpu.memory_space<semaphore_mem>>) src(%arg12 : memref<80x128xf32, #tpu.memory_space<vmem>>) dst(%dma_wait3A_74 : memref<80x128xf32, #tpu.memory_space<vmem_shared>>)
      tpu.yield
    }) : () -> ()
    %mul3A_27 = arith.constant 624 : i32
    %mul3A_28 = arith.muli %arg1, %mul3A_27 : i32
    %add3A_29 = arith.constant 240 : i32
    %add3A_30 = arith.addi %mul3A_28, %add3A_29 : i32
    "tpu.region"() ({
      %run_scoped3A = tpu.sem_alloc : memref<!tpu.dma_semaphore, #tpu.memory_space<semaphore_mem>>
      %dma_start3A = arith.constant 0 : i32
      %dma_start3A_69 = tpu.memref_slice %arg28[%add3A_30, %dma_start3A] : memref<10000x128xf32, #tpu.memory_space<vmem_shared>> -> memref<80x128xf32, #tpu.memory_space<vmem_shared>>
      %dma_start3A_70 = arith.constant 0 : i32
      %dma_start3A_71 = tpu.memref_slice %arg28[%add3A_30, %dma_start3A_70] : memref<10000x128xf32, #tpu.memory_space<vmem_shared>> -> memref<80x128xf32, #tpu.memory_space<vmem_shared>>
      tpu.enqueue_dma source(%arg12 : memref<80x128xf32, #tpu.memory_space<vmem>>) target(%dma_start3A_71 : memref<80x128xf32, #tpu.memory_space<vmem_shared>>) target_semaphore(%run_scoped3A : memref<!tpu.dma_semaphore, #tpu.memory_space<semaphore_mem>>)
      %dma_wait3A = arith.constant 0 : i32
      %dma_wait3A_72 = tpu.memref_slice %arg28[%add3A_30, %dma_wait3A] : memref<10000x128xf32, #tpu.memory_space<vmem_shared>> -> memref<80x128xf32, #tpu.memory_space<vmem_shared>>
      %dma_wait3A_73 = arith.constant 0 : i32
      %dma_wait3A_74 = tpu.memref_slice %arg28[%add3A_30, %dma_wait3A_73] : memref<10000x128xf32, #tpu.memory_space<vmem_shared>> -> memref<80x128xf32, #tpu.memory_space<vmem_shared>>
      tpu.wait_dma2 semaphore(%run_scoped3A : memref<!tpu.dma_semaphore, #tpu.memory_space<semaphore_mem>>) src(%arg12 : memref<80x128xf32, #tpu.memory_space<vmem>>) dst(%dma_wait3A_74 : memref<80x128xf32, #tpu.memory_space<vmem_shared>>)
      tpu.yield
    }) : () -> ()
    %mul3A_31 = arith.constant 624 : i32
    %mul3A_32 = arith.muli %arg1, %mul3A_31 : i32
    %add3A_33 = arith.constant 320 : i32
    %add3A_34 = arith.addi %mul3A_32, %add3A_33 : i32
    "tpu.region"() ({
      %run_scoped3A = tpu.sem_alloc : memref<!tpu.dma_semaphore, #tpu.memory_space<semaphore_mem>>
      %dma_start3A = arith.constant 0 : i32
      %dma_start3A_69 = tpu.memref_slice %arg28[%add3A_34, %dma_start3A] : memref<10000x128xf32, #tpu.memory_space<vmem_shared>> -> memref<80x128xf32, #tpu.memory_space<vmem_shared>>
      %dma_start3A_70 = arith.constant 0 : i32
      %dma_start3A_71 = tpu.memref_slice %arg28[%add3A_34, %dma_start3A_70] : memref<10000x128xf32, #tpu.memory_space<vmem_shared>> -> memref<80x128xf32, #tpu.memory_space<vmem_shared>>
      tpu.enqueue_dma source(%arg12 : memref<80x128xf32, #tpu.memory_space<vmem>>) target(%dma_start3A_71 : memref<80x128xf32, #tpu.memory_space<vmem_shared>>) target_semaphore(%run_scoped3A : memref<!tpu.dma_semaphore, #tpu.memory_space<semaphore_mem>>)
      %dma_wait3A = arith.constant 0 : i32
      %dma_wait3A_72 = tpu.memref_slice %arg28[%add3A_34, %dma_wait3A] : memref<10000x128xf32, #tpu.memory_space<vmem_shared>> -> memref<80x128xf32, #tpu.memory_space<vmem_shared>>
      %dma_wait3A_73 = arith.constant 0 : i32
      %dma_wait3A_74 = tpu.memref_slice %arg28[%add3A_34, %dma_wait3A_73] : memref<10000x128xf32, #tpu.memory_space<vmem_shared>> -> memref<80x128xf32, #tpu.memory_space<vmem_shared>>
      tpu.wait_dma2 semaphore(%run_scoped3A : memref<!tpu.dma_semaphore, #tpu.memory_space<semaphore_mem>>) src(%arg12 : memref<80x128xf32, #tpu.memory_space<vmem>>) dst(%dma_wait3A_74 : memref<80x128xf32, #tpu.memory_space<vmem_shared>>)
      tpu.yield
    }) : () -> ()
    %mul3A_35 = arith.constant 624 : i32
    %mul3A_36 = arith.muli %arg1, %mul3A_35 : i32
    %add3A_37 = arith.constant 400 : i32
    %add3A_38 = arith.addi %mul3A_36, %add3A_37 : i32
    "tpu.region"() ({
      %run_scoped3A = tpu.sem_alloc : memref<!tpu.dma_semaphore, #tpu.memory_space<semaphore_mem>>
      %dma_start3A = arith.constant 0 : i32
      %dma_start3A_69 = tpu.memref_slice %arg28[%add3A_38, %dma_start3A] : memref<10000x128xf32, #tpu.memory_space<vmem_shared>> -> memref<80x128xf32, #tpu.memory_space<vmem_shared>>
      %dma_start3A_70 = arith.constant 0 : i32
      %dma_start3A_71 = tpu.memref_slice %arg28[%add3A_38, %dma_start3A_70] : memref<10000x128xf32, #tpu.memory_space<vmem_shared>> -> memref<80x128xf32, #tpu.memory_space<vmem_shared>>
      tpu.enqueue_dma source(%arg12 : memref<80x128xf32, #tpu.memory_space<vmem>>) target(%dma_start3A_71 : memref<80x128xf32, #tpu.memory_space<vmem_shared>>) target_semaphore(%run_scoped3A : memref<!tpu.dma_semaphore, #tpu.memory_space<semaphore_mem>>)
      %dma_wait3A = arith.constant 0 : i32
      %dma_wait3A_72 = tpu.memref_slice %arg28[%add3A_38, %dma_wait3A] : memref<10000x128xf32, #tpu.memory_space<vmem_shared>> -> memref<80x128xf32, #tpu.memory_space<vmem_shared>>
      %dma_wait3A_73 = arith.constant 0 : i32
      %dma_wait3A_74 = tpu.memref_slice %arg28[%add3A_38, %dma_wait3A_73] : memref<10000x128xf32, #tpu.memory_space<vmem_shared>> -> memref<80x128xf32, #tpu.memory_space<vmem_shared>>
      tpu.wait_dma2 semaphore(%run_scoped3A : memref<!tpu.dma_semaphore, #tpu.memory_space<semaphore_mem>>) src(%arg12 : memref<80x128xf32, #tpu.memory_space<vmem>>) dst(%dma_wait3A_74 : memref<80x128xf32, #tpu.memory_space<vmem_shared>>)
      tpu.yield
    }) : () -> ()
    %mul3A_39 = arith.constant 624 : i32
    %mul3A_40 = arith.muli %arg1, %mul3A_39 : i32
    %add3A_41 = arith.constant 480 : i32
    %add3A_42 = arith.addi %mul3A_40, %add3A_41 : i32
    "tpu.region"() ({
      %run_scoped3A = tpu.sem_alloc : memref<!tpu.dma_semaphore, #tpu.memory_space<semaphore_mem>>
      %dma_start3A = arith.constant 0 : i32
      %dma_start3A_69 = tpu.memref_slice %arg28[%add3A_42, %dma_start3A] : memref<10000x128xf32, #tpu.memory_space<vmem_shared>> -> memref<80x128xf32, #tpu.memory_space<vmem_shared>>
      %dma_start3A_70 = arith.constant 0 : i32
      %dma_start3A_71 = tpu.memref_slice %arg28[%add3A_42, %dma_start3A_70] : memref<10000x128xf32, #tpu.memory_space<vmem_shared>> -> memref<80x128xf32, #tpu.memory_space<vmem_shared>>
      tpu.enqueue_dma source(%arg12 : memref<80x128xf32, #tpu.memory_space<vmem>>) target(%dma_start3A_71 : memref<80x128xf32, #tpu.memory_space<vmem_shared>>) target_semaphore(%run_scoped3A : memref<!tpu.dma_semaphore, #tpu.memory_space<semaphore_mem>>)
      %dma_wait3A = arith.constant 0 : i32
      %dma_wait3A_72 = tpu.memref_slice %arg28[%add3A_42, %dma_wait3A] : memref<10000x128xf32, #tpu.memory_space<vmem_shared>> -> memref<80x128xf32, #tpu.memory_space<vmem_shared>>
      %dma_wait3A_73 = arith.constant 0 : i32
      %dma_wait3A_74 = tpu.memref_slice %arg28[%add3A_42, %dma_wait3A_73] : memref<10000x128xf32, #tpu.memory_space<vmem_shared>> -> memref<80x128xf32, #tpu.memory_space<vmem_shared>>
      tpu.wait_dma2 semaphore(%run_scoped3A : memref<!tpu.dma_semaphore, #tpu.memory_space<semaphore_mem>>) src(%arg12 : memref<80x128xf32, #tpu.memory_space<vmem>>) dst(%dma_wait3A_74 : memref<80x128xf32, #tpu.memory_space<vmem_shared>>)
      tpu.yield
    }) : () -> ()
    %mul3A_43 = arith.constant 624 : i32
    %mul3A_44 = arith.muli %arg1, %mul3A_43 : i32
    %add3A_45 = arith.constant 560 : i32
    %add3A_46 = arith.addi %mul3A_44, %add3A_45 : i32
    "tpu.region"() ({
      %run_scoped3A = tpu.sem_alloc : memref<!tpu.dma_semaphore, #tpu.memory_space<semaphore_mem>>
      %dma_start3A = arith.constant 0 : i32
      %dma_start3A_69 = arith.constant 0 : i32
      %dma_start3A_70 = tpu.memref_slice %arg12[%dma_start3A, %dma_start3A_69] : memref<80x128xf32, #tpu.memory_space<vmem>> -> memref<64x128xf32, #tpu.memory_space<vmem>>
      %dma_start3A_71 = arith.constant 0 : i32
      %dma_start3A_72 = tpu.memref_slice %arg28[%add3A_46, %dma_start3A_71] : memref<10000x128xf32, #tpu.memory_space<vmem_shared>> -> memref<64x128xf32, #tpu.memory_space<vmem_shared>>
      %dma_start3A_73 = arith.constant 0 : i32
      %dma_start3A_74 = tpu.memref_slice %arg28[%add3A_46, %dma_start3A_73] : memref<10000x128xf32, #tpu.memory_space<vmem_shared>> -> memref<64x128xf32, #tpu.memory_space<vmem_shared>>
      %dma_start3A_75 = arith.constant 0 : i32
      %dma_start3A_76 = arith.constant 0 : i32
      %dma_start3A_77 = tpu.memref_slice %arg12[%dma_start3A_75, %dma_start3A_76] : memref<80x128xf32, #tpu.memory_space<vmem>> -> memref<64x128xf32, #tpu.memory_space<vmem>>
      tpu.enqueue_dma source(%dma_start3A_77 : memref<64x128xf32, #tpu.memory_space<vmem>>) target(%dma_start3A_74 : memref<64x128xf32, #tpu.memory_space<vmem_shared>>) target_semaphore(%run_scoped3A : memref<!tpu.dma_semaphore, #tpu.memory_space<semaphore_mem>>)
      %dma_wait3A = arith.constant 0 : i32
      %dma_wait3A_78 = arith.constant 0 : i32
      %dma_wait3A_79 = tpu.memref_slice %arg12[%dma_wait3A, %dma_wait3A_78] : memref<80x128xf32, #tpu.memory_space<vmem>> -> memref<64x128xf32, #tpu.memory_space<vmem>>
      %dma_wait3A_80 = arith.constant 0 : i32
      %dma_wait3A_81 = tpu.memref_slice %arg28[%add3A_46, %dma_wait3A_80] : memref<10000x128xf32, #tpu.memory_space<vmem_shared>> -> memref<64x128xf32, #tpu.memory_space<vmem_shared>>
      %dma_wait3A_82 = arith.constant 0 : i32
      %dma_wait3A_83 = tpu.memref_slice %arg28[%add3A_46, %dma_wait3A_82] : memref<10000x128xf32, #tpu.memory_space<vmem_shared>> -> memref<64x128xf32, #tpu.memory_space<vmem_shared>>
      %dma_wait3A_84 = arith.constant 0 : i32
      %dma_wait3A_85 = arith.constant 0 : i32
      %dma_wait3A_86 = tpu.memref_slice %arg12[%dma_wait3A_84, %dma_wait3A_85] : memref<80x128xf32, #tpu.memory_space<vmem>> -> memref<64x128xf32, #tpu.memory_space<vmem>>
      tpu.wait_dma2 semaphore(%run_scoped3A : memref<!tpu.dma_semaphore, #tpu.memory_space<semaphore_mem>>) src(%dma_wait3A_86 : memref<64x128xf32, #tpu.memory_space<vmem>>) dst(%dma_wait3A_83 : memref<64x128xf32, #tpu.memory_space<vmem_shared>>)
      tpu.yield
    }) : () -> ()
    %eq3A = arith.constant 15 : i32
    %eq3A_47 = arith.cmpi eq, %arg1, %eq3A : i32
    %convert_element_type3A = arith.extui %eq3A_47 : i1 to i32
    %cond3A = arith.constant 0 : i32
    %cond3A_48 = arith.cmpi ne, %convert_element_type3A, %cond3A : i32
    scf.if %cond3A_48 {
      "tpu.region"() ({
        %run_scoped3A = tpu.sem_alloc : memref<!tpu.dma_semaphore, #tpu.memory_space<semaphore_mem>>
        %dma_start3A = arith.constant 0 : i32
        %dma_start3A_69 = arith.constant 0 : i32
        %dma_start3A_70 = tpu.memref_slice %arg12[%dma_start3A, %dma_start3A_69] : memref<80x128xf32, #tpu.memory_space<vmem>> -> memref<16x128xf32, #tpu.memory_space<vmem>>
        %dma_start3A_71 = arith.constant 9984 : i32
        %dma_start3A_72 = arith.constant 0 : i32
        %dma_start3A_73 = tpu.memref_slice %arg28[%dma_start3A_71, %dma_start3A_72] : memref<10000x128xf32, #tpu.memory_space<vmem_shared>> -> memref<16x128xf32, #tpu.memory_space<vmem_shared>>
        %dma_start3A_74 = arith.constant 9984 : i32
        %dma_start3A_75 = arith.constant 0 : i32
        %dma_start3A_76 = tpu.memref_slice %arg28[%dma_start3A_74, %dma_start3A_75] : memref<10000x128xf32, #tpu.memory_space<vmem_shared>> -> memref<16x128xf32, #tpu.memory_space<vmem_shared>>
        %dma_start3A_77 = arith.constant 0 : i32
        %dma_start3A_78 = arith.constant 0 : i32
        %dma_start3A_79 = tpu.memref_slice %arg12[%dma_start3A_77, %dma_start3A_78] : memref<80x128xf32, #tpu.memory_space<vmem>> -> memref<16x128xf32, #tpu.memory_space<vmem>>
        tpu.enqueue_dma source(%dma_start3A_79 : memref<16x128xf32, #tpu.memory_space<vmem>>) target(%dma_start3A_76 : memref<16x128xf32, #tpu.memory_space<vmem_shared>>) target_semaphore(%run_scoped3A : memref<!tpu.dma_semaphore, #tpu.memory_space<semaphore_mem>>)
        %dma_wait3A = arith.constant 0 : i32
        %dma_wait3A_80 = arith.constant 0 : i32
        %dma_wait3A_81 = tpu.memref_slice %arg12[%dma_wait3A, %dma_wait3A_80] : memref<80x128xf32, #tpu.memory_space<vmem>> -> memref<16x128xf32, #tpu.memory_space<vmem>>
        %dma_wait3A_82 = arith.constant 9984 : i32
        %dma_wait3A_83 = arith.constant 0 : i32
        %dma_wait3A_84 = tpu.memref_slice %arg28[%dma_wait3A_82, %dma_wait3A_83] : memref<10000x128xf32, #tpu.memory_space<vmem_shared>> -> memref<16x128xf32, #tpu.memory_space<vmem_shared>>
        %dma_wait3A_85 = arith.constant 9984 : i32
        %dma_wait3A_86 = arith.constant 0 : i32
        %dma_wait3A_87 = tpu.memref_slice %arg28[%dma_wait3A_85, %dma_wait3A_86] : memref<10000x128xf32, #tpu.memory_space<vmem_shared>> -> memref<16x128xf32, #tpu.memory_space<vmem_shared>>
        %dma_wait3A_88 = arith.constant 0 : i32
        %dma_wait3A_89 = arith.constant 0 : i32
        %dma_wait3A_90 = tpu.memref_slice %arg12[%dma_wait3A_88, %dma_wait3A_89] : memref<80x128xf32, #tpu.memory_space<vmem>> -> memref<16x128xf32, #tpu.memory_space<vmem>>
        tpu.wait_dma2 semaphore(%run_scoped3A : memref<!tpu.dma_semaphore, #tpu.memory_space<semaphore_mem>>) src(%dma_wait3A_90 : memref<16x128xf32, #tpu.memory_space<vmem>>) dst(%dma_wait3A_87 : memref<16x128xf32, #tpu.memory_space<vmem_shared>>)
        tpu.yield
      }) : () -> ()
    } else {
    }
    %barrier3A = arith.constant 0 : index
    tpu.barrier barrier_id(%barrier3A)
    %iota3A = tpu.iota {dimensions = array<i32: 0>} : vector<16xi32>
    %eq3A_49 = arith.constant 0 : i32
    %eq3A_50 = vector.broadcast %eq3A_49 : i32 to vector<16xi32>
    %eq3A_51 = arith.cmpi eq, %iota3A, %eq3A_50 : vector<16xi32>
    %scan3A_52 = arith.constant 0 : i32
    %scan3A_53 = arith.constant 0 : i32
    %scan3A_54 = arith.constant 5 : i32
    %scan3A_55 = arith.addi %scan3A_53, %scan3A_54 : i32
    %scan3A_56 = arith.constant 1 : i32
    %scan3A_57 = scf.for %scan3A_69 = %scan3A_53 to %scan3A_55 step %scan3A_56 iter_args(%scan3A_70 = %scan3A_52) -> (i32)  : i32 {
      %mul3A_71 = arith.constant 5 : i32
      %mul3A_72 = arith.muli %add3A, %mul3A_71 : i32
      %add3A_73 = arith.addi %mul3A_72, %scan3A_69 : i32
      "tpu.region"() ({
        %run_scoped3A = tpu.sem_alloc : memref<!tpu.dma_semaphore, #tpu.memory_space<semaphore_mem>>
        %dma_start3A_244 = arith.constant 0 : i32
        %dma_start3A_245 = arith.constant 0 : i32
        %dma_start3A_246 = tpu.memref_slice %arg2[%add3A_73, %dma_start3A_244, %dma_start3A_245] : memref<160x25x80xi32, #tpu.memory_space<hbm>> -> memref<1x25x80xi32, #tpu.memory_space<hbm>>
        %dma_start3A_247 = tpu.memref_squeeze %dma_start3A_246 : memref<1x25x80xi32, #tpu.memory_space<hbm>> -> memref<25x80xi32, #tpu.memory_space<hbm>>
        %dma_start3A_248 = arith.constant 0 : i32
        %dma_start3A_249 = arith.constant 0 : i32
        %dma_start3A_250 = tpu.memref_slice %arg2[%add3A_73, %dma_start3A_248, %dma_start3A_249] : memref<160x25x80xi32, #tpu.memory_space<hbm>> -> memref<1x25x80xi32, #tpu.memory_space<hbm>>
        %dma_start3A_251 = tpu.memref_squeeze %dma_start3A_250 : memref<1x25x80xi32, #tpu.memory_space<hbm>> -> memref<25x80xi32, #tpu.memory_space<hbm>>
        tpu.enqueue_dma source(%dma_start3A_251 : memref<25x80xi32, #tpu.memory_space<hbm>>) target(%arg10 : memref<25x80xi32, #tpu.memory_space<vmem>>) target_semaphore(%run_scoped3A : memref<!tpu.dma_semaphore, #tpu.memory_space<semaphore_mem>>)
        %dma_wait3A_252 = arith.constant 0 : i32
        %dma_wait3A_253 = arith.constant 0 : i32
        %dma_wait3A_254 = tpu.memref_slice %arg2[%add3A_73, %dma_wait3A_252, %dma_wait3A_253] : memref<160x25x80xi32, #tpu.memory_space<hbm>> -> memref<1x25x80xi32, #tpu.memory_space<hbm>>
        %dma_wait3A_255 = tpu.memref_squeeze %dma_wait3A_254 : memref<1x25x80xi32, #tpu.memory_space<hbm>> -> memref<25x80xi32, #tpu.memory_space<hbm>>
        %dma_wait3A_256 = arith.constant 0 : i32
        %dma_wait3A_257 = arith.constant 0 : i32
        %dma_wait3A_258 = tpu.memref_slice %arg2[%add3A_73, %dma_wait3A_256, %dma_wait3A_257] : memref<160x25x80xi32, #tpu.memory_space<hbm>> -> memref<1x25x80xi32, #tpu.memory_space<hbm>>
        %dma_wait3A_259 = tpu.memref_squeeze %dma_wait3A_258 : memref<1x25x80xi32, #tpu.memory_space<hbm>> -> memref<25x80xi32, #tpu.memory_space<hbm>>
        tpu.wait_dma2 semaphore(%run_scoped3A : memref<!tpu.dma_semaphore, #tpu.memory_space<semaphore_mem>>) src(%dma_wait3A_259 : memref<25x80xi32, #tpu.memory_space<hbm>>) dst(%arg10 : memref<25x80xi32, #tpu.memory_space<vmem>>)
        tpu.yield
      }) : () -> ()
      "tpu.region"() ({
        %run_scoped3A = tpu.sem_alloc : memref<!tpu.dma_semaphore, #tpu.memory_space<semaphore_mem>>
        %dma_start3A_244 = arith.constant 0 : i32
        %dma_start3A_245 = arith.constant 0 : i32
        %dma_start3A_246 = tpu.memref_slice %arg3[%add3A_73, %dma_start3A_244, %dma_start3A_245] : memref<160x25x80xi32, #tpu.memory_space<hbm>> -> memref<1x25x80xi32, #tpu.memory_space<hbm>>
        %dma_start3A_247 = tpu.memref_squeeze %dma_start3A_246 : memref<1x25x80xi32, #tpu.memory_space<hbm>> -> memref<25x80xi32, #tpu.memory_space<hbm>>
        %dma_start3A_248 = arith.constant 0 : i32
        %dma_start3A_249 = arith.constant 0 : i32
        %dma_start3A_250 = tpu.memref_slice %arg3[%add3A_73, %dma_start3A_248, %dma_start3A_249] : memref<160x25x80xi32, #tpu.memory_space<hbm>> -> memref<1x25x80xi32, #tpu.memory_space<hbm>>
        %dma_start3A_251 = tpu.memref_squeeze %dma_start3A_250 : memref<1x25x80xi32, #tpu.memory_space<hbm>> -> memref<25x80xi32, #tpu.memory_space<hbm>>
        tpu.enqueue_dma source(%dma_start3A_251 : memref<25x80xi32, #tpu.memory_space<hbm>>) target(%arg11 : memref<25x80xi32, #tpu.memory_space<vmem>>) target_semaphore(%run_scoped3A : memref<!tpu.dma_semaphore, #tpu.memory_space<semaphore_mem>>)
        %dma_wait3A_252 = arith.constant 0 : i32
        %dma_wait3A_253 = arith.constant 0 : i32
        %dma_wait3A_254 = tpu.memref_slice %arg3[%add3A_73, %dma_wait3A_252, %dma_wait3A_253] : memref<160x25x80xi32, #tpu.memory_space<hbm>> -> memref<1x25x80xi32, #tpu.memory_space<hbm>>
        %dma_wait3A_255 = tpu.memref_squeeze %dma_wait3A_254 : memref<1x25x80xi32, #tpu.memory_space<hbm>> -> memref<25x80xi32, #tpu.memory_space<hbm>>
        %dma_wait3A_256 = arith.constant 0 : i32
        %dma_wait3A_257 = arith.constant 0 : i32
        %dma_wait3A_258 = tpu.memref_slice %arg3[%add3A_73, %dma_wait3A_256, %dma_wait3A_257] : memref<160x25x80xi32, #tpu.memory_space<hbm>> -> memref<1x25x80xi32, #tpu.memory_space<hbm>>
        %dma_wait3A_259 = tpu.memref_squeeze %dma_wait3A_258 : memref<1x25x80xi32, #tpu.memory_space<hbm>> -> memref<25x80xi32, #tpu.memory_space<hbm>>
        tpu.wait_dma2 semaphore(%run_scoped3A : memref<!tpu.dma_semaphore, #tpu.memory_space<semaphore_mem>>) src(%dma_wait3A_259 : memref<25x80xi32, #tpu.memory_space<hbm>>) dst(%arg11 : memref<25x80xi32, #tpu.memory_space<vmem>>)
        tpu.yield
      }) : () -> ()
      %dma_start3A = arith.constant 0 : i32
      %dma_start3A_74 = arith.constant 0 : i32
      %dma_start3A_75 = tpu.memref_slice %arg10[%dma_start3A, %dma_start3A_74] : memref<25x80xi32, #tpu.memory_space<vmem>> -> memref<1x80xi32, #tpu.memory_space<vmem>>
      %dma_start3A_76 = tpu.memref_squeeze %dma_start3A_75 : memref<1x80xi32, #tpu.memory_space<vmem>> -> memref<80xi32, #tpu.memory_space<vmem>>
      %dma_start3A_77 = arith.constant 0 : i32
      %dma_start3A_78 = arith.constant 0 : i32
      %dma_start3A_79 = tpu.memref_slice %arg6[%dma_start3A_77, %dma_start3A_78] : memref<10000x128xf32, #tpu.memory_space<hbm>> -> memref<10000x128xf32, #tpu.memory_space<hbm>>
      tpu.enqueue_indirect_dma source(%dma_start3A_79 : memref<10000x128xf32, #tpu.memory_space<hbm>>) target(%arg12 : memref<80x128xf32, #tpu.memory_space<vmem>>) offsets(%dma_start3A_76 : memref<80xi32, #tpu.memory_space<vmem>>) semaphore(%arg22 : memref<!tpu.dma_semaphore, #tpu.memory_space<semaphore_mem>>)
      %dma_start3A_80 = arith.constant 0 : i32
      %dma_start3A_81 = arith.constant 0 : i32
      %dma_start3A_82 = tpu.memref_slice %arg10[%dma_start3A_80, %dma_start3A_81] : memref<25x80xi32, #tpu.memory_space<vmem>> -> memref<1x80xi32, #tpu.memory_space<vmem>>
      %dma_start3A_83 = tpu.memref_squeeze %dma_start3A_82 : memref<1x80xi32, #tpu.memory_space<vmem>> -> memref<80xi32, #tpu.memory_space<vmem>>
      %dma_start3A_84 = arith.constant 0 : i32
      %dma_start3A_85 = tpu.memref_slice %arg4[%dma_start3A_84] : memref<10000xf32, #tpu.memory_space<hbm>> -> memref<10000xf32, #tpu.memory_space<hbm>>
      tpu.enqueue_indirect_dma source(%dma_start3A_85 : memref<10000xf32, #tpu.memory_space<hbm>>) target(%arg13 : memref<80xf32, #tpu.memory_space<vmem>>) offsets(%dma_start3A_83 : memref<80xi32, #tpu.memory_space<vmem>>) semaphore(%arg22 : memref<!tpu.dma_semaphore, #tpu.memory_space<semaphore_mem>>)
      %dma_start3A_86 = arith.constant 0 : i32
      %dma_start3A_87 = arith.constant 0 : i32
      %dma_start3A_88 = tpu.memref_slice %arg11[%dma_start3A_86, %dma_start3A_87] : memref<25x80xi32, #tpu.memory_space<vmem>> -> memref<1x80xi32, #tpu.memory_space<vmem>>
      %dma_start3A_89 = tpu.memref_squeeze %dma_start3A_88 : memref<1x80xi32, #tpu.memory_space<vmem>> -> memref<80xi32, #tpu.memory_space<vmem>>
      %dma_start3A_90 = arith.constant 0 : i32
      %dma_start3A_91 = tpu.memref_slice %arg5[%dma_start3A_90] : memref<10000xf32, #tpu.memory_space<hbm>> -> memref<10000xf32, #tpu.memory_space<hbm>>
      tpu.enqueue_indirect_dma source(%dma_start3A_91 : memref<10000xf32, #tpu.memory_space<hbm>>) target(%arg14 : memref<80xf32, #tpu.memory_space<vmem>>) offsets(%dma_start3A_89 : memref<80xi32, #tpu.memory_space<vmem>>) semaphore(%arg22 : memref<!tpu.dma_semaphore, #tpu.memory_space<semaphore_mem>>)
      %dma_start3A_92 = arith.constant 1 : i32
      %dma_start3A_93 = arith.constant 0 : i32
      %dma_start3A_94 = tpu.memref_slice %arg10[%dma_start3A_92, %dma_start3A_93] : memref<25x80xi32, #tpu.memory_space<vmem>> -> memref<1x80xi32, #tpu.memory_space<vmem>>
      %dma_start3A_95 = tpu.memref_squeeze %dma_start3A_94 : memref<1x80xi32, #tpu.memory_space<vmem>> -> memref<80xi32, #tpu.memory_space<vmem>>
      %dma_start3A_96 = arith.constant 0 : i32
      %dma_start3A_97 = arith.constant 0 : i32
      %dma_start3A_98 = tpu.memref_slice %arg6[%dma_start3A_96, %dma_start3A_97] : memref<10000x128xf32, #tpu.memory_space<hbm>> -> memref<10000x128xf32, #tpu.memory_space<hbm>>
      tpu.enqueue_indirect_dma source(%dma_start3A_98 : memref<10000x128xf32, #tpu.memory_space<hbm>>) target(%arg15 : memref<80x128xf32, #tpu.memory_space<vmem>>) offsets(%dma_start3A_95 : memref<80xi32, #tpu.memory_space<vmem>>) semaphore(%arg23 : memref<!tpu.dma_semaphore, #tpu.memory_space<semaphore_mem>>)
      %dma_start3A_99 = arith.constant 1 : i32
      %dma_start3A_100 = arith.constant 0 : i32
      %dma_start3A_101 = tpu.memref_slice %arg10[%dma_start3A_99, %dma_start3A_100] : memref<25x80xi32, #tpu.memory_space<vmem>> -> memref<1x80xi32, #tpu.memory_space<vmem>>
      %dma_start3A_102 = tpu.memref_squeeze %dma_start3A_101 : memref<1x80xi32, #tpu.memory_space<vmem>> -> memref<80xi32, #tpu.memory_space<vmem>>
      %dma_start3A_103 = arith.constant 0 : i32
      %dma_start3A_104 = tpu.memref_slice %arg4[%dma_start3A_103] : memref<10000xf32, #tpu.memory_space<hbm>> -> memref<10000xf32, #tpu.memory_space<hbm>>
      tpu.enqueue_indirect_dma source(%dma_start3A_104 : memref<10000xf32, #tpu.memory_space<hbm>>) target(%arg16 : memref<80xf32, #tpu.memory_space<vmem>>) offsets(%dma_start3A_102 : memref<80xi32, #tpu.memory_space<vmem>>) semaphore(%arg23 : memref<!tpu.dma_semaphore, #tpu.memory_space<semaphore_mem>>)
      %dma_start3A_105 = arith.constant 1 : i32
      %dma_start3A_106 = arith.constant 0 : i32
      %dma_start3A_107 = tpu.memref_slice %arg11[%dma_start3A_105, %dma_start3A_106] : memref<25x80xi32, #tpu.memory_space<vmem>> -> memref<1x80xi32, #tpu.memory_space<vmem>>
      %dma_start3A_108 = tpu.memref_squeeze %dma_start3A_107 : memref<1x80xi32, #tpu.memory_space<vmem>> -> memref<80xi32, #tpu.memory_space<vmem>>
      %dma_start3A_109 = arith.constant 0 : i32
      %dma_start3A_110 = tpu.memref_slice %arg5[%dma_start3A_109] : memref<10000xf32, #tpu.memory_space<hbm>> -> memref<10000xf32, #tpu.memory_space<hbm>>
      tpu.enqueue_indirect_dma source(%dma_start3A_110 : memref<10000xf32, #tpu.memory_space<hbm>>) target(%arg17 : memref<80xf32, #tpu.memory_space<vmem>>) offsets(%dma_start3A_108 : memref<80xi32, #tpu.memory_space<vmem>>) semaphore(%arg23 : memref<!tpu.dma_semaphore, #tpu.memory_space<semaphore_mem>>)
      %scan3A_111 = arith.constant 0 : i32
      %scan3A_112 = arith.constant 0 : i32
      %scan3A_113 = arith.constant 8 : i32
      %scan3A_114 = arith.addi %scan3A_112, %scan3A_113 : i32
      %scan3A_115 = arith.constant 1 : i32
      %scan3A_116 = scf.for %scan3A_244 = %scan3A_112 to %scan3A_114 step %scan3A_115 iter_args(%scan3A_245 = %scan3A_111) -> (i32)  : i32 {
        %mul3A_246 = arith.constant 3 : i32
        %mul3A_247 = arith.muli %scan3A_244, %mul3A_246 : i32
        %add3A_248 = arith.constant 0 : i32
        %add3A_249 = arith.addi %mul3A_247, %add3A_248 : i32
        %dma_wait3A_250 = arith.constant 0 : i32
        %dma_wait3A_251 = arith.constant 0 : i32
        %dma_wait3A_252 = tpu.memref_slice %arg10[%dma_wait3A_250, %dma_wait3A_251] : memref<25x80xi32, #tpu.memory_space<vmem>> -> memref<1x80xi32, #tpu.memory_space<vmem>>
        %dma_wait3A_253 = tpu.memref_squeeze %dma_wait3A_252 : memref<1x80xi32, #tpu.memory_space<vmem>> -> memref<80xi32, #tpu.memory_space<vmem>>
        %dma_wait3A_254 = arith.constant 0 : i32
        %dma_wait3A_255 = arith.constant 0 : i32
        %dma_wait3A_256 = tpu.memref_slice %arg6[%dma_wait3A_254, %dma_wait3A_255] : memref<10000x128xf32, #tpu.memory_space<hbm>> -> memref<10000x128xf32, #tpu.memory_space<hbm>>
        tpu.wait_indirect_dma semaphore(%arg22 : memref<!tpu.dma_semaphore, #tpu.memory_space<semaphore_mem>>) src(%dma_wait3A_256 : memref<10000x128xf32, #tpu.memory_space<hbm>>) dst(%arg12 : memref<80x128xf32, #tpu.memory_space<vmem>>)
        %dma_wait3A_257 = arith.constant 0 : i32
        %dma_wait3A_258 = arith.constant 0 : i32
        %dma_wait3A_259 = tpu.memref_slice %arg10[%dma_wait3A_257, %dma_wait3A_258] : memref<25x80xi32, #tpu.memory_space<vmem>> -> memref<1x80xi32, #tpu.memory_space<vmem>>
        %dma_wait3A_260 = tpu.memref_squeeze %dma_wait3A_259 : memref<1x80xi32, #tpu.memory_space<vmem>> -> memref<80xi32, #tpu.memory_space<vmem>>
        %dma_wait3A_261 = arith.constant 0 : i32
        %dma_wait3A_262 = tpu.memref_slice %arg4[%dma_wait3A_261] : memref<10000xf32, #tpu.memory_space<hbm>> -> memref<10000xf32, #tpu.memory_space<hbm>>
        tpu.wait_indirect_dma semaphore(%arg22 : memref<!tpu.dma_semaphore, #tpu.memory_space<semaphore_mem>>) src(%dma_wait3A_262 : memref<10000xf32, #tpu.memory_space<hbm>>) dst(%arg13 : memref<80xf32, #tpu.memory_space<vmem>>)
        %dma_wait3A_263 = arith.constant 0 : i32
        %dma_wait3A_264 = arith.constant 0 : i32
        %dma_wait3A_265 = tpu.memref_slice %arg11[%dma_wait3A_263, %dma_wait3A_264] : memref<25x80xi32, #tpu.memory_space<vmem>> -> memref<1x80xi32, #tpu.memory_space<vmem>>
        %dma_wait3A_266 = tpu.memref_squeeze %dma_wait3A_265 : memref<1x80xi32, #tpu.memory_space<vmem>> -> memref<80xi32, #tpu.memory_space<vmem>>
        %dma_wait3A_267 = arith.constant 0 : i32
        %dma_wait3A_268 = tpu.memref_slice %arg5[%dma_wait3A_267] : memref<10000xf32, #tpu.memory_space<hbm>> -> memref<10000xf32, #tpu.memory_space<hbm>>
        tpu.wait_indirect_dma semaphore(%arg22 : memref<!tpu.dma_semaphore, #tpu.memory_space<semaphore_mem>>) src(%dma_wait3A_268 : memref<10000xf32, #tpu.memory_space<hbm>>) dst(%arg14 : memref<80xf32, #tpu.memory_space<vmem>>)
        %broadcast_in_dim3A_269 = vector.broadcast %add3A_249 : i32 to vector<16xi32>
        %get3A_270 = arith.constant 0 : index
        %get3A_271 = tpu.vector_load %arg13[%get3A_270] {strides = array<i32>} : memref<80xf32, #tpu.memory_space<vmem>>, vector<16xf32>,
        %get3A_272 = arith.constant 0 : index
        %get3A_273 = tpu.vector_load %arg14[%get3A_272] {strides = array<i32>} : memref<80xf32, #tpu.memory_space<vmem>>, vector<16xf32>,
        %add3A_274 = arith.addf %get3A_271, %get3A_273 : vector<16xf32>
        %ge3A_275 = arith.constant 0.000000e+00 : f32
        %ge3A_276 = vector.broadcast %ge3A_275 : f32 to vector<16xf32>
        %ge3A_277 = arith.cmpf oge, %add3A_274, %ge3A_276 : vector<16xf32>
        %mul3A_278 = arith.constant 2.000000e-01 : f32
        %mul3A_279 = vector.broadcast %mul3A_278 : f32 to vector<16xf32>
        %mul3A_280 = arith.mulf %mul3A_279, %add3A_274 : vector<16xf32>
        %select_n3A_281 = arith.select %ge3A_277, %add3A_274, %mul3A_280 : vector<16xi1>, vector<16xf32>
        %exp3A_282 = math.exp %select_n3A_281 : vector<16xf32>
        %swap3A_283 = arith.constant 0 : index
        %swap3A_284 = tpu.vector_load %arg21[%swap3A_283] {strides = array<i32>} : memref<80xf32, #tpu.memory_space<vmem>>, vector<16xf32>,
        tpu.vector_store %arg21[%swap3A_283], %exp3A_282 {strides = array<i32>} : memref<80xf32, #tpu.memory_space<vmem>>, vector<16xf32>,
        %get3A_285 = arith.constant 16 : index
        %get3A_286 = tpu.vector_load %arg13[%get3A_285] {strides = array<i32>} : memref<80xf32, #tpu.memory_space<vmem>>, vector<16xf32>,
        %get3A_287 = arith.constant 16 : index
        %get3A_288 = tpu.vector_load %arg14[%get3A_287] {strides = array<i32>} : memref<80xf32, #tpu.memory_space<vmem>>, vector<16xf32>,
        %add3A_289 = arith.addf %get3A_286, %get3A_288 : vector<16xf32>
        %ge3A_290 = arith.constant 0.000000e+00 : f32
        %ge3A_291 = vector.broadcast %ge3A_290 : f32 to vector<16xf32>
        %ge3A_292 = arith.cmpf oge, %add3A_289, %ge3A_291 : vector<16xf32>
        %mul3A_293 = arith.constant 2.000000e-01 : f32
        %mul3A_294 = vector.broadcast %mul3A_293 : f32 to vector<16xf32>
        %mul3A_295 = arith.mulf %mul3A_294, %add3A_289 : vector<16xf32>
        %select_n3A_296 = arith.select %ge3A_292, %add3A_289, %mul3A_295 : vector<16xi1>, vector<16xf32>
        %exp3A_297 = math.exp %select_n3A_296 : vector<16xf32>
        %swap3A_298 = arith.constant 16 : index
        %swap3A_299 = tpu.vector_load %arg21[%swap3A_298] {strides = array<i32>} : memref<80xf32, #tpu.memory_space<vmem>>, vector<16xf32>,
        tpu.vector_store %arg21[%swap3A_298], %exp3A_297 {strides = array<i32>} : memref<80xf32, #tpu.memory_space<vmem>>, vector<16xf32>,
        %get3A_300 = arith.constant 32 : index
        %get3A_301 = tpu.vector_load %arg13[%get3A_300] {strides = array<i32>} : memref<80xf32, #tpu.memory_space<vmem>>, vector<16xf32>,
        %get3A_302 = arith.constant 32 : index
        %get3A_303 = tpu.vector_load %arg14[%get3A_302] {strides = array<i32>} : memref<80xf32, #tpu.memory_space<vmem>>, vector<16xf32>,
        %add3A_304 = arith.addf %get3A_301, %get3A_303 : vector<16xf32>
        %ge3A_305 = arith.constant 0.000000e+00 : f32
        %ge3A_306 = vector.broadcast %ge3A_305 : f32 to vector<16xf32>
        %ge3A_307 = arith.cmpf oge, %add3A_304, %ge3A_306 : vector<16xf32>
        %mul3A_308 = arith.constant 2.000000e-01 : f32
        %mul3A_309 = vector.broadcast %mul3A_308 : f32 to vector<16xf32>
        %mul3A_310 = arith.mulf %mul3A_309, %add3A_304 : vector<16xf32>
        %select_n3A_311 = arith.select %ge3A_307, %add3A_304, %mul3A_310 : vector<16xi1>, vector<16xf32>
        %exp3A_312 = math.exp %select_n3A_311 : vector<16xf32>
        %swap3A_313 = arith.constant 32 : index
        %swap3A_314 = tpu.vector_load %arg21[%swap3A_313] {strides = array<i32>} : memref<80xf32, #tpu.memory_space<vmem>>, vector<16xf32>,
        tpu.vector_store %arg21[%swap3A_313], %exp3A_312 {strides = array<i32>} : memref<80xf32, #tpu.memory_space<vmem>>, vector<16xf32>,
        %get3A_315 = arith.constant 48 : index
        %get3A_316 = tpu.vector_load %arg13[%get3A_315] {strides = array<i32>} : memref<80xf32, #tpu.memory_space<vmem>>, vector<16xf32>,
        %get3A_317 = arith.constant 48 : index
        %get3A_318 = tpu.vector_load %arg14[%get3A_317] {strides = array<i32>} : memref<80xf32, #tpu.memory_space<vmem>>, vector<16xf32>,
        %add3A_319 = arith.addf %get3A_316, %get3A_318 : vector<16xf32>
        %ge3A_320 = arith.constant 0.000000e+00 : f32
        %ge3A_321 = vector.broadcast %ge3A_320 : f32 to vector<16xf32>
        %ge3A_322 = arith.cmpf oge, %add3A_319, %ge3A_321 : vector<16xf32>
        %mul3A_323 = arith.constant 2.000000e-01 : f32
        %mul3A_324 = vector.broadcast %mul3A_323 : f32 to vector<16xf32>
        %mul3A_325 = arith.mulf %mul3A_324, %add3A_319 : vector<16xf32>
        %select_n3A_326 = arith.select %ge3A_322, %add3A_319, %mul3A_325 : vector<16xi1>, vector<16xf32>
        %exp3A_327 = math.exp %select_n3A_326 : vector<16xf32>
        %swap3A_328 = arith.constant 48 : index
        %swap3A_329 = tpu.vector_load %arg21[%swap3A_328] {strides = array<i32>} : memref<80xf32, #tpu.memory_space<vmem>>, vector<16xf32>,
        tpu.vector_store %arg21[%swap3A_328], %exp3A_327 {strides = array<i32>} : memref<80xf32, #tpu.memory_space<vmem>>, vector<16xf32>,
        %get3A_330 = arith.constant 64 : index
        %get3A_331 = tpu.vector_load %arg13[%get3A_330] {strides = array<i32>} : memref<80xf32, #tpu.memory_space<vmem>>, vector<16xf32>,
        %get3A_332 = arith.constant 64 : index
        %get3A_333 = tpu.vector_load %arg14[%get3A_332] {strides = array<i32>} : memref<80xf32, #tpu.memory_space<vmem>>, vector<16xf32>,
        %add3A_334 = arith.addf %get3A_331, %get3A_333 : vector<16xf32>
        %ge3A_335 = arith.constant 0.000000e+00 : f32
        %ge3A_336 = vector.broadcast %ge3A_335 : f32 to vector<16xf32>
        %ge3A_337 = arith.cmpf oge, %add3A_334, %ge3A_336 : vector<16xf32>
        %mul3A_338 = arith.constant 2.000000e-01 : f32
        %mul3A_339 = vector.broadcast %mul3A_338 : f32 to vector<16xf32>
        %mul3A_340 = arith.mulf %mul3A_339, %add3A_334 : vector<16xf32>
        %select_n3A_341 = arith.select %ge3A_337, %add3A_334, %mul3A_340 : vector<16xi1>, vector<16xf32>
        %exp3A_342 = math.exp %select_n3A_341 : vector<16xf32>
        %swap3A_343 = arith.constant 64 : index
        %swap3A_344 = tpu.vector_load %arg21[%swap3A_343] {strides = array<i32>} : memref<80xf32, #tpu.memory_space<vmem>>, vector<16xf32>,
        tpu.vector_store %arg21[%swap3A_343], %exp3A_342 {strides = array<i32>} : memref<80xf32, #tpu.memory_space<vmem>>, vector<16xf32>,
        %scan3A_345 = arith.constant 0 : i32
        %scan3A_346 = arith.constant 0 : i32
        %scan3A_347 = arith.constant 80 : i32
        %scan3A_348 = arith.addi %scan3A_346, %scan3A_347 : i32
        %scan3A_349 = arith.constant 4 : i32
        %scan3A_350 = scf.for %scan3A_622 = %scan3A_346 to %scan3A_348 step %scan3A_349 iter_args(%scan3A_623 = %scan3A_345) -> (i32)  : i32 {
          %broadcast_in_dim3A_624 = vector.broadcast %scan3A_622 : i32 to vector<16xi32>
          %gather3A = tpu.vector_load_idx %arg21[%broadcast_in_dim3A_624] : memref<80xf32, #tpu.memory_space<vmem>>[vector<16xi32>], vector<16xf32>,
          %gather3A_625 = tpu.vector_load_idx %arg11[%broadcast_in_dim3A_269, %broadcast_in_dim3A_624] : memref<25x80xi32, #tpu.memory_space<vmem>>[vector<16xi32>, vector<16xi32>], vector<16xi32>,
          tpu.vector_store_idx %arg9[%gather3A_625], %gather3A masked %eq3A_51 {add = true} : memref<10000xf32, #tpu.memory_space<vmem>>[vector<16xi32>], vector<16xf32>, vector<16xi1>
          %get3A_626 = arith.index_cast %scan3A_622 : i32 to index
          %get3A_627 = arith.constant 0 : index
          %get3A_628 = tpu.vector_load %arg12[%get3A_626, %get3A_627] {strides = array<i32>} : memref<80x128xf32, #tpu.memory_space<vmem>>, vector<16xf32>,
          %mul3A_629 = arith.mulf %get3A_628, %gather3A : vector<16xf32>
          %swap3A_630 = arith.index_cast %scan3A_622 : i32 to index
          %swap3A_631 = arith.constant 0 : index
          %swap3A_632 = tpu.vector_load %arg12[%swap3A_630, %swap3A_631] {strides = array<i32>} : memref<80x128xf32, #tpu.memory_space<vmem>>, vector<16xf32>,
          tpu.vector_store %arg12[%swap3A_630, %swap3A_631], %mul3A_629 {strides = array<i32>} : memref<80x128xf32, #tpu.memory_space<vmem>>, vector<16xf32>,
          %get3A_633 = arith.index_cast %scan3A_622 : i32 to index
          %get3A_634 = arith.constant 16 : index
          %get3A_635 = tpu.vector_load %arg12[%get3A_633, %get3A_634] {strides = array<i32>} : memref<80x128xf32, #tpu.memory_space<vmem>>, vector<16xf32>,
          %mul3A_636 = arith.mulf %get3A_635, %gather3A : vector<16xf32>
          %swap3A_637 = arith.index_cast %scan3A_622 : i32 to index
          %swap3A_638 = arith.constant 16 : index
          %swap3A_639 = tpu.vector_load %arg12[%swap3A_637, %swap3A_638] {strides = array<i32>} : memref<80x128xf32, #tpu.memory_space<vmem>>, vector<16xf32>,
          tpu.vector_store %arg12[%swap3A_637, %swap3A_638], %mul3A_636 {strides = array<i32>} : memref<80x128xf32, #tpu.memory_space<vmem>>, vector<16xf32>,
          %get3A_640 = arith.index_cast %scan3A_622 : i32 to index
          %get3A_641 = arith.constant 32 : index
          %get3A_642 = tpu.vector_load %arg12[%get3A_640, %get3A_641] {strides = array<i32>} : memref<80x128xf32, #tpu.memory_space<vmem>>, vector<16xf32>,
          %mul3A_643 = arith.mulf %get3A_642, %gather3A : vector<16xf32>
          %swap3A_644 = arith.index_cast %scan3A_622 : i32 to index
          %swap3A_645 = arith.constant 32 : index
          %swap3A_646 = tpu.vector_load %arg12[%swap3A_644, %swap3A_645] {strides = array<i32>} : memref<80x128xf32, #tpu.memory_space<vmem>>, vector<16xf32>,
          tpu.vector_store %arg12[%swap3A_644, %swap3A_645], %mul3A_643 {strides = array<i32>} : memref<80x128xf32, #tpu.memory_space<vmem>>, vector<16xf32>,
          %get3A_647 = arith.index_cast %scan3A_622 : i32 to index
          %get3A_648 = arith.constant 48 : index
          %get3A_649 = tpu.vector_load %arg12[%get3A_647, %get3A_648] {strides = array<i32>} : memref<80x128xf32, #tpu.memory_space<vmem>>, vector<16xf32>,
          %mul3A_650 = arith.mulf %get3A_649, %gather3A : vector<16xf32>
          %swap3A_651 = arith.index_cast %scan3A_622 : i32 to index
          %swap3A_652 = arith.constant 48 : index
          %swap3A_653 = tpu.vector_load %arg12[%swap3A_651, %swap3A_652] {strides = array<i32>} : memref<80x128xf32, #tpu.memory_space<vmem>>, vector<16xf32>,
          tpu.vector_store %arg12[%swap3A_651, %swap3A_652], %mul3A_650 {strides = array<i32>} : memref<80x128xf32, #tpu.memory_space<vmem>>, vector<16xf32>,
          %get3A_654 = arith.index_cast %scan3A_622 : i32 to index
          %get3A_655 = arith.constant 64 : index
          %get3A_656 = tpu.vector_load %arg12[%get3A_654, %get3A_655] {strides = array<i32>} : memref<80x128xf32, #tpu.memory_space<vmem>>, vector<16xf32>,
          %mul3A_657 = arith.mulf %get3A_656, %gather3A : vector<16xf32>
          %swap3A_658 = arith.index_cast %scan3A_622 : i32 to index
          %swap3A_659 = arith.constant 64 : index
          %swap3A_660 = tpu.vector_load %arg12[%swap3A_658, %swap3A_659] {strides = array<i32>} : memref<80x128xf32, #tpu.memory_space<vmem>>, vector<16xf32>,
          tpu.vector_store %arg12[%swap3A_658, %swap3A_659], %mul3A_657 {strides = array<i32>} : memref<80x128xf32, #tpu.memory_space<vmem>>, vector<16xf32>,
          %get3A_661 = arith.index_cast %scan3A_622 : i32 to index
          %get3A_662 = arith.constant 80 : index
          %get3A_663 = tpu.vector_load %arg12[%get3A_661, %get3A_662] {strides = array<i32>} : memref<80x128xf32, #tpu.memory_space<vmem>>, vector<16xf32>,
          %mul3A_664 = arith.mulf %get3A_663, %gather3A : vector<16xf32>
          %swap3A_665 = arith.index_cast %scan3A_622 : i32 to index
          %swap3A_666 = arith.constant 80 : index
          %swap3A_667 = tpu.vector_load %arg12[%swap3A_665, %swap3A_666] {strides = array<i32>} : memref<80x128xf32, #tpu.memory_space<vmem>>, vector<16xf32>,
          tpu.vector_store %arg12[%swap3A_665, %swap3A_666], %mul3A_664 {strides = array<i32>} : memref<80x128xf32, #tpu.memory_space<vmem>>, vector<16xf32>,
          %get3A_668 = arith.index_cast %scan3A_622 : i32 to index
          %get3A_669 = arith.constant 96 : index
          %get3A_670 = tpu.vector_load %arg12[%get3A_668, %get3A_669] {strides = array<i32>} : memref<80x128xf32, #tpu.memory_space<vmem>>, vector<16xf32>,
          %mul3A_671 = arith.mulf %get3A_670, %gather3A : vector<16xf32>
          %swap3A_672 = arith.index_cast %scan3A_622 : i32 to index
          %swap3A_673 = arith.constant 96 : index
          %swap3A_674 = tpu.vector_load %arg12[%swap3A_672, %swap3A_673] {strides = array<i32>} : memref<80x128xf32, #tpu.memory_space<vmem>>, vector<16xf32>,
          tpu.vector_store %arg12[%swap3A_672, %swap3A_673], %mul3A_671 {strides = array<i32>} : memref<80x128xf32, #tpu.memory_space<vmem>>, vector<16xf32>,
          %get3A_675 = arith.index_cast %scan3A_622 : i32 to index
          %get3A_676 = arith.constant 112 : index
          %get3A_677 = tpu.vector_load %arg12[%get3A_675, %get3A_676] {strides = array<i32>} : memref<80x128xf32, #tpu.memory_space<vmem>>, vector<16xf32>,
          %mul3A_678 = arith.mulf %get3A_677, %gather3A : vector<16xf32>
          %swap3A_679 = arith.index_cast %scan3A_622 : i32 to index
          %swap3A_680 = arith.constant 112 : index
          %swap3A_681 = tpu.vector_load %arg12[%swap3A_679, %swap3A_680] {strides = array<i32>} : memref<80x128xf32, #tpu.memory_space<vmem>>, vector<16xf32>,
          tpu.vector_store %arg12[%swap3A_679, %swap3A_680], %mul3A_678 {strides = array<i32>} : memref<80x128xf32, #tpu.memory_space<vmem>>, vector<16xf32>,
          %scan3A_682 = arith.constant 0 : i32
          %scan3A_683 = arith.constant 1 : i32
          %scan3A_684 = arith.addi %scan3A_622, %scan3A_683 : i32
          %broadcast_in_dim3A_685 = vector.broadcast %scan3A_684 : i32 to vector<16xi32>
          %gather3A_686 = tpu.vector_load_idx %arg21[%broadcast_in_dim3A_685] : memref<80xf32, #tpu.memory_space<vmem>>[vector<16xi32>], vector<16xf32>,
          %gather3A_687 = tpu.vector_load_idx %arg11[%broadcast_in_dim3A_269, %broadcast_in_dim3A_685] : memref<25x80xi32, #tpu.memory_space<vmem>>[vector<16xi32>, vector<16xi32>], vector<16xi32>,
          tpu.vector_store_idx %arg9[%gather3A_687], %gather3A_686 masked %eq3A_51 {add = true} : memref<10000xf32, #tpu.memory_space<vmem>>[vector<16xi32>], vector<16xf32>, vector<16xi1>
          %get3A_688 = arith.index_cast %scan3A_684 : i32 to index
          %get3A_689 = arith.constant 0 : index
          %get3A_690 = tpu.vector_load %arg12[%get3A_688, %get3A_689] {strides = array<i32>} : memref<80x128xf32, #tpu.memory_space<vmem>>, vector<16xf32>,
          %mul3A_691 = arith.mulf %get3A_690, %gather3A_686 : vector<16xf32>
          %swap3A_692 = arith.index_cast %scan3A_684 : i32 to index
          %swap3A_693 = arith.constant 0 : index
          %swap3A_694 = tpu.vector_load %arg12[%swap3A_692, %swap3A_693] {strides = array<i32>} : memref<80x128xf32, #tpu.memory_space<vmem>>, vector<16xf32>,
          tpu.vector_store %arg12[%swap3A_692, %swap3A_693], %mul3A_691 {strides = array<i32>} : memref<80x128xf32, #tpu.memory_space<vmem>>, vector<16xf32>,
          %get3A_695 = arith.index_cast %scan3A_684 : i32 to index
          %get3A_696 = arith.constant 16 : index
          %get3A_697 = tpu.vector_load %arg12[%get3A_695, %get3A_696] {strides = array<i32>} : memref<80x128xf32, #tpu.memory_space<vmem>>, vector<16xf32>,
          %mul3A_698 = arith.mulf %get3A_697, %gather3A_686 : vector<16xf32>
          %swap3A_699 = arith.index_cast %scan3A_684 : i32 to index
          %swap3A_700 = arith.constant 16 : index
          %swap3A_701 = tpu.vector_load %arg12[%swap3A_699, %swap3A_700] {strides = array<i32>} : memref<80x128xf32, #tpu.memory_space<vmem>>, vector<16xf32>,
          tpu.vector_store %arg12[%swap3A_699, %swap3A_700], %mul3A_698 {strides = array<i32>} : memref<80x128xf32, #tpu.memory_space<vmem>>, vector<16xf32>,
          %get3A_702 = arith.index_cast %scan3A_684 : i32 to index
          %get3A_703 = arith.constant 32 : index
          %get3A_704 = tpu.vector_load %arg12[%get3A_702, %get3A_703] {strides = array<i32>} : memref<80x128xf32, #tpu.memory_space<vmem>>, vector<16xf32>,
          %mul3A_705 = arith.mulf %get3A_704, %gather3A_686 : vector<16xf32>
          %swap3A_706 = arith.index_cast %scan3A_684 : i32 to index
          %swap3A_707 = arith.constant 32 : index
          %swap3A_708 = tpu.vector_load %arg12[%swap3A_706, %swap3A_707] {strides = array<i32>} : memref<80x128xf32, #tpu.memory_space<vmem>>, vector<16xf32>,
          tpu.vector_store %arg12[%swap3A_706, %swap3A_707], %mul3A_705 {strides = array<i32>} : memref<80x128xf32, #tpu.memory_space<vmem>>, vector<16xf32>,
          %get3A_709 = arith.index_cast %scan3A_684 : i32 to index
          %get3A_710 = arith.constant 48 : index
          %get3A_711 = tpu.vector_load %arg12[%get3A_709, %get3A_710] {strides = array<i32>} : memref<80x128xf32, #tpu.memory_space<vmem>>, vector<16xf32>,
          %mul3A_712 = arith.mulf %get3A_711, %gather3A_686 : vector<16xf32>
          %swap3A_713 = arith.index_cast %scan3A_684 : i32 to index
          %swap3A_714 = arith.constant 48 : index
          %swap3A_715 = tpu.vector_load %arg12[%swap3A_713, %swap3A_714] {strides = array<i32>} : memref<80x128xf32, #tpu.memory_space<vmem>>, vector<16xf32>,
          tpu.vector_store %arg12[%swap3A_713, %swap3A_714], %mul3A_712 {strides = array<i32>} : memref<80x128xf32, #tpu.memory_space<vmem>>, vector<16xf32>,
          %get3A_716 = arith.index_cast %scan3A_684 : i32 to index
          %get3A_717 = arith.constant 64 : index
          %get3A_718 = tpu.vector_load %arg12[%get3A_716, %get3A_717] {strides = array<i32>} : memref<80x128xf32, #tpu.memory_space<vmem>>, vector<16xf32>,
          %mul3A_719 = arith.mulf %get3A_718, %gather3A_686 : vector<16xf32>
          %swap3A_720 = arith.index_cast %scan3A_684 : i32 to index
          %swap3A_721 = arith.constant 64 : index
          %swap3A_722 = tpu.vector_load %arg12[%swap3A_720, %swap3A_721] {strides = array<i32>} : memref<80x128xf32, #tpu.memory_space<vmem>>, vector<16xf32>,
          tpu.vector_store %arg12[%swap3A_720, %swap3A_721], %mul3A_719 {strides = array<i32>} : memref<80x128xf32, #tpu.memory_space<vmem>>, vector<16xf32>,
          %get3A_723 = arith.index_cast %scan3A_684 : i32 to index
          %get3A_724 = arith.constant 80 : index
          %get3A_725 = tpu.vector_load %arg12[%get3A_723, %get3A_724] {strides = array<i32>} : memref<80x128xf32, #tpu.memory_space<vmem>>, vector<16xf32>,
          %mul3A_726 = arith.mulf %get3A_725, %gather3A_686 : vector<16xf32>
          %swap3A_727 = arith.index_cast %scan3A_684 : i32 to index
          %swap3A_728 = arith.constant 80 : index
          %swap3A_729 = tpu.vector_load %arg12[%swap3A_727, %swap3A_728] {strides = array<i32>} : memref<80x128xf32, #tpu.memory_space<vmem>>, vector<16xf32>,
          tpu.vector_store %arg12[%swap3A_727, %swap3A_728], %mul3A_726 {strides = array<i32>} : memref<80x128xf32, #tpu.memory_space<vmem>>, vector<16xf32>,
          %get3A_730 = arith.index_cast %scan3A_684 : i32 to index
          %get3A_731 = arith.constant 96 : index
          %get3A_732 = tpu.vector_load %arg12[%get3A_730, %get3A_731] {strides = array<i32>} : memref<80x128xf32, #tpu.memory_space<vmem>>, vector<16xf32>,
          %mul3A_733 = arith.mulf %get3A_732, %gather3A_686 : vector<16xf32>
          %swap3A_734 = arith.index_cast %scan3A_684 : i32 to index
          %swap3A_735 = arith.constant 96 : index
          %swap3A_736 = tpu.vector_load %arg12[%swap3A_734, %swap3A_735] {strides = array<i32>} : memref<80x128xf32, #tpu.memory_space<vmem>>, vector<16xf32>,
          tpu.vector_store %arg12[%swap3A_734, %swap3A_735], %mul3A_733 {strides = array<i32>} : memref<80x128xf32, #tpu.memory_space<vmem>>, vector<16xf32>,
          %get3A_737 = arith.index_cast %scan3A_684 : i32 to index
          %get3A_738 = arith.constant 112 : index
          %get3A_739 = tpu.vector_load %arg12[%get3A_737, %get3A_738] {strides = array<i32>} : memref<80x128xf32, #tpu.memory_space<vmem>>, vector<16xf32>,
          %mul3A_740 = arith.mulf %get3A_739, %gather3A_686 : vector<16xf32>
          %swap3A_741 = arith.index_cast %scan3A_684 : i32 to index
          %swap3A_742 = arith.constant 112 : index
          %swap3A_743 = tpu.vector_load %arg12[%swap3A_741, %swap3A_742] {strides = array<i32>} : memref<80x128xf32, #tpu.memory_space<vmem>>, vector<16xf32>,
          tpu.vector_store %arg12[%swap3A_741, %swap3A_742], %mul3A_740 {strides = array<i32>} : memref<80x128xf32, #tpu.memory_space<vmem>>, vector<16xf32>,
          %scan3A_744 = arith.constant 0 : i32
          %scan3A_745 = arith.constant 2 : i32
          %scan3A_746 = arith.addi %scan3A_622, %scan3A_745 : i32
          %broadcast_in_dim3A_747 = vector.broadcast %scan3A_746 : i32 to vector<16xi32>
          %gather3A_748 = tpu.vector_load_idx %arg21[%broadcast_in_dim3A_747] : memref<80xf32, #tpu.memory_space<vmem>>[vector<16xi32>], vector<16xf32>,
          %gather3A_749 = tpu.vector_load_idx %arg11[%broadcast_in_dim3A_269, %broadcast_in_dim3A_747] : memref<25x80xi32, #tpu.memory_space<vmem>>[vector<16xi32>, vector<16xi32>], vector<16xi32>,
          tpu.vector_store_idx %arg9[%gather3A_749], %gather3A_748 masked %eq3A_51 {add = true} : memref<10000xf32, #tpu.memory_space<vmem>>[vector<16xi32>], vector<16xf32>, vector<16xi1>
          %get3A_750 = arith.index_cast %scan3A_746 : i32 to index
          %get3A_751 = arith.constant 0 : index
          %get3A_752 = tpu.vector_load %arg12[%get3A_750, %get3A_751] {strides = array<i32>} : memref<80x128xf32, #tpu.memory_space<vmem>>, vector<16xf32>,
          %mul3A_753 = arith.mulf %get3A_752, %gather3A_748 : vector<16xf32>
          %swap3A_754 = arith.index_cast %scan3A_746 : i32 to index
          %swap3A_755 = arith.constant 0 : index
          %swap3A_756 = tpu.vector_load %arg12[%swap3A_754, %swap3A_755] {strides = array<i32>} : memref<80x128xf32, #tpu.memory_space<vmem>>, vector<16xf32>,
          tpu.vector_store %arg12[%swap3A_754, %swap3A_755], %mul3A_753 {strides = array<i32>} : memref<80x128xf32, #tpu.memory_space<vmem>>, vector<16xf32>,
          %get3A_757 = arith.index_cast %scan3A_746 : i32 to index
          %get3A_758 = arith.constant 16 : index
          %get3A_759 = tpu.vector_load %arg12[%get3A_757, %get3A_758] {strides = array<i32>} : memref<80x128xf32, #tpu.memory_space<vmem>>, vector<16xf32>,
          %mul3A_760 = arith.mulf %get3A_759, %gather3A_748 : vector<16xf32>
          %swap3A_761 = arith.index_cast %scan3A_746 : i32 to index
          %swap3A_762 = arith.constant 16 : index
          %swap3A_763 = tpu.vector_load %arg12[%swap3A_761, %swap3A_762] {strides = array<i32>} : memref<80x128xf32, #tpu.memory_space<vmem>>, vector<16xf32>,
          tpu.vector_store %arg12[%swap3A_761, %swap3A_762], %mul3A_760 {strides = array<i32>} : memref<80x128xf32, #tpu.memory_space<vmem>>, vector<16xf32>,
          %get3A_764 = arith.index_cast %scan3A_746 : i32 to index
          %get3A_765 = arith.constant 32 : index
          %get3A_766 = tpu.vector_load %arg12[%get3A_764, %get3A_765] {strides = array<i32>} : memref<80x128xf32, #tpu.memory_space<vmem>>, vector<16xf32>,
          %mul3A_767 = arith.mulf %get3A_766, %gather3A_748 : vector<16xf32>
          %swap3A_768 = arith.index_cast %scan3A_746 : i32 to index
          %swap3A_769 = arith.constant 32 : index
          %swap3A_770 = tpu.vector_load %arg12[%swap3A_768, %swap3A_769] {strides = array<i32>} : memref<80x128xf32, #tpu.memory_space<vmem>>, vector<16xf32>,
          tpu.vector_store %arg12[%swap3A_768, %swap3A_769], %mul3A_767 {strides = array<i32>} : memref<80x128xf32, #tpu.memory_space<vmem>>, vector<16xf32>,
          %get3A_771 = arith.index_cast %scan3A_746 : i32 to index
          %get3A_772 = arith.constant 48 : index
          %get3A_773 = tpu.vector_load %arg12[%get3A_771, %get3A_772] {strides = array<i32>} : memref<80x128xf32, #tpu.memory_space<vmem>>, vector<16xf32>,
          %mul3A_774 = arith.mulf %get3A_773, %gather3A_748 : vector<16xf32>
          %swap3A_775 = arith.index_cast %scan3A_746 : i32 to index
          %swap3A_776 = arith.constant 48 : index
          %swap3A_777 = tpu.vector_load %arg12[%swap3A_775, %swap3A_776] {strides = array<i32>} : memref<80x128xf32, #tpu.memory_space<vmem>>, vector<16xf32>,
          tpu.vector_store %arg12[%swap3A_775, %swap3A_776], %mul3A_774 {strides = array<i32>} : memref<80x128xf32, #tpu.memory_space<vmem>>, vector<16xf32>,
          %get3A_778 = arith.index_cast %scan3A_746 : i32 to index
          %get3A_779 = arith.constant 64 : index
          %get3A_780 = tpu.vector_load %arg12[%get3A_778, %get3A_779] {strides = array<i32>} : memref<80x128xf32, #tpu.memory_space<vmem>>, vector<16xf32>,
          %mul3A_781 = arith.mulf %get3A_780, %gather3A_748 : vector<16xf32>
          %swap3A_782 = arith.index_cast %scan3A_746 : i32 to index
          %swap3A_783 = arith.constant 64 : index
          %swap3A_784 = tpu.vector_load %arg12[%swap3A_782, %swap3A_783] {strides = array<i32>} : memref<80x128xf32, #tpu.memory_space<vmem>>, vector<16xf32>,
          tpu.vector_store %arg12[%swap3A_782, %swap3A_783], %mul3A_781 {strides = array<i32>} : memref<80x128xf32, #tpu.memory_space<vmem>>, vector<16xf32>,
          %get3A_785 = arith.index_cast %scan3A_746 : i32 to index
          %get3A_786 = arith.constant 80 : index
          %get3A_787 = tpu.vector_load %arg12[%get3A_785, %get3A_786] {strides = array<i32>} : memref<80x128xf32, #tpu.memory_space<vmem>>, vector<16xf32>,
          %mul3A_788 = arith.mulf %get3A_787, %gather3A_748 : vector<16xf32>
          %swap3A_789 = arith.index_cast %scan3A_746 : i32 to index
          %swap3A_790 = arith.constant 80 : index
          %swap3A_791 = tpu.vector_load %arg12[%swap3A_789, %swap3A_790] {strides = array<i32>} : memref<80x128xf32, #tpu.memory_space<vmem>>, vector<16xf32>,
          tpu.vector_store %arg12[%swap3A_789, %swap3A_790], %mul3A_788 {strides = array<i32>} : memref<80x128xf32, #tpu.memory_space<vmem>>, vector<16xf32>,
          %get3A_792 = arith.index_cast %scan3A_746 : i32 to index
          %get3A_793 = arith.constant 96 : index
          %get3A_794 = tpu.vector_load %arg12[%get3A_792, %get3A_793] {strides = array<i32>} : memref<80x128xf32, #tpu.memory_space<vmem>>, vector<16xf32>,
          %mul3A_795 = arith.mulf %get3A_794, %gather3A_748 : vector<16xf32>
          %swap3A_796 = arith.index_cast %scan3A_746 : i32 to index
          %swap3A_797 = arith.constant 96 : index
          %swap3A_798 = tpu.vector_load %arg12[%swap3A_796, %swap3A_797] {strides = array<i32>} : memref<80x128xf32, #tpu.memory_space<vmem>>, vector<16xf32>,
          tpu.vector_store %arg12[%swap3A_796, %swap3A_797], %mul3A_795 {strides = array<i32>} : memref<80x128xf32, #tpu.memory_space<vmem>>, vector<16xf32>,
          %get3A_799 = arith.index_cast %scan3A_746 : i32 to index
          %get3A_800 = arith.constant 112 : index
          %get3A_801 = tpu.vector_load %arg12[%get3A_799, %get3A_800] {strides = array<i32>} : memref<80x128xf32, #tpu.memory_space<vmem>>, vector<16xf32>,
          %mul3A_802 = arith.mulf %get3A_801, %gather3A_748 : vector<16xf32>
          %swap3A_803 = arith.index_cast %scan3A_746 : i32 to index
          %swap3A_804 = arith.constant 112 : index
          %swap3A_805 = tpu.vector_load %arg12[%swap3A_803, %swap3A_804] {strides = array<i32>} : memref<80x128xf32, #tpu.memory_space<vmem>>, vector<16xf32>,
          tpu.vector_store %arg12[%swap3A_803, %swap3A_804], %mul3A_802 {strides = array<i32>} : memref<80x128xf32, #tpu.memory_space<vmem>>, vector<16xf32>,
          %scan3A_806 = arith.constant 0 : i32
          %scan3A_807 = arith.constant 3 : i32
          %scan3A_808 = arith.addi %scan3A_622, %scan3A_807 : i32
          %broadcast_in_dim3A_809 = vector.broadcast %scan3A_808 : i32 to vector<16xi32>
          %gather3A_810 = tpu.vector_load_idx %arg21[%broadcast_in_dim3A_809] : memref<80xf32, #tpu.memory_space<vmem>>[vector<16xi32>], vector<16xf32>,
          %gather3A_811 = tpu.vector_load_idx %arg11[%broadcast_in_dim3A_269, %broadcast_in_dim3A_809] : memref<25x80xi32, #tpu.memory_space<vmem>>[vector<16xi32>, vector<16xi32>], vector<16xi32>,
          tpu.vector_store_idx %arg9[%gather3A_811], %gather3A_810 masked %eq3A_51 {add = true} : memref<10000xf32, #tpu.memory_space<vmem>>[vector<16xi32>], vector<16xf32>, vector<16xi1>
          %get3A_812 = arith.index_cast %scan3A_808 : i32 to index
          %get3A_813 = arith.constant 0 : index
          %get3A_814 = tpu.vector_load %arg12[%get3A_812, %get3A_813] {strides = array<i32>} : memref<80x128xf32, #tpu.memory_space<vmem>>, vector<16xf32>,
          %mul3A_815 = arith.mulf %get3A_814, %gather3A_810 : vector<16xf32>
          %swap3A_816 = arith.index_cast %scan3A_808 : i32 to index
          %swap3A_817 = arith.constant 0 : index
          %swap3A_818 = tpu.vector_load %arg12[%swap3A_816, %swap3A_817] {strides = array<i32>} : memref<80x128xf32, #tpu.memory_space<vmem>>, vector<16xf32>,
          tpu.vector_store %arg12[%swap3A_816, %swap3A_817], %mul3A_815 {strides = array<i32>} : memref<80x128xf32, #tpu.memory_space<vmem>>, vector<16xf32>,
          %get3A_819 = arith.index_cast %scan3A_808 : i32 to index
          %get3A_820 = arith.constant 16 : index
          %get3A_821 = tpu.vector_load %arg12[%get3A_819, %get3A_820] {strides = array<i32>} : memref<80x128xf32, #tpu.memory_space<vmem>>, vector<16xf32>,
          %mul3A_822 = arith.mulf %get3A_821, %gather3A_810 : vector<16xf32>
          %swap3A_823 = arith.index_cast %scan3A_808 : i32 to index
          %swap3A_824 = arith.constant 16 : index
          %swap3A_825 = tpu.vector_load %arg12[%swap3A_823, %swap3A_824] {strides = array<i32>} : memref<80x128xf32, #tpu.memory_space<vmem>>, vector<16xf32>,
          tpu.vector_store %arg12[%swap3A_823, %swap3A_824], %mul3A_822 {strides = array<i32>} : memref<80x128xf32, #tpu.memory_space<vmem>>, vector<16xf32>,
          %get3A_826 = arith.index_cast %scan3A_808 : i32 to index
          %get3A_827 = arith.constant 32 : index
          %get3A_828 = tpu.vector_load %arg12[%get3A_826, %get3A_827] {strides = array<i32>} : memref<80x128xf32, #tpu.memory_space<vmem>>, vector<16xf32>,
          %mul3A_829 = arith.mulf %get3A_828, %gather3A_810 : vector<16xf32>
          %swap3A_830 = arith.index_cast %scan3A_808 : i32 to index
          %swap3A_831 = arith.constant 32 : index
          %swap3A_832 = tpu.vector_load %arg12[%swap3A_830, %swap3A_831] {strides = array<i32>} : memref<80x128xf32, #tpu.memory_space<vmem>>, vector<16xf32>,
          tpu.vector_store %arg12[%swap3A_830, %swap3A_831], %mul3A_829 {strides = array<i32>} : memref<80x128xf32, #tpu.memory_space<vmem>>, vector<16xf32>,
          %get3A_833 = arith.index_cast %scan3A_808 : i32 to index
          %get3A_834 = arith.constant 48 : index
          %get3A_835 = tpu.vector_load %arg12[%get3A_833, %get3A_834] {strides = array<i32>} : memref<80x128xf32, #tpu.memory_space<vmem>>, vector<16xf32>,
          %mul3A_836 = arith.mulf %get3A_835, %gather3A_810 : vector<16xf32>
          %swap3A_837 = arith.index_cast %scan3A_808 : i32 to index
          %swap3A_838 = arith.constant 48 : index
          %swap3A_839 = tpu.vector_load %arg12[%swap3A_837, %swap3A_838] {strides = array<i32>} : memref<80x128xf32, #tpu.memory_space<vmem>>, vector<16xf32>,
          tpu.vector_store %arg12[%swap3A_837, %swap3A_838], %mul3A_836 {strides = array<i32>} : memref<80x128xf32, #tpu.memory_space<vmem>>, vector<16xf32>,
          %get3A_840 = arith.index_cast %scan3A_808 : i32 to index
          %get3A_841 = arith.constant 64 : index
          %get3A_842 = tpu.vector_load %arg12[%get3A_840, %get3A_841] {strides = array<i32>} : memref<80x128xf32, #tpu.memory_space<vmem>>, vector<16xf32>,
          %mul3A_843 = arith.mulf %get3A_842, %gather3A_810 : vector<16xf32>
          %swap3A_844 = arith.index_cast %scan3A_808 : i32 to index
          %swap3A_845 = arith.constant 64 : index
          %swap3A_846 = tpu.vector_load %arg12[%swap3A_844, %swap3A_845] {strides = array<i32>} : memref<80x128xf32, #tpu.memory_space<vmem>>, vector<16xf32>,
          tpu.vector_store %arg12[%swap3A_844, %swap3A_845], %mul3A_843 {strides = array<i32>} : memref<80x128xf32, #tpu.memory_space<vmem>>, vector<16xf32>,
          %get3A_847 = arith.index_cast %scan3A_808 : i32 to index
          %get3A_848 = arith.constant 80 : index
          %get3A_849 = tpu.vector_load %arg12[%get3A_847, %get3A_848] {strides = array<i32>} : memref<80x128xf32, #tpu.memory_space<vmem>>, vector<16xf32>,
          %mul3A_850 = arith.mulf %get3A_849, %gather3A_810 : vector<16xf32>
          %swap3A_851 = arith.index_cast %scan3A_808 : i32 to index
          %swap3A_852 = arith.constant 80 : index
          %swap3A_853 = tpu.vector_load %arg12[%swap3A_851, %swap3A_852] {strides = array<i32>} : memref<80x128xf32, #tpu.memory_space<vmem>>, vector<16xf32>,
          tpu.vector_store %arg12[%swap3A_851, %swap3A_852], %mul3A_850 {strides = array<i32>} : memref<80x128xf32, #tpu.memory_space<vmem>>, vector<16xf32>,
          %get3A_854 = arith.index_cast %scan3A_808 : i32 to index
          %get3A_855 = arith.constant 96 : index
          %get3A_856 = tpu.vector_load %arg12[%get3A_854, %get3A_855] {strides = array<i32>} : memref<80x128xf32, #tpu.memory_space<vmem>>, vector<16xf32>,
          %mul3A_857 = arith.mulf %get3A_856, %gather3A_810 : vector<16xf32>
          %swap3A_858 = arith.index_cast %scan3A_808 : i32 to index
          %swap3A_859 = arith.constant 96 : index
          %swap3A_860 = tpu.vector_load %arg12[%swap3A_858, %swap3A_859] {strides = array<i32>} : memref<80x128xf32, #tpu.memory_space<vmem>>, vector<16xf32>,
          tpu.vector_store %arg12[%swap3A_858, %swap3A_859], %mul3A_857 {strides = array<i32>} : memref<80x128xf32, #tpu.memory_space<vmem>>, vector<16xf32>,
          %get3A_861 = arith.index_cast %scan3A_808 : i32 to index
          %get3A_862 = arith.constant 112 : index
          %get3A_863 = tpu.vector_load %arg12[%get3A_861, %get3A_862] {strides = array<i32>} : memref<80x128xf32, #tpu.memory_space<vmem>>, vector<16xf32>,
          %mul3A_864 = arith.mulf %get3A_863, %gather3A_810 : vector<16xf32>
          %swap3A_865 = arith.index_cast %scan3A_808 : i32 to index
          %swap3A_866 = arith.constant 112 : index
          %swap3A_867 = tpu.vector_load %arg12[%swap3A_865, %swap3A_866] {strides = array<i32>} : memref<80x128xf32, #tpu.memory_space<vmem>>, vector<16xf32>,
          tpu.vector_store %arg12[%swap3A_865, %swap3A_866], %mul3A_864 {strides = array<i32>} : memref<80x128xf32, #tpu.memory_space<vmem>>, vector<16xf32>,
          %scan3A_868 = arith.constant 0 : i32
          scf.yield %scan3A_868 : i32
        }
        %scan3A_351 = arith.constant 80 : i32
        %dma_start3A_352 = arith.constant 0 : i32
        %dma_start3A_353 = tpu.memref_slice %arg11[%add3A_249, %dma_start3A_352] : memref<25x80xi32, #tpu.memory_space<vmem>> -> memref<1x80xi32, #tpu.memory_space<vmem>>
        %dma_start3A_354 = tpu.memref_squeeze %dma_start3A_353 : memref<1x80xi32, #tpu.memory_space<vmem>> -> memref<80xi32, #tpu.memory_space<vmem>>
        %dma_start3A_355 = arith.constant 0 : i32
        %dma_start3A_356 = arith.constant 0 : i32
        %dma_start3A_357 = tpu.memref_slice %arg28[%dma_start3A_355, %dma_start3A_356] : memref<10000x128xf32, #tpu.memory_space<vmem_shared>> -> memref<10000x128xf32, #tpu.memory_space<vmem_shared>>
        tpu.enqueue_indirect_dma source(%arg12 : memref<80x128xf32, #tpu.memory_space<vmem>>) target(%dma_start3A_357 : memref<10000x128xf32, #tpu.memory_space<vmem_shared>>) offsets(%dma_start3A_354 : memref<80xi32, #tpu.memory_space<vmem>>) semaphore(%arg25 : memref<!tpu.dma_semaphore, #tpu.memory_space<semaphore_mem>>) {add = true}
        %eq3A_358 = arith.constant 0 : i32
        %eq3A_359 = arith.cmpi eq, %add3A_249, %eq3A_358 : i32
        %convert_element_type3A_360 = arith.extui %eq3A_359 : i1 to i32
        %cond3A_361 = arith.constant 0 : i32
        %cond3A_362 = arith.cmpi ne, %convert_element_type3A_360, %cond3A_361 : i32
        scf.if %cond3A_362 {
          %dma_start3A_622 = arith.constant 2 : i32
          %dma_start3A_623 = arith.constant 0 : i32
          %dma_start3A_624 = tpu.memref_slice %arg10[%dma_start3A_622, %dma_start3A_623] : memref<25x80xi32, #tpu.memory_space<vmem>> -> memref<1x80xi32, #tpu.memory_space<vmem>>
          %dma_start3A_625 = tpu.memref_squeeze %dma_start3A_624 : memref<1x80xi32, #tpu.memory_space<vmem>> -> memref<80xi32, #tpu.memory_space<vmem>>
          %dma_start3A_626 = arith.constant 0 : i32
          %dma_start3A_627 = arith.constant 0 : i32
          %dma_start3A_628 = tpu.memref_slice %arg6[%dma_start3A_626, %dma_start3A_627] : memref<10000x128xf32, #tpu.memory_space<hbm>> -> memref<10000x128xf32, #tpu.memory_space<hbm>>
          tpu.enqueue_indirect_dma source(%dma_start3A_628 : memref<10000x128xf32, #tpu.memory_space<hbm>>) target(%arg18 : memref<80x128xf32, #tpu.memory_space<vmem>>) offsets(%dma_start3A_625 : memref<80xi32, #tpu.memory_space<vmem>>) semaphore(%arg24 : memref<!tpu.dma_semaphore, #tpu.memory_space<semaphore_mem>>)
          %dma_start3A_629 = arith.constant 2 : i32
          %dma_start3A_630 = arith.constant 0 : i32
          %dma_start3A_631 = tpu.memref_slice %arg10[%dma_start3A_629, %dma_start3A_630] : memref<25x80xi32, #tpu.memory_space<vmem>> -> memref<1x80xi32, #tpu.memory_space<vmem>>
          %dma_start3A_632 = tpu.memref_squeeze %dma_start3A_631 : memref<1x80xi32, #tpu.memory_space<vmem>> -> memref<80xi32, #tpu.memory_space<vmem>>
          %dma_start3A_633 = arith.constant 0 : i32
          %dma_start3A_634 = tpu.memref_slice %arg4[%dma_start3A_633] : memref<10000xf32, #tpu.memory_space<hbm>> -> memref<10000xf32, #tpu.memory_space<hbm>>
          tpu.enqueue_indirect_dma source(%dma_start3A_634 : memref<10000xf32, #tpu.memory_space<hbm>>) target(%arg19 : memref<80xf32, #tpu.memory_space<vmem>>) offsets(%dma_start3A_632 : memref<80xi32, #tpu.memory_space<vmem>>) semaphore(%arg24 : memref<!tpu.dma_semaphore, #tpu.memory_space<semaphore_mem>>)
          %dma_start3A_635 = arith.constant 2 : i32
          %dma_start3A_636 = arith.constant 0 : i32
          %dma_start3A_637 = tpu.memref_slice %arg11[%dma_start3A_635, %dma_start3A_636] : memref<25x80xi32, #tpu.memory_space<vmem>> -> memref<1x80xi32, #tpu.memory_space<vmem>>
          %dma_start3A_638 = tpu.memref_squeeze %dma_start3A_637 : memref<1x80xi32, #tpu.memory_space<vmem>> -> memref<80xi32, #tpu.memory_space<vmem>>
          %dma_start3A_639 = arith.constant 0 : i32
          %dma_start3A_640 = tpu.memref_slice %arg5[%dma_start3A_639] : memref<10000xf32, #tpu.memory_space<hbm>> -> memref<10000xf32, #tpu.memory_space<hbm>>
          tpu.enqueue_indirect_dma source(%dma_start3A_640 : memref<10000xf32, #tpu.memory_space<hbm>>) target(%arg20 : memref<80xf32, #tpu.memory_space<vmem>>) offsets(%dma_start3A_638 : memref<80xi32, #tpu.memory_space<vmem>>) semaphore(%arg24 : memref<!tpu.dma_semaphore, #tpu.memory_space<semaphore_mem>>)
        } else {
        }
        %ge3A_363 = arith.constant 1 : i32
        %ge3A_364 = arith.cmpi sge, %add3A_249, %ge3A_363 : i32
        %add3A_365 = arith.constant 2 : i32
        %add3A_366 = arith.addi %add3A_249, %add3A_365 : i32
        %lt3A = arith.constant 25 : i32
        %lt3A_367 = arith.cmpi slt, %add3A_366, %lt3A : i32
        %and3A = arith.andi %ge3A_364, %lt3A_367 : i1
        %convert_element_type3A_368 = arith.extui %and3A : i1 to i32
        %cond3A_369 = arith.constant 0 : i32
        %cond3A_370 = arith.cmpi ne, %convert_element_type3A_368, %cond3A_369 : i32
        scf.if %cond3A_370 {
          %dma_wait3A_622 = arith.constant 0 : i32
          %dma_wait3A_623 = arith.constant 0 : i32
          %dma_wait3A_624 = tpu.memref_slice %arg11[%dma_wait3A_622, %dma_wait3A_623] : memref<25x80xi32, #tpu.memory_space<vmem>> -> memref<1x80xi32, #tpu.memory_space<vmem>>
          %dma_wait3A_625 = tpu.memref_squeeze %dma_wait3A_624 : memref<1x80xi32, #tpu.memory_space<vmem>> -> memref<80xi32, #tpu.memory_space<vmem>>
          %dma_wait3A_626 = arith.constant 0 : i32
          %dma_wait3A_627 = arith.constant 0 : i32
          %dma_wait3A_628 = tpu.memref_slice %arg28[%dma_wait3A_626, %dma_wait3A_627] : memref<10000x128xf32, #tpu.memory_space<vmem_shared>> -> memref<10000x128xf32, #tpu.memory_space<vmem_shared>>
          tpu.wait_indirect_dma semaphore(%arg27 : memref<!tpu.dma_semaphore, #tpu.memory_space<semaphore_mem>>) src(%arg18 : memref<80x128xf32, #tpu.memory_space<vmem>>) dst(%dma_wait3A_628 : memref<10000x128xf32, #tpu.memory_space<vmem_shared>>)
          %add3A_629 = arith.constant 2 : i32
          %add3A_630 = arith.addi %add3A_249, %add3A_629 : i32
          %dma_start3A_631 = arith.constant 0 : i32
          %dma_start3A_632 = tpu.memref_slice %arg10[%add3A_630, %dma_start3A_631] : memref<25x80xi32, #tpu.memory_space<vmem>> -> memref<1x80xi32, #tpu.memory_space<vmem>>
          %dma_start3A_633 = tpu.memref_squeeze %dma_start3A_632 : memref<1x80xi32, #tpu.memory_space<vmem>> -> memref<80xi32, #tpu.memory_space<vmem>>
          %dma_start3A_634 = arith.constant 0 : i32
          %dma_start3A_635 = arith.constant 0 : i32
          %dma_start3A_636 = tpu.memref_slice %arg6[%dma_start3A_634, %dma_start3A_635] : memref<10000x128xf32, #tpu.memory_space<hbm>> -> memref<10000x128xf32, #tpu.memory_space<hbm>>
          tpu.enqueue_indirect_dma source(%dma_start3A_636 : memref<10000x128xf32, #tpu.memory_space<hbm>>) target(%arg18 : memref<80x128xf32, #tpu.memory_space<vmem>>) offsets(%dma_start3A_633 : memref<80xi32, #tpu.memory_space<vmem>>) semaphore(%arg24 : memref<!tpu.dma_semaphore, #tpu.memory_space<semaphore_mem>>)
          %dma_start3A_637 = arith.constant 0 : i32
          %dma_start3A_638 = tpu.memref_slice %arg10[%add3A_630, %dma_start3A_637] : memref<25x80xi32, #tpu.memory_space<vmem>> -> memref<1x80xi32, #tpu.memory_space<vmem>>
          %dma_start3A_639 = tpu.memref_squeeze %dma_start3A_638 : memref<1x80xi32, #tpu.memory_space<vmem>> -> memref<80xi32, #tpu.memory_space<vmem>>
          %dma_start3A_640 = arith.constant 0 : i32
          %dma_start3A_641 = tpu.memref_slice %arg4[%dma_start3A_640] : memref<10000xf32, #tpu.memory_space<hbm>> -> memref<10000xf32, #tpu.memory_space<hbm>>
          tpu.enqueue_indirect_dma source(%dma_start3A_641 : memref<10000xf32, #tpu.memory_space<hbm>>) target(%arg19 : memref<80xf32, #tpu.memory_space<vmem>>) offsets(%dma_start3A_639 : memref<80xi32, #tpu.memory_space<vmem>>) semaphore(%arg24 : memref<!tpu.dma_semaphore, #tpu.memory_space<semaphore_mem>>)
          %dma_start3A_642 = arith.constant 0 : i32
          %dma_start3A_643 = tpu.memref_slice %arg11[%add3A_630, %dma_start3A_642] : memref<25x80xi32, #tpu.memory_space<vmem>> -> memref<1x80xi32, #tpu.memory_space<vmem>>
          %dma_start3A_644 = tpu.memref_squeeze %dma_start3A_643 : memref<1x80xi32, #tpu.memory_space<vmem>> -> memref<80xi32, #tpu.memory_space<vmem>>
          %dma_start3A_645 = arith.constant 0 : i32
          %dma_start3A_646 = tpu.memref_slice %arg5[%dma_start3A_645] : memref<10000xf32, #tpu.memory_space<hbm>> -> memref<10000xf32, #tpu.memory_space<hbm>>
          tpu.enqueue_indirect_dma source(%dma_start3A_646 : memref<10000xf32, #tpu.memory_space<hbm>>) target(%arg20 : memref<80xf32, #tpu.memory_space<vmem>>) offsets(%dma_start3A_644 : memref<80xi32, #tpu.memory_space<vmem>>) semaphore(%arg24 : memref<!tpu.dma_semaphore, #tpu.memory_space<semaphore_mem>>)
        } else {
        }
        %add3A_371 = arith.constant 1 : i32
        %add3A_372 = arith.addi %mul3A_247, %add3A_371 : i32
        %dma_wait3A_373 = arith.constant 0 : i32
        %dma_wait3A_374 = arith.constant 0 : i32
        %dma_wait3A_375 = tpu.memref_slice %arg10[%dma_wait3A_373, %dma_wait3A_374] : memref<25x80xi32, #tpu.memory_space<vmem>> -> memref<1x80xi32, #tpu.memory_space<vmem>>
        %dma_wait3A_376 = tpu.memref_squeeze %dma_wait3A_375 : memref<1x80xi32, #tpu.memory_space<vmem>> -> memref<80xi32, #tpu.memory_space<vmem>>
        %dma_wait3A_377 = arith.constant 0 : i32
        %dma_wait3A_378 = arith.constant 0 : i32
        %dma_wait3A_379 = tpu.memref_slice %arg6[%dma_wait3A_377, %dma_wait3A_378] : memref<10000x128xf32, #tpu.memory_space<hbm>> -> memref<10000x128xf32, #tpu.memory_space<hbm>>
        tpu.wait_indirect_dma semaphore(%arg23 : memref<!tpu.dma_semaphore, #tpu.memory_space<semaphore_mem>>) src(%dma_wait3A_379 : memref<10000x128xf32, #tpu.memory_space<hbm>>) dst(%arg15 : memref<80x128xf32, #tpu.memory_space<vmem>>)
        %dma_wait3A_380 = arith.constant 0 : i32
        %dma_wait3A_381 = arith.constant 0 : i32
        %dma_wait3A_382 = tpu.memref_slice %arg10[%dma_wait3A_380, %dma_wait3A_381] : memref<25x80xi32, #tpu.memory_space<vmem>> -> memref<1x80xi32, #tpu.memory_space<vmem>>
        %dma_wait3A_383 = tpu.memref_squeeze %dma_wait3A_382 : memref<1x80xi32, #tpu.memory_space<vmem>> -> memref<80xi32, #tpu.memory_space<vmem>>
        %dma_wait3A_384 = arith.constant 0 : i32
        %dma_wait3A_385 = tpu.memref_slice %arg4[%dma_wait3A_384] : memref<10000xf32, #tpu.memory_space<hbm>> -> memref<10000xf32, #tpu.memory_space<hbm>>
        tpu.wait_indirect_dma semaphore(%arg23 : memref<!tpu.dma_semaphore, #tpu.memory_space<semaphore_mem>>) src(%dma_wait3A_385 : memref<10000xf32, #tpu.memory_space<hbm>>) dst(%arg16 : memref<80xf32, #tpu.memory_space<vmem>>)
        %dma_wait3A_386 = arith.constant 0 : i32
        %dma_wait3A_387 = arith.constant 0 : i32
        %dma_wait3A_388 = tpu.memref_slice %arg11[%dma_wait3A_386, %dma_wait3A_387] : memref<25x80xi32, #tpu.memory_space<vmem>> -> memref<1x80xi32, #tpu.memory_space<vmem>>
        %dma_wait3A_389 = tpu.memref_squeeze %dma_wait3A_388 : memref<1x80xi32, #tpu.memory_space<vmem>> -> memref<80xi32, #tpu.memory_space<vmem>>
        %dma_wait3A_390 = arith.constant 0 : i32
        %dma_wait3A_391 = tpu.memref_slice %arg5[%dma_wait3A_390] : memref<10000xf32, #tpu.memory_space<hbm>> -> memref<10000xf32, #tpu.memory_space<hbm>>
        tpu.wait_indirect_dma semaphore(%arg23 : memref<!tpu.dma_semaphore, #tpu.memory_space<semaphore_mem>>) src(%dma_wait3A_391 : memref<10000xf32, #tpu.memory_space<hbm>>) dst(%arg17 : memref<80xf32, #tpu.memory_space<vmem>>)
        %broadcast_in_dim3A_392 = vector.broadcast %add3A_372 : i32 to vector<16xi32>
        %get3A_393 = arith.constant 0 : index
        %get3A_394 = tpu.vector_load %arg16[%get3A_393] {strides = array<i32>} : memref<80xf32, #tpu.memory_space<vmem>>, vector<16xf32>,
        %get3A_395 = arith.constant 0 : index
        %get3A_396 = tpu.vector_load %arg17[%get3A_395] {strides = array<i32>} : memref<80xf32, #tpu.memory_space<vmem>>, vector<16xf32>,
        %add3A_397 = arith.addf %get3A_394, %get3A_396 : vector<16xf32>
        %ge3A_398 = arith.constant 0.000000e+00 : f32
        %ge3A_399 = vector.broadcast %ge3A_398 : f32 to vector<16xf32>
        %ge3A_400 = arith.cmpf oge, %add3A_397, %ge3A_399 : vector<16xf32>
        %mul3A_401 = arith.constant 2.000000e-01 : f32
        %mul3A_402 = vector.broadcast %mul3A_401 : f32 to vector<16xf32>
        %mul3A_403 = arith.mulf %mul3A_402, %add3A_397 : vector<16xf32>
        %select_n3A_404 = arith.select %ge3A_400, %add3A_397, %mul3A_403 : vector<16xi1>, vector<16xf32>
        %exp3A_405 = math.exp %select_n3A_404 : vector<16xf32>
        %swap3A_406 = arith.constant 0 : index
        %swap3A_407 = tpu.vector_load %arg21[%swap3A_406] {strides = array<i32>} : memref<80xf32, #tpu.memory_space<vmem>>, vector<16xf32>,
        tpu.vector_store %arg21[%swap3A_406], %exp3A_405 {strides = array<i32>} : memref<80xf32, #tpu.memory_space<vmem>>, vector<16xf32>,
        %get3A_408 = arith.constant 16 : index
        %get3A_409 = tpu.vector_load %arg16[%get3A_408] {strides = array<i32>} : memref<80xf32, #tpu.memory_space<vmem>>, vector<16xf32>,
        %get3A_410 = arith.constant 16 : index
        %get3A_411 = tpu.vector_load %arg17[%get3A_410] {strides = array<i32>} : memref<80xf32, #tpu.memory_space<vmem>>, vector<16xf32>,
        %add3A_412 = arith.addf %get3A_409, %get3A_411 : vector<16xf32>
        %ge3A_413 = arith.constant 0.000000e+00 : f32
        %ge3A_414 = vector.broadcast %ge3A_413 : f32 to vector<16xf32>
        %ge3A_415 = arith.cmpf oge, %add3A_412, %ge3A_414 : vector<16xf32>
        %mul3A_416 = arith.constant 2.000000e-01 : f32
        %mul3A_417 = vector.broadcast %mul3A_416 : f32 to vector<16xf32>
        %mul3A_418 = arith.mulf %mul3A_417, %add3A_412 : vector<16xf32>
        %select_n3A_419 = arith.select %ge3A_415, %add3A_412, %mul3A_418 : vector<16xi1>, vector<16xf32>
        %exp3A_420 = math.exp %select_n3A_419 : vector<16xf32>
        %swap3A_421 = arith.constant 16 : index
        %swap3A_422 = tpu.vector_load %arg21[%swap3A_421] {strides = array<i32>} : memref<80xf32, #tpu.memory_space<vmem>>, vector<16xf32>,
        tpu.vector_store %arg21[%swap3A_421], %exp3A_420 {strides = array<i32>} : memref<80xf32, #tpu.memory_space<vmem>>, vector<16xf32>,
        %get3A_423 = arith.constant 32 : index
        %get3A_424 = tpu.vector_load %arg16[%get3A_423] {strides = array<i32>} : memref<80xf32, #tpu.memory_space<vmem>>, vector<16xf32>,
        %get3A_425 = arith.constant 32 : index
        %get3A_426 = tpu.vector_load %arg17[%get3A_425] {strides = array<i32>} : memref<80xf32, #tpu.memory_space<vmem>>, vector<16xf32>,
        %add3A_427 = arith.addf %get3A_424, %get3A_426 : vector<16xf32>
        %ge3A_428 = arith.constant 0.000000e+00 : f32
        %ge3A_429 = vector.broadcast %ge3A_428 : f32 to vector<16xf32>
        %ge3A_430 = arith.cmpf oge, %add3A_427, %ge3A_429 : vector<16xf32>
        %mul3A_431 = arith.constant 2.000000e-01 : f32
        %mul3A_432 = vector.broadcast %mul3A_431 : f32 to vector<16xf32>
        %mul3A_433 = arith.mulf %mul3A_432, %add3A_427 : vector<16xf32>
        %select_n3A_434 = arith.select %ge3A_430, %add3A_427, %mul3A_433 : vector<16xi1>, vector<16xf32>
        %exp3A_435 = math.exp %select_n3A_434 : vector<16xf32>
        %swap3A_436 = arith.constant 32 : index
        %swap3A_437 = tpu.vector_load %arg21[%swap3A_436] {strides = array<i32>} : memref<80xf32, #tpu.memory_space<vmem>>, vector<16xf32>,
        tpu.vector_store %arg21[%swap3A_436], %exp3A_435 {strides = array<i32>} : memref<80xf32, #tpu.memory_space<vmem>>, vector<16xf32>,
        %get3A_438 = arith.constant 48 : index
        %get3A_439 = tpu.vector_load %arg16[%get3A_438] {strides = array<i32>} : memref<80xf32, #tpu.memory_space<vmem>>, vector<16xf32>,
        %get3A_440 = arith.constant 48 : index
        %get3A_441 = tpu.vector_load %arg17[%get3A_440] {strides = array<i32>} : memref<80xf32, #tpu.memory_space<vmem>>, vector<16xf32>,
        %add3A_442 = arith.addf %get3A_439, %get3A_441 : vector<16xf32>
        %ge3A_443 = arith.constant 0.000000e+00 : f32
        %ge3A_444 = vector.broadcast %ge3A_443 : f32 to vector<16xf32>
        %ge3A_445 = arith.cmpf oge, %add3A_442, %ge3A_444 : vector<16xf32>
        %mul3A_446 = arith.constant 2.000000e-01 : f32
        %mul3A_447 = vector.broadcast %mul3A_446 : f32 to vector<16xf32>
        %mul3A_448 = arith.mulf %mul3A_447, %add3A_442 : vector<16xf32>
        %select_n3A_449 = arith.select %ge3A_445, %add3A_442, %mul3A_448 : vector<16xi1>, vector<16xf32>
        %exp3A_450 = math.exp %select_n3A_449 : vector<16xf32>
        %swap3A_451 = arith.constant 48 : index
        %swap3A_452 = tpu.vector_load %arg21[%swap3A_451] {strides = array<i32>} : memref<80xf32, #tpu.memory_space<vmem>>, vector<16xf32>,
        tpu.vector_store %arg21[%swap3A_451], %exp3A_450 {strides = array<i32>} : memref<80xf32, #tpu.memory_space<vmem>>, vector<16xf32>,
        %get3A_453 = arith.constant 64 : index
        %get3A_454 = tpu.vector_load %arg16[%get3A_453] {strides = array<i32>} : memref<80xf32, #tpu.memory_space<vmem>>, vector<16xf32>,
        %get3A_455 = arith.constant 64 : index
        %get3A_456 = tpu.vector_load %arg17[%get3A_455] {strides = array<i32>} : memref<80xf32, #tpu.memory_space<vmem>>, vector<16xf32>,
        %add3A_457 = arith.addf %get3A_454, %get3A_456 : vector<16xf32>
        %ge3A_458 = arith.constant 0.000000e+00 : f32
        %ge3A_459 = vector.broadcast %ge3A_458 : f32 to vector<16xf32>
        %ge3A_460 = arith.cmpf oge, %add3A_457, %ge3A_459 : vector<16xf32>
        %mul3A_461 = arith.constant 2.000000e-01 : f32
        %mul3A_462 = vector.broadcast %mul3A_461 : f32 to vector<16xf32>
        %mul3A_463 = arith.mulf %mul3A_462, %add3A_457 : vector<16xf32>
        %select_n3A_464 = arith.select %ge3A_460, %add3A_457, %mul3A_463 : vector<16xi1>, vector<16xf32>
        %exp3A_465 = math.exp %select_n3A_464 : vector<16xf32>
        %swap3A_466 = arith.constant 64 : index
        %swap3A_467 = tpu.vector_load %arg21[%swap3A_466] {strides = array<i32>} : memref<80xf32, #tpu.memory_space<vmem>>, vector<16xf32>,
        tpu.vector_store %arg21[%swap3A_466], %exp3A_465 {strides = array<i32>} : memref<80xf32, #tpu.memory_space<vmem>>, vector<16xf32>,
        %scan3A_468 = arith.constant 0 : i32
        %scan3A_469 = arith.constant 0 : i32
        %scan3A_470 = arith.constant 80 : i32
        %scan3A_471 = arith.addi %scan3A_469, %scan3A_470 : i32
        %scan3A_472 = arith.constant 4 : i32
        %scan3A_473 = scf.for %scan3A_622 = %scan3A_469 to %scan3A_471 step %scan3A_472 iter_args(%scan3A_623 = %scan3A_468) -> (i32)  : i32 {
          %broadcast_in_dim3A_624 = vector.broadcast %scan3A_622 : i32 to vector<16xi32>
          %gather3A = tpu.vector_load_idx %arg21[%broadcast_in_dim3A_624] : memref<80xf32, #tpu.memory_space<vmem>>[vector<16xi32>], vector<16xf32>,
          %gather3A_625 = tpu.vector_load_idx %arg11[%broadcast_in_dim3A_392, %broadcast_in_dim3A_624] : memref<25x80xi32, #tpu.memory_space<vmem>>[vector<16xi32>, vector<16xi32>], vector<16xi32>,
          tpu.vector_store_idx %arg9[%gather3A_625], %gather3A masked %eq3A_51 {add = true} : memref<10000xf32, #tpu.memory_space<vmem>>[vector<16xi32>], vector<16xf32>, vector<16xi1>
          %get3A_626 = arith.index_cast %scan3A_622 : i32 to index
          %get3A_627 = arith.constant 0 : index
          %get3A_628 = tpu.vector_load %arg15[%get3A_626, %get3A_627] {strides = array<i32>} : memref<80x128xf32, #tpu.memory_space<vmem>>, vector<16xf32>,
          %mul3A_629 = arith.mulf %get3A_628, %gather3A : vector<16xf32>
          %swap3A_630 = arith.index_cast %scan3A_622 : i32 to index
          %swap3A_631 = arith.constant 0 : index
          %swap3A_632 = tpu.vector_load %arg15[%swap3A_630, %swap3A_631] {strides = array<i32>} : memref<80x128xf32, #tpu.memory_space<vmem>>, vector<16xf32>,
          tpu.vector_store %arg15[%swap3A_630, %swap3A_631], %mul3A_629 {strides = array<i32>} : memref<80x128xf32, #tpu.memory_space<vmem>>, vector<16xf32>,
          %get3A_633 = arith.index_cast %scan3A_622 : i32 to index
          %get3A_634 = arith.constant 16 : index
          %get3A_635 = tpu.vector_load %arg15[%get3A_633, %get3A_634] {strides = array<i32>} : memref<80x128xf32, #tpu.memory_space<vmem>>, vector<16xf32>,
          %mul3A_636 = arith.mulf %get3A_635, %gather3A : vector<16xf32>
          %swap3A_637 = arith.index_cast %scan3A_622 : i32 to index
          %swap3A_638 = arith.constant 16 : index
          %swap3A_639 = tpu.vector_load %arg15[%swap3A_637, %swap3A_638] {strides = array<i32>} : memref<80x128xf32, #tpu.memory_space<vmem>>, vector<16xf32>,
          tpu.vector_store %arg15[%swap3A_637, %swap3A_638], %mul3A_636 {strides = array<i32>} : memref<80x128xf32, #tpu.memory_space<vmem>>, vector<16xf32>,
          %get3A_640 = arith.index_cast %scan3A_622 : i32 to index
          %get3A_641 = arith.constant 32 : index
          %get3A_642 = tpu.vector_load %arg15[%get3A_640, %get3A_641] {strides = array<i32>} : memref<80x128xf32, #tpu.memory_space<vmem>>, vector<16xf32>,
          %mul3A_643 = arith.mulf %get3A_642, %gather3A : vector<16xf32>
          %swap3A_644 = arith.index_cast %scan3A_622 : i32 to index
          %swap3A_645 = arith.constant 32 : index
          %swap3A_646 = tpu.vector_load %arg15[%swap3A_644, %swap3A_645] {strides = array<i32>} : memref<80x128xf32, #tpu.memory_space<vmem>>, vector<16xf32>,
          tpu.vector_store %arg15[%swap3A_644, %swap3A_645], %mul3A_643 {strides = array<i32>} : memref<80x128xf32, #tpu.memory_space<vmem>>, vector<16xf32>,
          %get3A_647 = arith.index_cast %scan3A_622 : i32 to index
          %get3A_648 = arith.constant 48 : index
          %get3A_649 = tpu.vector_load %arg15[%get3A_647, %get3A_648] {strides = array<i32>} : memref<80x128xf32, #tpu.memory_space<vmem>>, vector<16xf32>,
          %mul3A_650 = arith.mulf %get3A_649, %gather3A : vector<16xf32>
          %swap3A_651 = arith.index_cast %scan3A_622 : i32 to index
          %swap3A_652 = arith.constant 48 : index
          %swap3A_653 = tpu.vector_load %arg15[%swap3A_651, %swap3A_652] {strides = array<i32>} : memref<80x128xf32, #tpu.memory_space<vmem>>, vector<16xf32>,
          tpu.vector_store %arg15[%swap3A_651, %swap3A_652], %mul3A_650 {strides = array<i32>} : memref<80x128xf32, #tpu.memory_space<vmem>>, vector<16xf32>,
          %get3A_654 = arith.index_cast %scan3A_622 : i32 to index
          %get3A_655 = arith.constant 64 : index
          %get3A_656 = tpu.vector_load %arg15[%get3A_654, %get3A_655] {strides = array<i32>} : memref<80x128xf32, #tpu.memory_space<vmem>>, vector<16xf32>,
          %mul3A_657 = arith.mulf %get3A_656, %gather3A : vector<16xf32>
          %swap3A_658 = arith.index_cast %scan3A_622 : i32 to index
          %swap3A_659 = arith.constant 64 : index
          %swap3A_660 = tpu.vector_load %arg15[%swap3A_658, %swap3A_659] {strides = array<i32>} : memref<80x128xf32, #tpu.memory_space<vmem>>, vector<16xf32>,
          tpu.vector_store %arg15[%swap3A_658, %swap3A_659], %mul3A_657 {strides = array<i32>} : memref<80x128xf32, #tpu.memory_space<vmem>>, vector<16xf32>,
          %get3A_661 = arith.index_cast %scan3A_622 : i32 to index
          %get3A_662 = arith.constant 80 : index
          %get3A_663 = tpu.vector_load %arg15[%get3A_661, %get3A_662] {strides = array<i32>} : memref<80x128xf32, #tpu.memory_space<vmem>>, vector<16xf32>,
          %mul3A_664 = arith.mulf %get3A_663, %gather3A : vector<16xf32>
          %swap3A_665 = arith.index_cast %scan3A_622 : i32 to index
          %swap3A_666 = arith.constant 80 : index
          %swap3A_667 = tpu.vector_load %arg15[%swap3A_665, %swap3A_666] {strides = array<i32>} : memref<80x128xf32, #tpu.memory_space<vmem>>, vector<16xf32>,
          tpu.vector_store %arg15[%swap3A_665, %swap3A_666], %mul3A_664 {strides = array<i32>} : memref<80x128xf32, #tpu.memory_space<vmem>>, vector<16xf32>,
          %get3A_668 = arith.index_cast %scan3A_622 : i32 to index
          %get3A_669 = arith.constant 96 : index
          %get3A_670 = tpu.vector_load %arg15[%get3A_668, %get3A_669] {strides = array<i32>} : memref<80x128xf32, #tpu.memory_space<vmem>>, vector<16xf32>,
          %mul3A_671 = arith.mulf %get3A_670, %gather3A : vector<16xf32>
          %swap3A_672 = arith.index_cast %scan3A_622 : i32 to index
          %swap3A_673 = arith.constant 96 : index
          %swap3A_674 = tpu.vector_load %arg15[%swap3A_672, %swap3A_673] {strides = array<i32>} : memref<80x128xf32, #tpu.memory_space<vmem>>, vector<16xf32>,
          tpu.vector_store %arg15[%swap3A_672, %swap3A_673], %mul3A_671 {strides = array<i32>} : memref<80x128xf32, #tpu.memory_space<vmem>>, vector<16xf32>,
          %get3A_675 = arith.index_cast %scan3A_622 : i32 to index
          %get3A_676 = arith.constant 112 : index
          %get3A_677 = tpu.vector_load %arg15[%get3A_675, %get3A_676] {strides = array<i32>} : memref<80x128xf32, #tpu.memory_space<vmem>>, vector<16xf32>,
          %mul3A_678 = arith.mulf %get3A_677, %gather3A : vector<16xf32>
          %swap3A_679 = arith.index_cast %scan3A_622 : i32 to index
          %swap3A_680 = arith.constant 112 : index
          %swap3A_681 = tpu.vector_load %arg15[%swap3A_679, %swap3A_680] {strides = array<i32>} : memref<80x128xf32, #tpu.memory_space<vmem>>, vector<16xf32>,
          tpu.vector_store %arg15[%swap3A_679, %swap3A_680], %mul3A_678 {strides = array<i32>} : memref<80x128xf32, #tpu.memory_space<vmem>>, vector<16xf32>,
          %scan3A_682 = arith.constant 0 : i32
          %scan3A_683 = arith.constant 1 : i32
          %scan3A_684 = arith.addi %scan3A_622, %scan3A_683 : i32
          %broadcast_in_dim3A_685 = vector.broadcast %scan3A_684 : i32 to vector<16xi32>
          %gather3A_686 = tpu.vector_load_idx %arg21[%broadcast_in_dim3A_685] : memref<80xf32, #tpu.memory_space<vmem>>[vector<16xi32>], vector<16xf32>,
          %gather3A_687 = tpu.vector_load_idx %arg11[%broadcast_in_dim3A_392, %broadcast_in_dim3A_685] : memref<25x80xi32, #tpu.memory_space<vmem>>[vector<16xi32>, vector<16xi32>], vector<16xi32>,
          tpu.vector_store_idx %arg9[%gather3A_687], %gather3A_686 masked %eq3A_51 {add = true} : memref<10000xf32, #tpu.memory_space<vmem>>[vector<16xi32>], vector<16xf32>, vector<16xi1>
          %get3A_688 = arith.index_cast %scan3A_684 : i32 to index
          %get3A_689 = arith.constant 0 : index
          %get3A_690 = tpu.vector_load %arg15[%get3A_688, %get3A_689] {strides = array<i32>} : memref<80x128xf32, #tpu.memory_space<vmem>>, vector<16xf32>,
          %mul3A_691 = arith.mulf %get3A_690, %gather3A_686 : vector<16xf32>
          %swap3A_692 = arith.index_cast %scan3A_684 : i32 to index
          %swap3A_693 = arith.constant 0 : index
          %swap3A_694 = tpu.vector_load %arg15[%swap3A_692, %swap3A_693] {strides = array<i32>} : memref<80x128xf32, #tpu.memory_space<vmem>>, vector<16xf32>,
          tpu.vector_store %arg15[%swap3A_692, %swap3A_693], %mul3A_691 {strides = array<i32>} : memref<80x128xf32, #tpu.memory_space<vmem>>, vector<16xf32>,
          %get3A_695 = arith.index_cast %scan3A_684 : i32 to index
          %get3A_696 = arith.constant 16 : index
          %get3A_697 = tpu.vector_load %arg15[%get3A_695, %get3A_696] {strides = array<i32>} : memref<80x128xf32, #tpu.memory_space<vmem>>, vector<16xf32>,
          %mul3A_698 = arith.mulf %get3A_697, %gather3A_686 : vector<16xf32>
          %swap3A_699 = arith.index_cast %scan3A_684 : i32 to index
          %swap3A_700 = arith.constant 16 : index
          %swap3A_701 = tpu.vector_load %arg15[%swap3A_699, %swap3A_700] {strides = array<i32>} : memref<80x128xf32, #tpu.memory_space<vmem>>, vector<16xf32>,
          tpu.vector_store %arg15[%swap3A_699, %swap3A_700], %mul3A_698 {strides = array<i32>} : memref<80x128xf32, #tpu.memory_space<vmem>>, vector<16xf32>,
          %get3A_702 = arith.index_cast %scan3A_684 : i32 to index
          %get3A_703 = arith.constant 32 : index
          %get3A_704 = tpu.vector_load %arg15[%get3A_702, %get3A_703] {strides = array<i32>} : memref<80x128xf32, #tpu.memory_space<vmem>>, vector<16xf32>,
          %mul3A_705 = arith.mulf %get3A_704, %gather3A_686 : vector<16xf32>
          %swap3A_706 = arith.index_cast %scan3A_684 : i32 to index
          %swap3A_707 = arith.constant 32 : index
          %swap3A_708 = tpu.vector_load %arg15[%swap3A_706, %swap3A_707] {strides = array<i32>} : memref<80x128xf32, #tpu.memory_space<vmem>>, vector<16xf32>,
          tpu.vector_store %arg15[%swap3A_706, %swap3A_707], %mul3A_705 {strides = array<i32>} : memref<80x128xf32, #tpu.memory_space<vmem>>, vector<16xf32>,
          %get3A_709 = arith.index_cast %scan3A_684 : i32 to index
          %get3A_710 = arith.constant 48 : index
          %get3A_711 = tpu.vector_load %arg15[%get3A_709, %get3A_710] {strides = array<i32>} : memref<80x128xf32, #tpu.memory_space<vmem>>, vector<16xf32>,
          %mul3A_712 = arith.mulf %get3A_711, %gather3A_686 : vector<16xf32>
          %swap3A_713 = arith.index_cast %scan3A_684 : i32 to index
          %swap3A_714 = arith.constant 48 : index
          %swap3A_715 = tpu.vector_load %arg15[%swap3A_713, %swap3A_714] {strides = array<i32>} : memref<80x128xf32, #tpu.memory_space<vmem>>, vector<16xf32>,
          tpu.vector_store %arg15[%swap3A_713, %swap3A_714], %mul3A_712 {strides = array<i32>} : memref<80x128xf32, #tpu.memory_space<vmem>>, vector<16xf32>,
          %get3A_716 = arith.index_cast %scan3A_684 : i32 to index
          %get3A_717 = arith.constant 64 : index
          %get3A_718 = tpu.vector_load %arg15[%get3A_716, %get3A_717] {strides = array<i32>} : memref<80x128xf32, #tpu.memory_space<vmem>>, vector<16xf32>,
          %mul3A_719 = arith.mulf %get3A_718, %gather3A_686 : vector<16xf32>
          %swap3A_720 = arith.index_cast %scan3A_684 : i32 to index
          %swap3A_721 = arith.constant 64 : index
          %swap3A_722 = tpu.vector_load %arg15[%swap3A_720, %swap3A_721] {strides = array<i32>} : memref<80x128xf32, #tpu.memory_space<vmem>>, vector<16xf32>,
          tpu.vector_store %arg15[%swap3A_720, %swap3A_721], %mul3A_719 {strides = array<i32>} : memref<80x128xf32, #tpu.memory_space<vmem>>, vector<16xf32>,
          %get3A_723 = arith.index_cast %scan3A_684 : i32 to index
          %get3A_724 = arith.constant 80 : index
          %get3A_725 = tpu.vector_load %arg15[%get3A_723, %get3A_724] {strides = array<i32>} : memref<80x128xf32, #tpu.memory_space<vmem>>, vector<16xf32>,
          %mul3A_726 = arith.mulf %get3A_725, %gather3A_686 : vector<16xf32>
          %swap3A_727 = arith.index_cast %scan3A_684 : i32 to index
          %swap3A_728 = arith.constant 80 : index
          %swap3A_729 = tpu.vector_load %arg15[%swap3A_727, %swap3A_728] {strides = array<i32>} : memref<80x128xf32, #tpu.memory_space<vmem>>, vector<16xf32>,
          tpu.vector_store %arg15[%swap3A_727, %swap3A_728], %mul3A_726 {strides = array<i32>} : memref<80x128xf32, #tpu.memory_space<vmem>>, vector<16xf32>,
          %get3A_730 = arith.index_cast %scan3A_684 : i32 to index
          %get3A_731 = arith.constant 96 : index
          %get3A_732 = tpu.vector_load %arg15[%get3A_730, %get3A_731] {strides = array<i32>} : memref<80x128xf32, #tpu.memory_space<vmem>>, vector<16xf32>,
          %mul3A_733 = arith.mulf %get3A_732, %gather3A_686 : vector<16xf32>
          %swap3A_734 = arith.index_cast %scan3A_684 : i32 to index
          %swap3A_735 = arith.constant 96 : index
          %swap3A_736 = tpu.vector_load %arg15[%swap3A_734, %swap3A_735] {strides = array<i32>} : memref<80x128xf32, #tpu.memory_space<vmem>>, vector<16xf32>,
          tpu.vector_store %arg15[%swap3A_734, %swap3A_735], %mul3A_733 {strides = array<i32>} : memref<80x128xf32, #tpu.memory_space<vmem>>, vector<16xf32>,
          %get3A_737 = arith.index_cast %scan3A_684 : i32 to index
          %get3A_738 = arith.constant 112 : index
          %get3A_739 = tpu.vector_load %arg15[%get3A_737, %get3A_738] {strides = array<i32>} : memref<80x128xf32, #tpu.memory_space<vmem>>, vector<16xf32>,
          %mul3A_740 = arith.mulf %get3A_739, %gather3A_686 : vector<16xf32>
          %swap3A_741 = arith.index_cast %scan3A_684 : i32 to index
          %swap3A_742 = arith.constant 112 : index
          %swap3A_743 = tpu.vector_load %arg15[%swap3A_741, %swap3A_742] {strides = array<i32>} : memref<80x128xf32, #tpu.memory_space<vmem>>, vector<16xf32>,
          tpu.vector_store %arg15[%swap3A_741, %swap3A_742], %mul3A_740 {strides = array<i32>} : memref<80x128xf32, #tpu.memory_space<vmem>>, vector<16xf32>,
          %scan3A_744 = arith.constant 0 : i32
          %scan3A_745 = arith.constant 2 : i32
          %scan3A_746 = arith.addi %scan3A_622, %scan3A_745 : i32
          %broadcast_in_dim3A_747 = vector.broadcast %scan3A_746 : i32 to vector<16xi32>
          %gather3A_748 = tpu.vector_load_idx %arg21[%broadcast_in_dim3A_747] : memref<80xf32, #tpu.memory_space<vmem>>[vector<16xi32>], vector<16xf32>,
          %gather3A_749 = tpu.vector_load_idx %arg11[%broadcast_in_dim3A_392, %broadcast_in_dim3A_747] : memref<25x80xi32, #tpu.memory_space<vmem>>[vector<16xi32>, vector<16xi32>], vector<16xi32>,
          tpu.vector_store_idx %arg9[%gather3A_749], %gather3A_748 masked %eq3A_51 {add = true} : memref<10000xf32, #tpu.memory_space<vmem>>[vector<16xi32>], vector<16xf32>, vector<16xi1>
          %get3A_750 = arith.index_cast %scan3A_746 : i32 to index
          %get3A_751 = arith.constant 0 : index
          %get3A_752 = tpu.vector_load %arg15[%get3A_750, %get3A_751] {strides = array<i32>} : memref<80x128xf32, #tpu.memory_space<vmem>>, vector<16xf32>,
          %mul3A_753 = arith.mulf %get3A_752, %gather3A_748 : vector<16xf32>
          %swap3A_754 = arith.index_cast %scan3A_746 : i32 to index
          %swap3A_755 = arith.constant 0 : index
          %swap3A_756 = tpu.vector_load %arg15[%swap3A_754, %swap3A_755] {strides = array<i32>} : memref<80x128xf32, #tpu.memory_space<vmem>>, vector<16xf32>,
          tpu.vector_store %arg15[%swap3A_754, %swap3A_755], %mul3A_753 {strides = array<i32>} : memref<80x128xf32, #tpu.memory_space<vmem>>, vector<16xf32>,
          %get3A_757 = arith.index_cast %scan3A_746 : i32 to index
          %get3A_758 = arith.constant 16 : index
          %get3A_759 = tpu.vector_load %arg15[%get3A_757, %get3A_758] {strides = array<i32>} : memref<80x128xf32, #tpu.memory_space<vmem>>, vector<16xf32>,
          %mul3A_760 = arith.mulf %get3A_759, %gather3A_748 : vector<16xf32>
          %swap3A_761 = arith.index_cast %scan3A_746 : i32 to index
          %swap3A_762 = arith.constant 16 : index
          %swap3A_763 = tpu.vector_load %arg15[%swap3A_761, %swap3A_762] {strides = array<i32>} : memref<80x128xf32, #tpu.memory_space<vmem>>, vector<16xf32>,
          tpu.vector_store %arg15[%swap3A_761, %swap3A_762], %mul3A_760 {strides = array<i32>} : memref<80x128xf32, #tpu.memory_space<vmem>>, vector<16xf32>,
          %get3A_764 = arith.index_cast %scan3A_746 : i32 to index
          %get3A_765 = arith.constant 32 : index
          %get3A_766 = tpu.vector_load %arg15[%get3A_764, %get3A_765] {strides = array<i32>} : memref<80x128xf32, #tpu.memory_space<vmem>>, vector<16xf32>,
          %mul3A_767 = arith.mulf %get3A_766, %gather3A_748 : vector<16xf32>
          %swap3A_768 = arith.index_cast %scan3A_746 : i32 to index
          %swap3A_769 = arith.constant 32 : index
          %swap3A_770 = tpu.vector_load %arg15[%swap3A_768, %swap3A_769] {strides = array<i32>} : memref<80x128xf32, #tpu.memory_space<vmem>>, vector<16xf32>,
          tpu.vector_store %arg15[%swap3A_768, %swap3A_769], %mul3A_767 {strides = array<i32>} : memref<80x128xf32, #tpu.memory_space<vmem>>, vector<16xf32>,
          %get3A_771 = arith.index_cast %scan3A_746 : i32 to index
          %get3A_772 = arith.constant 48 : index
          %get3A_773 = tpu.vector_load %arg15[%get3A_771, %get3A_772] {strides = array<i32>} : memref<80x128xf32, #tpu.memory_space<vmem>>, vector<16xf32>,
          %mul3A_774 = arith.mulf %get3A_773, %gather3A_748 : vector<16xf32>
          %swap3A_775 = arith.index_cast %scan3A_746 : i32 to index
          %swap3A_776 = arith.constant 48 : index
          %swap3A_777 = tpu.vector_load %arg15[%swap3A_775, %swap3A_776] {strides = array<i32>} : memref<80x128xf32, #tpu.memory_space<vmem>>, vector<16xf32>,
          tpu.vector_store %arg15[%swap3A_775, %swap3A_776], %mul3A_774 {strides = array<i32>} : memref<80x128xf32, #tpu.memory_space<vmem>>, vector<16xf32>,
          %get3A_778 = arith.index_cast %scan3A_746 : i32 to index
          %get3A_779 = arith.constant 64 : index
          %get3A_780 = tpu.vector_load %arg15[%get3A_778, %get3A_779] {strides = array<i32>} : memref<80x128xf32, #tpu.memory_space<vmem>>, vector<16xf32>,
          %mul3A_781 = arith.mulf %get3A_780, %gather3A_748 : vector<16xf32>
          %swap3A_782 = arith.index_cast %scan3A_746 : i32 to index
          %swap3A_783 = arith.constant 64 : index
          %swap3A_784 = tpu.vector_load %arg15[%swap3A_782, %swap3A_783] {strides = array<i32>} : memref<80x128xf32, #tpu.memory_space<vmem>>, vector<16xf32>,
          tpu.vector_store %arg15[%swap3A_782, %swap3A_783], %mul3A_781 {strides = array<i32>} : memref<80x128xf32, #tpu.memory_space<vmem>>, vector<16xf32>,
          %get3A_785 = arith.index_cast %scan3A_746 : i32 to index
          %get3A_786 = arith.constant 80 : index
          %get3A_787 = tpu.vector_load %arg15[%get3A_785, %get3A_786] {strides = array<i32>} : memref<80x128xf32, #tpu.memory_space<vmem>>, vector<16xf32>,
          %mul3A_788 = arith.mulf %get3A_787, %gather3A_748 : vector<16xf32>
          %swap3A_789 = arith.index_cast %scan3A_746 : i32 to index
          %swap3A_790 = arith.constant 80 : index
          %swap3A_791 = tpu.vector_load %arg15[%swap3A_789, %swap3A_790] {strides = array<i32>} : memref<80x128xf32, #tpu.memory_space<vmem>>, vector<16xf32>,
          tpu.vector_store %arg15[%swap3A_789, %swap3A_790], %mul3A_788 {strides = array<i32>} : memref<80x128xf32, #tpu.memory_space<vmem>>, vector<16xf32>,
          %get3A_792 = arith.index_cast %scan3A_746 : i32 to index
          %get3A_793 = arith.constant 96 : index
          %get3A_794 = tpu.vector_load %arg15[%get3A_792, %get3A_793] {strides = array<i32>} : memref<80x128xf32, #tpu.memory_space<vmem>>, vector<16xf32>,
          %mul3A_795 = arith.mulf %get3A_794, %gather3A_748 : vector<16xf32>
          %swap3A_796 = arith.index_cast %scan3A_746 : i32 to index
          %swap3A_797 = arith.constant 96 : index
          %swap3A_798 = tpu.vector_load %arg15[%swap3A_796, %swap3A_797] {strides = array<i32>} : memref<80x128xf32, #tpu.memory_space<vmem>>, vector<16xf32>,
          tpu.vector_store %arg15[%swap3A_796, %swap3A_797], %mul3A_795 {strides = array<i32>} : memref<80x128xf32, #tpu.memory_space<vmem>>, vector<16xf32>,
          %get3A_799 = arith.index_cast %scan3A_746 : i32 to index
          %get3A_800 = arith.constant 112 : index
          %get3A_801 = tpu.vector_load %arg15[%get3A_799, %get3A_800] {strides = array<i32>} : memref<80x128xf32, #tpu.memory_space<vmem>>, vector<16xf32>,
          %mul3A_802 = arith.mulf %get3A_801, %gather3A_748 : vector<16xf32>
          %swap3A_803 = arith.index_cast %scan3A_746 : i32 to index
          %swap3A_804 = arith.constant 112 : index
          %swap3A_805 = tpu.vector_load %arg15[%swap3A_803, %swap3A_804] {strides = array<i32>} : memref<80x128xf32, #tpu.memory_space<vmem>>, vector<16xf32>,
          tpu.vector_store %arg15[%swap3A_803, %swap3A_804], %mul3A_802 {strides = array<i32>} : memref<80x128xf32, #tpu.memory_space<vmem>>, vector<16xf32>,
          %scan3A_806 = arith.constant 0 : i32
          %scan3A_807 = arith.constant 3 : i32
          %scan3A_808 = arith.addi %scan3A_622, %scan3A_807 : i32
          %broadcast_in_dim3A_809 = vector.broadcast %scan3A_808 : i32 to vector<16xi32>
          %gather3A_810 = tpu.vector_load_idx %arg21[%broadcast_in_dim3A_809] : memref<80xf32, #tpu.memory_space<vmem>>[vector<16xi32>], vector<16xf32>,
          %gather3A_811 = tpu.vector_load_idx %arg11[%broadcast_in_dim3A_392, %broadcast_in_dim3A_809] : memref<25x80xi32, #tpu.memory_space<vmem>>[vector<16xi32>, vector<16xi32>], vector<16xi32>,
          tpu.vector_store_idx %arg9[%gather3A_811], %gather3A_810 masked %eq3A_51 {add = true} : memref<10000xf32, #tpu.memory_space<vmem>>[vector<16xi32>], vector<16xf32>, vector<16xi1>
          %get3A_812 = arith.index_cast %scan3A_808 : i32 to index
          %get3A_813 = arith.constant 0 : index
          %get3A_814 = tpu.vector_load %arg15[%get3A_812, %get3A_813] {strides = array<i32>} : memref<80x128xf32, #tpu.memory_space<vmem>>, vector<16xf32>,
          %mul3A_815 = arith.mulf %get3A_814, %gather3A_810 : vector<16xf32>
          %swap3A_816 = arith.index_cast %scan3A_808 : i32 to index
          %swap3A_817 = arith.constant 0 : index
          %swap3A_818 = tpu.vector_load %arg15[%swap3A_816, %swap3A_817] {strides = array<i32>} : memref<80x128xf32, #tpu.memory_space<vmem>>, vector<16xf32>,
          tpu.vector_store %arg15[%swap3A_816, %swap3A_817], %mul3A_815 {strides = array<i32>} : memref<80x128xf32, #tpu.memory_space<vmem>>, vector<16xf32>,
          %get3A_819 = arith.index_cast %scan3A_808 : i32 to index
          %get3A_820 = arith.constant 16 : index
          %get3A_821 = tpu.vector_load %arg15[%get3A_819, %get3A_820] {strides = array<i32>} : memref<80x128xf32, #tpu.memory_space<vmem>>, vector<16xf32>,
          %mul3A_822 = arith.mulf %get3A_821, %gather3A_810 : vector<16xf32>
          %swap3A_823 = arith.index_cast %scan3A_808 : i32 to index
          %swap3A_824 = arith.constant 16 : index
          %swap3A_825 = tpu.vector_load %arg15[%swap3A_823, %swap3A_824] {strides = array<i32>} : memref<80x128xf32, #tpu.memory_space<vmem>>, vector<16xf32>,
          tpu.vector_store %arg15[%swap3A_823, %swap3A_824], %mul3A_822 {strides = array<i32>} : memref<80x128xf32, #tpu.memory_space<vmem>>, vector<16xf32>,
          %get3A_826 = arith.index_cast %scan3A_808 : i32 to index
          %get3A_827 = arith.constant 32 : index
          %get3A_828 = tpu.vector_load %arg15[%get3A_826, %get3A_827] {strides = array<i32>} : memref<80x128xf32, #tpu.memory_space<vmem>>, vector<16xf32>,
          %mul3A_829 = arith.mulf %get3A_828, %gather3A_810 : vector<16xf32>
          %swap3A_830 = arith.index_cast %scan3A_808 : i32 to index
          %swap3A_831 = arith.constant 32 : index
          %swap3A_832 = tpu.vector_load %arg15[%swap3A_830, %swap3A_831] {strides = array<i32>} : memref<80x128xf32, #tpu.memory_space<vmem>>, vector<16xf32>,
          tpu.vector_store %arg15[%swap3A_830, %swap3A_831], %mul3A_829 {strides = array<i32>} : memref<80x128xf32, #tpu.memory_space<vmem>>, vector<16xf32>,
          %get3A_833 = arith.index_cast %scan3A_808 : i32 to index
          %get3A_834 = arith.constant 48 : index
          %get3A_835 = tpu.vector_load %arg15[%get3A_833, %get3A_834] {strides = array<i32>} : memref<80x128xf32, #tpu.memory_space<vmem>>, vector<16xf32>,
          %mul3A_836 = arith.mulf %get3A_835, %gather3A_810 : vector<16xf32>
          %swap3A_837 = arith.index_cast %scan3A_808 : i32 to index
          %swap3A_838 = arith.constant 48 : index
          %swap3A_839 = tpu.vector_load %arg15[%swap3A_837, %swap3A_838] {strides = array<i32>} : memref<80x128xf32, #tpu.memory_space<vmem>>, vector<16xf32>,
          tpu.vector_store %arg15[%swap3A_837, %swap3A_838], %mul3A_836 {strides = array<i32>} : memref<80x128xf32, #tpu.memory_space<vmem>>, vector<16xf32>,
          %get3A_840 = arith.index_cast %scan3A_808 : i32 to index
          %get3A_841 = arith.constant 64 : index
          %get3A_842 = tpu.vector_load %arg15[%get3A_840, %get3A_841] {strides = array<i32>} : memref<80x128xf32, #tpu.memory_space<vmem>>, vector<16xf32>,
          %mul3A_843 = arith.mulf %get3A_842, %gather3A_810 : vector<16xf32>
          %swap3A_844 = arith.index_cast %scan3A_808 : i32 to index
          %swap3A_845 = arith.constant 64 : index
          %swap3A_846 = tpu.vector_load %arg15[%swap3A_844, %swap3A_845] {strides = array<i32>} : memref<80x128xf32, #tpu.memory_space<vmem>>, vector<16xf32>,
          tpu.vector_store %arg15[%swap3A_844, %swap3A_845], %mul3A_843 {strides = array<i32>} : memref<80x128xf32, #tpu.memory_space<vmem>>, vector<16xf32>,
          %get3A_847 = arith.index_cast %scan3A_808 : i32 to index
          %get3A_848 = arith.constant 80 : index
          %get3A_849 = tpu.vector_load %arg15[%get3A_847, %get3A_848] {strides = array<i32>} : memref<80x128xf32, #tpu.memory_space<vmem>>, vector<16xf32>,
          %mul3A_850 = arith.mulf %get3A_849, %gather3A_810 : vector<16xf32>
          %swap3A_851 = arith.index_cast %scan3A_808 : i32 to index
          %swap3A_852 = arith.constant 80 : index
          %swap3A_853 = tpu.vector_load %arg15[%swap3A_851, %swap3A_852] {strides = array<i32>} : memref<80x128xf32, #tpu.memory_space<vmem>>, vector<16xf32>,
          tpu.vector_store %arg15[%swap3A_851, %swap3A_852], %mul3A_850 {strides = array<i32>} : memref<80x128xf32, #tpu.memory_space<vmem>>, vector<16xf32>,
          %get3A_854 = arith.index_cast %scan3A_808 : i32 to index
          %get3A_855 = arith.constant 96 : index
          %get3A_856 = tpu.vector_load %arg15[%get3A_854, %get3A_855] {strides = array<i32>} : memref<80x128xf32, #tpu.memory_space<vmem>>, vector<16xf32>,
          %mul3A_857 = arith.mulf %get3A_856, %gather3A_810 : vector<16xf32>
          %swap3A_858 = arith.index_cast %scan3A_808 : i32 to index
          %swap3A_859 = arith.constant 96 : index
          %swap3A_860 = tpu.vector_load %arg15[%swap3A_858, %swap3A_859] {strides = array<i32>} : memref<80x128xf32, #tpu.memory_space<vmem>>, vector<16xf32>,
          tpu.vector_store %arg15[%swap3A_858, %swap3A_859], %mul3A_857 {strides = array<i32>} : memref<80x128xf32, #tpu.memory_space<vmem>>, vector<16xf32>,
          %get3A_861 = arith.index_cast %scan3A_808 : i32 to index
          %get3A_862 = arith.constant 112 : index
          %get3A_863 = tpu.vector_load %arg15[%get3A_861, %get3A_862] {strides = array<i32>} : memref<80x128xf32, #tpu.memory_space<vmem>>, vector<16xf32>,
          %mul3A_864 = arith.mulf %get3A_863, %gather3A_810 : vector<16xf32>
          %swap3A_865 = arith.index_cast %scan3A_808 : i32 to index
          %swap3A_866 = arith.constant 112 : index
          %swap3A_867 = tpu.vector_load %arg15[%swap3A_865, %swap3A_866] {strides = array<i32>} : memref<80x128xf32, #tpu.memory_space<vmem>>, vector<16xf32>,
          tpu.vector_store %arg15[%swap3A_865, %swap3A_866], %mul3A_864 {strides = array<i32>} : memref<80x128xf32, #tpu.memory_space<vmem>>, vector<16xf32>,
          %scan3A_868 = arith.constant 0 : i32
          scf.yield %scan3A_868 : i32
        }
        %scan3A_474 = arith.constant 80 : i32
        %dma_start3A_475 = arith.constant 0 : i32
        %dma_start3A_476 = tpu.memref_slice %arg11[%add3A_372, %dma_start3A_475] : memref<25x80xi32, #tpu.memory_space<vmem>> -> memref<1x80xi32, #tpu.memory_space<vmem>>
        %dma_start3A_477 = tpu.memref_squeeze %dma_start3A_476 : memref<1x80xi32, #tpu.memory_space<vmem>> -> memref<80xi32, #tpu.memory_space<vmem>>
        %dma_start3A_478 = arith.constant 0 : i32
        %dma_start3A_479 = arith.constant 0 : i32
        %dma_start3A_480 = tpu.memref_slice %arg28[%dma_start3A_478, %dma_start3A_479] : memref<10000x128xf32, #tpu.memory_space<vmem_shared>> -> memref<10000x128xf32, #tpu.memory_space<vmem_shared>>
        tpu.enqueue_indirect_dma source(%arg15 : memref<80x128xf32, #tpu.memory_space<vmem>>) target(%dma_start3A_480 : memref<10000x128xf32, #tpu.memory_space<vmem_shared>>) offsets(%dma_start3A_477 : memref<80xi32, #tpu.memory_space<vmem>>) semaphore(%arg26 : memref<!tpu.dma_semaphore, #tpu.memory_space<semaphore_mem>>) {add = true}
        %eq3A_481 = arith.constant 0 : i32
        %eq3A_482 = arith.cmpi eq, %add3A_372, %eq3A_481 : i32
        %convert_element_type3A_483 = arith.extui %eq3A_482 : i1 to i32
        %cond3A_484 = arith.constant 0 : i32
        %cond3A_485 = arith.cmpi ne, %convert_element_type3A_483, %cond3A_484 : i32
        scf.if %cond3A_485 {
          %dma_start3A_622 = arith.constant 2 : i32
          %dma_start3A_623 = arith.constant 0 : i32
          %dma_start3A_624 = tpu.memref_slice %arg10[%dma_start3A_622, %dma_start3A_623] : memref<25x80xi32, #tpu.memory_space<vmem>> -> memref<1x80xi32, #tpu.memory_space<vmem>>
          %dma_start3A_625 = tpu.memref_squeeze %dma_start3A_624 : memref<1x80xi32, #tpu.memory_space<vmem>> -> memref<80xi32, #tpu.memory_space<vmem>>
          %dma_start3A_626 = arith.constant 0 : i32
          %dma_start3A_627 = arith.constant 0 : i32
          %dma_start3A_628 = tpu.memref_slice %arg6[%dma_start3A_626, %dma_start3A_627] : memref<10000x128xf32, #tpu.memory_space<hbm>> -> memref<10000x128xf32, #tpu.memory_space<hbm>>
          tpu.enqueue_indirect_dma source(%dma_start3A_628 : memref<10000x128xf32, #tpu.memory_space<hbm>>) target(%arg12 : memref<80x128xf32, #tpu.memory_space<vmem>>) offsets(%dma_start3A_625 : memref<80xi32, #tpu.memory_space<vmem>>) semaphore(%arg22 : memref<!tpu.dma_semaphore, #tpu.memory_space<semaphore_mem>>)
          %dma_start3A_629 = arith.constant 2 : i32
          %dma_start3A_630 = arith.constant 0 : i32
          %dma_start3A_631 = tpu.memref_slice %arg10[%dma_start3A_629, %dma_start3A_630] : memref<25x80xi32, #tpu.memory_space<vmem>> -> memref<1x80xi32, #tpu.memory_space<vmem>>
          %dma_start3A_632 = tpu.memref_squeeze %dma_start3A_631 : memref<1x80xi32, #tpu.memory_space<vmem>> -> memref<80xi32, #tpu.memory_space<vmem>>
          %dma_start3A_633 = arith.constant 0 : i32
          %dma_start3A_634 = tpu.memref_slice %arg4[%dma_start3A_633] : memref<10000xf32, #tpu.memory_space<hbm>> -> memref<10000xf32, #tpu.memory_space<hbm>>
          tpu.enqueue_indirect_dma source(%dma_start3A_634 : memref<10000xf32, #tpu.memory_space<hbm>>) target(%arg13 : memref<80xf32, #tpu.memory_space<vmem>>) offsets(%dma_start3A_632 : memref<80xi32, #tpu.memory_space<vmem>>) semaphore(%arg22 : memref<!tpu.dma_semaphore, #tpu.memory_space<semaphore_mem>>)
          %dma_start3A_635 = arith.constant 2 : i32
          %dma_start3A_636 = arith.constant 0 : i32
          %dma_start3A_637 = tpu.memref_slice %arg11[%dma_start3A_635, %dma_start3A_636] : memref<25x80xi32, #tpu.memory_space<vmem>> -> memref<1x80xi32, #tpu.memory_space<vmem>>
          %dma_start3A_638 = tpu.memref_squeeze %dma_start3A_637 : memref<1x80xi32, #tpu.memory_space<vmem>> -> memref<80xi32, #tpu.memory_space<vmem>>
          %dma_start3A_639 = arith.constant 0 : i32
          %dma_start3A_640 = tpu.memref_slice %arg5[%dma_start3A_639] : memref<10000xf32, #tpu.memory_space<hbm>> -> memref<10000xf32, #tpu.memory_space<hbm>>
          tpu.enqueue_indirect_dma source(%dma_start3A_640 : memref<10000xf32, #tpu.memory_space<hbm>>) target(%arg14 : memref<80xf32, #tpu.memory_space<vmem>>) offsets(%dma_start3A_638 : memref<80xi32, #tpu.memory_space<vmem>>) semaphore(%arg22 : memref<!tpu.dma_semaphore, #tpu.memory_space<semaphore_mem>>)
        } else {
        }
        %ge3A_486 = arith.constant 1 : i32
        %ge3A_487 = arith.cmpi sge, %add3A_372, %ge3A_486 : i32
        %add3A_488 = arith.constant 2 : i32
        %add3A_489 = arith.addi %add3A_372, %add3A_488 : i32
        %lt3A_490 = arith.constant 25 : i32
        %lt3A_491 = arith.cmpi slt, %add3A_489, %lt3A_490 : i32
        %and3A_492 = arith.andi %ge3A_487, %lt3A_491 : i1
        %convert_element_type3A_493 = arith.extui %and3A_492 : i1 to i32
        %cond3A_494 = arith.constant 0 : i32
        %cond3A_495 = arith.cmpi ne, %convert_element_type3A_493, %cond3A_494 : i32
        scf.if %cond3A_495 {
          %dma_wait3A_622 = arith.constant 0 : i32
          %dma_wait3A_623 = arith.constant 0 : i32
          %dma_wait3A_624 = tpu.memref_slice %arg11[%dma_wait3A_622, %dma_wait3A_623] : memref<25x80xi32, #tpu.memory_space<vmem>> -> memref<1x80xi32, #tpu.memory_space<vmem>>
          %dma_wait3A_625 = tpu.memref_squeeze %dma_wait3A_624 : memref<1x80xi32, #tpu.memory_space<vmem>> -> memref<80xi32, #tpu.memory_space<vmem>>
          %dma_wait3A_626 = arith.constant 0 : i32
          %dma_wait3A_627 = arith.constant 0 : i32
          %dma_wait3A_628 = tpu.memref_slice %arg28[%dma_wait3A_626, %dma_wait3A_627] : memref<10000x128xf32, #tpu.memory_space<vmem_shared>> -> memref<10000x128xf32, #tpu.memory_space<vmem_shared>>
          tpu.wait_indirect_dma semaphore(%arg25 : memref<!tpu.dma_semaphore, #tpu.memory_space<semaphore_mem>>) src(%arg12 : memref<80x128xf32, #tpu.memory_space<vmem>>) dst(%dma_wait3A_628 : memref<10000x128xf32, #tpu.memory_space<vmem_shared>>)
          %add3A_629 = arith.constant 2 : i32
          %add3A_630 = arith.addi %add3A_372, %add3A_629 : i32
          %dma_start3A_631 = arith.constant 0 : i32
          %dma_start3A_632 = tpu.memref_slice %arg10[%add3A_630, %dma_start3A_631] : memref<25x80xi32, #tpu.memory_space<vmem>> -> memref<1x80xi32, #tpu.memory_space<vmem>>
          %dma_start3A_633 = tpu.memref_squeeze %dma_start3A_632 : memref<1x80xi32, #tpu.memory_space<vmem>> -> memref<80xi32, #tpu.memory_space<vmem>>
          %dma_start3A_634 = arith.constant 0 : i32
          %dma_start3A_635 = arith.constant 0 : i32
          %dma_start3A_636 = tpu.memref_slice %arg6[%dma_start3A_634, %dma_start3A_635] : memref<10000x128xf32, #tpu.memory_space<hbm>> -> memref<10000x128xf32, #tpu.memory_space<hbm>>
          tpu.enqueue_indirect_dma source(%dma_start3A_636 : memref<10000x128xf32, #tpu.memory_space<hbm>>) target(%arg12 : memref<80x128xf32, #tpu.memory_space<vmem>>) offsets(%dma_start3A_633 : memref<80xi32, #tpu.memory_space<vmem>>) semaphore(%arg22 : memref<!tpu.dma_semaphore, #tpu.memory_space<semaphore_mem>>)
          %dma_start3A_637 = arith.constant 0 : i32
          %dma_start3A_638 = tpu.memref_slice %arg10[%add3A_630, %dma_start3A_637] : memref<25x80xi32, #tpu.memory_space<vmem>> -> memref<1x80xi32, #tpu.memory_space<vmem>>
          %dma_start3A_639 = tpu.memref_squeeze %dma_start3A_638 : memref<1x80xi32, #tpu.memory_space<vmem>> -> memref<80xi32, #tpu.memory_space<vmem>>
          %dma_start3A_640 = arith.constant 0 : i32
          %dma_start3A_641 = tpu.memref_slice %arg4[%dma_start3A_640] : memref<10000xf32, #tpu.memory_space<hbm>> -> memref<10000xf32, #tpu.memory_space<hbm>>
          tpu.enqueue_indirect_dma source(%dma_start3A_641 : memref<10000xf32, #tpu.memory_space<hbm>>) target(%arg13 : memref<80xf32, #tpu.memory_space<vmem>>) offsets(%dma_start3A_639 : memref<80xi32, #tpu.memory_space<vmem>>) semaphore(%arg22 : memref<!tpu.dma_semaphore, #tpu.memory_space<semaphore_mem>>)
          %dma_start3A_642 = arith.constant 0 : i32
          %dma_start3A_643 = tpu.memref_slice %arg11[%add3A_630, %dma_start3A_642] : memref<25x80xi32, #tpu.memory_space<vmem>> -> memref<1x80xi32, #tpu.memory_space<vmem>>
          %dma_start3A_644 = tpu.memref_squeeze %dma_start3A_643 : memref<1x80xi32, #tpu.memory_space<vmem>> -> memref<80xi32, #tpu.memory_space<vmem>>
          %dma_start3A_645 = arith.constant 0 : i32
          %dma_start3A_646 = tpu.memref_slice %arg5[%dma_start3A_645] : memref<10000xf32, #tpu.memory_space<hbm>> -> memref<10000xf32, #tpu.memory_space<hbm>>
          tpu.enqueue_indirect_dma source(%dma_start3A_646 : memref<10000xf32, #tpu.memory_space<hbm>>) target(%arg14 : memref<80xf32, #tpu.memory_space<vmem>>) offsets(%dma_start3A_644 : memref<80xi32, #tpu.memory_space<vmem>>) semaphore(%arg22 : memref<!tpu.dma_semaphore, #tpu.memory_space<semaphore_mem>>)
        } else {
        }
        %add3A_496 = arith.constant 2 : i32
        %add3A_497 = arith.addi %mul3A_247, %add3A_496 : i32
        %dma_wait3A_498 = arith.constant 0 : i32
        %dma_wait3A_499 = arith.constant 0 : i32
        %dma_wait3A_500 = tpu.memref_slice %arg10[%dma_wait3A_498, %dma_wait3A_499] : memref<25x80xi32, #tpu.memory_space<vmem>> -> memref<1x80xi32, #tpu.memory_space<vmem>>
        %dma_wait3A_501 = tpu.memref_squeeze %dma_wait3A_500 : memref<1x80xi32, #tpu.memory_space<vmem>> -> memref<80xi32, #tpu.memory_space<vmem>>
        %dma_wait3A_502 = arith.constant 0 : i32
        %dma_wait3A_503 = arith.constant 0 : i32
        %dma_wait3A_504 = tpu.memref_slice %arg6[%dma_wait3A_502, %dma_wait3A_503] : memref<10000x128xf32, #tpu.memory_space<hbm>> -> memref<10000x128xf32, #tpu.memory_space<hbm>>
        tpu.wait_indirect_dma semaphore(%arg24 : memref<!tpu.dma_semaphore, #tpu.memory_space<semaphore_mem>>) src(%dma_wait3A_504 : memref<10000x128xf32, #tpu.memory_space<hbm>>) dst(%arg18 : memref<80x128xf32, #tpu.memory_space<vmem>>)
        %dma_wait3A_505 = arith.constant 0 : i32
        %dma_wait3A_506 = arith.constant 0 : i32
        %dma_wait3A_507 = tpu.memref_slice %arg10[%dma_wait3A_505, %dma_wait3A_506] : memref<25x80xi32, #tpu.memory_space<vmem>> -> memref<1x80xi32, #tpu.memory_space<vmem>>
        %dma_wait3A_508 = tpu.memref_squeeze %dma_wait3A_507 : memref<1x80xi32, #tpu.memory_space<vmem>> -> memref<80xi32, #tpu.memory_space<vmem>>
        %dma_wait3A_509 = arith.constant 0 : i32
        %dma_wait3A_510 = tpu.memref_slice %arg4[%dma_wait3A_509] : memref<10000xf32, #tpu.memory_space<hbm>> -> memref<10000xf32, #tpu.memory_space<hbm>>
        tpu.wait_indirect_dma semaphore(%arg24 : memref<!tpu.dma_semaphore, #tpu.memory_space<semaphore_mem>>) src(%dma_wait3A_510 : memref<10000xf32, #tpu.memory_space<hbm>>) dst(%arg19 : memref<80xf32, #tpu.memory_space<vmem>>)
        %dma_wait3A_511 = arith.constant 0 : i32
        %dma_wait3A_512 = arith.constant 0 : i32
        %dma_wait3A_513 = tpu.memref_slice %arg11[%dma_wait3A_511, %dma_wait3A_512] : memref<25x80xi32, #tpu.memory_space<vmem>> -> memref<1x80xi32, #tpu.memory_space<vmem>>
        %dma_wait3A_514 = tpu.memref_squeeze %dma_wait3A_513 : memref<1x80xi32, #tpu.memory_space<vmem>> -> memref<80xi32, #tpu.memory_space<vmem>>
        %dma_wait3A_515 = arith.constant 0 : i32
        %dma_wait3A_516 = tpu.memref_slice %arg5[%dma_wait3A_515] : memref<10000xf32, #tpu.memory_space<hbm>> -> memref<10000xf32, #tpu.memory_space<hbm>>
        tpu.wait_indirect_dma semaphore(%arg24 : memref<!tpu.dma_semaphore, #tpu.memory_space<semaphore_mem>>) src(%dma_wait3A_516 : memref<10000xf32, #tpu.memory_space<hbm>>) dst(%arg20 : memref<80xf32, #tpu.memory_space<vmem>>)
        %broadcast_in_dim3A_517 = vector.broadcast %add3A_497 : i32 to vector<16xi32>
        %get3A_518 = arith.constant 0 : index
        %get3A_519 = tpu.vector_load %arg19[%get3A_518] {strides = array<i32>} : memref<80xf32, #tpu.memory_space<vmem>>, vector<16xf32>,
        %get3A_520 = arith.constant 0 : index
        %get3A_521 = tpu.vector_load %arg20[%get3A_520] {strides = array<i32>} : memref<80xf32, #tpu.memory_space<vmem>>, vector<16xf32>,
        %add3A_522 = arith.addf %get3A_519, %get3A_521 : vector<16xf32>
        %ge3A_523 = arith.constant 0.000000e+00 : f32
        %ge3A_524 = vector.broadcast %ge3A_523 : f32 to vector<16xf32>
        %ge3A_525 = arith.cmpf oge, %add3A_522, %ge3A_524 : vector<16xf32>
        %mul3A_526 = arith.constant 2.000000e-01 : f32
        %mul3A_527 = vector.broadcast %mul3A_526 : f32 to vector<16xf32>
        %mul3A_528 = arith.mulf %mul3A_527, %add3A_522 : vector<16xf32>
        %select_n3A_529 = arith.select %ge3A_525, %add3A_522, %mul3A_528 : vector<16xi1>, vector<16xf32>
        %exp3A_530 = math.exp %select_n3A_529 : vector<16xf32>
        %swap3A_531 = arith.constant 0 : index
        %swap3A_532 = tpu.vector_load %arg21[%swap3A_531] {strides = array<i32>} : memref<80xf32, #tpu.memory_space<vmem>>, vector<16xf32>,
        tpu.vector_store %arg21[%swap3A_531], %exp3A_530 {strides = array<i32>} : memref<80xf32, #tpu.memory_space<vmem>>, vector<16xf32>,
        %get3A_533 = arith.constant 16 : index
        %get3A_534 = tpu.vector_load %arg19[%get3A_533] {strides = array<i32>} : memref<80xf32, #tpu.memory_space<vmem>>, vector<16xf32>,
        %get3A_535 = arith.constant 16 : index
        %get3A_536 = tpu.vector_load %arg20[%get3A_535] {strides = array<i32>} : memref<80xf32, #tpu.memory_space<vmem>>, vector<16xf32>,
        %add3A_537 = arith.addf %get3A_534, %get3A_536 : vector<16xf32>
        %ge3A_538 = arith.constant 0.000000e+00 : f32
        %ge3A_539 = vector.broadcast %ge3A_538 : f32 to vector<16xf32>
        %ge3A_540 = arith.cmpf oge, %add3A_537, %ge3A_539 : vector<16xf32>
        %mul3A_541 = arith.constant 2.000000e-01 : f32
        %mul3A_542 = vector.broadcast %mul3A_541 : f32 to vector<16xf32>
        %mul3A_543 = arith.mulf %mul3A_542, %add3A_537 : vector<16xf32>
        %select_n3A_544 = arith.select %ge3A_540, %add3A_537, %mul3A_543 : vector<16xi1>, vector<16xf32>
        %exp3A_545 = math.exp %select_n3A_544 : vector<16xf32>
        %swap3A_546 = arith.constant 16 : index
        %swap3A_547 = tpu.vector_load %arg21[%swap3A_546] {strides = array<i32>} : memref<80xf32, #tpu.memory_space<vmem>>, vector<16xf32>,
        tpu.vector_store %arg21[%swap3A_546], %exp3A_545 {strides = array<i32>} : memref<80xf32, #tpu.memory_space<vmem>>, vector<16xf32>,
        %get3A_548 = arith.constant 32 : index
        %get3A_549 = tpu.vector_load %arg19[%get3A_548] {strides = array<i32>} : memref<80xf32, #tpu.memory_space<vmem>>, vector<16xf32>,
        %get3A_550 = arith.constant 32 : index
        %get3A_551 = tpu.vector_load %arg20[%get3A_550] {strides = array<i32>} : memref<80xf32, #tpu.memory_space<vmem>>, vector<16xf32>,
        %add3A_552 = arith.addf %get3A_549, %get3A_551 : vector<16xf32>
        %ge3A_553 = arith.constant 0.000000e+00 : f32
        %ge3A_554 = vector.broadcast %ge3A_553 : f32 to vector<16xf32>
        %ge3A_555 = arith.cmpf oge, %add3A_552, %ge3A_554 : vector<16xf32>
        %mul3A_556 = arith.constant 2.000000e-01 : f32
        %mul3A_557 = vector.broadcast %mul3A_556 : f32 to vector<16xf32>
        %mul3A_558 = arith.mulf %mul3A_557, %add3A_552 : vector<16xf32>
        %select_n3A_559 = arith.select %ge3A_555, %add3A_552, %mul3A_558 : vector<16xi1>, vector<16xf32>
        %exp3A_560 = math.exp %select_n3A_559 : vector<16xf32>
        %swap3A_561 = arith.constant 32 : index
        %swap3A_562 = tpu.vector_load %arg21[%swap3A_561] {strides = array<i32>} : memref<80xf32, #tpu.memory_space<vmem>>, vector<16xf32>,
        tpu.vector_store %arg21[%swap3A_561], %exp3A_560 {strides = array<i32>} : memref<80xf32, #tpu.memory_space<vmem>>, vector<16xf32>,
        %get3A_563 = arith.constant 48 : index
        %get3A_564 = tpu.vector_load %arg19[%get3A_563] {strides = array<i32>} : memref<80xf32, #tpu.memory_space<vmem>>, vector<16xf32>,
        %get3A_565 = arith.constant 48 : index
        %get3A_566 = tpu.vector_load %arg20[%get3A_565] {strides = array<i32>} : memref<80xf32, #tpu.memory_space<vmem>>, vector<16xf32>,
        %add3A_567 = arith.addf %get3A_564, %get3A_566 : vector<16xf32>
        %ge3A_568 = arith.constant 0.000000e+00 : f32
        %ge3A_569 = vector.broadcast %ge3A_568 : f32 to vector<16xf32>
        %ge3A_570 = arith.cmpf oge, %add3A_567, %ge3A_569 : vector<16xf32>
        %mul3A_571 = arith.constant 2.000000e-01 : f32
        %mul3A_572 = vector.broadcast %mul3A_571 : f32 to vector<16xf32>
        %mul3A_573 = arith.mulf %mul3A_572, %add3A_567 : vector<16xf32>
        %select_n3A_574 = arith.select %ge3A_570, %add3A_567, %mul3A_573 : vector<16xi1>, vector<16xf32>
        %exp3A_575 = math.exp %select_n3A_574 : vector<16xf32>
        %swap3A_576 = arith.constant 48 : index
        %swap3A_577 = tpu.vector_load %arg21[%swap3A_576] {strides = array<i32>} : memref<80xf32, #tpu.memory_space<vmem>>, vector<16xf32>,
        tpu.vector_store %arg21[%swap3A_576], %exp3A_575 {strides = array<i32>} : memref<80xf32, #tpu.memory_space<vmem>>, vector<16xf32>,
        %get3A_578 = arith.constant 64 : index
        %get3A_579 = tpu.vector_load %arg19[%get3A_578] {strides = array<i32>} : memref<80xf32, #tpu.memory_space<vmem>>, vector<16xf32>,
        %get3A_580 = arith.constant 64 : index
        %get3A_581 = tpu.vector_load %arg20[%get3A_580] {strides = array<i32>} : memref<80xf32, #tpu.memory_space<vmem>>, vector<16xf32>,
        %add3A_582 = arith.addf %get3A_579, %get3A_581 : vector<16xf32>
        %ge3A_583 = arith.constant 0.000000e+00 : f32
        %ge3A_584 = vector.broadcast %ge3A_583 : f32 to vector<16xf32>
        %ge3A_585 = arith.cmpf oge, %add3A_582, %ge3A_584 : vector<16xf32>
        %mul3A_586 = arith.constant 2.000000e-01 : f32
        %mul3A_587 = vector.broadcast %mul3A_586 : f32 to vector<16xf32>
        %mul3A_588 = arith.mulf %mul3A_587, %add3A_582 : vector<16xf32>
        %select_n3A_589 = arith.select %ge3A_585, %add3A_582, %mul3A_588 : vector<16xi1>, vector<16xf32>
        %exp3A_590 = math.exp %select_n3A_589 : vector<16xf32>
        %swap3A_591 = arith.constant 64 : index
        %swap3A_592 = tpu.vector_load %arg21[%swap3A_591] {strides = array<i32>} : memref<80xf32, #tpu.memory_space<vmem>>, vector<16xf32>,
        tpu.vector_store %arg21[%swap3A_591], %exp3A_590 {strides = array<i32>} : memref<80xf32, #tpu.memory_space<vmem>>, vector<16xf32>,
        %scan3A_593 = arith.constant 0 : i32
        %scan3A_594 = arith.constant 0 : i32
        %scan3A_595 = arith.constant 80 : i32
        %scan3A_596 = arith.addi %scan3A_594, %scan3A_595 : i32
        %scan3A_597 = arith.constant 4 : i32
        %scan3A_598 = scf.for %scan3A_622 = %scan3A_594 to %scan3A_596 step %scan3A_597 iter_args(%scan3A_623 = %scan3A_593) -> (i32)  : i32 {
          %broadcast_in_dim3A_624 = vector.broadcast %scan3A_622 : i32 to vector<16xi32>
          %gather3A = tpu.vector_load_idx %arg21[%broadcast_in_dim3A_624] : memref<80xf32, #tpu.memory_space<vmem>>[vector<16xi32>], vector<16xf32>,
          %gather3A_625 = tpu.vector_load_idx %arg11[%broadcast_in_dim3A_517, %broadcast_in_dim3A_624] : memref<25x80xi32, #tpu.memory_space<vmem>>[vector<16xi32>, vector<16xi32>], vector<16xi32>,
          tpu.vector_store_idx %arg9[%gather3A_625], %gather3A masked %eq3A_51 {add = true} : memref<10000xf32, #tpu.memory_space<vmem>>[vector<16xi32>], vector<16xf32>, vector<16xi1>
          %get3A_626 = arith.index_cast %scan3A_622 : i32 to index
          %get3A_627 = arith.constant 0 : index
          %get3A_628 = tpu.vector_load %arg18[%get3A_626, %get3A_627] {strides = array<i32>} : memref<80x128xf32, #tpu.memory_space<vmem>>, vector<16xf32>,
          %mul3A_629 = arith.mulf %get3A_628, %gather3A : vector<16xf32>
          %swap3A_630 = arith.index_cast %scan3A_622 : i32 to index
          %swap3A_631 = arith.constant 0 : index
          %swap3A_632 = tpu.vector_load %arg18[%swap3A_630, %swap3A_631] {strides = array<i32>} : memref<80x128xf32, #tpu.memory_space<vmem>>, vector<16xf32>,
          tpu.vector_store %arg18[%swap3A_630, %swap3A_631], %mul3A_629 {strides = array<i32>} : memref<80x128xf32, #tpu.memory_space<vmem>>, vector<16xf32>,
          %get3A_633 = arith.index_cast %scan3A_622 : i32 to index
          %get3A_634 = arith.constant 16 : index
          %get3A_635 = tpu.vector_load %arg18[%get3A_633, %get3A_634] {strides = array<i32>} : memref<80x128xf32, #tpu.memory_space<vmem>>, vector<16xf32>,
          %mul3A_636 = arith.mulf %get3A_635, %gather3A : vector<16xf32>
          %swap3A_637 = arith.index_cast %scan3A_622 : i32 to index
          %swap3A_638 = arith.constant 16 : index
          %swap3A_639 = tpu.vector_load %arg18[%swap3A_637, %swap3A_638] {strides = array<i32>} : memref<80x128xf32, #tpu.memory_space<vmem>>, vector<16xf32>,
          tpu.vector_store %arg18[%swap3A_637, %swap3A_638], %mul3A_636 {strides = array<i32>} : memref<80x128xf32, #tpu.memory_space<vmem>>, vector<16xf32>,
          %get3A_640 = arith.index_cast %scan3A_622 : i32 to index
          %get3A_641 = arith.constant 32 : index
          %get3A_642 = tpu.vector_load %arg18[%get3A_640, %get3A_641] {strides = array<i32>} : memref<80x128xf32, #tpu.memory_space<vmem>>, vector<16xf32>,
          %mul3A_643 = arith.mulf %get3A_642, %gather3A : vector<16xf32>
          %swap3A_644 = arith.index_cast %scan3A_622 : i32 to index
          %swap3A_645 = arith.constant 32 : index
          %swap3A_646 = tpu.vector_load %arg18[%swap3A_644, %swap3A_645] {strides = array<i32>} : memref<80x128xf32, #tpu.memory_space<vmem>>, vector<16xf32>,
          tpu.vector_store %arg18[%swap3A_644, %swap3A_645], %mul3A_643 {strides = array<i32>} : memref<80x128xf32, #tpu.memory_space<vmem>>, vector<16xf32>,
          %get3A_647 = arith.index_cast %scan3A_622 : i32 to index
          %get3A_648 = arith.constant 48 : index
          %get3A_649 = tpu.vector_load %arg18[%get3A_647, %get3A_648] {strides = array<i32>} : memref<80x128xf32, #tpu.memory_space<vmem>>, vector<16xf32>,
          %mul3A_650 = arith.mulf %get3A_649, %gather3A : vector<16xf32>
          %swap3A_651 = arith.index_cast %scan3A_622 : i32 to index
          %swap3A_652 = arith.constant 48 : index
          %swap3A_653 = tpu.vector_load %arg18[%swap3A_651, %swap3A_652] {strides = array<i32>} : memref<80x128xf32, #tpu.memory_space<vmem>>, vector<16xf32>,
          tpu.vector_store %arg18[%swap3A_651, %swap3A_652], %mul3A_650 {strides = array<i32>} : memref<80x128xf32, #tpu.memory_space<vmem>>, vector<16xf32>,
          %get3A_654 = arith.index_cast %scan3A_622 : i32 to index
          %get3A_655 = arith.constant 64 : index
          %get3A_656 = tpu.vector_load %arg18[%get3A_654, %get3A_655] {strides = array<i32>} : memref<80x128xf32, #tpu.memory_space<vmem>>, vector<16xf32>,
          %mul3A_657 = arith.mulf %get3A_656, %gather3A : vector<16xf32>
          %swap3A_658 = arith.index_cast %scan3A_622 : i32 to index
          %swap3A_659 = arith.constant 64 : index
          %swap3A_660 = tpu.vector_load %arg18[%swap3A_658, %swap3A_659] {strides = array<i32>} : memref<80x128xf32, #tpu.memory_space<vmem>>, vector<16xf32>,
          tpu.vector_store %arg18[%swap3A_658, %swap3A_659], %mul3A_657 {strides = array<i32>} : memref<80x128xf32, #tpu.memory_space<vmem>>, vector<16xf32>,
          %get3A_661 = arith.index_cast %scan3A_622 : i32 to index
          %get3A_662 = arith.constant 80 : index
          %get3A_663 = tpu.vector_load %arg18[%get3A_661, %get3A_662] {strides = array<i32>} : memref<80x128xf32, #tpu.memory_space<vmem>>, vector<16xf32>,
          %mul3A_664 = arith.mulf %get3A_663, %gather3A : vector<16xf32>
          %swap3A_665 = arith.index_cast %scan3A_622 : i32 to index
          %swap3A_666 = arith.constant 80 : index
          %swap3A_667 = tpu.vector_load %arg18[%swap3A_665, %swap3A_666] {strides = array<i32>} : memref<80x128xf32, #tpu.memory_space<vmem>>, vector<16xf32>,
          tpu.vector_store %arg18[%swap3A_665, %swap3A_666], %mul3A_664 {strides = array<i32>} : memref<80x128xf32, #tpu.memory_space<vmem>>, vector<16xf32>,
          %get3A_668 = arith.index_cast %scan3A_622 : i32 to index
          %get3A_669 = arith.constant 96 : index
          %get3A_670 = tpu.vector_load %arg18[%get3A_668, %get3A_669] {strides = array<i32>} : memref<80x128xf32, #tpu.memory_space<vmem>>, vector<16xf32>,
          %mul3A_671 = arith.mulf %get3A_670, %gather3A : vector<16xf32>
          %swap3A_672 = arith.index_cast %scan3A_622 : i32 to index
          %swap3A_673 = arith.constant 96 : index
          %swap3A_674 = tpu.vector_load %arg18[%swap3A_672, %swap3A_673] {strides = array<i32>} : memref<80x128xf32, #tpu.memory_space<vmem>>, vector<16xf32>,
          tpu.vector_store %arg18[%swap3A_672, %swap3A_673], %mul3A_671 {strides = array<i32>} : memref<80x128xf32, #tpu.memory_space<vmem>>, vector<16xf32>,
          %get3A_675 = arith.index_cast %scan3A_622 : i32 to index
          %get3A_676 = arith.constant 112 : index
          %get3A_677 = tpu.vector_load %arg18[%get3A_675, %get3A_676] {strides = array<i32>} : memref<80x128xf32, #tpu.memory_space<vmem>>, vector<16xf32>,
          %mul3A_678 = arith.mulf %get3A_677, %gather3A : vector<16xf32>
          %swap3A_679 = arith.index_cast %scan3A_622 : i32 to index
          %swap3A_680 = arith.constant 112 : index
          %swap3A_681 = tpu.vector_load %arg18[%swap3A_679, %swap3A_680] {strides = array<i32>} : memref<80x128xf32, #tpu.memory_space<vmem>>, vector<16xf32>,
          tpu.vector_store %arg18[%swap3A_679, %swap3A_680], %mul3A_678 {strides = array<i32>} : memref<80x128xf32, #tpu.memory_space<vmem>>, vector<16xf32>,
          %scan3A_682 = arith.constant 0 : i32
          %scan3A_683 = arith.constant 1 : i32
          %scan3A_684 = arith.addi %scan3A_622, %scan3A_683 : i32
          %broadcast_in_dim3A_685 = vector.broadcast %scan3A_684 : i32 to vector<16xi32>
          %gather3A_686 = tpu.vector_load_idx %arg21[%broadcast_in_dim3A_685] : memref<80xf32, #tpu.memory_space<vmem>>[vector<16xi32>], vector<16xf32>,
          %gather3A_687 = tpu.vector_load_idx %arg11[%broadcast_in_dim3A_517, %broadcast_in_dim3A_685] : memref<25x80xi32, #tpu.memory_space<vmem>>[vector<16xi32>, vector<16xi32>], vector<16xi32>,
          tpu.vector_store_idx %arg9[%gather3A_687], %gather3A_686 masked %eq3A_51 {add = true} : memref<10000xf32, #tpu.memory_space<vmem>>[vector<16xi32>], vector<16xf32>, vector<16xi1>
          %get3A_688 = arith.index_cast %scan3A_684 : i32 to index
          %get3A_689 = arith.constant 0 : index
          %get3A_690 = tpu.vector_load %arg18[%get3A_688, %get3A_689] {strides = array<i32>} : memref<80x128xf32, #tpu.memory_space<vmem>>, vector<16xf32>,
          %mul3A_691 = arith.mulf %get3A_690, %gather3A_686 : vector<16xf32>
          %swap3A_692 = arith.index_cast %scan3A_684 : i32 to index
          %swap3A_693 = arith.constant 0 : index
          %swap3A_694 = tpu.vector_load %arg18[%swap3A_692, %swap3A_693] {strides = array<i32>} : memref<80x128xf32, #tpu.memory_space<vmem>>, vector<16xf32>,
          tpu.vector_store %arg18[%swap3A_692, %swap3A_693], %mul3A_691 {strides = array<i32>} : memref<80x128xf32, #tpu.memory_space<vmem>>, vector<16xf32>,
          %get3A_695 = arith.index_cast %scan3A_684 : i32 to index
          %get3A_696 = arith.constant 16 : index
          %get3A_697 = tpu.vector_load %arg18[%get3A_695, %get3A_696] {strides = array<i32>} : memref<80x128xf32, #tpu.memory_space<vmem>>, vector<16xf32>,
          %mul3A_698 = arith.mulf %get3A_697, %gather3A_686 : vector<16xf32>
          %swap3A_699 = arith.index_cast %scan3A_684 : i32 to index
          %swap3A_700 = arith.constant 16 : index
          %swap3A_701 = tpu.vector_load %arg18[%swap3A_699, %swap3A_700] {strides = array<i32>} : memref<80x128xf32, #tpu.memory_space<vmem>>, vector<16xf32>,
          tpu.vector_store %arg18[%swap3A_699, %swap3A_700], %mul3A_698 {strides = array<i32>} : memref<80x128xf32, #tpu.memory_space<vmem>>, vector<16xf32>,
          %get3A_702 = arith.index_cast %scan3A_684 : i32 to index
          %get3A_703 = arith.constant 32 : index
          %get3A_704 = tpu.vector_load %arg18[%get3A_702, %get3A_703] {strides = array<i32>} : memref<80x128xf32, #tpu.memory_space<vmem>>, vector<16xf32>,
          %mul3A_705 = arith.mulf %get3A_704, %gather3A_686 : vector<16xf32>
          %swap3A_706 = arith.index_cast %scan3A_684 : i32 to index
          %swap3A_707 = arith.constant 32 : index
          %swap3A_708 = tpu.vector_load %arg18[%swap3A_706, %swap3A_707] {strides = array<i32>} : memref<80x128xf32, #tpu.memory_space<vmem>>, vector<16xf32>,
          tpu.vector_store %arg18[%swap3A_706, %swap3A_707], %mul3A_705 {strides = array<i32>} : memref<80x128xf32, #tpu.memory_space<vmem>>, vector<16xf32>,
          %get3A_709 = arith.index_cast %scan3A_684 : i32 to index
          %get3A_710 = arith.constant 48 : index
          %get3A_711 = tpu.vector_load %arg18[%get3A_709, %get3A_710] {strides = array<i32>} : memref<80x128xf32, #tpu.memory_space<vmem>>, vector<16xf32>,
          %mul3A_712 = arith.mulf %get3A_711, %gather3A_686 : vector<16xf32>
          %swap3A_713 = arith.index_cast %scan3A_684 : i32 to index
          %swap3A_714 = arith.constant 48 : index
          %swap3A_715 = tpu.vector_load %arg18[%swap3A_713, %swap3A_714] {strides = array<i32>} : memref<80x128xf32, #tpu.memory_space<vmem>>, vector<16xf32>,
          tpu.vector_store %arg18[%swap3A_713, %swap3A_714], %mul3A_712 {strides = array<i32>} : memref<80x128xf32, #tpu.memory_space<vmem>>, vector<16xf32>,
          %get3A_716 = arith.index_cast %scan3A_684 : i32 to index
          %get3A_717 = arith.constant 64 : index
          %get3A_718 = tpu.vector_load %arg18[%get3A_716, %get3A_717] {strides = array<i32>} : memref<80x128xf32, #tpu.memory_space<vmem>>, vector<16xf32>,
          %mul3A_719 = arith.mulf %get3A_718, %gather3A_686 : vector<16xf32>
          %swap3A_720 = arith.index_cast %scan3A_684 : i32 to index
          %swap3A_721 = arith.constant 64 : index
          %swap3A_722 = tpu.vector_load %arg18[%swap3A_720, %swap3A_721] {strides = array<i32>} : memref<80x128xf32, #tpu.memory_space<vmem>>, vector<16xf32>,
          tpu.vector_store %arg18[%swap3A_720, %swap3A_721], %mul3A_719 {strides = array<i32>} : memref<80x128xf32, #tpu.memory_space<vmem>>, vector<16xf32>,
          %get3A_723 = arith.index_cast %scan3A_684 : i32 to index
          %get3A_724 = arith.constant 80 : index
          %get3A_725 = tpu.vector_load %arg18[%get3A_723, %get3A_724] {strides = array<i32>} : memref<80x128xf32, #tpu.memory_space<vmem>>, vector<16xf32>,
          %mul3A_726 = arith.mulf %get3A_725, %gather3A_686 : vector<16xf32>
          %swap3A_727 = arith.index_cast %scan3A_684 : i32 to index
          %swap3A_728 = arith.constant 80 : index
          %swap3A_729 = tpu.vector_load %arg18[%swap3A_727, %swap3A_728] {strides = array<i32>} : memref<80x128xf32, #tpu.memory_space<vmem>>, vector<16xf32>,
          tpu.vector_store %arg18[%swap3A_727, %swap3A_728], %mul3A_726 {strides = array<i32>} : memref<80x128xf32, #tpu.memory_space<vmem>>, vector<16xf32>,
          %get3A_730 = arith.index_cast %scan3A_684 : i32 to index
          %get3A_731 = arith.constant 96 : index
          %get3A_732 = tpu.vector_load %arg18[%get3A_730, %get3A_731] {strides = array<i32>} : memref<80x128xf32, #tpu.memory_space<vmem>>, vector<16xf32>,
          %mul3A_733 = arith.mulf %get3A_732, %gather3A_686 : vector<16xf32>
          %swap3A_734 = arith.index_cast %scan3A_684 : i32 to index
          %swap3A_735 = arith.constant 96 : index
          %swap3A_736 = tpu.vector_load %arg18[%swap3A_734, %swap3A_735] {strides = array<i32>} : memref<80x128xf32, #tpu.memory_space<vmem>>, vector<16xf32>,
          tpu.vector_store %arg18[%swap3A_734, %swap3A_735], %mul3A_733 {strides = array<i32>} : memref<80x128xf32, #tpu.memory_space<vmem>>, vector<16xf32>,
          %get3A_737 = arith.index_cast %scan3A_684 : i32 to index
          %get3A_738 = arith.constant 112 : index
          %get3A_739 = tpu.vector_load %arg18[%get3A_737, %get3A_738] {strides = array<i32>} : memref<80x128xf32, #tpu.memory_space<vmem>>, vector<16xf32>,
          %mul3A_740 = arith.mulf %get3A_739, %gather3A_686 : vector<16xf32>
          %swap3A_741 = arith.index_cast %scan3A_684 : i32 to index
          %swap3A_742 = arith.constant 112 : index
          %swap3A_743 = tpu.vector_load %arg18[%swap3A_741, %swap3A_742] {strides = array<i32>} : memref<80x128xf32, #tpu.memory_space<vmem>>, vector<16xf32>,
          tpu.vector_store %arg18[%swap3A_741, %swap3A_742], %mul3A_740 {strides = array<i32>} : memref<80x128xf32, #tpu.memory_space<vmem>>, vector<16xf32>,
          %scan3A_744 = arith.constant 0 : i32
          %scan3A_745 = arith.constant 2 : i32
          %scan3A_746 = arith.addi %scan3A_622, %scan3A_745 : i32
          %broadcast_in_dim3A_747 = vector.broadcast %scan3A_746 : i32 to vector<16xi32>
          %gather3A_748 = tpu.vector_load_idx %arg21[%broadcast_in_dim3A_747] : memref<80xf32, #tpu.memory_space<vmem>>[vector<16xi32>], vector<16xf32>,
          %gather3A_749 = tpu.vector_load_idx %arg11[%broadcast_in_dim3A_517, %broadcast_in_dim3A_747] : memref<25x80xi32, #tpu.memory_space<vmem>>[vector<16xi32>, vector<16xi32>], vector<16xi32>,
          tpu.vector_store_idx %arg9[%gather3A_749], %gather3A_748 masked %eq3A_51 {add = true} : memref<10000xf32, #tpu.memory_space<vmem>>[vector<16xi32>], vector<16xf32>, vector<16xi1>
          %get3A_750 = arith.index_cast %scan3A_746 : i32 to index
          %get3A_751 = arith.constant 0 : index
          %get3A_752 = tpu.vector_load %arg18[%get3A_750, %get3A_751] {strides = array<i32>} : memref<80x128xf32, #tpu.memory_space<vmem>>, vector<16xf32>,
          %mul3A_753 = arith.mulf %get3A_752, %gather3A_748 : vector<16xf32>
          %swap3A_754 = arith.index_cast %scan3A_746 : i32 to index
          %swap3A_755 = arith.constant 0 : index
          %swap3A_756 = tpu.vector_load %arg18[%swap3A_754, %swap3A_755] {strides = array<i32>} : memref<80x128xf32, #tpu.memory_space<vmem>>, vector<16xf32>,
          tpu.vector_store %arg18[%swap3A_754, %swap3A_755], %mul3A_753 {strides = array<i32>} : memref<80x128xf32, #tpu.memory_space<vmem>>, vector<16xf32>,
          %get3A_757 = arith.index_cast %scan3A_746 : i32 to index
          %get3A_758 = arith.constant 16 : index
          %get3A_759 = tpu.vector_load %arg18[%get3A_757, %get3A_758] {strides = array<i32>} : memref<80x128xf32, #tpu.memory_space<vmem>>, vector<16xf32>,
          %mul3A_760 = arith.mulf %get3A_759, %gather3A_748 : vector<16xf32>
          %swap3A_761 = arith.index_cast %scan3A_746 : i32 to index
          %swap3A_762 = arith.constant 16 : index
          %swap3A_763 = tpu.vector_load %arg18[%swap3A_761, %swap3A_762] {strides = array<i32>} : memref<80x128xf32, #tpu.memory_space<vmem>>, vector<16xf32>,
          tpu.vector_store %arg18[%swap3A_761, %swap3A_762], %mul3A_760 {strides = array<i32>} : memref<80x128xf32, #tpu.memory_space<vmem>>, vector<16xf32>,
          %get3A_764 = arith.index_cast %scan3A_746 : i32 to index
          %get3A_765 = arith.constant 32 : index
          %get3A_766 = tpu.vector_load %arg18[%get3A_764, %get3A_765] {strides = array<i32>} : memref<80x128xf32, #tpu.memory_space<vmem>>, vector<16xf32>,
          %mul3A_767 = arith.mulf %get3A_766, %gather3A_748 : vector<16xf32>
          %swap3A_768 = arith.index_cast %scan3A_746 : i32 to index
          %swap3A_769 = arith.constant 32 : index
          %swap3A_770 = tpu.vector_load %arg18[%swap3A_768, %swap3A_769] {strides = array<i32>} : memref<80x128xf32, #tpu.memory_space<vmem>>, vector<16xf32>,
          tpu.vector_store %arg18[%swap3A_768, %swap3A_769], %mul3A_767 {strides = array<i32>} : memref<80x128xf32, #tpu.memory_space<vmem>>, vector<16xf32>,
          %get3A_771 = arith.index_cast %scan3A_746 : i32 to index
          %get3A_772 = arith.constant 48 : index
          %get3A_773 = tpu.vector_load %arg18[%get3A_771, %get3A_772] {strides = array<i32>} : memref<80x128xf32, #tpu.memory_space<vmem>>, vector<16xf32>,
          %mul3A_774 = arith.mulf %get3A_773, %gather3A_748 : vector<16xf32>
          %swap3A_775 = arith.index_cast %scan3A_746 : i32 to index
          %swap3A_776 = arith.constant 48 : index
          %swap3A_777 = tpu.vector_load %arg18[%swap3A_775, %swap3A_776] {strides = array<i32>} : memref<80x128xf32, #tpu.memory_space<vmem>>, vector<16xf32>,
          tpu.vector_store %arg18[%swap3A_775, %swap3A_776], %mul3A_774 {strides = array<i32>} : memref<80x128xf32, #tpu.memory_space<vmem>>, vector<16xf32>,
          %get3A_778 = arith.index_cast %scan3A_746 : i32 to index
          %get3A_779 = arith.constant 64 : index
          %get3A_780 = tpu.vector_load %arg18[%get3A_778, %get3A_779] {strides = array<i32>} : memref<80x128xf32, #tpu.memory_space<vmem>>, vector<16xf32>,
          %mul3A_781 = arith.mulf %get3A_780, %gather3A_748 : vector<16xf32>
          %swap3A_782 = arith.index_cast %scan3A_746 : i32 to index
          %swap3A_783 = arith.constant 64 : index
          %swap3A_784 = tpu.vector_load %arg18[%swap3A_782, %swap3A_783] {strides = array<i32>} : memref<80x128xf32, #tpu.memory_space<vmem>>, vector<16xf32>,
          tpu.vector_store %arg18[%swap3A_782, %swap3A_783], %mul3A_781 {strides = array<i32>} : memref<80x128xf32, #tpu.memory_space<vmem>>, vector<16xf32>,
          %get3A_785 = arith.index_cast %scan3A_746 : i32 to index
          %get3A_786 = arith.constant 80 : index
          %get3A_787 = tpu.vector_load %arg18[%get3A_785, %get3A_786] {strides = array<i32>} : memref<80x128xf32, #tpu.memory_space<vmem>>, vector<16xf32>,
          %mul3A_788 = arith.mulf %get3A_787, %gather3A_748 : vector<16xf32>
          %swap3A_789 = arith.index_cast %scan3A_746 : i32 to index
          %swap3A_790 = arith.constant 80 : index
          %swap3A_791 = tpu.vector_load %arg18[%swap3A_789, %swap3A_790] {strides = array<i32>} : memref<80x128xf32, #tpu.memory_space<vmem>>, vector<16xf32>,
          tpu.vector_store %arg18[%swap3A_789, %swap3A_790], %mul3A_788 {strides = array<i32>} : memref<80x128xf32, #tpu.memory_space<vmem>>, vector<16xf32>,
          %get3A_792 = arith.index_cast %scan3A_746 : i32 to index
          %get3A_793 = arith.constant 96 : index
          %get3A_794 = tpu.vector_load %arg18[%get3A_792, %get3A_793] {strides = array<i32>} : memref<80x128xf32, #tpu.memory_space<vmem>>, vector<16xf32>,
          %mul3A_795 = arith.mulf %get3A_794, %gather3A_748 : vector<16xf32>
          %swap3A_796 = arith.index_cast %scan3A_746 : i32 to index
          %swap3A_797 = arith.constant 96 : index
          %swap3A_798 = tpu.vector_load %arg18[%swap3A_796, %swap3A_797] {strides = array<i32>} : memref<80x128xf32, #tpu.memory_space<vmem>>, vector<16xf32>,
          tpu.vector_store %arg18[%swap3A_796, %swap3A_797], %mul3A_795 {strides = array<i32>} : memref<80x128xf32, #tpu.memory_space<vmem>>, vector<16xf32>,
          %get3A_799 = arith.index_cast %scan3A_746 : i32 to index
          %get3A_800 = arith.constant 112 : index
          %get3A_801 = tpu.vector_load %arg18[%get3A_799, %get3A_800] {strides = array<i32>} : memref<80x128xf32, #tpu.memory_space<vmem>>, vector<16xf32>,
          %mul3A_802 = arith.mulf %get3A_801, %gather3A_748 : vector<16xf32>
          %swap3A_803 = arith.index_cast %scan3A_746 : i32 to index
          %swap3A_804 = arith.constant 112 : index
          %swap3A_805 = tpu.vector_load %arg18[%swap3A_803, %swap3A_804] {strides = array<i32>} : memref<80x128xf32, #tpu.memory_space<vmem>>, vector<16xf32>,
          tpu.vector_store %arg18[%swap3A_803, %swap3A_804], %mul3A_802 {strides = array<i32>} : memref<80x128xf32, #tpu.memory_space<vmem>>, vector<16xf32>,
          %scan3A_806 = arith.constant 0 : i32
          %scan3A_807 = arith.constant 3 : i32
          %scan3A_808 = arith.addi %scan3A_622, %scan3A_807 : i32
          %broadcast_in_dim3A_809 = vector.broadcast %scan3A_808 : i32 to vector<16xi32>
          %gather3A_810 = tpu.vector_load_idx %arg21[%broadcast_in_dim3A_809] : memref<80xf32, #tpu.memory_space<vmem>>[vector<16xi32>], vector<16xf32>,
          %gather3A_811 = tpu.vector_load_idx %arg11[%broadcast_in_dim3A_517, %broadcast_in_dim3A_809] : memref<25x80xi32, #tpu.memory_space<vmem>>[vector<16xi32>, vector<16xi32>], vector<16xi32>,
          tpu.vector_store_idx %arg9[%gather3A_811], %gather3A_810 masked %eq3A_51 {add = true} : memref<10000xf32, #tpu.memory_space<vmem>>[vector<16xi32>], vector<16xf32>, vector<16xi1>
          %get3A_812 = arith.index_cast %scan3A_808 : i32 to index
          %get3A_813 = arith.constant 0 : index
          %get3A_814 = tpu.vector_load %arg18[%get3A_812, %get3A_813] {strides = array<i32>} : memref<80x128xf32, #tpu.memory_space<vmem>>, vector<16xf32>,
          %mul3A_815 = arith.mulf %get3A_814, %gather3A_810 : vector<16xf32>
          %swap3A_816 = arith.index_cast %scan3A_808 : i32 to index
          %swap3A_817 = arith.constant 0 : index
          %swap3A_818 = tpu.vector_load %arg18[%swap3A_816, %swap3A_817] {strides = array<i32>} : memref<80x128xf32, #tpu.memory_space<vmem>>, vector<16xf32>,
          tpu.vector_store %arg18[%swap3A_816, %swap3A_817], %mul3A_815 {strides = array<i32>} : memref<80x128xf32, #tpu.memory_space<vmem>>, vector<16xf32>,
          %get3A_819 = arith.index_cast %scan3A_808 : i32 to index
          %get3A_820 = arith.constant 16 : index
          %get3A_821 = tpu.vector_load %arg18[%get3A_819, %get3A_820] {strides = array<i32>} : memref<80x128xf32, #tpu.memory_space<vmem>>, vector<16xf32>,
          %mul3A_822 = arith.mulf %get3A_821, %gather3A_810 : vector<16xf32>
          %swap3A_823 = arith.index_cast %scan3A_808 : i32 to index
          %swap3A_824 = arith.constant 16 : index
          %swap3A_825 = tpu.vector_load %arg18[%swap3A_823, %swap3A_824] {strides = array<i32>} : memref<80x128xf32, #tpu.memory_space<vmem>>, vector<16xf32>,
          tpu.vector_store %arg18[%swap3A_823, %swap3A_824], %mul3A_822 {strides = array<i32>} : memref<80x128xf32, #tpu.memory_space<vmem>>, vector<16xf32>,
          %get3A_826 = arith.index_cast %scan3A_808 : i32 to index
          %get3A_827 = arith.constant 32 : index
          %get3A_828 = tpu.vector_load %arg18[%get3A_826, %get3A_827] {strides = array<i32>} : memref<80x128xf32, #tpu.memory_space<vmem>>, vector<16xf32>,
          %mul3A_829 = arith.mulf %get3A_828, %gather3A_810 : vector<16xf32>
          %swap3A_830 = arith.index_cast %scan3A_808 : i32 to index
          %swap3A_831 = arith.constant 32 : index
          %swap3A_832 = tpu.vector_load %arg18[%swap3A_830, %swap3A_831] {strides = array<i32>} : memref<80x128xf32, #tpu.memory_space<vmem>>, vector<16xf32>,
          tpu.vector_store %arg18[%swap3A_830, %swap3A_831], %mul3A_829 {strides = array<i32>} : memref<80x128xf32, #tpu.memory_space<vmem>>, vector<16xf32>,
          %get3A_833 = arith.index_cast %scan3A_808 : i32 to index
          %get3A_834 = arith.constant 48 : index
          %get3A_835 = tpu.vector_load %arg18[%get3A_833, %get3A_834] {strides = array<i32>} : memref<80x128xf32, #tpu.memory_space<vmem>>, vector<16xf32>,
          %mul3A_836 = arith.mulf %get3A_835, %gather3A_810 : vector<16xf32>
          %swap3A_837 = arith.index_cast %scan3A_808 : i32 to index
          %swap3A_838 = arith.constant 48 : index
          %swap3A_839 = tpu.vector_load %arg18[%swap3A_837, %swap3A_838] {strides = array<i32>} : memref<80x128xf32, #tpu.memory_space<vmem>>, vector<16xf32>,
          tpu.vector_store %arg18[%swap3A_837, %swap3A_838], %mul3A_836 {strides = array<i32>} : memref<80x128xf32, #tpu.memory_space<vmem>>, vector<16xf32>,
          %get3A_840 = arith.index_cast %scan3A_808 : i32 to index
          %get3A_841 = arith.constant 64 : index
          %get3A_842 = tpu.vector_load %arg18[%get3A_840, %get3A_841] {strides = array<i32>} : memref<80x128xf32, #tpu.memory_space<vmem>>, vector<16xf32>,
          %mul3A_843 = arith.mulf %get3A_842, %gather3A_810 : vector<16xf32>
          %swap3A_844 = arith.index_cast %scan3A_808 : i32 to index
          %swap3A_845 = arith.constant 64 : index
          %swap3A_846 = tpu.vector_load %arg18[%swap3A_844, %swap3A_845] {strides = array<i32>} : memref<80x128xf32, #tpu.memory_space<vmem>>, vector<16xf32>,
          tpu.vector_store %arg18[%swap3A_844, %swap3A_845], %mul3A_843 {strides = array<i32>} : memref<80x128xf32, #tpu.memory_space<vmem>>, vector<16xf32>,
          %get3A_847 = arith.index_cast %scan3A_808 : i32 to index
          %get3A_848 = arith.constant 80 : index
          %get3A_849 = tpu.vector_load %arg18[%get3A_847, %get3A_848] {strides = array<i32>} : memref<80x128xf32, #tpu.memory_space<vmem>>, vector<16xf32>,
          %mul3A_850 = arith.mulf %get3A_849, %gather3A_810 : vector<16xf32>
          %swap3A_851 = arith.index_cast %scan3A_808 : i32 to index
          %swap3A_852 = arith.constant 80 : index
          %swap3A_853 = tpu.vector_load %arg18[%swap3A_851, %swap3A_852] {strides = array<i32>} : memref<80x128xf32, #tpu.memory_space<vmem>>, vector<16xf32>,
          tpu.vector_store %arg18[%swap3A_851, %swap3A_852], %mul3A_850 {strides = array<i32>} : memref<80x128xf32, #tpu.memory_space<vmem>>, vector<16xf32>,
          %get3A_854 = arith.index_cast %scan3A_808 : i32 to index
          %get3A_855 = arith.constant 96 : index
          %get3A_856 = tpu.vector_load %arg18[%get3A_854, %get3A_855] {strides = array<i32>} : memref<80x128xf32, #tpu.memory_space<vmem>>, vector<16xf32>,
          %mul3A_857 = arith.mulf %get3A_856, %gather3A_810 : vector<16xf32>
          %swap3A_858 = arith.index_cast %scan3A_808 : i32 to index
          %swap3A_859 = arith.constant 96 : index
          %swap3A_860 = tpu.vector_load %arg18[%swap3A_858, %swap3A_859] {strides = array<i32>} : memref<80x128xf32, #tpu.memory_space<vmem>>, vector<16xf32>,
          tpu.vector_store %arg18[%swap3A_858, %swap3A_859], %mul3A_857 {strides = array<i32>} : memref<80x128xf32, #tpu.memory_space<vmem>>, vector<16xf32>,
          %get3A_861 = arith.index_cast %scan3A_808 : i32 to index
          %get3A_862 = arith.constant 112 : index
          %get3A_863 = tpu.vector_load %arg18[%get3A_861, %get3A_862] {strides = array<i32>} : memref<80x128xf32, #tpu.memory_space<vmem>>, vector<16xf32>,
          %mul3A_864 = arith.mulf %get3A_863, %gather3A_810 : vector<16xf32>
          %swap3A_865 = arith.index_cast %scan3A_808 : i32 to index
          %swap3A_866 = arith.constant 112 : index
          %swap3A_867 = tpu.vector_load %arg18[%swap3A_865, %swap3A_866] {strides = array<i32>} : memref<80x128xf32, #tpu.memory_space<vmem>>, vector<16xf32>,
          tpu.vector_store %arg18[%swap3A_865, %swap3A_866], %mul3A_864 {strides = array<i32>} : memref<80x128xf32, #tpu.memory_space<vmem>>, vector<16xf32>,
          %scan3A_868 = arith.constant 0 : i32
          scf.yield %scan3A_868 : i32
        }
        %scan3A_599 = arith.constant 80 : i32
        %dma_start3A_600 = arith.constant 0 : i32
        %dma_start3A_601 = tpu.memref_slice %arg11[%add3A_497, %dma_start3A_600] : memref<25x80xi32, #tpu.memory_space<vmem>> -> memref<1x80xi32, #tpu.memory_space<vmem>>
        %dma_start3A_602 = tpu.memref_squeeze %dma_start3A_601 : memref<1x80xi32, #tpu.memory_space<vmem>> -> memref<80xi32, #tpu.memory_space<vmem>>
        %dma_start3A_603 = arith.constant 0 : i32
        %dma_start3A_604 = arith.constant 0 : i32
        %dma_start3A_605 = tpu.memref_slice %arg28[%dma_start3A_603, %dma_start3A_604] : memref<10000x128xf32, #tpu.memory_space<vmem_shared>> -> memref<10000x128xf32, #tpu.memory_space<vmem_shared>>
        tpu.enqueue_indirect_dma source(%arg18 : memref<80x128xf32, #tpu.memory_space<vmem>>) target(%dma_start3A_605 : memref<10000x128xf32, #tpu.memory_space<vmem_shared>>) offsets(%dma_start3A_602 : memref<80xi32, #tpu.memory_space<vmem>>) semaphore(%arg27 : memref<!tpu.dma_semaphore, #tpu.memory_space<semaphore_mem>>) {add = true}
        %eq3A_606 = arith.constant 0 : i32
        %eq3A_607 = arith.cmpi eq, %add3A_497, %eq3A_606 : i32
        %convert_element_type3A_608 = arith.extui %eq3A_607 : i1 to i32
        %cond3A_609 = arith.constant 0 : i32
        %cond3A_610 = arith.cmpi ne, %convert_element_type3A_608, %cond3A_609 : i32
        scf.if %cond3A_610 {
          %dma_start3A_622 = arith.constant 2 : i32
          %dma_start3A_623 = arith.constant 0 : i32
          %dma_start3A_624 = tpu.memref_slice %arg10[%dma_start3A_622, %dma_start3A_623] : memref<25x80xi32, #tpu.memory_space<vmem>> -> memref<1x80xi32, #tpu.memory_space<vmem>>
          %dma_start3A_625 = tpu.memref_squeeze %dma_start3A_624 : memref<1x80xi32, #tpu.memory_space<vmem>> -> memref<80xi32, #tpu.memory_space<vmem>>
          %dma_start3A_626 = arith.constant 0 : i32
          %dma_start3A_627 = arith.constant 0 : i32
          %dma_start3A_628 = tpu.memref_slice %arg6[%dma_start3A_626, %dma_start3A_627] : memref<10000x128xf32, #tpu.memory_space<hbm>> -> memref<10000x128xf32, #tpu.memory_space<hbm>>
          tpu.enqueue_indirect_dma source(%dma_start3A_628 : memref<10000x128xf32, #tpu.memory_space<hbm>>) target(%arg15 : memref<80x128xf32, #tpu.memory_space<vmem>>) offsets(%dma_start3A_625 : memref<80xi32, #tpu.memory_space<vmem>>) semaphore(%arg23 : memref<!tpu.dma_semaphore, #tpu.memory_space<semaphore_mem>>)
          %dma_start3A_629 = arith.constant 2 : i32
          %dma_start3A_630 = arith.constant 0 : i32
          %dma_start3A_631 = tpu.memref_slice %arg10[%dma_start3A_629, %dma_start3A_630] : memref<25x80xi32, #tpu.memory_space<vmem>> -> memref<1x80xi32, #tpu.memory_space<vmem>>
          %dma_start3A_632 = tpu.memref_squeeze %dma_start3A_631 : memref<1x80xi32, #tpu.memory_space<vmem>> -> memref<80xi32, #tpu.memory_space<vmem>>
          %dma_start3A_633 = arith.constant 0 : i32
          %dma_start3A_634 = tpu.memref_slice %arg4[%dma_start3A_633] : memref<10000xf32, #tpu.memory_space<hbm>> -> memref<10000xf32, #tpu.memory_space<hbm>>
          tpu.enqueue_indirect_dma source(%dma_start3A_634 : memref<10000xf32, #tpu.memory_space<hbm>>) target(%arg16 : memref<80xf32, #tpu.memory_space<vmem>>) offsets(%dma_start3A_632 : memref<80xi32, #tpu.memory_space<vmem>>) semaphore(%arg23 : memref<!tpu.dma_semaphore, #tpu.memory_space<semaphore_mem>>)
          %dma_start3A_635 = arith.constant 2 : i32
          %dma_start3A_636 = arith.constant 0 : i32
          %dma_start3A_637 = tpu.memref_slice %arg11[%dma_start3A_635, %dma_start3A_636] : memref<25x80xi32, #tpu.memory_space<vmem>> -> memref<1x80xi32, #tpu.memory_space<vmem>>
          %dma_start3A_638 = tpu.memref_squeeze %dma_start3A_637 : memref<1x80xi32, #tpu.memory_space<vmem>> -> memref<80xi32, #tpu.memory_space<vmem>>
          %dma_start3A_639 = arith.constant 0 : i32
          %dma_start3A_640 = tpu.memref_slice %arg5[%dma_start3A_639] : memref<10000xf32, #tpu.memory_space<hbm>> -> memref<10000xf32, #tpu.memory_space<hbm>>
          tpu.enqueue_indirect_dma source(%dma_start3A_640 : memref<10000xf32, #tpu.memory_space<hbm>>) target(%arg17 : memref<80xf32, #tpu.memory_space<vmem>>) offsets(%dma_start3A_638 : memref<80xi32, #tpu.memory_space<vmem>>) semaphore(%arg23 : memref<!tpu.dma_semaphore, #tpu.memory_space<semaphore_mem>>)
        } else {
        }
        %ge3A_611 = arith.constant 1 : i32
        %ge3A_612 = arith.cmpi sge, %add3A_497, %ge3A_611 : i32
        %add3A_613 = arith.constant 2 : i32
        %add3A_614 = arith.addi %add3A_497, %add3A_613 : i32
        %lt3A_615 = arith.constant 25 : i32
        %lt3A_616 = arith.cmpi slt, %add3A_614, %lt3A_615 : i32
        %and3A_617 = arith.andi %ge3A_612, %lt3A_616 : i1
        %convert_element_type3A_618 = arith.extui %and3A_617 : i1 to i32
        %cond3A_619 = arith.constant 0 : i32
        %cond3A_620 = arith.cmpi ne, %convert_element_type3A_618, %cond3A_619 : i32
        scf.if %cond3A_620 {
          %dma_wait3A_622 = arith.constant 0 : i32
          %dma_wait3A_623 = arith.constant 0 : i32
          %dma_wait3A_624 = tpu.memref_slice %arg11[%dma_wait3A_622, %dma_wait3A_623] : memref<25x80xi32, #tpu.memory_space<vmem>> -> memref<1x80xi32, #tpu.memory_space<vmem>>
          %dma_wait3A_625 = tpu.memref_squeeze %dma_wait3A_624 : memref<1x80xi32, #tpu.memory_space<vmem>> -> memref<80xi32, #tpu.memory_space<vmem>>
          %dma_wait3A_626 = arith.constant 0 : i32
          %dma_wait3A_627 = arith.constant 0 : i32
          %dma_wait3A_628 = tpu.memref_slice %arg28[%dma_wait3A_626, %dma_wait3A_627] : memref<10000x128xf32, #tpu.memory_space<vmem_shared>> -> memref<10000x128xf32, #tpu.memory_space<vmem_shared>>
          tpu.wait_indirect_dma semaphore(%arg26 : memref<!tpu.dma_semaphore, #tpu.memory_space<semaphore_mem>>) src(%arg15 : memref<80x128xf32, #tpu.memory_space<vmem>>) dst(%dma_wait3A_628 : memref<10000x128xf32, #tpu.memory_space<vmem_shared>>)
          %add3A_629 = arith.constant 2 : i32
          %add3A_630 = arith.addi %add3A_497, %add3A_629 : i32
          %dma_start3A_631 = arith.constant 0 : i32
          %dma_start3A_632 = tpu.memref_slice %arg10[%add3A_630, %dma_start3A_631] : memref<25x80xi32, #tpu.memory_space<vmem>> -> memref<1x80xi32, #tpu.memory_space<vmem>>
          %dma_start3A_633 = tpu.memref_squeeze %dma_start3A_632 : memref<1x80xi32, #tpu.memory_space<vmem>> -> memref<80xi32, #tpu.memory_space<vmem>>
          %dma_start3A_634 = arith.constant 0 : i32
          %dma_start3A_635 = arith.constant 0 : i32
          %dma_start3A_636 = tpu.memref_slice %arg6[%dma_start3A_634, %dma_start3A_635] : memref<10000x128xf32, #tpu.memory_space<hbm>> -> memref<10000x128xf32, #tpu.memory_space<hbm>>
          tpu.enqueue_indirect_dma source(%dma_start3A_636 : memref<10000x128xf32, #tpu.memory_space<hbm>>) target(%arg15 : memref<80x128xf32, #tpu.memory_space<vmem>>) offsets(%dma_start3A_633 : memref<80xi32, #tpu.memory_space<vmem>>) semaphore(%arg23 : memref<!tpu.dma_semaphore, #tpu.memory_space<semaphore_mem>>)
          %dma_start3A_637 = arith.constant 0 : i32
          %dma_start3A_638 = tpu.memref_slice %arg10[%add3A_630, %dma_start3A_637] : memref<25x80xi32, #tpu.memory_space<vmem>> -> memref<1x80xi32, #tpu.memory_space<vmem>>
          %dma_start3A_639 = tpu.memref_squeeze %dma_start3A_638 : memref<1x80xi32, #tpu.memory_space<vmem>> -> memref<80xi32, #tpu.memory_space<vmem>>
          %dma_start3A_640 = arith.constant 0 : i32
          %dma_start3A_641 = tpu.memref_slice %arg4[%dma_start3A_640] : memref<10000xf32, #tpu.memory_space<hbm>> -> memref<10000xf32, #tpu.memory_space<hbm>>
          tpu.enqueue_indirect_dma source(%dma_start3A_641 : memref<10000xf32, #tpu.memory_space<hbm>>) target(%arg16 : memref<80xf32, #tpu.memory_space<vmem>>) offsets(%dma_start3A_639 : memref<80xi32, #tpu.memory_space<vmem>>) semaphore(%arg23 : memref<!tpu.dma_semaphore, #tpu.memory_space<semaphore_mem>>)
          %dma_start3A_642 = arith.constant 0 : i32
          %dma_start3A_643 = tpu.memref_slice %arg11[%add3A_630, %dma_start3A_642] : memref<25x80xi32, #tpu.memory_space<vmem>> -> memref<1x80xi32, #tpu.memory_space<vmem>>
          %dma_start3A_644 = tpu.memref_squeeze %dma_start3A_643 : memref<1x80xi32, #tpu.memory_space<vmem>> -> memref<80xi32, #tpu.memory_space<vmem>>
          %dma_start3A_645 = arith.constant 0 : i32
          %dma_start3A_646 = tpu.memref_slice %arg5[%dma_start3A_645] : memref<10000xf32, #tpu.memory_space<hbm>> -> memref<10000xf32, #tpu.memory_space<hbm>>
          tpu.enqueue_indirect_dma source(%dma_start3A_646 : memref<10000xf32, #tpu.memory_space<hbm>>) target(%arg17 : memref<80xf32, #tpu.memory_space<vmem>>) offsets(%dma_start3A_644 : memref<80xi32, #tpu.memory_space<vmem>>) semaphore(%arg23 : memref<!tpu.dma_semaphore, #tpu.memory_space<semaphore_mem>>)
        } else {
        }
        %scan3A_621 = arith.constant 0 : i32
        scf.yield %scan3A_621 : i32
      }
      %scan3A_117 = arith.constant 8 : i32
      %dma_wait3A = arith.constant 0 : i32
      %dma_wait3A_118 = arith.constant 0 : i32
      %dma_wait3A_119 = tpu.memref_slice %arg10[%dma_wait3A, %dma_wait3A_118] : memref<25x80xi32, #tpu.memory_space<vmem>> -> memref<1x80xi32, #tpu.memory_space<vmem>>
      %dma_wait3A_120 = tpu.memref_squeeze %dma_wait3A_119 : memref<1x80xi32, #tpu.memory_space<vmem>> -> memref<80xi32, #tpu.memory_space<vmem>>
      %dma_wait3A_121 = arith.constant 0 : i32
      %dma_wait3A_122 = arith.constant 0 : i32
      %dma_wait3A_123 = tpu.memref_slice %arg6[%dma_wait3A_121, %dma_wait3A_122] : memref<10000x128xf32, #tpu.memory_space<hbm>> -> memref<10000x128xf32, #tpu.memory_space<hbm>>
      tpu.wait_indirect_dma semaphore(%arg22 : memref<!tpu.dma_semaphore, #tpu.memory_space<semaphore_mem>>) src(%dma_wait3A_123 : memref<10000x128xf32, #tpu.memory_space<hbm>>) dst(%arg12 : memref<80x128xf32, #tpu.memory_space<vmem>>)
      %dma_wait3A_124 = arith.constant 0 : i32
      %dma_wait3A_125 = arith.constant 0 : i32
      %dma_wait3A_126 = tpu.memref_slice %arg10[%dma_wait3A_124, %dma_wait3A_125] : memref<25x80xi32, #tpu.memory_space<vmem>> -> memref<1x80xi32, #tpu.memory_space<vmem>>
      %dma_wait3A_127 = tpu.memref_squeeze %dma_wait3A_126 : memref<1x80xi32, #tpu.memory_space<vmem>> -> memref<80xi32, #tpu.memory_space<vmem>>
      %dma_wait3A_128 = arith.constant 0 : i32
      %dma_wait3A_129 = tpu.memref_slice %arg4[%dma_wait3A_128] : memref<10000xf32, #tpu.memory_space<hbm>> -> memref<10000xf32, #tpu.memory_space<hbm>>
      tpu.wait_indirect_dma semaphore(%arg22 : memref<!tpu.dma_semaphore, #tpu.memory_space<semaphore_mem>>) src(%dma_wait3A_129 : memref<10000xf32, #tpu.memory_space<hbm>>) dst(%arg13 : memref<80xf32, #tpu.memory_space<vmem>>)
      %dma_wait3A_130 = arith.constant 0 : i32
      %dma_wait3A_131 = arith.constant 0 : i32
      %dma_wait3A_132 = tpu.memref_slice %arg11[%dma_wait3A_130, %dma_wait3A_131] : memref<25x80xi32, #tpu.memory_space<vmem>> -> memref<1x80xi32, #tpu.memory_space<vmem>>
      %dma_wait3A_133 = tpu.memref_squeeze %dma_wait3A_132 : memref<1x80xi32, #tpu.memory_space<vmem>> -> memref<80xi32, #tpu.memory_space<vmem>>
      %dma_wait3A_134 = arith.constant 0 : i32
      %dma_wait3A_135 = tpu.memref_slice %arg5[%dma_wait3A_134] : memref<10000xf32, #tpu.memory_space<hbm>> -> memref<10000xf32, #tpu.memory_space<hbm>>
      tpu.wait_indirect_dma semaphore(%arg22 : memref<!tpu.dma_semaphore, #tpu.memory_space<semaphore_mem>>) src(%dma_wait3A_135 : memref<10000xf32, #tpu.memory_space<hbm>>) dst(%arg14 : memref<80xf32, #tpu.memory_space<vmem>>)
      %broadcast_in_dim3A_136 = arith.constant 24 : i32
      %broadcast_in_dim3A_137 = vector.broadcast %broadcast_in_dim3A_136 : i32 to vector<16xi32>
      %get3A = arith.constant 0 : index
      %get3A_138 = tpu.vector_load %arg13[%get3A] {strides = array<i32>} : memref<80xf32, #tpu.memory_space<vmem>>, vector<16xf32>,
      %get3A_139 = arith.constant 0 : index
      %get3A_140 = tpu.vector_load %arg14[%get3A_139] {strides = array<i32>} : memref<80xf32, #tpu.memory_space<vmem>>, vector<16xf32>,
      %add3A_141 = arith.addf %get3A_138, %get3A_140 : vector<16xf32>
      %ge3A = arith.constant 0.000000e+00 : f32
      %ge3A_142 = vector.broadcast %ge3A : f32 to vector<16xf32>
      %ge3A_143 = arith.cmpf oge, %add3A_141, %ge3A_142 : vector<16xf32>
      %mul3A_144 = arith.constant 2.000000e-01 : f32
      %mul3A_145 = vector.broadcast %mul3A_144 : f32 to vector<16xf32>
      %mul3A_146 = arith.mulf %mul3A_145, %add3A_141 : vector<16xf32>
      %select_n3A = arith.select %ge3A_143, %add3A_141, %mul3A_146 : vector<16xi1>, vector<16xf32>
      %exp3A = math.exp %select_n3A : vector<16xf32>
      %swap3A = arith.constant 0 : index
      %swap3A_147 = tpu.vector_load %arg21[%swap3A] {strides = array<i32>} : memref<80xf32, #tpu.memory_space<vmem>>, vector<16xf32>,
      tpu.vector_store %arg21[%swap3A], %exp3A {strides = array<i32>} : memref<80xf32, #tpu.memory_space<vmem>>, vector<16xf32>,
      %get3A_148 = arith.constant 16 : index
      %get3A_149 = tpu.vector_load %arg13[%get3A_148] {strides = array<i32>} : memref<80xf32, #tpu.memory_space<vmem>>, vector<16xf32>,
      %get3A_150 = arith.constant 16 : index
      %get3A_151 = tpu.vector_load %arg14[%get3A_150] {strides = array<i32>} : memref<80xf32, #tpu.memory_space<vmem>>, vector<16xf32>,
      %add3A_152 = arith.addf %get3A_149, %get3A_151 : vector<16xf32>
      %ge3A_153 = arith.constant 0.000000e+00 : f32
      %ge3A_154 = vector.broadcast %ge3A_153 : f32 to vector<16xf32>
      %ge3A_155 = arith.cmpf oge, %add3A_152, %ge3A_154 : vector<16xf32>
      %mul3A_156 = arith.constant 2.000000e-01 : f32
      %mul3A_157 = vector.broadcast %mul3A_156 : f32 to vector<16xf32>
      %mul3A_158 = arith.mulf %mul3A_157, %add3A_152 : vector<16xf32>
      %select_n3A_159 = arith.select %ge3A_155, %add3A_152, %mul3A_158 : vector<16xi1>, vector<16xf32>
      %exp3A_160 = math.exp %select_n3A_159 : vector<16xf32>
      %swap3A_161 = arith.constant 16 : index
      %swap3A_162 = tpu.vector_load %arg21[%swap3A_161] {strides = array<i32>} : memref<80xf32, #tpu.memory_space<vmem>>, vector<16xf32>,
      tpu.vector_store %arg21[%swap3A_161], %exp3A_160 {strides = array<i32>} : memref<80xf32, #tpu.memory_space<vmem>>, vector<16xf32>,
      %get3A_163 = arith.constant 32 : index
      %get3A_164 = tpu.vector_load %arg13[%get3A_163] {strides = array<i32>} : memref<80xf32, #tpu.memory_space<vmem>>, vector<16xf32>,
      %get3A_165 = arith.constant 32 : index
      %get3A_166 = tpu.vector_load %arg14[%get3A_165] {strides = array<i32>} : memref<80xf32, #tpu.memory_space<vmem>>, vector<16xf32>,
      %add3A_167 = arith.addf %get3A_164, %get3A_166 : vector<16xf32>
      %ge3A_168 = arith.constant 0.000000e+00 : f32
      %ge3A_169 = vector.broadcast %ge3A_168 : f32 to vector<16xf32>
      %ge3A_170 = arith.cmpf oge, %add3A_167, %ge3A_169 : vector<16xf32>
      %mul3A_171 = arith.constant 2.000000e-01 : f32
      %mul3A_172 = vector.broadcast %mul3A_171 : f32 to vector<16xf32>
      %mul3A_173 = arith.mulf %mul3A_172, %add3A_167 : vector<16xf32>
      %select_n3A_174 = arith.select %ge3A_170, %add3A_167, %mul3A_173 : vector<16xi1>, vector<16xf32>
      %exp3A_175 = math.exp %select_n3A_174 : vector<16xf32>
      %swap3A_176 = arith.constant 32 : index
      %swap3A_177 = tpu.vector_load %arg21[%swap3A_176] {strides = array<i32>} : memref<80xf32, #tpu.memory_space<vmem>>, vector<16xf32>,
      tpu.vector_store %arg21[%swap3A_176], %exp3A_175 {strides = array<i32>} : memref<80xf32, #tpu.memory_space<vmem>>, vector<16xf32>,
      %get3A_178 = arith.constant 48 : index
      %get3A_179 = tpu.vector_load %arg13[%get3A_178] {strides = array<i32>} : memref<80xf32, #tpu.memory_space<vmem>>, vector<16xf32>,
      %get3A_180 = arith.constant 48 : index
      %get3A_181 = tpu.vector_load %arg14[%get3A_180] {strides = array<i32>} : memref<80xf32, #tpu.memory_space<vmem>>, vector<16xf32>,
      %add3A_182 = arith.addf %get3A_179, %get3A_181 : vector<16xf32>
      %ge3A_183 = arith.constant 0.000000e+00 : f32
      %ge3A_184 = vector.broadcast %ge3A_183 : f32 to vector<16xf32>
      %ge3A_185 = arith.cmpf oge, %add3A_182, %ge3A_184 : vector<16xf32>
      %mul3A_186 = arith.constant 2.000000e-01 : f32
      %mul3A_187 = vector.broadcast %mul3A_186 : f32 to vector<16xf32>
      %mul3A_188 = arith.mulf %mul3A_187, %add3A_182 : vector<16xf32>
      %select_n3A_189 = arith.select %ge3A_185, %add3A_182, %mul3A_188 : vector<16xi1>, vector<16xf32>
      %exp3A_190 = math.exp %select_n3A_189 : vector<16xf32>
      %swap3A_191 = arith.constant 48 : index
      %swap3A_192 = tpu.vector_load %arg21[%swap3A_191] {strides = array<i32>} : memref<80xf32, #tpu.memory_space<vmem>>, vector<16xf32>,
      tpu.vector_store %arg21[%swap3A_191], %exp3A_190 {strides = array<i32>} : memref<80xf32, #tpu.memory_space<vmem>>, vector<16xf32>,
      %get3A_193 = arith.constant 64 : index
      %get3A_194 = tpu.vector_load %arg13[%get3A_193] {strides = array<i32>} : memref<80xf32, #tpu.memory_space<vmem>>, vector<16xf32>,
      %get3A_195 = arith.constant 64 : index
      %get3A_196 = tpu.vector_load %arg14[%get3A_195] {strides = array<i32>} : memref<80xf32, #tpu.memory_space<vmem>>, vector<16xf32>,
      %add3A_197 = arith.addf %get3A_194, %get3A_196 : vector<16xf32>
      %ge3A_198 = arith.constant 0.000000e+00 : f32
      %ge3A_199 = vector.broadcast %ge3A_198 : f32 to vector<16xf32>
      %ge3A_200 = arith.cmpf oge, %add3A_197, %ge3A_199 : vector<16xf32>
      %mul3A_201 = arith.constant 2.000000e-01 : f32
      %mul3A_202 = vector.broadcast %mul3A_201 : f32 to vector<16xf32>
      %mul3A_203 = arith.mulf %mul3A_202, %add3A_197 : vector<16xf32>
      %select_n3A_204 = arith.select %ge3A_200, %add3A_197, %mul3A_203 : vector<16xi1>, vector<16xf32>
      %exp3A_205 = math.exp %select_n3A_204 : vector<16xf32>
      %swap3A_206 = arith.constant 64 : index
      %swap3A_207 = tpu.vector_load %arg21[%swap3A_206] {strides = array<i32>} : memref<80xf32, #tpu.memory_space<vmem>>, vector<16xf32>,
      tpu.vector_store %arg21[%swap3A_206], %exp3A_205 {strides = array<i32>} : memref<80xf32, #tpu.memory_space<vmem>>, vector<16xf32>,
      %scan3A_208 = arith.constant 0 : i32
      %scan3A_209 = arith.constant 0 : i32
      %scan3A_210 = arith.constant 80 : i32
      %scan3A_211 = arith.addi %scan3A_209, %scan3A_210 : i32
      %scan3A_212 = arith.constant 4 : i32
      %scan3A_213 = scf.for %scan3A_244 = %scan3A_209 to %scan3A_211 step %scan3A_212 iter_args(%scan3A_245 = %scan3A_208) -> (i32)  : i32 {
        %broadcast_in_dim3A_246 = vector.broadcast %scan3A_244 : i32 to vector<16xi32>
        %gather3A = tpu.vector_load_idx %arg21[%broadcast_in_dim3A_246] : memref<80xf32, #tpu.memory_space<vmem>>[vector<16xi32>], vector<16xf32>,
        %gather3A_247 = tpu.vector_load_idx %arg11[%broadcast_in_dim3A_137, %broadcast_in_dim3A_246] : memref<25x80xi32, #tpu.memory_space<vmem>>[vector<16xi32>, vector<16xi32>], vector<16xi32>,
        tpu.vector_store_idx %arg9[%gather3A_247], %gather3A masked %eq3A_51 {add = true} : memref<10000xf32, #tpu.memory_space<vmem>>[vector<16xi32>], vector<16xf32>, vector<16xi1>
        %get3A_248 = arith.index_cast %scan3A_244 : i32 to index
        %get3A_249 = arith.constant 0 : index
        %get3A_250 = tpu.vector_load %arg12[%get3A_248, %get3A_249] {strides = array<i32>} : memref<80x128xf32, #tpu.memory_space<vmem>>, vector<16xf32>,
        %mul3A_251 = arith.mulf %get3A_250, %gather3A : vector<16xf32>
        %swap3A_252 = arith.index_cast %scan3A_244 : i32 to index
        %swap3A_253 = arith.constant 0 : index
        %swap3A_254 = tpu.vector_load %arg12[%swap3A_252, %swap3A_253] {strides = array<i32>} : memref<80x128xf32, #tpu.memory_space<vmem>>, vector<16xf32>,
        tpu.vector_store %arg12[%swap3A_252, %swap3A_253], %mul3A_251 {strides = array<i32>} : memref<80x128xf32, #tpu.memory_space<vmem>>, vector<16xf32>,
        %get3A_255 = arith.index_cast %scan3A_244 : i32 to index
        %get3A_256 = arith.constant 16 : index
        %get3A_257 = tpu.vector_load %arg12[%get3A_255, %get3A_256] {strides = array<i32>} : memref<80x128xf32, #tpu.memory_space<vmem>>, vector<16xf32>,
        %mul3A_258 = arith.mulf %get3A_257, %gather3A : vector<16xf32>
        %swap3A_259 = arith.index_cast %scan3A_244 : i32 to index
        %swap3A_260 = arith.constant 16 : index
        %swap3A_261 = tpu.vector_load %arg12[%swap3A_259, %swap3A_260] {strides = array<i32>} : memref<80x128xf32, #tpu.memory_space<vmem>>, vector<16xf32>,
        tpu.vector_store %arg12[%swap3A_259, %swap3A_260], %mul3A_258 {strides = array<i32>} : memref<80x128xf32, #tpu.memory_space<vmem>>, vector<16xf32>,
        %get3A_262 = arith.index_cast %scan3A_244 : i32 to index
        %get3A_263 = arith.constant 32 : index
        %get3A_264 = tpu.vector_load %arg12[%get3A_262, %get3A_263] {strides = array<i32>} : memref<80x128xf32, #tpu.memory_space<vmem>>, vector<16xf32>,
        %mul3A_265 = arith.mulf %get3A_264, %gather3A : vector<16xf32>
        %swap3A_266 = arith.index_cast %scan3A_244 : i32 to index
        %swap3A_267 = arith.constant 32 : index
        %swap3A_268 = tpu.vector_load %arg12[%swap3A_266, %swap3A_267] {strides = array<i32>} : memref<80x128xf32, #tpu.memory_space<vmem>>, vector<16xf32>,
        tpu.vector_store %arg12[%swap3A_266, %swap3A_267], %mul3A_265 {strides = array<i32>} : memref<80x128xf32, #tpu.memory_space<vmem>>, vector<16xf32>,
        %get3A_269 = arith.index_cast %scan3A_244 : i32 to index
        %get3A_270 = arith.constant 48 : index
        %get3A_271 = tpu.vector_load %arg12[%get3A_269, %get3A_270] {strides = array<i32>} : memref<80x128xf32, #tpu.memory_space<vmem>>, vector<16xf32>,
        %mul3A_272 = arith.mulf %get3A_271, %gather3A : vector<16xf32>
        %swap3A_273 = arith.index_cast %scan3A_244 : i32 to index
        %swap3A_274 = arith.constant 48 : index
        %swap3A_275 = tpu.vector_load %arg12[%swap3A_273, %swap3A_274] {strides = array<i32>} : memref<80x128xf32, #tpu.memory_space<vmem>>, vector<16xf32>,
        tpu.vector_store %arg12[%swap3A_273, %swap3A_274], %mul3A_272 {strides = array<i32>} : memref<80x128xf32, #tpu.memory_space<vmem>>, vector<16xf32>,
        %get3A_276 = arith.index_cast %scan3A_244 : i32 to index
        %get3A_277 = arith.constant 64 : index
        %get3A_278 = tpu.vector_load %arg12[%get3A_276, %get3A_277] {strides = array<i32>} : memref<80x128xf32, #tpu.memory_space<vmem>>, vector<16xf32>,
        %mul3A_279 = arith.mulf %get3A_278, %gather3A : vector<16xf32>
        %swap3A_280 = arith.index_cast %scan3A_244 : i32 to index
        %swap3A_281 = arith.constant 64 : index
        %swap3A_282 = tpu.vector_load %arg12[%swap3A_280, %swap3A_281] {strides = array<i32>} : memref<80x128xf32, #tpu.memory_space<vmem>>, vector<16xf32>,
        tpu.vector_store %arg12[%swap3A_280, %swap3A_281], %mul3A_279 {strides = array<i32>} : memref<80x128xf32, #tpu.memory_space<vmem>>, vector<16xf32>,
        %get3A_283 = arith.index_cast %scan3A_244 : i32 to index
        %get3A_284 = arith.constant 80 : index
        %get3A_285 = tpu.vector_load %arg12[%get3A_283, %get3A_284] {strides = array<i32>} : memref<80x128xf32, #tpu.memory_space<vmem>>, vector<16xf32>,
        %mul3A_286 = arith.mulf %get3A_285, %gather3A : vector<16xf32>
        %swap3A_287 = arith.index_cast %scan3A_244 : i32 to index
        %swap3A_288 = arith.constant 80 : index
        %swap3A_289 = tpu.vector_load %arg12[%swap3A_287, %swap3A_288] {strides = array<i32>} : memref<80x128xf32, #tpu.memory_space<vmem>>, vector<16xf32>,
        tpu.vector_store %arg12[%swap3A_287, %swap3A_288], %mul3A_286 {strides = array<i32>} : memref<80x128xf32, #tpu.memory_space<vmem>>, vector<16xf32>,
        %get3A_290 = arith.index_cast %scan3A_244 : i32 to index
        %get3A_291 = arith.constant 96 : index
        %get3A_292 = tpu.vector_load %arg12[%get3A_290, %get3A_291] {strides = array<i32>} : memref<80x128xf32, #tpu.memory_space<vmem>>, vector<16xf32>,
        %mul3A_293 = arith.mulf %get3A_292, %gather3A : vector<16xf32>
        %swap3A_294 = arith.index_cast %scan3A_244 : i32 to index
        %swap3A_295 = arith.constant 96 : index
        %swap3A_296 = tpu.vector_load %arg12[%swap3A_294, %swap3A_295] {strides = array<i32>} : memref<80x128xf32, #tpu.memory_space<vmem>>, vector<16xf32>,
        tpu.vector_store %arg12[%swap3A_294, %swap3A_295], %mul3A_293 {strides = array<i32>} : memref<80x128xf32, #tpu.memory_space<vmem>>, vector<16xf32>,
        %get3A_297 = arith.index_cast %scan3A_244 : i32 to index
        %get3A_298 = arith.constant 112 : index
        %get3A_299 = tpu.vector_load %arg12[%get3A_297, %get3A_298] {strides = array<i32>} : memref<80x128xf32, #tpu.memory_space<vmem>>, vector<16xf32>,
        %mul3A_300 = arith.mulf %get3A_299, %gather3A : vector<16xf32>
        %swap3A_301 = arith.index_cast %scan3A_244 : i32 to index
        %swap3A_302 = arith.constant 112 : index
        %swap3A_303 = tpu.vector_load %arg12[%swap3A_301, %swap3A_302] {strides = array<i32>} : memref<80x128xf32, #tpu.memory_space<vmem>>, vector<16xf32>,
        tpu.vector_store %arg12[%swap3A_301, %swap3A_302], %mul3A_300 {strides = array<i32>} : memref<80x128xf32, #tpu.memory_space<vmem>>, vector<16xf32>,
        %scan3A_304 = arith.constant 0 : i32
        %scan3A_305 = arith.constant 1 : i32
        %scan3A_306 = arith.addi %scan3A_244, %scan3A_305 : i32
        %broadcast_in_dim3A_307 = vector.broadcast %scan3A_306 : i32 to vector<16xi32>
        %gather3A_308 = tpu.vector_load_idx %arg21[%broadcast_in_dim3A_307] : memref<80xf32, #tpu.memory_space<vmem>>[vector<16xi32>], vector<16xf32>,
        %gather3A_309 = tpu.vector_load_idx %arg11[%broadcast_in_dim3A_137, %broadcast_in_dim3A_307] : memref<25x80xi32, #tpu.memory_space<vmem>>[vector<16xi32>, vector<16xi32>], vector<16xi32>,
        tpu.vector_store_idx %arg9[%gather3A_309], %gather3A_308 masked %eq3A_51 {add = true} : memref<10000xf32, #tpu.memory_space<vmem>>[vector<16xi32>], vector<16xf32>, vector<16xi1>
        %get3A_310 = arith.index_cast %scan3A_306 : i32 to index
        %get3A_311 = arith.constant 0 : index
        %get3A_312 = tpu.vector_load %arg12[%get3A_310, %get3A_311] {strides = array<i32>} : memref<80x128xf32, #tpu.memory_space<vmem>>, vector<16xf32>,
        %mul3A_313 = arith.mulf %get3A_312, %gather3A_308 : vector<16xf32>
        %swap3A_314 = arith.index_cast %scan3A_306 : i32 to index
        %swap3A_315 = arith.constant 0 : index
        %swap3A_316 = tpu.vector_load %arg12[%swap3A_314, %swap3A_315] {strides = array<i32>} : memref<80x128xf32, #tpu.memory_space<vmem>>, vector<16xf32>,
        tpu.vector_store %arg12[%swap3A_314, %swap3A_315], %mul3A_313 {strides = array<i32>} : memref<80x128xf32, #tpu.memory_space<vmem>>, vector<16xf32>,
        %get3A_317 = arith.index_cast %scan3A_306 : i32 to index
        %get3A_318 = arith.constant 16 : index
        %get3A_319 = tpu.vector_load %arg12[%get3A_317, %get3A_318] {strides = array<i32>} : memref<80x128xf32, #tpu.memory_space<vmem>>, vector<16xf32>,
        %mul3A_320 = arith.mulf %get3A_319, %gather3A_308 : vector<16xf32>
        %swap3A_321 = arith.index_cast %scan3A_306 : i32 to index
        %swap3A_322 = arith.constant 16 : index
        %swap3A_323 = tpu.vector_load %arg12[%swap3A_321, %swap3A_322] {strides = array<i32>} : memref<80x128xf32, #tpu.memory_space<vmem>>, vector<16xf32>,
        tpu.vector_store %arg12[%swap3A_321, %swap3A_322], %mul3A_320 {strides = array<i32>} : memref<80x128xf32, #tpu.memory_space<vmem>>, vector<16xf32>,
        %get3A_324 = arith.index_cast %scan3A_306 : i32 to index
        %get3A_325 = arith.constant 32 : index
        %get3A_326 = tpu.vector_load %arg12[%get3A_324, %get3A_325] {strides = array<i32>} : memref<80x128xf32, #tpu.memory_space<vmem>>, vector<16xf32>,
        %mul3A_327 = arith.mulf %get3A_326, %gather3A_308 : vector<16xf32>
        %swap3A_328 = arith.index_cast %scan3A_306 : i32 to index
        %swap3A_329 = arith.constant 32 : index
        %swap3A_330 = tpu.vector_load %arg12[%swap3A_328, %swap3A_329] {strides = array<i32>} : memref<80x128xf32, #tpu.memory_space<vmem>>, vector<16xf32>,
        tpu.vector_store %arg12[%swap3A_328, %swap3A_329], %mul3A_327 {strides = array<i32>} : memref<80x128xf32, #tpu.memory_space<vmem>>, vector<16xf32>,
        %get3A_331 = arith.index_cast %scan3A_306 : i32 to index
        %get3A_332 = arith.constant 48 : index
        %get3A_333 = tpu.vector_load %arg12[%get3A_331, %get3A_332] {strides = array<i32>} : memref<80x128xf32, #tpu.memory_space<vmem>>, vector<16xf32>,
        %mul3A_334 = arith.mulf %get3A_333, %gather3A_308 : vector<16xf32>
        %swap3A_335 = arith.index_cast %scan3A_306 : i32 to index
        %swap3A_336 = arith.constant 48 : index
        %swap3A_337 = tpu.vector_load %arg12[%swap3A_335, %swap3A_336] {strides = array<i32>} : memref<80x128xf32, #tpu.memory_space<vmem>>, vector<16xf32>,
        tpu.vector_store %arg12[%swap3A_335, %swap3A_336], %mul3A_334 {strides = array<i32>} : memref<80x128xf32, #tpu.memory_space<vmem>>, vector<16xf32>,
        %get3A_338 = arith.index_cast %scan3A_306 : i32 to index
        %get3A_339 = arith.constant 64 : index
        %get3A_340 = tpu.vector_load %arg12[%get3A_338, %get3A_339] {strides = array<i32>} : memref<80x128xf32, #tpu.memory_space<vmem>>, vector<16xf32>,
        %mul3A_341 = arith.mulf %get3A_340, %gather3A_308 : vector<16xf32>
        %swap3A_342 = arith.index_cast %scan3A_306 : i32 to index
        %swap3A_343 = arith.constant 64 : index
        %swap3A_344 = tpu.vector_load %arg12[%swap3A_342, %swap3A_343] {strides = array<i32>} : memref<80x128xf32, #tpu.memory_space<vmem>>, vector<16xf32>,
        tpu.vector_store %arg12[%swap3A_342, %swap3A_343], %mul3A_341 {strides = array<i32>} : memref<80x128xf32, #tpu.memory_space<vmem>>, vector<16xf32>,
        %get3A_345 = arith.index_cast %scan3A_306 : i32 to index
        %get3A_346 = arith.constant 80 : index
        %get3A_347 = tpu.vector_load %arg12[%get3A_345, %get3A_346] {strides = array<i32>} : memref<80x128xf32, #tpu.memory_space<vmem>>, vector<16xf32>,
        %mul3A_348 = arith.mulf %get3A_347, %gather3A_308 : vector<16xf32>
        %swap3A_349 = arith.index_cast %scan3A_306 : i32 to index
        %swap3A_350 = arith.constant 80 : index
        %swap3A_351 = tpu.vector_load %arg12[%swap3A_349, %swap3A_350] {strides = array<i32>} : memref<80x128xf32, #tpu.memory_space<vmem>>, vector<16xf32>,
        tpu.vector_store %arg12[%swap3A_349, %swap3A_350], %mul3A_348 {strides = array<i32>} : memref<80x128xf32, #tpu.memory_space<vmem>>, vector<16xf32>,
        %get3A_352 = arith.index_cast %scan3A_306 : i32 to index
        %get3A_353 = arith.constant 96 : index
        %get3A_354 = tpu.vector_load %arg12[%get3A_352, %get3A_353] {strides = array<i32>} : memref<80x128xf32, #tpu.memory_space<vmem>>, vector<16xf32>,
        %mul3A_355 = arith.mulf %get3A_354, %gather3A_308 : vector<16xf32>
        %swap3A_356 = arith.index_cast %scan3A_306 : i32 to index
        %swap3A_357 = arith.constant 96 : index
        %swap3A_358 = tpu.vector_load %arg12[%swap3A_356, %swap3A_357] {strides = array<i32>} : memref<80x128xf32, #tpu.memory_space<vmem>>, vector<16xf32>,
        tpu.vector_store %arg12[%swap3A_356, %swap3A_357], %mul3A_355 {strides = array<i32>} : memref<80x128xf32, #tpu.memory_space<vmem>>, vector<16xf32>,
        %get3A_359 = arith.index_cast %scan3A_306 : i32 to index
        %get3A_360 = arith.constant 112 : index
        %get3A_361 = tpu.vector_load %arg12[%get3A_359, %get3A_360] {strides = array<i32>} : memref<80x128xf32, #tpu.memory_space<vmem>>, vector<16xf32>,
        %mul3A_362 = arith.mulf %get3A_361, %gather3A_308 : vector<16xf32>
        %swap3A_363 = arith.index_cast %scan3A_306 : i32 to index
        %swap3A_364 = arith.constant 112 : index
        %swap3A_365 = tpu.vector_load %arg12[%swap3A_363, %swap3A_364] {strides = array<i32>} : memref<80x128xf32, #tpu.memory_space<vmem>>, vector<16xf32>,
        tpu.vector_store %arg12[%swap3A_363, %swap3A_364], %mul3A_362 {strides = array<i32>} : memref<80x128xf32, #tpu.memory_space<vmem>>, vector<16xf32>,
        %scan3A_366 = arith.constant 0 : i32
        %scan3A_367 = arith.constant 2 : i32
        %scan3A_368 = arith.addi %scan3A_244, %scan3A_367 : i32
        %broadcast_in_dim3A_369 = vector.broadcast %scan3A_368 : i32 to vector<16xi32>
        %gather3A_370 = tpu.vector_load_idx %arg21[%broadcast_in_dim3A_369] : memref<80xf32, #tpu.memory_space<vmem>>[vector<16xi32>], vector<16xf32>,
        %gather3A_371 = tpu.vector_load_idx %arg11[%broadcast_in_dim3A_137, %broadcast_in_dim3A_369] : memref<25x80xi32, #tpu.memory_space<vmem>>[vector<16xi32>, vector<16xi32>], vector<16xi32>,
        tpu.vector_store_idx %arg9[%gather3A_371], %gather3A_370 masked %eq3A_51 {add = true} : memref<10000xf32, #tpu.memory_space<vmem>>[vector<16xi32>], vector<16xf32>, vector<16xi1>
        %get3A_372 = arith.index_cast %scan3A_368 : i32 to index
        %get3A_373 = arith.constant 0 : index
        %get3A_374 = tpu.vector_load %arg12[%get3A_372, %get3A_373] {strides = array<i32>} : memref<80x128xf32, #tpu.memory_space<vmem>>, vector<16xf32>,
        %mul3A_375 = arith.mulf %get3A_374, %gather3A_370 : vector<16xf32>
        %swap3A_376 = arith.index_cast %scan3A_368 : i32 to index
        %swap3A_377 = arith.constant 0 : index
        %swap3A_378 = tpu.vector_load %arg12[%swap3A_376, %swap3A_377] {strides = array<i32>} : memref<80x128xf32, #tpu.memory_space<vmem>>, vector<16xf32>,
        tpu.vector_store %arg12[%swap3A_376, %swap3A_377], %mul3A_375 {strides = array<i32>} : memref<80x128xf32, #tpu.memory_space<vmem>>, vector<16xf32>,
        %get3A_379 = arith.index_cast %scan3A_368 : i32 to index
        %get3A_380 = arith.constant 16 : index
        %get3A_381 = tpu.vector_load %arg12[%get3A_379, %get3A_380] {strides = array<i32>} : memref<80x128xf32, #tpu.memory_space<vmem>>, vector<16xf32>,
        %mul3A_382 = arith.mulf %get3A_381, %gather3A_370 : vector<16xf32>
        %swap3A_383 = arith.index_cast %scan3A_368 : i32 to index
        %swap3A_384 = arith.constant 16 : index
        %swap3A_385 = tpu.vector_load %arg12[%swap3A_383, %swap3A_384] {strides = array<i32>} : memref<80x128xf32, #tpu.memory_space<vmem>>, vector<16xf32>,
        tpu.vector_store %arg12[%swap3A_383, %swap3A_384], %mul3A_382 {strides = array<i32>} : memref<80x128xf32, #tpu.memory_space<vmem>>, vector<16xf32>,
        %get3A_386 = arith.index_cast %scan3A_368 : i32 to index
        %get3A_387 = arith.constant 32 : index
        %get3A_388 = tpu.vector_load %arg12[%get3A_386, %get3A_387] {strides = array<i32>} : memref<80x128xf32, #tpu.memory_space<vmem>>, vector<16xf32>,
        %mul3A_389 = arith.mulf %get3A_388, %gather3A_370 : vector<16xf32>
        %swap3A_390 = arith.index_cast %scan3A_368 : i32 to index
        %swap3A_391 = arith.constant 32 : index
        %swap3A_392 = tpu.vector_load %arg12[%swap3A_390, %swap3A_391] {strides = array<i32>} : memref<80x128xf32, #tpu.memory_space<vmem>>, vector<16xf32>,
        tpu.vector_store %arg12[%swap3A_390, %swap3A_391], %mul3A_389 {strides = array<i32>} : memref<80x128xf32, #tpu.memory_space<vmem>>, vector<16xf32>,
        %get3A_393 = arith.index_cast %scan3A_368 : i32 to index
        %get3A_394 = arith.constant 48 : index
        %get3A_395 = tpu.vector_load %arg12[%get3A_393, %get3A_394] {strides = array<i32>} : memref<80x128xf32, #tpu.memory_space<vmem>>, vector<16xf32>,
        %mul3A_396 = arith.mulf %get3A_395, %gather3A_370 : vector<16xf32>
        %swap3A_397 = arith.index_cast %scan3A_368 : i32 to index
        %swap3A_398 = arith.constant 48 : index
        %swap3A_399 = tpu.vector_load %arg12[%swap3A_397, %swap3A_398] {strides = array<i32>} : memref<80x128xf32, #tpu.memory_space<vmem>>, vector<16xf32>,
        tpu.vector_store %arg12[%swap3A_397, %swap3A_398], %mul3A_396 {strides = array<i32>} : memref<80x128xf32, #tpu.memory_space<vmem>>, vector<16xf32>,
        %get3A_400 = arith.index_cast %scan3A_368 : i32 to index
        %get3A_401 = arith.constant 64 : index
        %get3A_402 = tpu.vector_load %arg12[%get3A_400, %get3A_401] {strides = array<i32>} : memref<80x128xf32, #tpu.memory_space<vmem>>, vector<16xf32>,
        %mul3A_403 = arith.mulf %get3A_402, %gather3A_370 : vector<16xf32>
        %swap3A_404 = arith.index_cast %scan3A_368 : i32 to index
        %swap3A_405 = arith.constant 64 : index
        %swap3A_406 = tpu.vector_load %arg12[%swap3A_404, %swap3A_405] {strides = array<i32>} : memref<80x128xf32, #tpu.memory_space<vmem>>, vector<16xf32>,
        tpu.vector_store %arg12[%swap3A_404, %swap3A_405], %mul3A_403 {strides = array<i32>} : memref<80x128xf32, #tpu.memory_space<vmem>>, vector<16xf32>,
        %get3A_407 = arith.index_cast %scan3A_368 : i32 to index
        %get3A_408 = arith.constant 80 : index
        %get3A_409 = tpu.vector_load %arg12[%get3A_407, %get3A_408] {strides = array<i32>} : memref<80x128xf32, #tpu.memory_space<vmem>>, vector<16xf32>,
        %mul3A_410 = arith.mulf %get3A_409, %gather3A_370 : vector<16xf32>
        %swap3A_411 = arith.index_cast %scan3A_368 : i32 to index
        %swap3A_412 = arith.constant 80 : index
        %swap3A_413 = tpu.vector_load %arg12[%swap3A_411, %swap3A_412] {strides = array<i32>} : memref<80x128xf32, #tpu.memory_space<vmem>>, vector<16xf32>,
        tpu.vector_store %arg12[%swap3A_411, %swap3A_412], %mul3A_410 {strides = array<i32>} : memref<80x128xf32, #tpu.memory_space<vmem>>, vector<16xf32>,
        %get3A_414 = arith.index_cast %scan3A_368 : i32 to index
        %get3A_415 = arith.constant 96 : index
        %get3A_416 = tpu.vector_load %arg12[%get3A_414, %get3A_415] {strides = array<i32>} : memref<80x128xf32, #tpu.memory_space<vmem>>, vector<16xf32>,
        %mul3A_417 = arith.mulf %get3A_416, %gather3A_370 : vector<16xf32>
        %swap3A_418 = arith.index_cast %scan3A_368 : i32 to index
        %swap3A_419 = arith.constant 96 : index
        %swap3A_420 = tpu.vector_load %arg12[%swap3A_418, %swap3A_419] {strides = array<i32>} : memref<80x128xf32, #tpu.memory_space<vmem>>, vector<16xf32>,
        tpu.vector_store %arg12[%swap3A_418, %swap3A_419], %mul3A_417 {strides = array<i32>} : memref<80x128xf32, #tpu.memory_space<vmem>>, vector<16xf32>,
        %get3A_421 = arith.index_cast %scan3A_368 : i32 to index
        %get3A_422 = arith.constant 112 : index
        %get3A_423 = tpu.vector_load %arg12[%get3A_421, %get3A_422] {strides = array<i32>} : memref<80x128xf32, #tpu.memory_space<vmem>>, vector<16xf32>,
        %mul3A_424 = arith.mulf %get3A_423, %gather3A_370 : vector<16xf32>
        %swap3A_425 = arith.index_cast %scan3A_368 : i32 to index
        %swap3A_426 = arith.constant 112 : index
        %swap3A_427 = tpu.vector_load %arg12[%swap3A_425, %swap3A_426] {strides = array<i32>} : memref<80x128xf32, #tpu.memory_space<vmem>>, vector<16xf32>,
        tpu.vector_store %arg12[%swap3A_425, %swap3A_426], %mul3A_424 {strides = array<i32>} : memref<80x128xf32, #tpu.memory_space<vmem>>, vector<16xf32>,
        %scan3A_428 = arith.constant 0 : i32
        %scan3A_429 = arith.constant 3 : i32
        %scan3A_430 = arith.addi %scan3A_244, %scan3A_429 : i32
        %broadcast_in_dim3A_431 = vector.broadcast %scan3A_430 : i32 to vector<16xi32>
        %gather3A_432 = tpu.vector_load_idx %arg21[%broadcast_in_dim3A_431] : memref<80xf32, #tpu.memory_space<vmem>>[vector<16xi32>], vector<16xf32>,
        %gather3A_433 = tpu.vector_load_idx %arg11[%broadcast_in_dim3A_137, %broadcast_in_dim3A_431] : memref<25x80xi32, #tpu.memory_space<vmem>>[vector<16xi32>, vector<16xi32>], vector<16xi32>,
        tpu.vector_store_idx %arg9[%gather3A_433], %gather3A_432 masked %eq3A_51 {add = true} : memref<10000xf32, #tpu.memory_space<vmem>>[vector<16xi32>], vector<16xf32>, vector<16xi1>
        %get3A_434 = arith.index_cast %scan3A_430 : i32 to index
        %get3A_435 = arith.constant 0 : index
        %get3A_436 = tpu.vector_load %arg12[%get3A_434, %get3A_435] {strides = array<i32>} : memref<80x128xf32, #tpu.memory_space<vmem>>, vector<16xf32>,
        %mul3A_437 = arith.mulf %get3A_436, %gather3A_432 : vector<16xf32>
        %swap3A_438 = arith.index_cast %scan3A_430 : i32 to index
        %swap3A_439 = arith.constant 0 : index
        %swap3A_440 = tpu.vector_load %arg12[%swap3A_438, %swap3A_439] {strides = array<i32>} : memref<80x128xf32, #tpu.memory_space<vmem>>, vector<16xf32>,
        tpu.vector_store %arg12[%swap3A_438, %swap3A_439], %mul3A_437 {strides = array<i32>} : memref<80x128xf32, #tpu.memory_space<vmem>>, vector<16xf32>,
        %get3A_441 = arith.index_cast %scan3A_430 : i32 to index
        %get3A_442 = arith.constant 16 : index
        %get3A_443 = tpu.vector_load %arg12[%get3A_441, %get3A_442] {strides = array<i32>} : memref<80x128xf32, #tpu.memory_space<vmem>>, vector<16xf32>,
        %mul3A_444 = arith.mulf %get3A_443, %gather3A_432 : vector<16xf32>
        %swap3A_445 = arith.index_cast %scan3A_430 : i32 to index
        %swap3A_446 = arith.constant 16 : index
        %swap3A_447 = tpu.vector_load %arg12[%swap3A_445, %swap3A_446] {strides = array<i32>} : memref<80x128xf32, #tpu.memory_space<vmem>>, vector<16xf32>,
        tpu.vector_store %arg12[%swap3A_445, %swap3A_446], %mul3A_444 {strides = array<i32>} : memref<80x128xf32, #tpu.memory_space<vmem>>, vector<16xf32>,
        %get3A_448 = arith.index_cast %scan3A_430 : i32 to index
        %get3A_449 = arith.constant 32 : index
        %get3A_450 = tpu.vector_load %arg12[%get3A_448, %get3A_449] {strides = array<i32>} : memref<80x128xf32, #tpu.memory_space<vmem>>, vector<16xf32>,
        %mul3A_451 = arith.mulf %get3A_450, %gather3A_432 : vector<16xf32>
        %swap3A_452 = arith.index_cast %scan3A_430 : i32 to index
        %swap3A_453 = arith.constant 32 : index
        %swap3A_454 = tpu.vector_load %arg12[%swap3A_452, %swap3A_453] {strides = array<i32>} : memref<80x128xf32, #tpu.memory_space<vmem>>, vector<16xf32>,
        tpu.vector_store %arg12[%swap3A_452, %swap3A_453], %mul3A_451 {strides = array<i32>} : memref<80x128xf32, #tpu.memory_space<vmem>>, vector<16xf32>,
        %get3A_455 = arith.index_cast %scan3A_430 : i32 to index
        %get3A_456 = arith.constant 48 : index
        %get3A_457 = tpu.vector_load %arg12[%get3A_455, %get3A_456] {strides = array<i32>} : memref<80x128xf32, #tpu.memory_space<vmem>>, vector<16xf32>,
        %mul3A_458 = arith.mulf %get3A_457, %gather3A_432 : vector<16xf32>
        %swap3A_459 = arith.index_cast %scan3A_430 : i32 to index
        %swap3A_460 = arith.constant 48 : index
        %swap3A_461 = tpu.vector_load %arg12[%swap3A_459, %swap3A_460] {strides = array<i32>} : memref<80x128xf32, #tpu.memory_space<vmem>>, vector<16xf32>,
        tpu.vector_store %arg12[%swap3A_459, %swap3A_460], %mul3A_458 {strides = array<i32>} : memref<80x128xf32, #tpu.memory_space<vmem>>, vector<16xf32>,
        %get3A_462 = arith.index_cast %scan3A_430 : i32 to index
        %get3A_463 = arith.constant 64 : index
        %get3A_464 = tpu.vector_load %arg12[%get3A_462, %get3A_463] {strides = array<i32>} : memref<80x128xf32, #tpu.memory_space<vmem>>, vector<16xf32>,
        %mul3A_465 = arith.mulf %get3A_464, %gather3A_432 : vector<16xf32>
        %swap3A_466 = arith.index_cast %scan3A_430 : i32 to index
        %swap3A_467 = arith.constant 64 : index
        %swap3A_468 = tpu.vector_load %arg12[%swap3A_466, %swap3A_467] {strides = array<i32>} : memref<80x128xf32, #tpu.memory_space<vmem>>, vector<16xf32>,
        tpu.vector_store %arg12[%swap3A_466, %swap3A_467], %mul3A_465 {strides = array<i32>} : memref<80x128xf32, #tpu.memory_space<vmem>>, vector<16xf32>,
        %get3A_469 = arith.index_cast %scan3A_430 : i32 to index
        %get3A_470 = arith.constant 80 : index
        %get3A_471 = tpu.vector_load %arg12[%get3A_469, %get3A_470] {strides = array<i32>} : memref<80x128xf32, #tpu.memory_space<vmem>>, vector<16xf32>,
        %mul3A_472 = arith.mulf %get3A_471, %gather3A_432 : vector<16xf32>
        %swap3A_473 = arith.index_cast %scan3A_430 : i32 to index
        %swap3A_474 = arith.constant 80 : index
        %swap3A_475 = tpu.vector_load %arg12[%swap3A_473, %swap3A_474] {strides = array<i32>} : memref<80x128xf32, #tpu.memory_space<vmem>>, vector<16xf32>,
        tpu.vector_store %arg12[%swap3A_473, %swap3A_474], %mul3A_472 {strides = array<i32>} : memref<80x128xf32, #tpu.memory_space<vmem>>, vector<16xf32>,
        %get3A_476 = arith.index_cast %scan3A_430 : i32 to index
        %get3A_477 = arith.constant 96 : index
        %get3A_478 = tpu.vector_load %arg12[%get3A_476, %get3A_477] {strides = array<i32>} : memref<80x128xf32, #tpu.memory_space<vmem>>, vector<16xf32>,
        %mul3A_479 = arith.mulf %get3A_478, %gather3A_432 : vector<16xf32>
        %swap3A_480 = arith.index_cast %scan3A_430 : i32 to index
        %swap3A_481 = arith.constant 96 : index
        %swap3A_482 = tpu.vector_load %arg12[%swap3A_480, %swap3A_481] {strides = array<i32>} : memref<80x128xf32, #tpu.memory_space<vmem>>, vector<16xf32>,
        tpu.vector_store %arg12[%swap3A_480, %swap3A_481], %mul3A_479 {strides = array<i32>} : memref<80x128xf32, #tpu.memory_space<vmem>>, vector<16xf32>,
        %get3A_483 = arith.index_cast %scan3A_430 : i32 to index
        %get3A_484 = arith.constant 112 : index
        %get3A_485 = tpu.vector_load %arg12[%get3A_483, %get3A_484] {strides = array<i32>} : memref<80x128xf32, #tpu.memory_space<vmem>>, vector<16xf32>,
        %mul3A_486 = arith.mulf %get3A_485, %gather3A_432 : vector<16xf32>
        %swap3A_487 = arith.index_cast %scan3A_430 : i32 to index
        %swap3A_488 = arith.constant 112 : index
        %swap3A_489 = tpu.vector_load %arg12[%swap3A_487, %swap3A_488] {strides = array<i32>} : memref<80x128xf32, #tpu.memory_space<vmem>>, vector<16xf32>,
        tpu.vector_store %arg12[%swap3A_487, %swap3A_488], %mul3A_486 {strides = array<i32>} : memref<80x128xf32, #tpu.memory_space<vmem>>, vector<16xf32>,
        %scan3A_490 = arith.constant 0 : i32
        scf.yield %scan3A_490 : i32
      }
      %scan3A_214 = arith.constant 80 : i32
      %dma_start3A_215 = arith.constant 24 : i32
      %dma_start3A_216 = arith.constant 0 : i32
      %dma_start3A_217 = tpu.memref_slice %arg11[%dma_start3A_215, %dma_start3A_216] : memref<25x80xi32, #tpu.memory_space<vmem>> -> memref<1x80xi32, #tpu.memory_space<vmem>>
      %dma_start3A_218 = tpu.memref_squeeze %dma_start3A_217 : memref<1x80xi32, #tpu.memory_space<vmem>> -> memref<80xi32, #tpu.memory_space<vmem>>
      %dma_start3A_219 = arith.constant 0 : i32
      %dma_start3A_220 = arith.constant 0 : i32
      %dma_start3A_221 = tpu.memref_slice %arg28[%dma_start3A_219, %dma_start3A_220] : memref<10000x128xf32, #tpu.memory_space<vmem_shared>> -> memref<10000x128xf32, #tpu.memory_space<vmem_shared>>
      tpu.enqueue_indirect_dma source(%arg12 : memref<80x128xf32, #tpu.memory_space<vmem>>) target(%dma_start3A_221 : memref<10000x128xf32, #tpu.memory_space<vmem_shared>>) offsets(%dma_start3A_218 : memref<80xi32, #tpu.memory_space<vmem>>) semaphore(%arg25 : memref<!tpu.dma_semaphore, #tpu.memory_space<semaphore_mem>>) {add = true}
      %dma_wait3A_222 = arith.constant 0 : i32
      %dma_wait3A_223 = arith.constant 0 : i32
      %dma_wait3A_224 = tpu.memref_slice %arg11[%dma_wait3A_222, %dma_wait3A_223] : memref<25x80xi32, #tpu.memory_space<vmem>> -> memref<1x80xi32, #tpu.memory_space<vmem>>
      %dma_wait3A_225 = tpu.memref_squeeze %dma_wait3A_224 : memref<1x80xi32, #tpu.memory_space<vmem>> -> memref<80xi32, #tpu.memory_space<vmem>>
      %dma_wait3A_226 = arith.constant 0 : i32
      %dma_wait3A_227 = arith.constant 0 : i32
      %dma_wait3A_228 = tpu.memref_slice %arg28[%dma_wait3A_226, %dma_wait3A_227] : memref<10000x128xf32, #tpu.memory_space<vmem_shared>> -> memref<10000x128xf32, #tpu.memory_space<vmem_shared>>
      tpu.wait_indirect_dma semaphore(%arg25 : memref<!tpu.dma_semaphore, #tpu.memory_space<semaphore_mem>>) src(%arg12 : memref<80x128xf32, #tpu.memory_space<vmem>>) dst(%dma_wait3A_228 : memref<10000x128xf32, #tpu.memory_space<vmem_shared>>)
      %dma_wait3A_229 = arith.constant 0 : i32
      %dma_wait3A_230 = arith.constant 0 : i32
      %dma_wait3A_231 = tpu.memref_slice %arg11[%dma_wait3A_229, %dma_wait3A_230] : memref<25x80xi32, #tpu.memory_space<vmem>> -> memref<1x80xi32, #tpu.memory_space<vmem>>
      %dma_wait3A_232 = tpu.memref_squeeze %dma_wait3A_231 : memref<1x80xi32, #tpu.memory_space<vmem>> -> memref<80xi32, #tpu.memory_space<vmem>>
      %dma_wait3A_233 = arith.constant 0 : i32
      %dma_wait3A_234 = arith.constant 0 : i32
      %dma_wait3A_235 = tpu.memref_slice %arg28[%dma_wait3A_233, %dma_wait3A_234] : memref<10000x128xf32, #tpu.memory_space<vmem_shared>> -> memref<10000x128xf32, #tpu.memory_space<vmem_shared>>
      tpu.wait_indirect_dma semaphore(%arg26 : memref<!tpu.dma_semaphore, #tpu.memory_space<semaphore_mem>>) src(%arg15 : memref<80x128xf32, #tpu.memory_space<vmem>>) dst(%dma_wait3A_235 : memref<10000x128xf32, #tpu.memory_space<vmem_shared>>)
      %dma_wait3A_236 = arith.constant 0 : i32
      %dma_wait3A_237 = arith.constant 0 : i32
      %dma_wait3A_238 = tpu.memref_slice %arg11[%dma_wait3A_236, %dma_wait3A_237] : memref<25x80xi32, #tpu.memory_space<vmem>> -> memref<1x80xi32, #tpu.memory_space<vmem>>
      %dma_wait3A_239 = tpu.memref_squeeze %dma_wait3A_238 : memref<1x80xi32, #tpu.memory_space<vmem>> -> memref<80xi32, #tpu.memory_space<vmem>>
      %dma_wait3A_240 = arith.constant 0 : i32
      %dma_wait3A_241 = arith.constant 0 : i32
      %dma_wait3A_242 = tpu.memref_slice %arg28[%dma_wait3A_240, %dma_wait3A_241] : memref<10000x128xf32, #tpu.memory_space<vmem_shared>> -> memref<10000x128xf32, #tpu.memory_space<vmem_shared>>
      tpu.wait_indirect_dma semaphore(%arg27 : memref<!tpu.dma_semaphore, #tpu.memory_space<semaphore_mem>>) src(%arg18 : memref<80x128xf32, #tpu.memory_space<vmem>>) dst(%dma_wait3A_242 : memref<10000x128xf32, #tpu.memory_space<vmem_shared>>)
      %scan3A_243 = arith.constant 0 : i32
      scf.yield %scan3A_243 : i32
    }
    %scan3A_58 = arith.constant 5 : i32
    %barrier3A_59 = arith.constant 0 : index
    tpu.barrier barrier_id(%barrier3A_59)
    %mul3A_60 = arith.constant 624 : i32
    %mul3A_61 = arith.muli %arg1, %mul3A_60 : i32
    "tpu.region"() ({
      %run_scoped3A = tpu.sem_alloc : memref<!tpu.dma_semaphore, #tpu.memory_space<semaphore_mem>>
      %dma_start3A = arith.constant 0 : i32
      %dma_start3A_69 = tpu.memref_slice %arg7[%arg0, %mul3A_61, %dma_start3A] : memref<2x10000x128xf32, #tpu.memory_space<hbm>> -> memref<1x624x128xf32, #tpu.memory_space<hbm>>
      %dma_start3A_70 = tpu.memref_squeeze %dma_start3A_69 : memref<1x624x128xf32, #tpu.memory_space<hbm>> -> memref<624x128xf32, #tpu.memory_space<hbm>>
      %dma_start3A_71 = arith.constant 0 : i32
      %dma_start3A_72 = tpu.memref_slice %arg28[%mul3A_61, %dma_start3A_71] : memref<10000x128xf32, #tpu.memory_space<vmem_shared>> -> memref<624x128xf32, #tpu.memory_space<vmem_shared>>
      tpu.enqueue_dma source(%dma_start3A_72 : memref<624x128xf32, #tpu.memory_space<vmem_shared>>) target(%dma_start3A_70 : memref<624x128xf32, #tpu.memory_space<hbm>>) target_semaphore(%run_scoped3A : memref<!tpu.dma_semaphore, #tpu.memory_space<semaphore_mem>>)
      %dma_wait3A = arith.constant 0 : i32
      %dma_wait3A_73 = tpu.memref_slice %arg7[%arg0, %mul3A_61, %dma_wait3A] : memref<2x10000x128xf32, #tpu.memory_space<hbm>> -> memref<1x624x128xf32, #tpu.memory_space<hbm>>
      %dma_wait3A_74 = tpu.memref_squeeze %dma_wait3A_73 : memref<1x624x128xf32, #tpu.memory_space<hbm>> -> memref<624x128xf32, #tpu.memory_space<hbm>>
      %dma_wait3A_75 = arith.constant 0 : i32
      %dma_wait3A_76 = tpu.memref_slice %arg28[%mul3A_61, %dma_wait3A_75] : memref<10000x128xf32, #tpu.memory_space<vmem_shared>> -> memref<624x128xf32, #tpu.memory_space<vmem_shared>>
      tpu.wait_dma2 semaphore(%run_scoped3A : memref<!tpu.dma_semaphore, #tpu.memory_space<semaphore_mem>>) src(%dma_wait3A_76 : memref<624x128xf32, #tpu.memory_space<vmem_shared>>) dst(%dma_wait3A_74 : memref<624x128xf32, #tpu.memory_space<hbm>>)
      tpu.yield
    }) : () -> ()
    %eq3A_62 = arith.constant 15 : i32
    %eq3A_63 = arith.cmpi eq, %arg1, %eq3A_62 : i32
    %convert_element_type3A_64 = arith.extui %eq3A_63 : i1 to i32
    %cond3A_65 = arith.constant 0 : i32
    %cond3A_66 = arith.cmpi ne, %convert_element_type3A_64, %cond3A_65 : i32
    scf.if %cond3A_66 {
      "tpu.region"() ({
        %run_scoped3A = tpu.sem_alloc : memref<!tpu.dma_semaphore, #tpu.memory_space<semaphore_mem>>
        %dma_start3A = arith.constant 9984 : i32
        %dma_start3A_69 = arith.constant 0 : i32
        %dma_start3A_70 = tpu.memref_slice %arg7[%arg0, %dma_start3A, %dma_start3A_69] : memref<2x10000x128xf32, #tpu.memory_space<hbm>> -> memref<1x16x128xf32, #tpu.memory_space<hbm>>
        %dma_start3A_71 = tpu.memref_squeeze %dma_start3A_70 : memref<1x16x128xf32, #tpu.memory_space<hbm>> -> memref<16x128xf32, #tpu.memory_space<hbm>>
        %dma_start3A_72 = arith.constant 9984 : i32
        %dma_start3A_73 = arith.constant 0 : i32
        %dma_start3A_74 = tpu.memref_slice %arg28[%dma_start3A_72, %dma_start3A_73] : memref<10000x128xf32, #tpu.memory_space<vmem_shared>> -> memref<16x128xf32, #tpu.memory_space<vmem_shared>>
        tpu.enqueue_dma source(%dma_start3A_74 : memref<16x128xf32, #tpu.memory_space<vmem_shared>>) target(%dma_start3A_71 : memref<16x128xf32, #tpu.memory_space<hbm>>) target_semaphore(%run_scoped3A : memref<!tpu.dma_semaphore, #tpu.memory_space<semaphore_mem>>)
        %dma_wait3A = arith.constant 9984 : i32
        %dma_wait3A_75 = arith.constant 0 : i32
        %dma_wait3A_76 = tpu.memref_slice %arg7[%arg0, %dma_wait3A, %dma_wait3A_75] : memref<2x10000x128xf32, #tpu.memory_space<hbm>> -> memref<1x16x128xf32, #tpu.memory_space<hbm>>
        %dma_wait3A_77 = tpu.memref_squeeze %dma_wait3A_76 : memref<1x16x128xf32, #tpu.memory_space<hbm>> -> memref<16x128xf32, #tpu.memory_space<hbm>>
        %dma_wait3A_78 = arith.constant 9984 : i32
        %dma_wait3A_79 = arith.constant 0 : i32
        %dma_wait3A_80 = tpu.memref_slice %arg28[%dma_wait3A_78, %dma_wait3A_79] : memref<10000x128xf32, #tpu.memory_space<vmem_shared>> -> memref<16x128xf32, #tpu.memory_space<vmem_shared>>
        tpu.wait_dma2 semaphore(%run_scoped3A : memref<!tpu.dma_semaphore, #tpu.memory_space<semaphore_mem>>) src(%dma_wait3A_80 : memref<16x128xf32, #tpu.memory_space<vmem_shared>>) dst(%dma_wait3A_77 : memref<16x128xf32, #tpu.memory_space<hbm>>)
        tpu.yield
      }) : () -> ()
    } else {
    }
    %mul3A_67 = arith.constant 10000 : i32
    %mul3A_68 = arith.muli %add3A, %mul3A_67 : i32
    %multiple_of3A = tpu.assume_multiple %mul3A_68, 8 : i32
    "tpu.region"() ({
      %run_scoped3A = tpu.sem_alloc : memref<!tpu.dma_semaphore, #tpu.memory_space<semaphore_mem>>
      %dma_start3A = arith.constant 0 : i32
      %dma_start3A_69 = tpu.memref_slice %arg9[%dma_start3A] : memref<10000xf32, #tpu.memory_space<vmem>> -> memref<10000xf32, #tpu.memory_space<vmem>>
      %dma_start3A_70 = tpu.memref_slice %arg8[%multiple_of3A] : memref<320000xf32, #tpu.memory_space<hbm>> -> memref<10000xf32, #tpu.memory_space<hbm>>
      %dma_start3A_71 = tpu.memref_slice %arg8[%multiple_of3A] : memref<320000xf32, #tpu.memory_space<hbm>> -> memref<10000xf32, #tpu.memory_space<hbm>>
      %dma_start3A_72 = arith.constant 0 : i32
      %dma_start3A_73 = tpu.memref_slice %arg9[%dma_start3A_72] : memref<10000xf32, #tpu.memory_space<vmem>> -> memref<10000xf32, #tpu.memory_space<vmem>>
      tpu.enqueue_dma source(%dma_start3A_73 : memref<10000xf32, #tpu.memory_space<vmem>>) target(%dma_start3A_71 : memref<10000xf32, #tpu.memory_space<hbm>>) target_semaphore(%run_scoped3A : memref<!tpu.dma_semaphore, #tpu.memory_space<semaphore_mem>>)
      %dma_wait3A = arith.constant 0 : i32
      %dma_wait3A_74 = tpu.memref_slice %arg9[%dma_wait3A] : memref<10000xf32, #tpu.memory_space<vmem>> -> memref<10000xf32, #tpu.memory_space<vmem>>
      %dma_wait3A_75 = tpu.memref_slice %arg8[%multiple_of3A] : memref<320000xf32, #tpu.memory_space<hbm>> -> memref<10000xf32, #tpu.memory_space<hbm>>
      %dma_wait3A_76 = tpu.memref_slice %arg8[%multiple_of3A] : memref<320000xf32, #tpu.memory_space<hbm>> -> memref<10000xf32, #tpu.memory_space<hbm>>
      %dma_wait3A_77 = arith.constant 0 : i32
      %dma_wait3A_78 = tpu.memref_slice %arg9[%dma_wait3A_77] : memref<10000xf32, #tpu.memory_space<vmem>> -> memref<10000xf32, #tpu.memory_space<vmem>>
      tpu.wait_dma2 semaphore(%run_scoped3A : memref<!tpu.dma_semaphore, #tpu.memory_space<semaphore_mem>>) src(%dma_wait3A_78 : memref<10000xf32, #tpu.memory_space<vmem>>) dst(%dma_wait3A_76 : memref<10000xf32, #tpu.memory_space<hbm>>)
      tpu.yield
    }) : () -> ()
    return
  }
}

module attributes {stable_mosaic.version = 14 : i64} {
  func.func @_mm_body(%arg0: i32, %arg1: memref<1000x128xf32, #tpu.memory_space<vmem>>, %arg2: memref<128x128xf32, #tpu.memory_space<vmem>>, %arg3: memref<8x128xf32, #tpu.memory_space<vmem>>, %arg4: memref<1000x128xf32, #tpu.memory_space<vmem>>, %arg5: memref<1000x8xf32, #tpu.memory_space<vmem>>) attributes {dimension_semantics = [#tpu.dimension_semantics<arbitrary>], iteration_bounds = array<i64: 10>, scalar_prefetch = 0 : i64, scratch_operands = 0 : i64, tpu.core_type = #tpu.core_type<tc>, window_params = [{transform_indices = @transform_0, window_bounds = array<i64: 1000, 128>}, {pipeline_mode = #tpu.pipeline_mode<synchronous>, transform_indices = @transform_1, window_bounds = array<i64: 128, 128>}, {pipeline_mode = #tpu.pipeline_mode<synchronous>, transform_indices = @transform_2, window_bounds = array<i64: 8, 128>}, {transform_indices = @transform_3, window_bounds = array<i64: 1000, 128>}, {transform_indices = @transform_4, window_bounds = array<i64: 1000, 8>}]} {
    %get3A = arith.constant 0 : index
    %get3A_0 = arith.constant 0 : index
    %get3A_1 = vector.load %arg1[%get3A, %get3A_0] : memref<1000x128xf32, #tpu.memory_space<vmem>>, vector<1000x128xf32>
    %get3A_2 = arith.constant 0 : index
    %get3A_3 = arith.constant 0 : index
    %get3A_4 = vector.load %arg2[%get3A_2, %get3A_3] : memref<128x128xf32, #tpu.memory_space<vmem>>, vector<128x128xf32>
    %dot_general3A = arith.constant dense<0.000000e+00> : vector<1000x128xf32>
    %dot_general3A_5 = tpu.matmul %get3A_1, %get3A_4, %dot_general3A {dimension_numbers = #tpu.dot_dimension_numbers<[1], [1], [0], [0], [0, 0, 1, 0], [], []>, transpose_lhs_hint = false} : vector<1000x128xf32>, vector<128x128xf32>, vector<1000x128xf32> -> vector<1000x128xf32>
    %swap3A = arith.constant 0 : index
    %swap3A_6 = arith.constant 0 : index
    %swap3A_7 = vector.load %arg4[%swap3A, %swap3A_6] : memref<1000x128xf32, #tpu.memory_space<vmem>>, vector<1000x128xf32>
    tpu.vector_store %arg4[%swap3A, %swap3A_6], %dot_general3A_5 {strides = array<i32>} : memref<1000x128xf32, #tpu.memory_space<vmem>>, vector<1000x128xf32>,
    %get3A_8 = arith.constant 0 : index
    %get3A_9 = arith.constant 0 : index
    %get3A_10 = vector.load %arg3[%get3A_8, %get3A_9] : memref<8x128xf32, #tpu.memory_space<vmem>>, vector<8x128xf32>
    %dot_general3A_11 = arith.constant dense<0.000000e+00> : vector<1000x8xf32>
    %dot_general3A_12 = tpu.matmul %dot_general3A_5, %get3A_10, %dot_general3A_11 {dimension_numbers = #tpu.dot_dimension_numbers<[1], [1], [0], [0], [0, 0, 1, 0], [], []>, transpose_lhs_hint = false} : vector<1000x128xf32>, vector<8x128xf32>, vector<1000x8xf32> -> vector<1000x8xf32>
    %swap3A_13 = arith.constant 0 : index
    %swap3A_14 = arith.constant 0 : index
    %swap3A_15 = vector.load %arg5[%swap3A_13, %swap3A_14] : memref<1000x8xf32, #tpu.memory_space<vmem>>, vector<1000x8xf32>
    tpu.vector_store %arg5[%swap3A_13, %swap3A_14], %dot_general3A_12 {strides = array<i32>} : memref<1000x8xf32, #tpu.memory_space<vmem>>, vector<1000x8xf32>,
    return
  }
  func.func @transform_0(%arg0: i32) -> (i32, i32) {
    %c0_i32 = arith.constant 0 : i32
    %c0_i32_0 = arith.constant 0 : i32
    return %arg0, %c0_i32 : i32, i32
  }
  func.func @transform_1(%arg0: i32) -> (i32, i32) {
    %c0_i32 = arith.constant 0 : i32
    %c0_i32_0 = arith.constant 0 : i32
    %c0_i32_1 = arith.constant 0 : i32
    return %c0_i32, %c0_i32_0 : i32, i32
  }
  func.func @transform_2(%arg0: i32) -> (i32, i32) {
    %c0_i32 = arith.constant 0 : i32
    %c0_i32_0 = arith.constant 0 : i32
    %c0_i32_1 = arith.constant 0 : i32
    return %c0_i32, %c0_i32_0 : i32, i32
  }
  func.func @transform_3(%arg0: i32) -> (i32, i32) {
    %c0_i32 = arith.constant 0 : i32
    %c0_i32_0 = arith.constant 0 : i32
    return %arg0, %c0_i32 : i32, i32
  }
  func.func @transform_4(%arg0: i32) -> (i32, i32) {
    %c0_i32 = arith.constant 0 : i32
    %c0_i32_0 = arith.constant 0 : i32
    return %arg0, %c0_i32 : i32, i32
  }
}

module attributes {stable_mosaic.version = 14 : i64} {
  func.func @_epi_body(%arg0: i32, %arg1: memref<2x1000x128xf32, #tpu.memory_space<vmem>>, %arg2: memref<1000x32xf32, #tpu.memory_space<vmem>>, %arg3: memref<1000x128xf32, #tpu.memory_space<vmem>>, %arg4: memref<1x128xf32, #tpu.memory_space<vmem>>, %arg5: memref<1000x128xf32, #tpu.memory_space<vmem>>) attributes {dimension_semantics = [#tpu.dimension_semantics<arbitrary>], iteration_bounds = array<i64: 10>, scalar_prefetch = 0 : i64, scratch_operands = 0 : i64, tpu.core_type = #tpu.core_type<tc>, window_params = [{transform_indices = @transform_0, window_bounds = array<i64: 2, 1000, 128>}, {transform_indices = @transform_1, window_bounds = array<i64: 1000, 32>}, {transform_indices = @transform_2, window_bounds = array<i64: 1000, 128>}, {pipeline_mode = #tpu.pipeline_mode<synchronous>, transform_indices = @transform_3, window_bounds = array<i64: 1, 128>}, {transform_indices = @transform_4, window_bounds = array<i64: 1000, 128>}]} {
    %get3A = arith.constant 0 : index
    %get3A_0 = arith.constant 0 : index
    %get3A_1 = arith.constant 0 : index
    %get3A_2 = vector.load %arg1[%get3A, %get3A_0, %get3A_1] : memref<2x1000x128xf32, #tpu.memory_space<vmem>>, vector<1x1000x128xf32>
    %get3A_3 = vector.shape_cast %get3A_2 : vector<1x1000x128xf32> to vector<1000x128xf32>
    %get3A_4 = arith.constant 1 : index
    %get3A_5 = arith.constant 0 : index
    %get3A_6 = arith.constant 0 : index
    %get3A_7 = vector.load %arg1[%get3A_4, %get3A_5, %get3A_6] : memref<2x1000x128xf32, #tpu.memory_space<vmem>>, vector<1x1000x128xf32>
    %get3A_8 = vector.shape_cast %get3A_7 : vector<1x1000x128xf32> to vector<1000x128xf32>
    %add3A = arith.addf %get3A_3, %get3A_8 : vector<1000x128xf32>
    %get3A_9 = arith.constant 0 : index
    %get3A_10 = arith.constant 0 : index
    %get3A_11 = vector.load %arg2[%get3A_9, %get3A_10] : memref<1000x32xf32, #tpu.memory_space<vmem>>, vector<1000x32xf32>
    %reduce_sum3A = arith.constant dense<0.000000e+00> : vector<1000xf32>
    %reduce_sum3A_12 = vector.multi_reduction <add>, %get3A_11, %reduce_sum3A [1] : vector<1000x32xf32> to vector<1000xf32>
    %max3A = arith.constant 9.99999971E-10 : f32
    %max3A_13 = vector.broadcast %max3A : f32 to vector<1000xf32>
    %max3A_14 = arith.maximumf %reduce_sum3A_12, %max3A_13 : vector<1000xf32>
    %broadcast_in_dim3A = vector.shape_cast %max3A_14 : vector<1000xf32> to vector<1000x1xf32>
    %div3A = vector.broadcast %broadcast_in_dim3A : vector<1000x1xf32> to vector<1000x128xf32>
    %div3A_15 = arith.divf %add3A, %div3A : vector<1000x128xf32>
    %get3A_16 = arith.constant 0 : index
    %get3A_17 = arith.constant 0 : index
    %get3A_18 = vector.load %arg3[%get3A_16, %get3A_17] : memref<1000x128xf32, #tpu.memory_space<vmem>>, vector<1000x128xf32>
    %add3A_19 = arith.addf %div3A_15, %get3A_18 : vector<1000x128xf32>
    %get3A_20 = arith.constant 0 : index
    %get3A_21 = arith.constant 0 : index
    %get3A_22 = vector.load %arg4[%get3A_20, %get3A_21] : memref<1x128xf32, #tpu.memory_space<vmem>>, vector<1x128xf32>
    %add3A_23 = vector.broadcast %get3A_22 : vector<1x128xf32> to vector<1000x128xf32>
    %add3A_24 = arith.addf %add3A_19, %add3A_23 : vector<1000x128xf32>
    %max3A_25 = arith.constant 0.000000e+00 : f32
    %max3A_26 = vector.broadcast %max3A_25 : f32 to vector<1000x128xf32>
    %max3A_27 = arith.maximumf %add3A_24, %max3A_26 : vector<1000x128xf32>
    %swap3A = arith.constant 0 : index
    %swap3A_28 = arith.constant 0 : index
    %swap3A_29 = vector.load %arg5[%swap3A, %swap3A_28] : memref<1000x128xf32, #tpu.memory_space<vmem>>, vector<1000x128xf32>
    tpu.vector_store %arg5[%swap3A, %swap3A_28], %max3A_27 {strides = array<i32>} : memref<1000x128xf32, #tpu.memory_space<vmem>>, vector<1000x128xf32>,
    return
  }
  func.func @transform_0(%arg0: i32) -> (i32, i32, i32) {
    %c0_i32 = arith.constant 0 : i32
    %c0_i32_0 = arith.constant 0 : i32
    %c0_i32_1 = arith.constant 0 : i32
    return %c0_i32, %arg0, %c0_i32_0 : i32, i32, i32
  }
  func.func @transform_1(%arg0: i32) -> (i32, i32) {
    %c0_i32 = arith.constant 0 : i32
    %c0_i32_0 = arith.constant 0 : i32
    return %arg0, %c0_i32 : i32, i32
  }
  func.func @transform_2(%arg0: i32) -> (i32, i32) {
    %c0_i32 = arith.constant 0 : i32
    %c0_i32_0 = arith.constant 0 : i32
    return %arg0, %c0_i32 : i32, i32
  }
  func.func @transform_3(%arg0: i32) -> (i32, i32) {
    %c0_i32 = arith.constant 0 : i32
    %c0_i32_0 = arith.constant 0 : i32
    %c0_i32_1 = arith.constant 0 : i32
    return %c0_i32, %c0_i32_0 : i32, i32
  }
  func.func @transform_4(%arg0: i32) -> (i32, i32) {
    %c0_i32 = arith.constant 0 : i32
    %c0_i32_0 = arith.constant 0 : i32
    return %arg0, %c0_i32 : i32, i32
  }
}

</mosaic_0001>

<sc_bundles>
// kernel: kernel.5.cloned.1.call-start
scs
__scs_entry_jumppad:
0x0: {  	(pc) =	sbr.rel $0x88, $3  }
0x1: {  	(tag) =	ssettag $0x0;
	lr =	simm.s32 $0x1  }
0x2: {  	[smem:$0x3F9C] =	sst lr;
	_ =	strace $0xD0000000  }
0x3: {  	_ = 	snop  }
0x4: {  	_ = 	snop  }
0x5: {  	_ = 	snop  }
0x6: {  	_ = 	snop  }
0x7: {  	_ = 	snop  }
__scs_overlays_trampoline_lowered:
0x8: {  	[smem:$0x3FAB] =	sst s0  }
0x9: {  	[smem:$0x3FAC] =	sst s1  }
0xa: {  	[smem:$0x3FAD] =	sst s2  }
0xb: {  	[smem:$0x3FAE] =	sst s3  }
0xc: {  	[smem:$0x3FAF] =	sst s4  }
0xd: {  	[smem:$0x3FB0] =	sst s5  }
0xe: {  	[smem:$0x3FB1] =	sst s6  }
0xf: {  	[smem:$0x3FB2] =	sst s7  }
0x10: {  	[smem:$0x3FB3] =	sst s8  }
0x11: {  	[smem:$0x3FB4] =	sst s9;
	s0 =	simm.s32 @!p0 $0x0  }
0x12: {  	s1 =	sld [smem:$0x3F9A];
	s0 =	simm.s32 @p0 $0x1  }
0x13: {  	[smem:$0x3FB5] =	sst s0;
	s0 =	simm.s32 @!p1 $0x0  }
0x14: {  	s2 =	sld [smem:$0x3F99];
	s0 =	simm.s32 @p1 $0x1  }
0x15: {  	[smem:$0x3FB6] =	sst s0;
	s0 =	simm.s32 @!p2 $0x0  }
0x16: {  	s3 =	sld [smem:$0x3FDB];
	s0 =	simm.s32 @p2 $0x1  }
0x17: {  	s4 =	simm.s32 $0x1BF5;
	[smem:$0x3FB8] =	sst s0  }
0x18: {  	s0 =	sld [smem:$0x3F9B];
	_ =	swait.ge [sflag:s4], $0x0  }
0x19: {  	s7 =	sld [smem:$0x3F9C]  }
0x1a: {  	s8 =	sadd.s32 $0xFFFFE003, lr  }
0x1b: {  	s9 =	sadd.s32 $0xFFFFFEF7, lr;
	s5 =	simm.s32 $0xFFFFFFFF;
	p2 =	slt.u32 s8, $0xFFFFF086  }
0x1c: {  	p1 =	slt.u32 s9, $0xF7A;
	s5 =	simm.s32 @!p2 $0x0  }
0x1d: {  	s5 =	simm.s32 @p1 $0x1;
	p0 =	seq.s32 s7, s2  }
0x1e: {  	s7 =	smul.u32 @!p0 $0xF7A, s2;
	p2 =	seq.s32 @!p0 s5, $0x0  }
0x1f: {  	s9 =	smul.u32 $0xF7A, s1;
	s8 =	simm.s32 @!p0 $0x1BF5;
	p2 =	por !p2, p0  }
0x20: {  	[sflag:s8] =	ssyncset.s32 @!p0 $0xFFFFF086;
	s6 =	sadd.s32 @!p0 s3, s7;
	s7 =	simm.s32 @!p0 $0x108  }
0x21: {  	s3 =	sadd.s32 s3, s9;
	s6 =	sadd.s32 @!p0 $0x88, s6;
	s7 =	simm.s32 @p2 $0x1082  }
0x22: {  	[simem:s7], [sflag:s8] =	dma.local @!p0 [hbm:s6], $0xF7A  }
0x23: {  	s9 =	sor.u32 $0xD0000000, s2;
	s6 =	simm.s32 $0x108;
	_ =	swait.ge @!p0 [sflag:s8], $0x0  }
0x24: {  	s3 =	sadd.s32 $0x88, s3;
	s6 =	simm.s32 @!p1 $0x1082;
	[sflag:s4] =	ssyncset.s32 $0xFFFFF086  }
0x25: {  	[simem:s6], [sflag:s4] =	dma.local [hbm:s3], $0xF7A  }
0x26: {  	[smem:$0x3F9C] =	sst s1;
	(tag) =	ssettag s2;
	_ =	strace s9  }
0x27: {  	s1 =	sld [smem:$0x3FAC]  }
0x28: {  	s2 =	sld [smem:$0x3FAD]  }
0x29: {  	s4 =	sld [smem:$0x3FAF]  }
0x2a: {  	p0 =	seq.s32 s5, $0x0;
	s5 =	sld [smem:$0x3FB0]  }
0x2b: {  	s6 =	sld [smem:$0x3FB1]  }
0x2c: {  	s7 =	sld [smem:$0x3FB2]  }
0x2d: {  	s3 =	simm.s32 $0x108;
	s8 =	sld [smem:$0x3FB3]  }
0x2e: {  	s3 =	simm.s32 @!p0 $0x1082;
	s9 =	sld [smem:$0x3FB4]  }
0x2f: {  	lr =	sadd.s32 s0, s3;
	s0 =	sld [smem:$0x3FAB]  }
0x30: {  	s3 =	sld [smem:$0x3FAE]  }
0x31: {  	[smem:$0x3FB7] =	sst s10  }
0x32: {  	s10 =	sld [smem:$0x3FB5];
	_ =	sdelay $0x3  }
0x33: {  	p0 =	seq.s32 s10, $0x1;
	s10 =	sld [smem:$0x3FB7];
	_ =	sdelay $0x3  }
0x34: {  	[smem:$0x3FB7] =	sst s10  }
0x35: {  	s10 =	sld [smem:$0x3FB6];
	_ =	sdelay $0x3  }
0x36: {  	p1 =	seq.s32 s10, $0x1;
	s10 =	sld [smem:$0x3FB7];
	_ =	sdelay $0x3  }
0x37: {  	[smem:$0x3FB7] =	sst s10  }
0x38: {  	s10 =	sld [smem:$0x3FB8]  }
0x39: {  	_ = 	snop;
	(pc) =	sbr.ind lr, $3  }
0x3a: {  	_ = 	snop  }
0x3b: {  	_ = 	snop  }
0x3c: {  	p2 =	seq.s32 s10, $0x1;
	s10 =	sld [smem:$0x3FB7]  }
0x3d: {  	_ =	shalt  }
0x3e: {  	_ =	shalt  }
0x3f: {  	_ =	shalt  }
0x40: {  	_ =	shalt  }
0x41: {  	_ =	shalt  }
0x42: {  	_ =	shalt  }
0x43: {  	_ =	shalt  }
0x44: {  	_ =	shalt  }
0x45: {  	_ =	shalt  }
0x46: {  	_ =	shalt  }
0x47: {  	_ =	shalt  }
0x48: {  	_ =	shalt  }
0x49: {  	_ =	shalt  }
0x4a: {  	_ =	shalt  }
0x4b: {  	_ =	shalt  }
0x4c: {  	_ =	shalt  }
0x4d: {  	_ =	shalt  }
0x4e: {  	_ =	shalt  }
0x4f: {  	_ =	shalt  }
0x50: {  	_ =	shalt  }
0x51: {  	_ =	shalt  }
0x52: {  	_ =	shalt  }
0x53: {  	_ =	shalt  }
0x54: {  	_ =	shalt  }
0x55: {  	_ =	shalt  }
0x56: {  	_ =	shalt  }
0x57: {  	_ =	shalt  }
0x58: {  	_ =	shalt  }
0x59: {  	_ =	shalt  }
0x5a: {  	_ =	shalt  }
0x5b: {  	_ =	shalt  }
0x5c: {  	_ =	shalt  }
0x5d: {  	_ =	shalt  }
0x5e: {  	_ =	shalt  }
0x5f: {  	_ =	shalt  }
0x60: {  	_ =	shalt  }
0x61: {  	_ =	shalt  }
0x62: {  	_ =	shalt  }
0x63: {  	_ =	shalt  }
0x64: {  	_ =	shalt  }
0x65: {  	_ =	shalt  }
0x66: {  	_ =	shalt  }
0x67: {  	_ =	shalt  }
0x68: {  	_ =	shalt  }
0x69: {  	_ =	shalt  }
0x6a: {  	_ =	shalt  }
0x6b: {  	_ =	shalt  }
0x6c: {  	_ =	shalt  }
0x6d: {  	_ =	shalt  }
0x6e: {  	_ =	shalt  }
0x6f: {  	_ =	shalt  }
0x70: {  	_ =	shalt  }
0x71: {  	_ =	shalt  }
0x72: {  	_ =	shalt  }
0x73: {  	_ =	shalt  }
0x74: {  	_ =	shalt  }
0x75: {  	_ =	shalt  }
0x76: {  	_ =	shalt  }
0x77: {  	_ =	shalt  }
0x78: {  	_ =	shalt  }
0x79: {  	_ =	shalt  }
0x7a: {  	_ =	shalt  }
0x7b: {  	_ =	shalt  }
0x7c: {  	_ =	shalt  }
0x7d: {  	_ =	shalt  }
0x7e: {  	_ =	shalt  }
0x7f: {  	_ =	shalt  }
0x80: {  	_ =	shalt  }
0x81: {  	_ =	shalt  }
0x82: {  	_ =	shalt  }
0x83: {  	_ =	shalt  }
0x84: {  	_ =	shalt  }
0x85: {  	_ =	shalt  }
0x86: {  	_ =	shalt  }
0x87: {  	_ =	shalt  }
.Lfunc_end0:
.L_simem_size_0:
called_computation_lowered:
.L_overlay_start_0:
0x88: {  	s2 =	sld [smem:$0x3FD9]  }
0x89: {  	s3 =	sld [smem:$0x3FFE];
	_ =	sdelay $0x1  }
0x8a: {  	s1 =	srdreg.scid  }
0x8b: {  	s0 =	sand.u32 $0x1, s1  }
0x8c: {  	s17 =	sshll.u32 s0, $0xA;
	s2 =	sadd.s32 s3, s2  }
0x8d: {  	s2 =	sadd.s32 s2, s17  }
0x8e: {  	[smem:$0x3FC3] =	sst s2  }
0x8f: {  	_ = 	snop  }
0x90: {  	s2 =	sld [smem:$0x3FD0];
	(tm) =	ssettm $0x1  }
0x91: {  	s18 =	sld [smem:$0x3FFB];
	_ =	sdelay $0x3  }
0x92: {  	_ =	strace s18  }
0x93: {  	s3 =	sld [smem:$0x3FFC];
	_ =	sdelay $0x3  }
0x94: {  	_ =	strace s3  }
0x95: {  	s3 =	sld [smem:$0x3FFD];
	_ =	sdelay $0x3  }
0x96: {  	_ =	strace s3  }
0x97: {  	_ =	strace $0x8FFFFFFF  }
0x98: {  	s19 =	sld [smem:$0x3FDB];
	_ =	sdelay $0x1  }
0x99: {  	s4 =	simm.s32 $_scs_section_size  }
0x9a: {  	s5 =	simm.s32 $_size__tile_overlayer_lowered;
	s6 =	simm.s32 $_tile_overlayer_lowered  }
0x9b: {  	s22 =	simm.s32 $0x1BFF;
	s21 =	sshll.u32 s6, $0x1;
	s3 =	sadd.s32 s4, s19  }
0x9c: {  	s7 =	simm.s32 $0x0;
	s20 =	sshll.u32 s5, $0x1;
	s5 =	sadd.s32 s21, s3  }
0x9d: {  	[timem:s7], [sflag:s22] =	dma.local [hbm:s5], s20  }
0x9e: {  	_ =	swait.ge [sflag:s22], s20  }
0x9f: {  	s4 =	ssub.s32 $0x0, s20;
	[sflag:s22] =	ssyncset.done $0x0  }
0xa0: {  	[sflag:s22] =	ssyncadd.s32 s4;
	_ =	sdelay $0x1  }
0xa1: {  	s23 =	simm.s32 $0x1B8B  }
0xa2: {  	_ =	swait.ge [sflag:s23], $0x1  }
0xa3: {  	[sflag:s23] =	ssyncset.done $0x0  }
0xa4: {  	s25 =	simm.s32 $0x1B8E;
	s24 =	sld [smem:$0x3FFE];
	[sflag:s23] =	ssyncadd.s32 $0xFFFFFFFF  }
0xa5: {  	s26 =	simm.s32 $execute0_lowered;
	[smem:$0x3FD2] =	sst s25  }
0xa6: {  	s5 =	sshll.u32 s26, $0x1;
	_ =	strace $0x80000046;
	[dreg:$0x1] =	wrdreg $0xFFFFFFFF  }
0xa7: {  	s28 =	simm.s32 $_size_execute0_lowered;
	s3 =	sadd.s32 s3, s5;
	[dreg:$0x0] =	wrdreg $0x0  }
0xa8: {  	s5 =	sshll.u32 s28, $0x1;
	[dreg:$0x2] =	wrdreg s3  }
0xa9: {  	[dreg:$0x3] =	wrdreg s5  }
0xaa: {  	[dreg:$0x4] =	wrdreg $0xC0  }
0xab: {  	_ =	task [dreg:s7], $0x5FFFF  }
0xac: {  	[dreg:$0x1] =	wrdreg $0xFFFFFFFF  }
0xad: {  	[dreg:$0x0] =	wrdreg $0x60  }
0xae: {  	[dreg:$0x2] =	wrdreg s24  }
0xaf: {  	[dreg:$0x3] =	wrdreg s2  }
0xb0: {  	[dreg:$0x4] =	wrdreg $0xC3000  }
0xb1: {  	[dreg:$0x5] =	wrdreg $0x9  }
0xb2: {  	_ =	task.clear_ibuf [dreg:s7], $0x6FFFF;
	_ =	strace $0x90000046  }
0xb3: {  	s29 =	simm.s32 $0x9;
	_ =	strace $0x80000048  }
0xb4: {  	_ =	swait.ge [sflag:s29], $0x1  }
0xb5: {  	[sflag:s29] =	ssyncadd.s32 $0xFFFFFFFF  }
0xb6: {  	_ =	strace $0x90000048  }
0xb7: {  	_ =	sfence  }
0xb8: {  	s30 =	sld [smem:$0x0];
	_ =	sdelay $0x2  }
0xb9: {  	s31 =	sshll.u32 s1, $0xD;
	s1 =	sshrl.u32 s1, $0x2  }
0xba: {  	s3 =	sand.u32 $0x4000, s31;
	s1 =	sadd.s32 s1, s30  }
0xbb: {  	s0 =	sor.u32 s3, s0;
	s1 =	sshll.u32 s1, $0x11  }
0xbc: {  	s0 =	sor.u32 s1, s0  }
0xbd: {  	s0 =	sadd.s32 $0x8F2B, s0  }
0xbe: {  	[sflag:s0] =	ssyncadd.remote.s32 $0x1  }
0xbf: {  	_ =	sfence.sel $0xFFFF  }
0xc0: {  	[dreg:$0x0] =	wrdreg $0xFFFFFFFF;
	(pc) =	sbr.abs _section_cstart, $3  }
0xc1: {  	[dreg:$0x1] =	wrdreg $0xFFFFFFFF  }
0xc2: {  	_ =	task.clear_ibuf [dreg:s7], $0x2FFFF;
	_ =	strace $0x9FFFFFFF  }
0xc3: {  	(tm) =	ssettm $0x7FFFFFFF  }
tec
execute0_lowered:
.L_overlay_start_1:
0x0: {  	(tag) =	ssettag $0x1  }
0x1: {  	s0 =	rddreg [dreg:$0x0]  }
0x2: {  	s1 =	rddreg [dreg:$0x1]  }
0x3: {  	s2 =	rddreg [dreg:$0x2];
	s3 =	srdreg.scid;
	s4 =	simm.s32 $0x0  }
0x4: {  	s12 =	stileid.u32;
	s28 =	simm.s32 $0x50;
	s29 =	simm.s32 $0x6F80  }
0x5: {  	s30 =	simm.s32 $0x7000;
	s13 =	simm.s32 $0xC280;
	s14 =	simm.s32 $0xC200  }
0x6: {  	s15 =	simm.s32 $0x2;
	s3 =	sand.u32 $0x1, s3;
	[smem:$0x7FF] =	sst s4  }
0x7: {  	s6 =	sadd.s32 $0x14C00, s0;
	s7 =	sadd.s32 $0xC00, s0;
	s9 =	smul.u32 $0x4E000, s12  }
0x8: {  	s8 =	sadd.s32 $0x28C00, s0;
	s5 =	sshll.u32 s3, $0x4;
	_ =	strace $0x80000047  }
0x9: {  	[dreg:$0x4] =	wrdreg s6;
	s11 =	ssub.s32 $0x2, s3;
	s5 =	sor.u32 s12, s5  }
0xa: {  	[dreg:$0x5] =	wrdreg s7;
	s18 =	sshrl.u32 s11, $0x1;
	s17 =	smul.u32 $0x4E2, s5  }
0xb: {  	s6 =	ssub.s32 s11, s18;
	s18 =	sadd.s32 $0x138000, s2;
	s5 =	smul.u32 $0x5, s5  }
0xc: {  	s10 =	sadd.s32 $0x33600, s0;
	s7 =	sadd.s32 $0x29200, s0;
	[dreg:$0xe] =	wrdreg s18  }
0xd: {  	s9 =	sshrl.u32 s9, $0x2;
	s31 =	smax.u32 s6, $0x1;
	[dreg:$0xf] =	wrdreg s5  }
0xe: {  	s0 =	sadd.s32 s17, s0;
	s17 =	sadd.s32 s9, s2;
	[dreg:$0x13] =	wrdreg s31  }
0xf: {  	s16 =	simm.s32 $0x4;
	s9 =	sadd.s32 $0x2800, s17;
	[dreg:$0x6] =	wrdreg s17  }
0x10: {  	s20 =	smul.u32 $0x13800, s12;
	s19 =	sadd.s32 $0x5000, s17;
	[dreg:$0x7] =	wrdreg s9  }
0x11: {  	p0 =	sne.s32 s12, $0xF;
	s21 =	sadd.s32 $0x7800, s17;
	[dreg:$0x8] =	wrdreg s19  }
0x12: {  	s3 =	smul.u32 $0x138800, s3;
	s22 =	sadd.s32 $0xA000, s17;
	[dreg:$0x9] =	wrdreg s21  }
0x13: {  	s12 =	simm.s32 $0x1;
	s23 =	sadd.s32 $0xC800, s17;
	[dreg:$0xa] =	wrdreg s22  }
0x14: {  	s11 =	simm.s32 $0x9900;
	s24 =	sadd.s32 $0xF000, s17;
	[dreg:$0xb] =	wrdreg s23  }
0x15: {  	s6 =	simm.s32 $0x0;
	s25 =	sadd.s32 $0x11800, s17;
	[dreg:$0xc] =	wrdreg s24  }
0x16: {  	s0 =	sadd.s32 $0x29800, s0;
	[dreg:$0xd] =	wrdreg s25;
	s9 =	sadd.s32 s20, s3  }
0x17: {  	s3 =	sshrl.u32 s3, $0x3;
	[dreg:$0x12] =	wrdreg s0;
	s23 =	simm.s32 $0x4780  }
0x18: {  	s0 =	simm.s32 $0x7080;
	s19 =	simm.s32 $0x3;
	s9 =	sshrl.u32 s9, $0x3  }
0x19: {  	s20 =	simm.s32 $0x9980;
	s3 =	sadd.s32 s10, s3;
	s26 =	sadd.s32 s10, s9  }
0x1a: {  	s22 =	simm.s32 $0x5;
	s3 =	sadd.s32 $0x27000, s3;
	[dreg:$0x10] =	wrdreg s26  }
0x1b: {  	v0 =	vimm.f32 $0.0e+00;
	[dreg:$0x11] =	wrdreg s3;
	s26 =	simm.s32 $0x3780;
	s3 =	simm.s32 $0x9880  }
.LBB2_1:
0x1c: {  	[dreg:$0x14] =	wrdreg s6;
	s5 =	simm.s32 $0x0  }
.LBB2_2:
0x1d: {  	p1 =	sne.s32 s5, $0x9C00  }
.Ltmp0:
0x1e: {  	_ = 	snop;
	(pc) =	sbr.rel @p1 .LBB2_2-.Ltmp0, $3  }
0x1f: {  	_ =	sdelay $0x1  }
0x20: {  	s6 =	sshra.s32 s5, $0x2  }
0x21: {  	s5 =	sadd.s32 $0x40, s5;
	[tilespmem:s6+$0x0] =	vst v0  }
0x22: {  	s5 =	simm.s32 $0x0;
	s6 =	simm.s32 $0x200  }
.LBB2_4:
0x23: {  	p1 =	sne.s32 s6, $0x9E00;
	[tilespmem:s5+$0x47F0] =	vst v0  }
0x24: {  	[tilespmem:s5+$0x4780] =	vst v0  }
0x25: {  	[tilespmem:s5+$0x4790] =	vst v0  }
.Ltmp1:
0x26: {  	[tilespmem:s5+$0x47A0] =	vst v0;
	(pc) =	sbr.rel @p1 .LBB2_4-.Ltmp1, $4  }
0x27: {  	[tilespmem:s5+$0x47B0] =	vst v0  }
0x28: {  	[tilespmem:s5+$0x47C0] =	vst v0  }
0x29: {  	[tilespmem:s5+$0x47D0] =	vst v0  }
0x2a: {  	[tilespmem:s5+$0x47E0] =	vst v0;
	s5 =	sshra.s32 s6, $0x2;
	s6 =	sadd.s32 $0x200, s6  }
0x2b: {  	[tilespmem:s5+$0x47F0] =	vst v0  }
0x2c: {  	[tilespmem:s5+$0x4780] =	vst v0  }
0x2d: {  	[tilespmem:s5+$0x4790] =	vst v0  }
0x2e: {  	[tilespmem:s5+$0x47A0] =	vst v0  }
0x2f: {  	[tilespmem:s5+$0x47B0] =	vst v0  }
0x30: {  	[tilespmem:s5+$0x47C0] =	vst v0  }
0x31: {  	[tilespmem:s5+$0x47D0] =	vst v0  }
0x32: {  	[tilespmem:s5+$0x47E0] =	vst v0;
	s6 =	simm.s32 $0x7  }
0x33: {  	[spmem:s17] =	stream.linear.scatter [tilespmem:s23], [sflag:$0x7], $0x2800, $0x38;
	[tilespmem:$0x1FB80] =	vst v63  }
0x34: {  	_ =	swait.ge [sflag:s6], $0x2800  }
0x35: {  	[sflag:s6] =	ssyncset.done $0x0  }
0x36: {  	s9 =	rddreg [dreg:$0x7];
	[sflag:s6] =	ssyncadd.s32 $0xFFFFD800  }
0x37: {  	[spmem:s9] =	stream.linear.scatter [tilespmem:s23], [sflag:$0x7], $0x2800, $0x38;
	[tilespmem:$0x1FB80] =	vst v63  }
0x38: {  	_ =	swait.ge [sflag:s6], $0x2800  }
0x39: {  	[sflag:s6] =	ssyncset.done $0x0  }
0x3a: {  	s10 =	rddreg [dreg:$0x8];
	[sflag:s6] =	ssyncadd.s32 $0xFFFFD800  }
0x3b: {  	[spmem:s10] =	stream.linear.scatter [tilespmem:s23], [sflag:$0x7], $0x2800, $0x38;
	[tilespmem:$0x1FB80] =	vst v63  }
0x3c: {  	_ =	swait.ge [sflag:s6], $0x2800  }
0x3d: {  	[sflag:s6] =	ssyncset.done $0x0  }
0x3e: {  	s17 =	rddreg [dreg:$0x9];
	[sflag:s6] =	ssyncadd.s32 $0xFFFFD800  }
0x3f: {  	[spmem:s17] =	stream.linear.scatter [tilespmem:s23], [sflag:$0x7], $0x2800, $0x38;
	[tilespmem:$0x1FB80] =	vst v63  }
0x40: {  	_ =	swait.ge [sflag:s6], $0x2800  }
0x41: {  	[sflag:s6] =	ssyncset.done $0x0  }
0x42: {  	s21 =	rddreg [dreg:$0xa];
	[sflag:s6] =	ssyncadd.s32 $0xFFFFD800  }
0x43: {  	[spmem:s21] =	stream.linear.scatter [tilespmem:s23], [sflag:$0x7], $0x2800, $0x38;
	[tilespmem:$0x1FB80] =	vst v63  }
0x44: {  	_ =	swait.ge [sflag:s6], $0x2800  }
0x45: {  	[sflag:s6] =	ssyncset.done $0x0  }
0x46: {  	s24 =	rddreg [dreg:$0xb];
	[sflag:s6] =	ssyncadd.s32 $0xFFFFD800  }
0x47: {  	[spmem:s24] =	stream.linear.scatter [tilespmem:s23], [sflag:$0x7], $0x2800, $0x38;
	[tilespmem:$0x1FB80] =	vst v63  }
0x48: {  	_ =	swait.ge [sflag:s6], $0x2800  }
0x49: {  	[sflag:s6] =	ssyncset.done $0x0  }
0x4a: {  	s25 =	rddreg [dreg:$0xc];
	[sflag:s6] =	ssyncadd.s32 $0xFFFFD800  }
0x4b: {  	[spmem:s25] =	stream.linear.scatter [tilespmem:s23], [sflag:$0x7], $0x2800, $0x38;
	[tilespmem:$0x1FB80] =	vst v63  }
0x4c: {  	_ =	swait.ge [sflag:s6], $0x2800  }
0x4d: {  	[sflag:s6] =	ssyncset.done $0x0  }
0x4e: {  	s31 =	rddreg [dreg:$0xd];
	[sflag:s6] =	ssyncadd.s32 $0xFFFFD800  }
0x4f: {  	[spmem:s31] =	stream.linear.scatter [tilespmem:s23], [sflag:$0x7], $0x2000, $0x38;
	[tilespmem:$0x1FB80] =	vst v63  }
0x50: {  	_ =	swait.ge [sflag:s6], $0x2000  }
0x51: {  	[sflag:s6] =	ssyncset.done $0x0  }
0x52: {  	s5 =	simm.s32 @!p0 $0x4780;
	[sflag:s6] =	ssyncadd.s32 $0xFFFFE000  }
0x53: {  	[spmem:s18] =	stream.linear.scatter @!p0 [tilespmem:s5], [sflag:$0x7], $0x800, $0x38;
	[tilespmem:$0x1FB80] =	vst v63  }
0x54: {  	s5 =	simm.s32 @!p0 $0x7  }
0x55: {  	_ =	swait.ge @!p0 [sflag:s5], $0x800  }
0x56: {  	[sflag:s5] =	ssyncset.done @!p0 $0x0  }
0x57: {  	[sflag:s5] =	ssyncadd.s32 @!p0 $0xFFFFF800  }
0x58: {  	s10 =	simm.s32 $0x0;
	[bflag:$0x0] =	sbarrier.arrive $0xFFFF  }
.LBB2_6:
0x59: {  	s5 =	rddreg [dreg:$0xf]  }
0x5a: {  	s5 =	sadd.s32 s5, s10  }
0x5b: {  	s6 =	rddreg [dreg:$0x4];
	s17 =	simm.s32 $0x2780;
	s5 =	sshll.u32 s5, $0x9  }
0x5c: {  	s18 =	simm.s32 $0x0;
	s9 =	simm.s32 $0x7;
	s6 =	sadd.s32 s6, s5  }
0x5d: {  	[tilespmem:s17], [sflag:$0x7] =	stream.linear.gather [hbm4b:s6+s18], $0xC80, $0x38;
	[tilespmem:$0x1FB80] =	vst v63  }
0x5e: {  	_ =	swait.ge [sflag:s9], $0xC80  }
0x5f: {  	[sflag:s9] =	ssyncset.done $0x0;
	s24 =	rddreg [dreg:$0x5]  }
0x60: {  	[sflag:s9] =	ssyncadd.s32 $0xFFFFF380;
	s5 =	sadd.s32 s24, s5  }
0x61: {  	[tilespmem:s26], [sflag:$0x7] =	stream.linear.gather [hbm4b:s5+s18], $0xC80, $0x38;
	[tilespmem:$0x1FB80] =	vst v63  }
0x62: {  	_ =	swait.ge [sflag:s9], $0xC80  }
0x63: {  	[sflag:s9] =	ssyncset.done $0x0  }
0x64: {  	[sflag:s9] =	ssyncadd.s32 $0xFFFFF380  }
0x65: {  	[tilespmem:s23], [sflag:$0x1] =	stream.indirect.gather [hbm4b:s1+s28], $0x80, s17, s28, $0xb8;
	[tilespmem:$0x1FB80] =	vst v63  }
0x66: {  	_ = 	snop  }
0x67: {  	[tilespmem:s29], [sflag:$0x1] =	stream.indirect.gather [hbm4b:s7+s28], $0x1, s17, s28, $0xb8;
	[tilespmem:$0x1FB80] =	vst v63  }
0x68: {  	_ = 	snop  }
0x69: {  	[tilespmem:s30], [sflag:$0x1] =	stream.indirect.gather [hbm4b:s8+s28], $0x1, s26, s28, $0xb8;
	[tilespmem:$0x1FB80] =	vst v63  }
0x6a: {  	s25 =	simm.s32 $0x2800  }
0x6b: {  	[tilespmem:s0], [sflag:$0x2] =	stream.indirect.gather [hbm4b:s1+s28], $0x80, s25, s28, $0xb8;
	[tilespmem:$0x1FB80] =	vst v63  }
0x6c: {  	_ = 	snop  }
0x6d: {  	[tilespmem:s3], [sflag:$0x2] =	stream.indirect.gather [hbm4b:s7+s28], $0x1, s25, s28, $0xb8;
	[tilespmem:$0x1FB80] =	vst v63  }
0x6e: {  	s31 =	simm.s32 $0x3800;
	s21 =	simm.s32 $0x0  }
0x6f: {  	[tilespmem:s11], [sflag:$0x2] =	stream.indirect.gather [hbm4b:s8+s28], $0x1, s31, s28, $0xb8;
	[tilespmem:$0x1FB80] =	vst v63  }
.LBB2_7:
0x70: {  	_ =	swait.ge [sflag:s12], $0x2800  }
0x71: {  	[sflag:s12] =	ssyncset.done $0x0  }
0x72: {  	[sflag:s12] =	ssyncadd.s32 $0xFFFFD800  }
0x73: {  	_ =	swait.ge [sflag:s12], $0x50  }
0x74: {  	[sflag:s12] =	ssyncset.done $0x0  }
0x75: {  	[sflag:s12] =	ssyncadd.s32 $0xFFFFFFB0  }
0x76: {  	_ =	swait.ge [sflag:s12], $0x50  }
0x77: {  	[sflag:s12] =	ssyncset.done $0x0  }
0x78: {  	[sflag:s12] =	ssyncadd.s32 $0xFFFFFFB0  }
0x79: {  	v1 =	vld [tilespmem:$0x6F80]  }
0x7a: {  	v2 =	vld [tilespmem:$0x7000]  }
0x7b: {  	v3 =	vld [tilespmem:$0x6F90]  }
0x7c: {  	v4 =	vld [tilespmem:$0x7010]  }
0x7d: {  	v5 =	vld [tilespmem:$0x6FA0]  }
0x7e: {  	v6 =	vld [tilespmem:$0x7020]  }
0x7f: {  	v7 =	vld [tilespmem:$0x7030];
	v1 =	vadd.f32 v2, v1  }
0x80: {  	v9 =	vld [tilespmem:$0x6FC0]  }
0x81: {  	v2 =	vld [tilespmem:$0x6FB0];
	v8 =	vmul.f32 $2.000000030e-01, v1  }
0x82: {  	v10 =	vld [tilespmem:$0x7040];
	vm0 =	vge.f32 v1, $0.0e+00  }
0x83: {  	v3 =	vadd.f32 v4, v3;
	v1 =	vsel vm0, v1, v8  }
0x84: {  	v1 =	vmul.f32 $1.442695020e+00, v1  }
0x85: {  	v5 =	vadd.f32 v6, v5;
	v4 =	vmul.f32 $2.000000030e-01, v3  }
0x86: {  	vm12 =	vge.f32 v3, $0.0e+00;
	(erf) = vpow2.f32 v1;
	v1 =	vadd.f32 v7, v2  }
0x87: {  	v2 =	vsel vm12, v3, v4;
	v3 =	vmul.f32 $2.000000030e-01, v5;
	v4 =	vadd.f32 v10, v9  }
0x88: {  	vm13 =	vge.f32 v5, $0.0e+00;
	v2 =	vmul.f32 $1.442695020e+00, v2;
	v50 =	vmul.f32 $2.000000030e-01, v1  }
0x89: {  	v3 =	vsel vm13, v5, v3;
	vm14 =	vge.f32 v1, $0.0e+00;
	v5 =	vmul.f32 $2.000000030e-01, v4  }
0x8a: {  	vm15 =	vge.f32 v4, $0.0e+00;
	v3 =	vmul.f32 $1.442695020e+00, v3;
	v1 =	vsel vm14, v1, v50  }
0x8b: {  	(erf) = vpow2.f32 v2;
	v2 =	vsel vm15, v4, v5;
	v1 =	vmul.f32 $1.442695020e+00, v1  }
0x8c: {  	(erf) = vpow2.f32 v3;
	v2 =	vmul.f32 $1.442695020e+00, v2  }
0x8d: {  	(erf) = vpow2.f32 v1  }
0x8e: {  	(erf) = vpow2.f32 v2;
	_ =	sdelay $0x1  }
0x8f: {  	s6 =	smul.u32 $0x3, s21;
	_ =	sdelay $0x1  }
0x90: {  	s5 =	sshll.u32 s6, $0x7  }
0x91: {  	v1 =	vmov s5;
	s5 =	simm.s32 $0x0;
	v2 =	vpop (erf)  }
0x92: {  	[tilespmem:$0xC280] =	vst v2;
	v2 =	vor.u32 s5, v1;
	v3 =	vpop (erf)  }
0x93: {  	[tilespmem:$0xC290] =	vst v3;
	v4 =	vpop (erf)  }
0x94: {  	[tilespmem:$0xC2A0] =	vst v4;
	v3 =	vpop (erf)  }
0x95: {  	v4 =	vmov s5;
	[tilespmem:$0xC2B0] =	vst v3;
	v3 =	vpop (erf)  }
0x96: {  	[tilespmem:$0xC2C0] =	vst v3  }
0x97: {  	v2 =	vld.idx.msk [tilespmem:v2+s26+$0x0], $0xffff;
	_ =	sdelay $0x2  }
0x98: {  	v3 =	vld.idx.msk [tilespmem:v4+s13+$0x0], $0xffff;
	_ =	sdelay $0x4  }
0x99: {  	s18 =	simm.s32 $0x4880;
	[tilespmem:v2+s4+$0x0] =	vst.idx.add.f32.msk $0x1, v3  }
0x9a: {  	v2 =	vld [tilespmem:s18+$0xFFFFFF70]  }
0x9b: {  	v4 =	vld [tilespmem:s18+$0xFFFFFF40]  }
0x9c: {  	v5 =	vld [tilespmem:s18+$0xFFFFFF30]  }
0x9d: {  	v51 =	vld [tilespmem:s18+$0xFFFFFF20]  }
0x9e: {  	v54 =	vld [tilespmem:s18+$0xFFFFFF00]  }
0x9f: {  	v52 =	vld [tilespmem:s18+$0xFFFFFF50];
	v2 =	vmul.f32 v2, v3  }
0xa0: {  	v53 =	vld [tilespmem:s18+$0xFFFFFF10];
	v4 =	vmul.f32 v4, v3  }
0xa1: {  	v55 =	vld [tilespmem:s18+$0xFFFFFF60];
	v5 =	vmul.f32 v5, v3;
	[tilespmem:s18+$0xFFFFFF70] =	vst v2  }
0xa2: {  	v2 =	vmul.f32 v51, v3;
	[tilespmem:s18+$0xFFFFFF40] =	vst v4  }
0xa3: {  	s9 =	simm.s32 $0x1;
	v56 =	vmul.f32 v54, v3;
	[tilespmem:s18+$0xFFFFFF30] =	vst v5  }
0xa4: {  	v4 =	vmul.f32 v52, v3;
	[tilespmem:s18+$0xFFFFFF20] =	vst v2;
	v2 =	vor.u32 s9, v1  }
0xa5: {  	v5 =	vmul.f32 v53, v3;
	[tilespmem:s18+$0xFFFFFF00] =	vst v56  }
0xa6: {  	v3 =	vmul.f32 v55, v3;
	[tilespmem:s18+$0xFFFFFF50] =	vst v4  }
0xa7: {  	[tilespmem:s18+$0xFFFFFF10] =	vst v5;
	v4 =	vmov s9  }
0xa8: {  	[tilespmem:s18+$0xFFFFFF60] =	vst v3  }
0xa9: {  	v2 =	vld.idx.msk [tilespmem:v2+s26+$0x0], $0xffff;
	_ =	sdelay $0x2  }
0xaa: {  	v3 =	vld.idx.msk [tilespmem:v4+s13+$0x0], $0xffff;
	_ =	sdelay $0x4  }
0xab: {  	[tilespmem:v2+s4+$0x0] =	vst.idx.add.f32.msk $0x1, v3  }
0xac: {  	v2 =	vld [tilespmem:s18+$0xFFFFFFD0]  }
0xad: {  	v4 =	vld [tilespmem:s18+$0xFFFFFFA0]  }
0xae: {  	v5 =	vld [tilespmem:s18+$0xFFFFFFB0]  }
0xaf: {  	v57 =	vld [tilespmem:s18+$0xFFFFFFC0]  }
0xb0: {  	v58 =	vld [tilespmem:s18+$0xFFFFFF80]  }
0xb1: {  	v59 =	vld [tilespmem:s18+$0xFFFFFF90];
	v2 =	vmul.f32 v2, v3  }
0xb2: {  	v60 =	vld [tilespmem:s18+$0xFFFFFFE0];
	v4 =	vmul.f32 v4, v3  }
0xb3: {  	[tilespmem:s18+$0xFFFFFFD0] =	vst v2;
	v2 =	vmul.f32 v5, v3;
	v5 =	vld [tilespmem:s18+$0xFFFFFFF0]  }
0xb4: {  	[tilespmem:s18+$0xFFFFFFA0] =	vst v4;
	v4 =	vmul.f32 v57, v3  }
0xb5: {  	s25 =	simm.s32 $0x2;
	v61 =	vmul.f32 v58, v3;
	[tilespmem:s18+$0xFFFFFFB0] =	vst v2  }
0xb6: {  	v2 =	vmul.f32 v59, v3;
	[tilespmem:s18+$0xFFFFFFC0] =	vst v4;
	v4 =	vor.u32 s25, v1  }
0xb7: {  	v63 =	vmov s25;
	v62 =	vmul.f32 v60, v3;
	[tilespmem:s18+$0xFFFFFF80] =	vst v61  }
0xb8: {  	[tilespmem:s18+$0xFFFFFF90] =	vst v2;
	v2 =	vmul.f32 v5, v3  }
0xb9: {  	[tilespmem:s18+$0xFFFFFFE0] =	vst v62  }
0xba: {  	[tilespmem:s18+$0xFFFFFFF0] =	vst v2  }
0xbb: {  	v3 =	vld.idx.msk [tilespmem:v4+s26+$0x0], $0xffff  }
0xbc: {  	s31 =	simm.s32 $0x4880;
	s9 =	simm.s32 $0x4;
	v2 =	vld.idx.msk [tilespmem:v63+s13+$0x0], $0xffff  }
.LBB2_8:
0xbd: {  	p1 =	slt.u32 s9, $0x4C  }
0xbe: {  	s18 =	sadd.s32 $0x200, s18;
	s25 =	smov.u32 s9;
	s9 =	sadd.s32 $0x4, s9  }
0xbf: {  	_ =	sdelay $0x3  }
0xc0: {  	[tilespmem:v3+s4+$0x0] =	vst.idx.add.f32.msk $0x1, v2  }
0xc1: {  	v3 =	vld [tilespmem:s31+$0x0]  }
0xc2: {  	v4 =	vld [tilespmem:s31+$0x70]  }
0xc3: {  	v5 =	vld [tilespmem:s31+$0x30]  }
0xc4: {  	v6 =	vld [tilespmem:s31+$0x20]  }
0xc5: {  	v7 =	vld [tilespmem:s31+$0x50]  }
0xc6: {  	v3 =	vmul.f32 v3, v2;
	v8 =	vld [tilespmem:s31+$0x60]  }
0xc7: {  	v9 =	vld [tilespmem:s31+$0x40];
	v4 =	vmul.f32 v4, v2  }
0xc8: {  	[tilespmem:s31+$0x0] =	vst v3;
	v3 =	vld [tilespmem:s31+$0x10];
	v5 =	vmul.f32 v5, v2  }
0xc9: {  	v6 =	vmul.f32 v6, v2;
	[tilespmem:s31+$0x70] =	vst v4  }
0xca: {  	s17 =	sadd.s32 $0x3, s5;
	s5 =	smov.u32 s25;
	[tilespmem:s31+$0x30] =	vst v5;
	v4 =	vmul.f32 v7, v2  }
0xcb: {  	[tilespmem:s31+$0x20] =	vst v6;
	v5 =	vmul.f32 v8, v2;
	v6 =	vor.u32 s17, v1  }
0xcc: {  	v7 =	vmul.f32 v9, v2;
	[tilespmem:s31+$0x50] =	vst v4;
	v4 =	vmov s17  }
0xcd: {  	v2 =	vmul.f32 v3, v2;
	[tilespmem:s31+$0x60] =	vst v5  }
0xce: {  	[tilespmem:s31+$0x40] =	vst v7  }
0xcf: {  	[tilespmem:s31+$0x10] =	vst v2  }
0xd0: {  	v2 =	vld.idx.msk [tilespmem:v6+s26+$0x0], $0xffff  }
0xd1: {  	v3 =	vld.idx.msk [tilespmem:v4+s13+$0x0], $0xffff;
	_ =	sdelay $0x2  }
0xd2: {  	v4 =	vor.u32 s5, v1;
	_ =	sdelay $0x3  }
0xd3: {  	[tilespmem:v2+s4+$0x0] =	vst.idx.add.f32.msk $0x1, v3  }
0xd4: {  	v2 =	vld [tilespmem:s31+$0x80]  }
0xd5: {  	v5 =	vld [tilespmem:s31+$0x90]  }
0xd6: {  	v6 =	vld [tilespmem:s31+$0xA0]  }
0xd7: {  	v7 =	vld [tilespmem:s31+$0xB0]  }
0xd8: {  	v8 =	vld [tilespmem:s31+$0xC0]  }
0xd9: {  	v2 =	vmul.f32 v2, v3;
	v9 =	vld [tilespmem:s31+$0xD0]  }
0xda: {  	v5 =	vmul.f32 v5, v3;
	v10 =	vld [tilespmem:s31+$0xE0]  }
0xdb: {  	[tilespmem:s31+$0x80] =	vst v2;
	v2 =	vmul.f32 v6, v3;
	v6 =	vld [tilespmem:s31+$0xF0]  }
0xdc: {  	[tilespmem:s31+$0x90] =	vst v5;
	v5 =	vmul.f32 v7, v3  }
0xdd: {  	[tilespmem:s31+$0xA0] =	vst v2;
	v2 =	vmul.f32 v8, v3  }
0xde: {  	[tilespmem:s31+$0xB0] =	vst v5;
	v5 =	vmul.f32 v9, v3  }
0xdf: {  	[tilespmem:s31+$0xC0] =	vst v2;
	v2 =	vmul.f32 v10, v3  }
0xe0: {  	v7 =	vmov s5;
	[tilespmem:s31+$0xD0] =	vst v5;
	v3 =	vmul.f32 v6, v3  }
0xe1: {  	[tilespmem:s31+$0xE0] =	vst v2  }
0xe2: {  	[tilespmem:s31+$0xF0] =	vst v3;
	s31 =	smov.u32 s18;
	_ =	sdelay $0x1  }
0xe3: {  	v2 =	vld.idx.msk [tilespmem:v4+s26+$0x0], $0xffff  }
0xe4: {  	v3 =	vld.idx.msk [tilespmem:v7+s13+$0x0], $0xffff;
	_ =	sdelay $0x6  }
0xe5: {  	[tilespmem:v2+s4+$0x0] =	vst.idx.add.f32.msk $0x1, v3  }
0xe6: {  	v2 =	vld [tilespmem:s18+$0xFFFFFF70]  }
0xe7: {  	v4 =	vld [tilespmem:s18+$0xFFFFFF40]  }
0xe8: {  	v5 =	vld [tilespmem:s18+$0xFFFFFF30]  }
0xe9: {  	v6 =	vld [tilespmem:s18+$0xFFFFFF20]  }
0xea: {  	v7 =	vld [tilespmem:s18+$0xFFFFFF50]  }
0xeb: {  	v8 =	vld [tilespmem:s18+$0xFFFFFF10];
	v2 =	vmul.f32 v2, v3  }
0xec: {  	v9 =	vld [tilespmem:s18+$0xFFFFFF00];
	v4 =	vmul.f32 v4, v3  }
0xed: {  	v5 =	vmul.f32 v5, v3;
	v10 =	vld [tilespmem:s18+$0xFFFFFF60];
	[tilespmem:s18+$0xFFFFFF70] =	vst v2  }
0xee: {  	v2 =	vmul.f32 v6, v3;
	[tilespmem:s18+$0xFFFFFF40] =	vst v4  }
0xef: {  	s17 =	sadd.s32 $0x1, s5;
	[tilespmem:s18+$0xFFFFFF30] =	vst v5;
	v4 =	vmul.f32 v7, v3  }
0xf0: {  	v5 =	vmul.f32 v8, v3;
	[tilespmem:s18+$0xFFFFFF20] =	vst v2;
	v2 =	vor.u32 s17, v1  }
0xf1: {  	v6 =	vmul.f32 v9, v3;
	[tilespmem:s18+$0xFFFFFF50] =	vst v4;
	v4 =	vmov s17  }
0xf2: {  	[tilespmem:s18+$0xFFFFFF10] =	vst v5;
	v3 =	vmul.f32 v10, v3  }
0xf3: {  	[tilespmem:s18+$0xFFFFFF00] =	vst v6  }
0xf4: {  	[tilespmem:s18+$0xFFFFFF60] =	vst v3  }
0xf5: {  	v2 =	vld.idx.msk [tilespmem:v2+s26+$0x0], $0xffff  }
0xf6: {  	v3 =	vld.idx.msk [tilespmem:v4+s13+$0x0], $0xffff;
	_ =	sdelay $0x6  }
0xf7: {  	[tilespmem:v2+s4+$0x0] =	vst.idx.add.f32.msk $0x1, v3  }
0xf8: {  	v2 =	vld [tilespmem:s18+$0xFFFFFFD0]  }
0xf9: {  	v4 =	vld [tilespmem:s18+$0xFFFFFFA0]  }
0xfa: {  	v5 =	vld [tilespmem:s18+$0xFFFFFFB0]  }
0xfb: {  	v6 =	vld [tilespmem:s18+$0xFFFFFFC0]  }
0xfc: {  	v7 =	vld [tilespmem:s18+$0xFFFFFF80]  }
0xfd: {  	v8 =	vld [tilespmem:s18+$0xFFFFFF90];
	v2 =	vmul.f32 v2, v3  }
0xfe: {  	v4 =	vmul.f32 v4, v3;
	v9 =	vld [tilespmem:s18+$0xFFFFFFE0]  }
0xff: {  	v5 =	vmul.f32 v5, v3;
	[tilespmem:s18+$0xFFFFFFD0] =	vst v2;
	v2 =	vld [tilespmem:s18+$0xFFFFFFF0]  }
0x100: {  	[tilespmem:s18+$0xFFFFFFA0] =	vst v4;
	v4 =	vmul.f32 v6, v3  }
0x101: {  	s17 =	sadd.s32 $0x2, s5;
	v6 =	vmul.f32 v7, v3;
	[tilespmem:s18+$0xFFFFFFB0] =	vst v5  }
0x102: {  	v5 =	vmul.f32 v8, v3;
	[tilespmem:s18+$0xFFFFFFC0] =	vst v4;
	v4 =	vor.u32 s17, v1  }
0x103: {  	v7 =	vmov s17;
	[tilespmem:s18+$0xFFFFFF80] =	vst v6;
	v6 =	vmul.f32 v9, v3  }
.Ltmp2:
0x104: {  	[tilespmem:s18+$0xFFFFFF90] =	vst v5;
	v2 =	vmul.f32 v2, v3;
	(pc) =	sbr.rel @p1 .LBB2_8-.Ltmp2, $4  }
0x105: {  	[tilespmem:s18+$0xFFFFFFE0] =	vst v6  }
0x106: {  	[tilespmem:s18+$0xFFFFFFF0] =	vst v2  }
0x107: {  	v3 =	vld.idx.msk [tilespmem:v4+s26+$0x0], $0xffff  }
0x108: {  	v2 =	vld.idx.msk [tilespmem:v7+s13+$0x0], $0xffff  }
0x109: {  	_ =	sdelay $0x6  }
0x10a: {  	[tilespmem:v3+s4+$0x0] =	vst.idx.add.f32.msk $0x1, v2  }
0x10b: {  	v3 =	vld [tilespmem:s31+$0x0]  }
0x10c: {  	v4 =	vld [tilespmem:s31+$0x70]  }
0x10d: {  	v5 =	vld [tilespmem:s31+$0x30]  }
0x10e: {  	v6 =	vld [tilespmem:s31+$0x20]  }
0x10f: {  	v9 =	vld [tilespmem:s31+$0x40]  }
0x110: {  	v7 =	vld [tilespmem:s31+$0x50];
	v3 =	vmul.f32 v3, v2  }
0x111: {  	v8 =	vld [tilespmem:s31+$0x60];
	v4 =	vmul.f32 v4, v2  }
0x112: {  	v5 =	vmul.f32 v5, v2;
	[tilespmem:s31+$0x0] =	vst v3;
	v3 =	vld [tilespmem:s31+$0x10]  }
0x113: {  	v6 =	vmul.f32 v6, v2;
	[tilespmem:s31+$0x70] =	vst v4  }
0x114: {  	s5 =	sadd.s32 $0x3, s5;
	v42 =	vmul.f32 v9, v2;
	[tilespmem:s31+$0x30] =	vst v5  }
0x115: {  	v1 =	vor.u32 s5, v1;
	v4 =	vmul.f32 v7, v2;
	[tilespmem:s31+$0x20] =	vst v6  }
0x116: {  	v5 =	vmul.f32 v8, v2;
	[tilespmem:s31+$0x40] =	vst v42  }
0x117: {  	[tilespmem:s31+$0x50] =	vst v4;
	v2 =	vmul.f32 v3, v2  }
0x118: {  	[tilespmem:s31+$0x60] =	vst v5;
	v3 =	vmov s5  }
0x119: {  	[tilespmem:s31+$0x10] =	vst v2  }
0x11a: {  	v1 =	vld.idx.msk [tilespmem:v1+s26+$0x0], $0xffff;
	_ =	sdelay $0x2  }
0x11b: {  	v2 =	vld.idx.msk [tilespmem:v3+s13+$0x0], $0xffff;
	_ =	sdelay $0x4  }
0x11c: {  	[tilespmem:v1+s4+$0x0] =	vst.idx.add.f32.msk $0x1, v2  }
0x11d: {  	v1 =	vld [tilespmem:s31+$0x80]  }
0x11e: {  	v3 =	vld [tilespmem:s31+$0x90]  }
0x11f: {  	v4 =	vld [tilespmem:s31+$0xA0]  }
0x120: {  	v5 =	vld [tilespmem:s31+$0xB0]  }
0x121: {  	v43 =	vld [tilespmem:s31+$0xC0]  }
0x122: {  	v44 =	vld [tilespmem:s31+$0xD0];
	v1 =	vmul.f32 v1, v2  }
0x123: {  	v45 =	vld [tilespmem:s31+$0xE0];
	v3 =	vmul.f32 v3, v2  }
0x124: {  	[tilespmem:s31+$0x80] =	vst v1;
	v1 =	vmul.f32 v4, v2;
	v4 =	vld [tilespmem:s31+$0xF0]  }
0x125: {  	[tilespmem:s31+$0x90] =	vst v3;
	v3 =	vmul.f32 v5, v2  }
0x126: {  	[tilespmem:s31+$0xA0] =	vst v1;
	v1 =	vmul.f32 v43, v2  }
0x127: {  	[tilespmem:s31+$0xB0] =	vst v3;
	v3 =	vmul.f32 v44, v2  }
0x128: {  	s17 =	smul.u32 $0x600, s21;
	[tilespmem:s31+$0xC0] =	vst v1;
	v1 =	vmul.f32 v45, v2  }
0x129: {  	[tilespmem:s31+$0xD0] =	vst v3;
	v2 =	vmul.f32 v4, v2  }
0x12a: {  	p1 =	sne.s32 s21, $0x0;
	s5 =	sshra.s32 s17, $0x2;
	[tilespmem:s31+$0xE0] =	vst v1  }
0x12b: {  	s9 =	simm.s32 @p1 $0x6;
	s5 =	sadd.s32 $0x3780, s5;
	[tilespmem:s31+$0xF0] =	vst v2  }
0x12c: {  	[spmem:s2] =	stream.indirect.scatter.add.f32 [tilespmem:s23], [sflag:$0x4], $0x80, s5, s28, $0xb8;
	[tilespmem:$0x1FB80] =	vst v63  }
0x12d: {  	_ =	swait.ge @p1 [sflag:s9], $0x2800  }
0x12e: {  	s5 =	sadd.s32 @p1 $0x2, s6;
	[sflag:s9] =	ssyncset.done @p1 $0x0  }
0x12f: {  	[sflag:s9] =	ssyncadd.s32 @p1 $0xFFFFD800;
	s9 =	sshll.u32 @p1 s5, $0x7  }
0x130: {  	s18 =	simm.s32 @p1 $0x50;
	s25 =	simm.s32 @p1 $0x9980;
	s17 =	sadd.s32 @p1 $0x2780, s9  }
0x131: {  	[tilespmem:s25], [sflag:$0x3] =	stream.indirect.gather @p1 [hbm4b:s1+s18], $0x80, s17, s18, $0xb8;
	[tilespmem:$0x1FB80] =	vst v63  }
0x132: {  	s25 =	simm.s32 @p1 $0xC180  }
0x133: {  	[tilespmem:s25], [sflag:$0x3] =	stream.indirect.gather @p1 [hbm4b:s7+s18], $0x1, s17, s18, $0xb8;
	[tilespmem:$0x1FB80] =	vst v63  }
0x134: {  	s17 =	simm.s32 @!p1 $0x50;
	s18 =	simm.s32 @!p1 $0x2880;
	s25 =	simm.s32 @!p1 $0x9980  }
0x135: {  	[tilespmem:s25], [sflag:$0x3] =	stream.indirect.gather @!p1 [hbm4b:s1+s17], $0x80, s18, s17, $0xb8;
	[tilespmem:$0x1FB80] =	vst v63  }
0x136: {  	s9 =	sadd.s32 @p1 $0x3780, s9;
	s25 =	simm.s32 @!p1 $0xC180  }
0x137: {  	[tilespmem:s25], [sflag:$0x3] =	stream.indirect.gather @!p1 [hbm4b:s7+s17], $0x1, s18, s17, $0xb8;
	[tilespmem:$0x1FB80] =	vst v63  }
0x138: {  	s9 =	simm.s32 @!p1 $0x3880  }
0x139: {  	[tilespmem:s14], [sflag:$0x3] =	stream.indirect.gather [hbm4b:s8+s28], $0x1, s9, s28, $0xb8;
	[tilespmem:$0x1FB80] =	vst v63  }
0x13a: {  	_ =	swait.ge [sflag:s15], $0x2800  }
0x13b: {  	[sflag:s15] =	ssyncset.done $0x0  }
0x13c: {  	[sflag:s15] =	ssyncadd.s32 $0xFFFFD800  }
0x13d: {  	_ =	swait.ge [sflag:s15], $0x50  }
0x13e: {  	[sflag:s15] =	ssyncset.done $0x0  }
0x13f: {  	[sflag:s15] =	ssyncadd.s32 $0xFFFFFFB0  }
0x140: {  	_ =	swait.ge [sflag:s15], $0x50  }
0x141: {  	[sflag:s15] =	ssyncset.done $0x0  }
0x142: {  	[sflag:s15] =	ssyncadd.s32 $0xFFFFFFB0  }
0x143: {  	v1 =	vld [tilespmem:$0x9880]  }
0x144: {  	v2 =	vld [tilespmem:$0x9900]  }
0x145: {  	v3 =	vld [tilespmem:$0x9890]  }
0x146: {  	v4 =	vld [tilespmem:$0x9910]  }
0x147: {  	v5 =	vld [tilespmem:$0x98A0]  }
0x148: {  	v46 =	vld [tilespmem:$0x9920]  }
0x149: {  	v47 =	vld [tilespmem:$0x9930];
	v1 =	vadd.f32 v2, v1  }
0x14a: {  	v49 =	vld [tilespmem:$0x98C0]  }
0x14b: {  	v2 =	vld [tilespmem:$0x98B0];
	v48 =	vmul.f32 $2.000000030e-01, v1  }
0x14c: {  	v10 =	vld [tilespmem:$0x9940];
	vm0 =	vge.f32 v1, $0.0e+00  }
0x14d: {  	v3 =	vadd.f32 v4, v3;
	v1 =	vsel vm0, v1, v48  }
0x14e: {  	v1 =	vmul.f32 $1.442695020e+00, v1  }
0x14f: {  	v5 =	vadd.f32 v46, v5;
	v4 =	vmul.f32 $2.000000030e-01, v3  }
0x150: {  	vm12 =	vge.f32 v3, $0.0e+00;
	(erf) = vpow2.f32 v1;
	v1 =	vadd.f32 v47, v2  }
0x151: {  	v2 =	vsel vm12, v3, v4;
	v3 =	vmul.f32 $2.000000030e-01, v5;
	v4 =	vadd.f32 v10, v49  }
0x152: {  	vm13 =	vge.f32 v5, $0.0e+00;
	v2 =	vmul.f32 $1.442695020e+00, v2;
	v50 =	vmul.f32 $2.000000030e-01, v1  }
0x153: {  	v3 =	vsel vm13, v5, v3;
	vm14 =	vge.f32 v1, $0.0e+00;
	v5 =	vmul.f32 $2.000000030e-01, v4  }
0x154: {  	vm15 =	vge.f32 v4, $0.0e+00;
	v3 =	vmul.f32 $1.442695020e+00, v3;
	v1 =	vsel vm14, v1, v50  }
0x155: {  	(erf) = vpow2.f32 v2;
	v2 =	vsel vm15, v4, v5;
	v1 =	vmul.f32 $1.442695020e+00, v1  }
0x156: {  	(erf) = vpow2.f32 v3;
	v2 =	vmul.f32 $1.442695020e+00, v2  }
0x157: {  	(erf) = vpow2.f32 v1  }
0x158: {  	(erf) = vpow2.f32 v2;
	_ =	sdelay $0x2  }
0x159: {  	s18 =	sadd.s32 $0x1, s6  }
0x15a: {  	s6 =	sshll.u32 s18, $0x7  }
0x15b: {  	s18 =	simm.s32 $0x0;
	v1 =	vmov s6;
	v2 =	vpop (erf)  }
0x15c: {  	[tilespmem:$0xC280] =	vst v2;
	v2 =	vor.u32 s18, v1;
	v3 =	vpop (erf)  }
0x15d: {  	[tilespmem:$0xC290] =	vst v3;
	v4 =	vpop (erf)  }
0x15e: {  	[tilespmem:$0xC2A0] =	vst v4;
	v3 =	vpop (erf)  }
0x15f: {  	v4 =	vmov s18;
	[tilespmem:$0xC2B0] =	vst v3;
	v3 =	vpop (erf)  }
0x160: {  	[tilespmem:$0xC2C0] =	vst v3  }
0x161: {  	v2 =	vld.idx.msk [tilespmem:v2+s26+$0x0], $0xffff;
	_ =	sdelay $0x2  }
0x162: {  	v3 =	vld.idx.msk [tilespmem:v4+s13+$0x0], $0xffff;
	_ =	sdelay $0x4  }
0x163: {  	s31 =	simm.s32 $0x7180;
	[tilespmem:v2+s4+$0x0] =	vst.idx.add.f32.msk $0x1, v3  }
0x164: {  	v2 =	vld [tilespmem:s31+$0xFFFFFF70]  }
0x165: {  	v4 =	vld [tilespmem:s31+$0xFFFFFF40]  }
0x166: {  	v5 =	vld [tilespmem:s31+$0xFFFFFF30]  }
0x167: {  	v51 =	vld [tilespmem:s31+$0xFFFFFF20]  }
0x168: {  	v54 =	vld [tilespmem:s31+$0xFFFFFF00]  }
0x169: {  	v52 =	vld [tilespmem:s31+$0xFFFFFF50];
	v2 =	vmul.f32 v2, v3  }
0x16a: {  	v53 =	vld [tilespmem:s31+$0xFFFFFF10];
	v4 =	vmul.f32 v4, v3  }
0x16b: {  	v55 =	vld [tilespmem:s31+$0xFFFFFF60];
	v5 =	vmul.f32 v5, v3;
	[tilespmem:s31+$0xFFFFFF70] =	vst v2  }
0x16c: {  	v2 =	vmul.f32 v51, v3;
	[tilespmem:s31+$0xFFFFFF40] =	vst v4  }
0x16d: {  	s24 =	simm.s32 $0x1;
	v56 =	vmul.f32 v54, v3;
	[tilespmem:s31+$0xFFFFFF30] =	vst v5  }
0x16e: {  	v4 =	vmul.f32 v52, v3;
	[tilespmem:s31+$0xFFFFFF20] =	vst v2;
	v2 =	vor.u32 s24, v1  }
0x16f: {  	v5 =	vmul.f32 v53, v3;
	[tilespmem:s31+$0xFFFFFF00] =	vst v56  }
0x170: {  	v3 =	vmul.f32 v55, v3;
	[tilespmem:s31+$0xFFFFFF50] =	vst v4  }
0x171: {  	[tilespmem:s31+$0xFFFFFF10] =	vst v5;
	v4 =	vmov s24  }
0x172: {  	[tilespmem:s31+$0xFFFFFF60] =	vst v3  }
0x173: {  	v2 =	vld.idx.msk [tilespmem:v2+s26+$0x0], $0xffff;
	_ =	sdelay $0x2  }
0x174: {  	v3 =	vld.idx.msk [tilespmem:v4+s13+$0x0], $0xffff;
	_ =	sdelay $0x4  }
0x175: {  	[tilespmem:v2+s4+$0x0] =	vst.idx.add.f32.msk $0x1, v3  }
0x176: {  	v2 =	vld [tilespmem:s31+$0xFFFFFFD0]  }
0x177: {  	v4 =	vld [tilespmem:s31+$0xFFFFFFA0]  }
0x178: {  	v5 =	vld [tilespmem:s31+$0xFFFFFFB0]  }
0x179: {  	v57 =	vld [tilespmem:s31+$0xFFFFFFC0]  }
0x17a: {  	v58 =	vld [tilespmem:s31+$0xFFFFFF80]  }
0x17b: {  	v59 =	vld [tilespmem:s31+$0xFFFFFF90];
	v2 =	vmul.f32 v2, v3  }
0x17c: {  	v60 =	vld [tilespmem:s31+$0xFFFFFFE0];
	v4 =	vmul.f32 v4, v3  }
0x17d: {  	[tilespmem:s31+$0xFFFFFFD0] =	vst v2;
	v2 =	vmul.f32 v5, v3;
	v5 =	vld [tilespmem:s31+$0xFFFFFFF0]  }
0x17e: {  	[tilespmem:s31+$0xFFFFFFA0] =	vst v4;
	v4 =	vmul.f32 v57, v3  }
0x17f: {  	s25 =	simm.s32 $0x2;
	v61 =	vmul.f32 v58, v3;
	[tilespmem:s31+$0xFFFFFFB0] =	vst v2  }
0x180: {  	v2 =	vmul.f32 v59, v3;
	[tilespmem:s31+$0xFFFFFFC0] =	vst v4;
	v4 =	vor.u32 s25, v1  }
0x181: {  	v63 =	vmov s25;
	v62 =	vmul.f32 v60, v3;
	[tilespmem:s31+$0xFFFFFF80] =	vst v61  }
0x182: {  	[tilespmem:s31+$0xFFFFFF90] =	vst v2;
	v2 =	vmul.f32 v5, v3  }
0x183: {  	[tilespmem:s31+$0xFFFFFFE0] =	vst v62  }
0x184: {  	[tilespmem:s31+$0xFFFFFFF0] =	vst v2  }
0x185: {  	v3 =	vld.idx.msk [tilespmem:v4+s26+$0x0], $0xffff  }
0x186: {  	s5 =	simm.s32 @!p1 $0x2;
	s9 =	simm.s32 $0x7180;
	s25 =	simm.s32 $0x4;
	v2 =	vld.idx.msk [tilespmem:v63+s13+$0x0], $0xffff  }
.LBB2_10:
0x187: {  	p1 =	slt.u32 s25, $0x4C  }
0x188: {  	s31 =	sadd.s32 $0x200, s31;
	s17 =	smov.u32 s25;
	s25 =	sadd.s32 $0x4, s25  }
0x189: {  	_ =	sdelay $0x3  }
0x18a: {  	[tilespmem:v3+s4+$0x0] =	vst.idx.add.f32.msk $0x1, v2  }
0x18b: {  	v3 =	vld [tilespmem:s9+$0x0]  }
0x18c: {  	v4 =	vld [tilespmem:s9+$0x70]  }
0x18d: {  	v5 =	vld [tilespmem:s9+$0x30]  }
0x18e: {  	v6 =	vld [tilespmem:s9+$0x20]  }
0x18f: {  	v7 =	vld [tilespmem:s9+$0x50]  }
0x190: {  	v3 =	vmul.f32 v3, v2;
	v8 =	vld [tilespmem:s9+$0x60]  }
0x191: {  	v9 =	vld [tilespmem:s9+$0x40];
	v4 =	vmul.f32 v4, v2  }
0x192: {  	[tilespmem:s9+$0x0] =	vst v3;
	v3 =	vld [tilespmem:s9+$0x10];
	v5 =	vmul.f32 v5, v2  }
0x193: {  	v6 =	vmul.f32 v6, v2;
	[tilespmem:s9+$0x70] =	vst v4  }
0x194: {  	s24 =	sadd.s32 $0x3, s18;
	s18 =	smov.u32 s17;
	[tilespmem:s9+$0x30] =	vst v5;
	v4 =	vmul.f32 v7, v2  }
0x195: {  	[tilespmem:s9+$0x20] =	vst v6;
	v5 =	vmul.f32 v8, v2;
	v6 =	vor.u32 s24, v1  }
0x196: {  	v7 =	vmul.f32 v9, v2;
	[tilespmem:s9+$0x50] =	vst v4;
	v4 =	vmov s24  }
0x197: {  	v2 =	vmul.f32 v3, v2;
	[tilespmem:s9+$0x60] =	vst v5  }
0x198: {  	[tilespmem:s9+$0x40] =	vst v7  }
0x199: {  	[tilespmem:s9+$0x10] =	vst v2  }
0x19a: {  	v2 =	vld.idx.msk [tilespmem:v6+s26+$0x0], $0xffff  }
0x19b: {  	v3 =	vld.idx.msk [tilespmem:v4+s13+$0x0], $0xffff;
	_ =	sdelay $0x2  }
0x19c: {  	v4 =	vor.u32 s18, v1;
	_ =	sdelay $0x3  }
0x19d: {  	[tilespmem:v2+s4+$0x0] =	vst.idx.add.f32.msk $0x1, v3  }
0x19e: {  	v2 =	vld [tilespmem:s9+$0x80]  }
0x19f: {  	v5 =	vld [tilespmem:s9+$0x90]  }
0x1a0: {  	v6 =	vld [tilespmem:s9+$0xA0]  }
0x1a1: {  	v7 =	vld [tilespmem:s9+$0xB0]  }
0x1a2: {  	v8 =	vld [tilespmem:s9+$0xC0]  }
0x1a3: {  	v2 =	vmul.f32 v2, v3;
	v9 =	vld [tilespmem:s9+$0xD0]  }
0x1a4: {  	v5 =	vmul.f32 v5, v3;
	v10 =	vld [tilespmem:s9+$0xE0]  }
0x1a5: {  	[tilespmem:s9+$0x80] =	vst v2;
	v2 =	vmul.f32 v6, v3;
	v6 =	vld [tilespmem:s9+$0xF0]  }
0x1a6: {  	[tilespmem:s9+$0x90] =	vst v5;
	v5 =	vmul.f32 v7, v3  }
0x1a7: {  	[tilespmem:s9+$0xA0] =	vst v2;
	v2 =	vmul.f32 v8, v3  }
0x1a8: {  	[tilespmem:s9+$0xB0] =	vst v5;
	v5 =	vmul.f32 v9, v3  }
0x1a9: {  	[tilespmem:s9+$0xC0] =	vst v2;
	v2 =	vmul.f32 v10, v3  }
0x1aa: {  	v7 =	vmov s18;
	[tilespmem:s9+$0xD0] =	vst v5;
	v3 =	vmul.f32 v6, v3  }
0x1ab: {  	[tilespmem:s9+$0xE0] =	vst v2  }
0x1ac: {  	[tilespmem:s9+$0xF0] =	vst v3;
	s9 =	smov.u32 s31;
	_ =	sdelay $0x1  }
0x1ad: {  	v2 =	vld.idx.msk [tilespmem:v4+s26+$0x0], $0xffff  }
0x1ae: {  	v3 =	vld.idx.msk [tilespmem:v7+s13+$0x0], $0xffff;
	_ =	sdelay $0x6  }
0x1af: {  	[tilespmem:v2+s4+$0x0] =	vst.idx.add.f32.msk $0x1, v3  }
0x1b0: {  	v2 =	vld [tilespmem:s31+$0xFFFFFF70]  }
0x1b1: {  	v4 =	vld [tilespmem:s31+$0xFFFFFF40]  }
0x1b2: {  	v5 =	vld [tilespmem:s31+$0xFFFFFF30]  }
0x1b3: {  	v6 =	vld [tilespmem:s31+$0xFFFFFF20]  }
0x1b4: {  	v7 =	vld [tilespmem:s31+$0xFFFFFF50]  }
0x1b5: {  	v8 =	vld [tilespmem:s31+$0xFFFFFF10];
	v2 =	vmul.f32 v2, v3  }
0x1b6: {  	v9 =	vld [tilespmem:s31+$0xFFFFFF00];
	v4 =	vmul.f32 v4, v3  }
0x1b7: {  	v5 =	vmul.f32 v5, v3;
	v10 =	vld [tilespmem:s31+$0xFFFFFF60];
	[tilespmem:s31+$0xFFFFFF70] =	vst v2  }
0x1b8: {  	v2 =	vmul.f32 v6, v3;
	[tilespmem:s31+$0xFFFFFF40] =	vst v4  }
0x1b9: {  	s17 =	sadd.s32 $0x1, s18;
	[tilespmem:s31+$0xFFFFFF30] =	vst v5;
	v4 =	vmul.f32 v7, v3  }
0x1ba: {  	v5 =	vmul.f32 v8, v3;
	[tilespmem:s31+$0xFFFFFF20] =	vst v2;
	v2 =	vor.u32 s17, v1  }
0x1bb: {  	v6 =	vmul.f32 v9, v3;
	[tilespmem:s31+$0xFFFFFF50] =	vst v4;
	v4 =	vmov s17  }
0x1bc: {  	[tilespmem:s31+$0xFFFFFF10] =	vst v5;
	v3 =	vmul.f32 v10, v3  }
0x1bd: {  	[tilespmem:s31+$0xFFFFFF00] =	vst v6  }
0x1be: {  	[tilespmem:s31+$0xFFFFFF60] =	vst v3  }
0x1bf: {  	v2 =	vld.idx.msk [tilespmem:v2+s26+$0x0], $0xffff  }
0x1c0: {  	v3 =	vld.idx.msk [tilespmem:v4+s13+$0x0], $0xffff;
	_ =	sdelay $0x6  }
0x1c1: {  	[tilespmem:v2+s4+$0x0] =	vst.idx.add.f32.msk $0x1, v3  }
0x1c2: {  	v2 =	vld [tilespmem:s31+$0xFFFFFFD0]  }
0x1c3: {  	v4 =	vld [tilespmem:s31+$0xFFFFFFA0]  }
0x1c4: {  	v5 =	vld [tilespmem:s31+$0xFFFFFFB0]  }
0x1c5: {  	v6 =	vld [tilespmem:s31+$0xFFFFFFC0]  }
0x1c6: {  	v7 =	vld [tilespmem:s31+$0xFFFFFF80]  }
0x1c7: {  	v8 =	vld [tilespmem:s31+$0xFFFFFF90];
	v2 =	vmul.f32 v2, v3  }
0x1c8: {  	v4 =	vmul.f32 v4, v3;
	v9 =	vld [tilespmem:s31+$0xFFFFFFE0]  }
0x1c9: {  	v5 =	vmul.f32 v5, v3;
	[tilespmem:s31+$0xFFFFFFD0] =	vst v2;
	v2 =	vld [tilespmem:s31+$0xFFFFFFF0]  }
0x1ca: {  	[tilespmem:s31+$0xFFFFFFA0] =	vst v4;
	v4 =	vmul.f32 v6, v3  }
0x1cb: {  	s17 =	sadd.s32 $0x2, s18;
	v6 =	vmul.f32 v7, v3;
	[tilespmem:s31+$0xFFFFFFB0] =	vst v5  }
0x1cc: {  	v5 =	vmul.f32 v8, v3;
	[tilespmem:s31+$0xFFFFFFC0] =	vst v4;
	v4 =	vor.u32 s17, v1  }
0x1cd: {  	v7 =	vmov s17;
	[tilespmem:s31+$0xFFFFFF80] =	vst v6;
	v6 =	vmul.f32 v9, v3  }
.Ltmp3:
0x1ce: {  	[tilespmem:s31+$0xFFFFFF90] =	vst v5;
	v2 =	vmul.f32 v2, v3;
	(pc) =	sbr.rel @p1 .LBB2_10-.Ltmp3, $4  }
0x1cf: {  	[tilespmem:s31+$0xFFFFFFE0] =	vst v6  }
0x1d0: {  	[tilespmem:s31+$0xFFFFFFF0] =	vst v2  }
0x1d1: {  	v3 =	vld.idx.msk [tilespmem:v4+s26+$0x0], $0xffff  }
0x1d2: {  	v2 =	vld.idx.msk [tilespmem:v7+s13+$0x0], $0xffff  }
0x1d3: {  	_ =	sdelay $0x6  }
0x1d4: {  	[tilespmem:v3+s4+$0x0] =	vst.idx.add.f32.msk $0x1, v2  }
0x1d5: {  	v3 =	vld [tilespmem:s9+$0x0]  }
0x1d6: {  	v4 =	vld [tilespmem:s9+$0x70]  }
0x1d7: {  	v5 =	vld [tilespmem:s9+$0x30]  }
0x1d8: {  	v6 =	vld [tilespmem:s9+$0x20]  }
0x1d9: {  	v9 =	vld [tilespmem:s9+$0x40]  }
0x1da: {  	v7 =	vld [tilespmem:s9+$0x50];
	v3 =	vmul.f32 v3, v2  }
0x1db: {  	v8 =	vld [tilespmem:s9+$0x60];
	v4 =	vmul.f32 v4, v2  }
0x1dc: {  	v5 =	vmul.f32 v5, v2;
	[tilespmem:s9+$0x0] =	vst v3;
	v3 =	vld [tilespmem:s9+$0x10]  }
0x1dd: {  	v6 =	vmul.f32 v6, v2;
	[tilespmem:s9+$0x70] =	vst v4  }
0x1de: {  	s17 =	sadd.s32 $0x3, s18;
	v42 =	vmul.f32 v9, v2;
	[tilespmem:s9+$0x30] =	vst v5  }
0x1df: {  	v1 =	vor.u32 s17, v1;
	v4 =	vmul.f32 v7, v2;
	[tilespmem:s9+$0x20] =	vst v6  }
0x1e0: {  	v5 =	vmul.f32 v8, v2;
	[tilespmem:s9+$0x40] =	vst v42  }
0x1e1: {  	[tilespmem:s9+$0x50] =	vst v4;
	v2 =	vmul.f32 v3, v2  }
0x1e2: {  	[tilespmem:s9+$0x60] =	vst v5;
	v3 =	vmov s17  }
0x1e3: {  	[tilespmem:s9+$0x10] =	vst v2  }
0x1e4: {  	v1 =	vld.idx.msk [tilespmem:v1+s26+$0x0], $0xffff;
	_ =	sdelay $0x2  }
0x1e5: {  	v2 =	vld.idx.msk [tilespmem:v3+s13+$0x0], $0xffff;
	_ =	sdelay $0x4  }
0x1e6: {  	[tilespmem:v1+s4+$0x0] =	vst.idx.add.f32.msk $0x1, v2  }
0x1e7: {  	v1 =	vld [tilespmem:s9+$0x80]  }
0x1e8: {  	v3 =	vld [tilespmem:s9+$0x90]  }
0x1e9: {  	v4 =	vld [tilespmem:s9+$0xA0]  }
0x1ea: {  	v5 =	vld [tilespmem:s9+$0xB0]  }
0x1eb: {  	v43 =	vld [tilespmem:s9+$0xC0]  }
0x1ec: {  	v44 =	vld [tilespmem:s9+$0xD0];
	v1 =	vmul.f32 v1, v2  }
0x1ed: {  	v45 =	vld [tilespmem:s9+$0xE0];
	v3 =	vmul.f32 v3, v2  }
0x1ee: {  	[tilespmem:s9+$0x80] =	vst v1;
	v1 =	vmul.f32 v4, v2;
	v4 =	vld [tilespmem:s9+$0xF0]  }
0x1ef: {  	[tilespmem:s9+$0x90] =	vst v3;
	v3 =	vmul.f32 v5, v2  }
0x1f0: {  	[tilespmem:s9+$0xA0] =	vst v1;
	v1 =	vmul.f32 v43, v2  }
0x1f1: {  	[tilespmem:s9+$0xB0] =	vst v3;
	v3 =	vmul.f32 v44, v2  }
0x1f2: {  	[tilespmem:s9+$0xC0] =	vst v1;
	v1 =	vmul.f32 v45, v2  }
0x1f3: {  	[tilespmem:s9+$0xD0] =	vst v3;
	v2 =	vmul.f32 v4, v2  }
0x1f4: {  	s6 =	sand.u32 $0x3FFFFF80, s6;
	[tilespmem:s9+$0xE0] =	vst v1  }
0x1f5: {  	s6 =	sadd.s32 $0x3780, s6;
	[tilespmem:s9+$0xF0] =	vst v2  }
0x1f6: {  	[spmem:s2] =	stream.indirect.scatter.add.f32 [tilespmem:s0], [sflag:$0x5], $0x80, s6, s28, $0xb8;
	[tilespmem:$0x1FB80] =	vst v63  }
0x1f7: {  	s6 =	smul.u32 $0x180, s21;
	_ =	swait.ge [sflag:s16], $0x2800  }
0x1f8: {  	[sflag:s16] =	ssyncset.done $0x0  }
0x1f9: {  	s17 =	sadd.s32 $0x2900, s6;
	[sflag:s16] =	ssyncadd.s32 $0xFFFFD800  }
0x1fa: {  	[tilespmem:s23], [sflag:$0x1] =	stream.indirect.gather [hbm4b:s1+s28], $0x80, s17, s28, $0xb8;
	[tilespmem:$0x1FB80] =	vst v63  }
0x1fb: {  	_ = 	snop  }
0x1fc: {  	[tilespmem:s29], [sflag:$0x1] =	stream.indirect.gather [hbm4b:s7+s28], $0x1, s17, s28, $0xb8;
	[tilespmem:$0x1FB80] =	vst v63  }
0x1fd: {  	s18 =	sadd.s32 $0x3900, s6  }
0x1fe: {  	[tilespmem:s30], [sflag:$0x1] =	stream.indirect.gather [hbm4b:s8+s28], $0x1, s18, s28, $0xb8;
	[tilespmem:$0x1FB80] =	vst v63  }
0x1ff: {  	_ =	swait.ge [sflag:s19], $0x2800  }
0x200: {  	[sflag:s19] =	ssyncset.done $0x0  }
0x201: {  	[sflag:s19] =	ssyncadd.s32 $0xFFFFD800  }
0x202: {  	_ =	swait.ge [sflag:s19], $0x50  }
0x203: {  	[sflag:s19] =	ssyncset.done $0x0  }
0x204: {  	[sflag:s19] =	ssyncadd.s32 $0xFFFFFFB0  }
0x205: {  	_ =	swait.ge [sflag:s19], $0x50  }
0x206: {  	[sflag:s19] =	ssyncset.done $0x0  }
0x207: {  	[sflag:s19] =	ssyncadd.s32 $0xFFFFFFB0  }
0x208: {  	v1 =	vld [tilespmem:$0xC180]  }
0x209: {  	v2 =	vld [tilespmem:$0xC200]  }
0x20a: {  	v3 =	vld [tilespmem:$0xC190]  }
0x20b: {  	v4 =	vld [tilespmem:$0xC210]  }
0x20c: {  	v5 =	vld [tilespmem:$0xC1A0]  }
0x20d: {  	v46 =	vld [tilespmem:$0xC220]  }
0x20e: {  	v47 =	vld [tilespmem:$0xC230];
	v1 =	vadd.f32 v2, v1  }
0x20f: {  	v49 =	vld [tilespmem:$0xC1C0]  }
0x210: {  	v2 =	vld [tilespmem:$0xC1B0];
	v48 =	vmul.f32 $2.000000030e-01, v1  }
0x211: {  	v10 =	vld [tilespmem:$0xC240];
	vm0 =	vge.f32 v1, $0.0e+00  }
0x212: {  	v3 =	vadd.f32 v4, v3;
	v1 =	vsel vm0, v1, v48  }
0x213: {  	v1 =	vmul.f32 $1.442695020e+00, v1  }
0x214: {  	v5 =	vadd.f32 v46, v5;
	v4 =	vmul.f32 $2.000000030e-01, v3  }
0x215: {  	vm12 =	vge.f32 v3, $0.0e+00;
	(erf) = vpow2.f32 v1;
	v1 =	vadd.f32 v47, v2  }
0x216: {  	v2 =	vsel vm12, v3, v4;
	v3 =	vmul.f32 $2.000000030e-01, v5;
	v4 =	vadd.f32 v10, v49  }
0x217: {  	vm13 =	vge.f32 v5, $0.0e+00;
	v2 =	vmul.f32 $1.442695020e+00, v2;
	v50 =	vmul.f32 $2.000000030e-01, v1  }
0x218: {  	v3 =	vsel vm13, v5, v3;
	vm14 =	vge.f32 v1, $0.0e+00;
	v5 =	vmul.f32 $2.000000030e-01, v4  }
0x219: {  	vm15 =	vge.f32 v4, $0.0e+00;
	v3 =	vmul.f32 $1.442695020e+00, v3;
	v1 =	vsel vm14, v1, v50  }
0x21a: {  	(erf) = vpow2.f32 v2;
	v2 =	vsel vm15, v4, v5;
	v1 =	vmul.f32 $1.442695020e+00, v1  }
0x21b: {  	(erf) = vpow2.f32 v3;
	v2 =	vmul.f32 $1.442695020e+00, v2  }
0x21c: {  	(erf) = vpow2.f32 v1  }
0x21d: {  	(erf) = vpow2.f32 v2;
	_ =	sdelay $0x3  }
0x21e: {  	s5 =	sshll.u32 s5, $0x7  }
0x21f: {  	s18 =	simm.s32 $0x0;
	v1 =	vmov s5;
	v2 =	vpop (erf)  }
0x220: {  	[tilespmem:$0xC280] =	vst v2;
	v2 =	vor.u32 s18, v1;
	v3 =	vpop (erf)  }
0x221: {  	[tilespmem:$0xC290] =	vst v3;
	v4 =	vpop (erf)  }
0x222: {  	[tilespmem:$0xC2A0] =	vst v4;
	v3 =	vpop (erf)  }
0x223: {  	v4 =	vmov s18;
	[tilespmem:$0xC2B0] =	vst v3;
	v3 =	vpop (erf)  }
0x224: {  	[tilespmem:$0xC2C0] =	vst v3  }
0x225: {  	v2 =	vld.idx.msk [tilespmem:v2+s26+$0x0], $0xffff;
	_ =	sdelay $0x2  }
0x226: {  	v3 =	vld.idx.msk [tilespmem:v4+s13+$0x0], $0xffff;
	_ =	sdelay $0x4  }
0x227: {  	s31 =	simm.s32 $0x9A80;
	[tilespmem:v2+s4+$0x0] =	vst.idx.add.f32.msk $0x1, v3  }
0x228: {  	v2 =	vld [tilespmem:s31+$0xFFFFFF70]  }
0x229: {  	v4 =	vld [tilespmem:s31+$0xFFFFFF40]  }
0x22a: {  	v5 =	vld [tilespmem:s31+$0xFFFFFF30]  }
0x22b: {  	v51 =	vld [tilespmem:s31+$0xFFFFFF20]  }
0x22c: {  	v54 =	vld [tilespmem:s31+$0xFFFFFF00]  }
0x22d: {  	v52 =	vld [tilespmem:s31+$0xFFFFFF50];
	v2 =	vmul.f32 v2, v3  }
0x22e: {  	v53 =	vld [tilespmem:s31+$0xFFFFFF10];
	v4 =	vmul.f32 v4, v3  }
0x22f: {  	v55 =	vld [tilespmem:s31+$0xFFFFFF60];
	v5 =	vmul.f32 v5, v3;
	[tilespmem:s31+$0xFFFFFF70] =	vst v2  }
0x230: {  	v2 =	vmul.f32 v51, v3;
	[tilespmem:s31+$0xFFFFFF40] =	vst v4  }
0x231: {  	s24 =	simm.s32 $0x1;
	v56 =	vmul.f32 v54, v3;
	[tilespmem:s31+$0xFFFFFF30] =	vst v5  }
0x232: {  	v4 =	vmul.f32 v52, v3;
	[tilespmem:s31+$0xFFFFFF20] =	vst v2;
	v2 =	vor.u32 s24, v1  }
0x233: {  	v5 =	vmul.f32 v53, v3;
	[tilespmem:s31+$0xFFFFFF00] =	vst v56  }
0x234: {  	v3 =	vmul.f32 v55, v3;
	[tilespmem:s31+$0xFFFFFF50] =	vst v4  }
0x235: {  	[tilespmem:s31+$0xFFFFFF10] =	vst v5;
	v4 =	vmov s24  }
0x236: {  	[tilespmem:s31+$0xFFFFFF60] =	vst v3  }
0x237: {  	v2 =	vld.idx.msk [tilespmem:v2+s26+$0x0], $0xffff;
	_ =	sdelay $0x2  }
0x238: {  	v3 =	vld.idx.msk [tilespmem:v4+s13+$0x0], $0xffff;
	_ =	sdelay $0x4  }
0x239: {  	[tilespmem:v2+s4+$0x0] =	vst.idx.add.f32.msk $0x1, v3  }
0x23a: {  	v2 =	vld [tilespmem:s31+$0xFFFFFFD0]  }
0x23b: {  	v4 =	vld [tilespmem:s31+$0xFFFFFFA0]  }
0x23c: {  	v5 =	vld [tilespmem:s31+$0xFFFFFFB0]  }
0x23d: {  	v57 =	vld [tilespmem:s31+$0xFFFFFFC0]  }
0x23e: {  	v58 =	vld [tilespmem:s31+$0xFFFFFF80]  }
0x23f: {  	v59 =	vld [tilespmem:s31+$0xFFFFFF90];
	v2 =	vmul.f32 v2, v3  }
0x240: {  	v60 =	vld [tilespmem:s31+$0xFFFFFFE0];
	v4 =	vmul.f32 v4, v3  }
0x241: {  	[tilespmem:s31+$0xFFFFFFD0] =	vst v2;
	v2 =	vmul.f32 v5, v3;
	v5 =	vld [tilespmem:s31+$0xFFFFFFF0]  }
0x242: {  	[tilespmem:s31+$0xFFFFFFA0] =	vst v4;
	v4 =	vmul.f32 v57, v3  }
0x243: {  	s25 =	simm.s32 $0x2;
	v61 =	vmul.f32 v58, v3;
	[tilespmem:s31+$0xFFFFFFB0] =	vst v2  }
0x244: {  	v2 =	vmul.f32 v59, v3;
	[tilespmem:s31+$0xFFFFFFC0] =	vst v4;
	v4 =	vor.u32 s25, v1  }
0x245: {  	v63 =	vmov s25;
	v62 =	vmul.f32 v60, v3;
	[tilespmem:s31+$0xFFFFFF80] =	vst v61  }
0x246: {  	[tilespmem:s31+$0xFFFFFF90] =	vst v2;
	v2 =	vmul.f32 v5, v3  }
0x247: {  	[tilespmem:s31+$0xFFFFFFE0] =	vst v62  }
0x248: {  	[tilespmem:s31+$0xFFFFFFF0] =	vst v2  }
0x249: {  	v3 =	vld.idx.msk [tilespmem:v4+s26+$0x0], $0xffff  }
0x24a: {  	s9 =	simm.s32 $0x9A80;
	s25 =	simm.s32 $0x4;
	v2 =	vld.idx.msk [tilespmem:v63+s13+$0x0], $0xffff  }
.LBB2_12:
0x24b: {  	p1 =	slt.u32 s25, $0x4C  }
0x24c: {  	s31 =	sadd.s32 $0x200, s31;
	s17 =	smov.u32 s25;
	s25 =	sadd.s32 $0x4, s25  }
0x24d: {  	_ =	sdelay $0x3  }
0x24e: {  	[tilespmem:v3+s4+$0x0] =	vst.idx.add.f32.msk $0x1, v2  }
0x24f: {  	v3 =	vld [tilespmem:s9+$0x0]  }
0x250: {  	v4 =	vld [tilespmem:s9+$0x70]  }
0x251: {  	v5 =	vld [tilespmem:s9+$0x30]  }
0x252: {  	v6 =	vld [tilespmem:s9+$0x20]  }
0x253: {  	v7 =	vld [tilespmem:s9+$0x50]  }
0x254: {  	v3 =	vmul.f32 v3, v2;
	v8 =	vld [tilespmem:s9+$0x60]  }
0x255: {  	v9 =	vld [tilespmem:s9+$0x40];
	v4 =	vmul.f32 v4, v2  }
0x256: {  	[tilespmem:s9+$0x0] =	vst v3;
	v3 =	vld [tilespmem:s9+$0x10];
	v5 =	vmul.f32 v5, v2  }
0x257: {  	v6 =	vmul.f32 v6, v2;
	[tilespmem:s9+$0x70] =	vst v4  }
0x258: {  	s24 =	sadd.s32 $0x3, s18;
	s18 =	smov.u32 s17;
	[tilespmem:s9+$0x30] =	vst v5;
	v4 =	vmul.f32 v7, v2  }
0x259: {  	[tilespmem:s9+$0x20] =	vst v6;
	v5 =	vmul.f32 v8, v2;
	v6 =	vor.u32 s24, v1  }
0x25a: {  	v7 =	vmul.f32 v9, v2;
	[tilespmem:s9+$0x50] =	vst v4;
	v4 =	vmov s24  }
0x25b: {  	v2 =	vmul.f32 v3, v2;
	[tilespmem:s9+$0x60] =	vst v5  }
0x25c: {  	[tilespmem:s9+$0x40] =	vst v7  }
0x25d: {  	[tilespmem:s9+$0x10] =	vst v2  }
0x25e: {  	v2 =	vld.idx.msk [tilespmem:v6+s26+$0x0], $0xffff  }
0x25f: {  	v3 =	vld.idx.msk [tilespmem:v4+s13+$0x0], $0xffff;
	_ =	sdelay $0x2  }
0x260: {  	v4 =	vor.u32 s18, v1;
	_ =	sdelay $0x3  }
0x261: {  	[tilespmem:v2+s4+$0x0] =	vst.idx.add.f32.msk $0x1, v3  }
0x262: {  	v2 =	vld [tilespmem:s9+$0x80]  }
0x263: {  	v5 =	vld [tilespmem:s9+$0x90]  }
0x264: {  	v6 =	vld [tilespmem:s9+$0xA0]  }
0x265: {  	v7 =	vld [tilespmem:s9+$0xB0]  }
0x266: {  	v8 =	vld [tilespmem:s9+$0xC0]  }
0x267: {  	v2 =	vmul.f32 v2, v3;
	v9 =	vld [tilespmem:s9+$0xD0]  }
0x268: {  	v5 =	vmul.f32 v5, v3;
	v10 =	vld [tilespmem:s9+$0xE0]  }
0x269: {  	[tilespmem:s9+$0x80] =	vst v2;
	v2 =	vmul.f32 v6, v3;
	v6 =	vld [tilespmem:s9+$0xF0]  }
0x26a: {  	[tilespmem:s9+$0x90] =	vst v5;
	v5 =	vmul.f32 v7, v3  }
0x26b: {  	[tilespmem:s9+$0xA0] =	vst v2;
	v2 =	vmul.f32 v8, v3  }
0x26c: {  	[tilespmem:s9+$0xB0] =	vst v5;
	v5 =	vmul.f32 v9, v3  }
0x26d: {  	[tilespmem:s9+$0xC0] =	vst v2;
	v2 =	vmul.f32 v10, v3  }
0x26e: {  	v7 =	vmov s18;
	[tilespmem:s9+$0xD0] =	vst v5;
	v3 =	vmul.f32 v6, v3  }
0x26f: {  	[tilespmem:s9+$0xE0] =	vst v2  }
0x270: {  	[tilespmem:s9+$0xF0] =	vst v3;
	s9 =	smov.u32 s31;
	_ =	sdelay $0x1  }
0x271: {  	v2 =	vld.idx.msk [tilespmem:v4+s26+$0x0], $0xffff  }
0x272: {  	v3 =	vld.idx.msk [tilespmem:v7+s13+$0x0], $0xffff;
	_ =	sdelay $0x6  }
0x273: {  	[tilespmem:v2+s4+$0x0] =	vst.idx.add.f32.msk $0x1, v3  }
0x274: {  	v2 =	vld [tilespmem:s31+$0xFFFFFF70]  }
0x275: {  	v4 =	vld [tilespmem:s31+$0xFFFFFF40]  }
0x276: {  	v5 =	vld [tilespmem:s31+$0xFFFFFF30]  }
0x277: {  	v6 =	vld [tilespmem:s31+$0xFFFFFF20]  }
0x278: {  	v7 =	vld [tilespmem:s31+$0xFFFFFF50]  }
0x279: {  	v8 =	vld [tilespmem:s31+$0xFFFFFF10];
	v2 =	vmul.f32 v2, v3  }
0x27a: {  	v9 =	vld [tilespmem:s31+$0xFFFFFF00];
	v4 =	vmul.f32 v4, v3  }
0x27b: {  	v5 =	vmul.f32 v5, v3;
	v10 =	vld [tilespmem:s31+$0xFFFFFF60];
	[tilespmem:s31+$0xFFFFFF70] =	vst v2  }
0x27c: {  	v2 =	vmul.f32 v6, v3;
	[tilespmem:s31+$0xFFFFFF40] =	vst v4  }
0x27d: {  	s17 =	sadd.s32 $0x1, s18;
	[tilespmem:s31+$0xFFFFFF30] =	vst v5;
	v4 =	vmul.f32 v7, v3  }
0x27e: {  	v5 =	vmul.f32 v8, v3;
	[tilespmem:s31+$0xFFFFFF20] =	vst v2;
	v2 =	vor.u32 s17, v1  }
0x27f: {  	v6 =	vmul.f32 v9, v3;
	[tilespmem:s31+$0xFFFFFF50] =	vst v4;
	v4 =	vmov s17  }
0x280: {  	[tilespmem:s31+$0xFFFFFF10] =	vst v5;
	v3 =	vmul.f32 v10, v3  }
0x281: {  	[tilespmem:s31+$0xFFFFFF00] =	vst v6  }
0x282: {  	[tilespmem:s31+$0xFFFFFF60] =	vst v3  }
0x283: {  	v2 =	vld.idx.msk [tilespmem:v2+s26+$0x0], $0xffff  }
0x284: {  	v3 =	vld.idx.msk [tilespmem:v4+s13+$0x0], $0xffff;
	_ =	sdelay $0x6  }
0x285: {  	[tilespmem:v2+s4+$0x0] =	vst.idx.add.f32.msk $0x1, v3  }
0x286: {  	v2 =	vld [tilespmem:s31+$0xFFFFFFD0]  }
0x287: {  	v4 =	vld [tilespmem:s31+$0xFFFFFFA0]  }
0x288: {  	v5 =	vld [tilespmem:s31+$0xFFFFFFB0]  }
0x289: {  	v6 =	vld [tilespmem:s31+$0xFFFFFFC0]  }
0x28a: {  	v7 =	vld [tilespmem:s31+$0xFFFFFF80]  }
0x28b: {  	v8 =	vld [tilespmem:s31+$0xFFFFFF90];
	v2 =	vmul.f32 v2, v3  }
0x28c: {  	v4 =	vmul.f32 v4, v3;
	v9 =	vld [tilespmem:s31+$0xFFFFFFE0]  }
0x28d: {  	v5 =	vmul.f32 v5, v3;
	[tilespmem:s31+$0xFFFFFFD0] =	vst v2;
	v2 =	vld [tilespmem:s31+$0xFFFFFFF0]  }
0x28e: {  	[tilespmem:s31+$0xFFFFFFA0] =	vst v4;
	v4 =	vmul.f32 v6, v3  }
0x28f: {  	s17 =	sadd.s32 $0x2, s18;
	v6 =	vmul.f32 v7, v3;
	[tilespmem:s31+$0xFFFFFFB0] =	vst v5  }
0x290: {  	v5 =	vmul.f32 v8, v3;
	[tilespmem:s31+$0xFFFFFFC0] =	vst v4;
	v4 =	vor.u32 s17, v1  }
0x291: {  	v7 =	vmov s17;
	[tilespmem:s31+$0xFFFFFF80] =	vst v6;
	v6 =	vmul.f32 v9, v3  }
.Ltmp4:
0x292: {  	[tilespmem:s31+$0xFFFFFF90] =	vst v5;
	v2 =	vmul.f32 v2, v3;
	(pc) =	sbr.rel @p1 .LBB2_12-.Ltmp4, $4  }
0x293: {  	[tilespmem:s31+$0xFFFFFFE0] =	vst v6  }
0x294: {  	[tilespmem:s31+$0xFFFFFFF0] =	vst v2  }
0x295: {  	v3 =	vld.idx.msk [tilespmem:v4+s26+$0x0], $0xffff  }
0x296: {  	v2 =	vld.idx.msk [tilespmem:v7+s13+$0x0], $0xffff  }
0x297: {  	_ =	sdelay $0x6  }
0x298: {  	[tilespmem:v3+s4+$0x0] =	vst.idx.add.f32.msk $0x1, v2  }
0x299: {  	v3 =	vld [tilespmem:s9+$0x0]  }
0x29a: {  	v4 =	vld [tilespmem:s9+$0x70]  }
0x29b: {  	v5 =	vld [tilespmem:s9+$0x30]  }
0x29c: {  	v6 =	vld [tilespmem:s9+$0x20]  }
0x29d: {  	v7 =	vld [tilespmem:s9+$0x50]  }
0x29e: {  	v8 =	vld [tilespmem:s9+$0x60];
	v3 =	vmul.f32 v3, v2  }
0x29f: {  	v9 =	vld [tilespmem:s9+$0x40];
	v4 =	vmul.f32 v4, v2  }
0x2a0: {  	v5 =	vmul.f32 v5, v2;
	[tilespmem:s9+$0x0] =	vst v3;
	v3 =	vld [tilespmem:s9+$0x10]  }
0x2a1: {  	v6 =	vmul.f32 v6, v2;
	[tilespmem:s9+$0x70] =	vst v4  }
0x2a2: {  	s17 =	sadd.s32 $0x3, s18;
	v55 =	vmul.f32 v7, v2;
	[tilespmem:s9+$0x30] =	vst v5  }
0x2a3: {  	v1 =	vor.u32 s17, v1;
	v56 =	vmul.f32 v8, v2;
	[tilespmem:s9+$0x20] =	vst v6  }
0x2a4: {  	v57 =	vmul.f32 v9, v2;
	[tilespmem:s9+$0x50] =	vst v55  }
0x2a5: {  	[tilespmem:s9+$0x60] =	vst v56;
	v2 =	vmul.f32 v3, v2  }
0x2a6: {  	[tilespmem:s9+$0x40] =	vst v57;
	v3 =	vmov s17  }
0x2a7: {  	[tilespmem:s9+$0x10] =	vst v2  }
0x2a8: {  	v1 =	vld.idx.msk [tilespmem:v1+s26+$0x0], $0xffff;
	_ =	sdelay $0x2  }
0x2a9: {  	v2 =	vld.idx.msk [tilespmem:v3+s13+$0x0], $0xffff;
	_ =	sdelay $0x4  }
0x2aa: {  	[tilespmem:v1+s4+$0x0] =	vst.idx.add.f32.msk $0x1, v2  }
0x2ab: {  	v1 =	vld [tilespmem:s9+$0x80]  }
0x2ac: {  	v3 =	vld [tilespmem:s9+$0x90]  }
0x2ad: {  	v58 =	vld [tilespmem:s9+$0xA0]  }
0x2ae: {  	v59 =	vld [tilespmem:s9+$0xB0]  }
0x2af: {  	v60 =	vld [tilespmem:s9+$0xC0]  }
0x2b0: {  	v61 =	vld [tilespmem:s9+$0xD0];
	v1 =	vmul.f32 v1, v2  }
0x2b1: {  	v62 =	vld [tilespmem:s9+$0xE0];
	v3 =	vmul.f32 v3, v2  }
0x2b2: {  	v63 =	vld [tilespmem:s9+$0xF0];
	[tilespmem:s9+$0x80] =	vst v1;
	v1 =	vmul.f32 v58, v2  }
0x2b3: {  	[tilespmem:s9+$0x90] =	vst v3;
	v3 =	vmul.f32 v59, v2  }
0x2b4: {  	[tilespmem:s9+$0xA0] =	vst v1;
	v1 =	vmul.f32 v60, v2  }
0x2b5: {  	p1 =	seq.s32 s21, $0x7;
	[tilespmem:s9+$0xB0] =	vst v3;
	v3 =	vmul.f32 v61, v2  }
.Ltmp5:
0x2b6: {  	[tilespmem:s9+$0xC0] =	vst v1;
	v1 =	vmul.f32 v62, v2;
	(pc) =	sbr.rel @p1 .LBB2_15-.Ltmp5, $4  }
0x2b7: {  	[tilespmem:s9+$0xD0] =	vst v3;
	v2 =	vmul.f32 v63, v2  }
0x2b8: {  	s5 =	sand.u32 $0x3FFFFF80, s5;
	[tilespmem:s9+$0xE0] =	vst v1  }
0x2b9: {  	s5 =	sadd.s32 $0x3780, s5;
	[tilespmem:s9+$0xF0] =	vst v2  }
0x2ba: {  	[spmem:s2] =	stream.indirect.scatter.add.f32 [tilespmem:s20], [sflag:$0x6], $0x80, s5, s28, $0xb8;
	[tilespmem:$0x1FB80] =	vst v63  }
0x2bb: {  	_ =	swait.ge [sflag:s22], $0x2800  }
0x2bc: {  	[sflag:s22] =	ssyncset.done $0x0  }
0x2bd: {  	s5 =	sadd.s32 $0x2980, s6;
	[sflag:s22] =	ssyncadd.s32 $0xFFFFD800  }
0x2be: {  	[tilespmem:s0], [sflag:$0x2] =	stream.indirect.gather [hbm4b:s1+s28], $0x80, s5, s28, $0xb8;
	[tilespmem:$0x1FB80] =	vst v63  }
.Ltmp6:
0x2bf: {  	_ = 	snop;
	(pc) =	sbr.rel .LBB2_7-.Ltmp6, $4  }
0x2c0: {  	_ = 	snop  }
0x2c1: {  	[tilespmem:s3], [sflag:$0x2] =	stream.indirect.gather [hbm4b:s7+s28], $0x1, s5, s28, $0xb8;
	[tilespmem:$0x1FB80] =	vst v63  }
0x2c2: {  	s31 =	sadd.s32 $0x3980, s6;
	s21 =	sadd.s32 $0x1, s21  }
0x2c3: {  	[tilespmem:s11], [sflag:$0x2] =	stream.indirect.gather [hbm4b:s8+s28], $0x1, s31, s28, $0xb8;
	[tilespmem:$0x1FB80] =	vst v63  }
.LBB2_15:
0x2c4: {  	_ =	swait.ge [sflag:s12], $0x2800  }
0x2c5: {  	[sflag:s12] =	ssyncset.done $0x0  }
0x2c6: {  	[sflag:s12] =	ssyncadd.s32 $0xFFFFD800  }
0x2c7: {  	_ =	swait.ge [sflag:s12], $0x50  }
0x2c8: {  	[sflag:s12] =	ssyncset.done $0x0  }
0x2c9: {  	[sflag:s12] =	ssyncadd.s32 $0xFFFFFFB0  }
0x2ca: {  	_ =	swait.ge [sflag:s12], $0x50  }
0x2cb: {  	[sflag:s12] =	ssyncset.done $0x0  }
0x2cc: {  	[sflag:s12] =	ssyncadd.s32 $0xFFFFFFB0  }
0x2cd: {  	v1 =	vld [tilespmem:$0x6F80]  }
0x2ce: {  	v2 =	vld [tilespmem:$0x7000]  }
0x2cf: {  	v3 =	vld [tilespmem:$0x6F90]  }
0x2d0: {  	v4 =	vld [tilespmem:$0x7010]  }
0x2d1: {  	v5 =	vld [tilespmem:$0x6FA0]  }
0x2d2: {  	v6 =	vld [tilespmem:$0x7020]  }
0x2d3: {  	v7 =	vld [tilespmem:$0x7030];
	v1 =	vadd.f32 v2, v1  }
0x2d4: {  	v9 =	vld [tilespmem:$0x6FC0]  }
0x2d5: {  	v2 =	vld [tilespmem:$0x6FB0];
	v8 =	vmul.f32 $2.000000030e-01, v1  }
0x2d6: {  	v10 =	vld [tilespmem:$0x7040];
	vm0 =	vge.f32 v1, $0.0e+00  }
0x2d7: {  	v3 =	vadd.f32 v4, v3;
	v1 =	vsel vm0, v1, v8  }
0x2d8: {  	v1 =	vmul.f32 $1.442695020e+00, v1  }
0x2d9: {  	v5 =	vadd.f32 v6, v5;
	v4 =	vmul.f32 $2.000000030e-01, v3  }
0x2da: {  	vm12 =	vge.f32 v3, $0.0e+00;
	(erf) = vpow2.f32 v1;
	v1 =	vadd.f32 v7, v2  }
0x2db: {  	v2 =	vsel vm12, v3, v4;
	v3 =	vmul.f32 $2.000000030e-01, v5;
	v4 =	vadd.f32 v10, v9  }
0x2dc: {  	vm13 =	vge.f32 v5, $0.0e+00;
	v2 =	vmul.f32 $1.442695020e+00, v2;
	v6 =	vmul.f32 $2.000000030e-01, v1  }
0x2dd: {  	v3 =	vsel vm13, v5, v3;
	vm14 =	vge.f32 v1, $0.0e+00;
	v5 =	vmul.f32 $2.000000030e-01, v4  }
0x2de: {  	vm15 =	vge.f32 v4, $0.0e+00;
	v3 =	vmul.f32 $1.442695020e+00, v3;
	v1 =	vsel vm14, v1, v6  }
0x2df: {  	(erf) = vpow2.f32 v2;
	v2 =	vsel vm15, v4, v5;
	v1 =	vmul.f32 $1.442695020e+00, v1  }
0x2e0: {  	(erf) = vpow2.f32 v3;
	v2 =	vmul.f32 $1.442695020e+00, v2  }
0x2e1: {  	(erf) = vpow2.f32 v1  }
0x2e2: {  	(erf) = vpow2.f32 v2;
	_ =	sdelay $0x3  }
0x2e3: {  	s6 =	simm.s32 $0x0  }
0x2e4: {  	v2 =	vmov s6;
	v1 =	vpop (erf)  }
0x2e5: {  	[tilespmem:$0xC280] =	vst v1;
	v1 =	vor.u32 $0xC00, v2;
	v3 =	vpop (erf)  }
0x2e6: {  	[tilespmem:$0xC290] =	vst v3;
	v4 =	vpop (erf)  }
0x2e7: {  	[tilespmem:$0xC2A0] =	vst v4;
	v3 =	vpop (erf)  }
0x2e8: {  	[tilespmem:$0xC2B0] =	vst v3;
	v3 =	vpop (erf)  }
0x2e9: {  	[tilespmem:$0xC2C0] =	vst v3  }
0x2ea: {  	v1 =	vld.idx.msk [tilespmem:v1+s26+$0x0], $0xffff;
	_ =	sdelay $0x2  }
0x2eb: {  	v2 =	vld.idx.msk [tilespmem:v2+s13+$0x0], $0xffff;
	_ =	sdelay $0x4  }
0x2ec: {  	s5 =	simm.s32 $0x4880;
	[tilespmem:v1+s4+$0x0] =	vst.idx.add.f32.msk $0x1, v2  }
0x2ed: {  	v1 =	vld [tilespmem:s5+$0xFFFFFF70]  }
0x2ee: {  	v3 =	vld [tilespmem:s5+$0xFFFFFF40]  }
0x2ef: {  	v4 =	vld [tilespmem:s5+$0xFFFFFF30]  }
0x2f0: {  	v5 =	vld [tilespmem:s5+$0xFFFFFF20]  }
0x2f1: {  	v6 =	vld [tilespmem:s5+$0xFFFFFF50]  }
0x2f2: {  	v7 =	vld [tilespmem:s5+$0xFFFFFF10];
	v1 =	vmul.f32 v1, v2  }
0x2f3: {  	v60 =	vld [tilespmem:s5+$0xFFFFFF00];
	v3 =	vmul.f32 v3, v2  }
0x2f4: {  	v61 =	vld [tilespmem:s5+$0xFFFFFF60];
	v4 =	vmul.f32 v4, v2;
	[tilespmem:s5+$0xFFFFFF70] =	vst v1  }
0x2f5: {  	s9 =	simm.s32 $0x1;
	v1 =	vmul.f32 v5, v2;
	[tilespmem:s5+$0xFFFFFF40] =	vst v3  }
0x2f6: {  	[tilespmem:s5+$0xFFFFFF30] =	vst v4;
	v3 =	vmul.f32 v6, v2;
	v4 =	vmov s9  }
0x2f7: {  	v5 =	vmul.f32 v7, v2;
	[tilespmem:s5+$0xFFFFFF20] =	vst v1;
	v1 =	vor.u32 $0xC00, v4  }
0x2f8: {  	v6 =	vmul.f32 v60, v2;
	[tilespmem:s5+$0xFFFFFF50] =	vst v3  }
0x2f9: {  	v2 =	vmul.f32 v61, v2;
	[tilespmem:s5+$0xFFFFFF10] =	vst v5  }
0x2fa: {  	[tilespmem:s5+$0xFFFFFF00] =	vst v6  }
0x2fb: {  	[tilespmem:s5+$0xFFFFFF60] =	vst v2  }
0x2fc: {  	v1 =	vld.idx.msk [tilespmem:v1+s26+$0x0], $0xffff;
	_ =	sdelay $0x2  }
0x2fd: {  	v2 =	vld.idx.msk [tilespmem:v4+s13+$0x0], $0xffff;
	_ =	sdelay $0x4  }
0x2fe: {  	[tilespmem:v1+s4+$0x0] =	vst.idx.add.f32.msk $0x1, v2  }
0x2ff: {  	v1 =	vld [tilespmem:s5+$0xFFFFFFF0]  }
0x300: {  	v3 =	vld [tilespmem:s5+$0xFFFFFFA0]  }
0x301: {  	v4 =	vld [tilespmem:s5+$0xFFFFFF80]  }
0x302: {  	v5 =	vld [tilespmem:s5+$0xFFFFFFB0]  }
0x303: {  	v6 =	vld [tilespmem:s5+$0xFFFFFFD0]  }
0x304: {  	v7 =	vld [tilespmem:s5+$0xFFFFFFE0];
	v1 =	vmul.f32 v1, v2  }
0x305: {  	v62 =	vld [tilespmem:s5+$0xFFFFFFC0];
	v3 =	vmul.f32 v3, v2  }
0x306: {  	v63 =	vld [tilespmem:s5+$0xFFFFFF90];
	[tilespmem:s5+$0xFFFFFFF0] =	vst v1;
	v1 =	vmul.f32 v4, v2  }
0x307: {  	s31 =	simm.s32 $0x2;
	[tilespmem:s5+$0xFFFFFFA0] =	vst v3;
	v3 =	vmul.f32 v5, v2  }
0x308: {  	v4 =	vmov s31;
	[tilespmem:s5+$0xFFFFFF80] =	vst v1;
	v1 =	vmul.f32 v6, v2  }
0x309: {  	v5 =	vor.u32 $0xC00, v4;
	[tilespmem:s5+$0xFFFFFFB0] =	vst v3;
	v3 =	vmul.f32 v7, v2  }
0x30a: {  	v6 =	vmul.f32 v62, v2;
	[tilespmem:s5+$0xFFFFFFD0] =	vst v1  }
0x30b: {  	v1 =	vmul.f32 v63, v2;
	[tilespmem:s5+$0xFFFFFFE0] =	vst v3  }
0x30c: {  	[tilespmem:s5+$0xFFFFFFC0] =	vst v6  }
0x30d: {  	[tilespmem:s5+$0xFFFFFF90] =	vst v1  }
0x30e: {  	v2 =	vld.idx.msk [tilespmem:v5+s26+$0x0], $0xffff;
	_ =	sdelay $0x2  }
0x30f: {  	v1 =	vld.idx.msk [tilespmem:v4+s13+$0x0], $0xffff;
	_ =	sdelay $0x4  }
0x310: {  	[tilespmem:v2+s4+$0x0] =	vst.idx.add.f32.msk $0x1, v1  }
0x311: {  	v3 =	vld [tilespmem:s5+$0x60]  }
0x312: {  	v4 =	vld [tilespmem:s5+$0x50]  }
0x313: {  	s18 =	simm.s32 $0x4880;
	s9 =	simm.s32 $0x4;
	v2 =	vld [tilespmem:s5+$0x0]  }
.LBB2_16:
0x314: {  	p1 =	slt.u32 s9, $0x4C  }
0x315: {  	v5 =	vld [tilespmem:s5+$0x40];
	s18 =	sadd.s32 $0x200, s18;
	s17 =	smov.u32 s9;
	s9 =	sadd.s32 $0x4, s9  }
0x316: {  	v6 =	vld [tilespmem:s5+$0x30]  }
0x317: {  	v7 =	vld [tilespmem:s5+$0x20];
	v3 =	vmul.f32 v3, v1  }
0x318: {  	v4 =	vmul.f32 v4, v1;
	v8 =	vld [tilespmem:s5+$0x70]  }
0x319: {  	v2 =	vmul.f32 v2, v1;
	v9 =	vld [tilespmem:s5+$0x10];
	[tilespmem:s5+$0x60] =	vst v3  }
0x31a: {  	s21 =	sadd.s32 $0x3, s6;
	s6 =	smov.u32 s17;
	v3 =	vmul.f32 v5, v1;
	[tilespmem:s5+$0x50] =	vst v4  }
0x31b: {  	v4 =	vmov s21;
	[tilespmem:s5+$0x0] =	vst v2;
	v2 =	vmul.f32 v6, v1  }
0x31c: {  	v5 =	vmul.f32 v7, v1;
	[tilespmem:s5+$0x40] =	vst v3;
	v3 =	vor.u32 $0xC00, v4  }
0x31d: {  	[tilespmem:s5+$0x30] =	vst v2;
	v2 =	vmul.f32 v8, v1  }
0x31e: {  	v1 =	vmul.f32 v9, v1;
	[tilespmem:s5+$0x20] =	vst v5  }
0x31f: {  	[tilespmem:s5+$0x70] =	vst v2  }
0x320: {  	[tilespmem:s5+$0x10] =	vst v1  }
0x321: {  	v1 =	vld.idx.msk [tilespmem:v3+s26+$0x0], $0xffff  }
0x322: {  	v2 =	vld.idx.msk [tilespmem:v4+s13+$0x0], $0xffff;
	_ =	sdelay $0x6  }
0x323: {  	[tilespmem:v1+s4+$0x0] =	vst.idx.add.f32.msk $0x1, v2  }
0x324: {  	v1 =	vld [tilespmem:s5+$0x80]  }
0x325: {  	v3 =	vld [tilespmem:s5+$0x90]  }
0x326: {  	v4 =	vld [tilespmem:s5+$0xA0]  }
0x327: {  	v5 =	vmov s6;
	v6 =	vld [tilespmem:s5+$0xB0]  }
0x328: {  	v7 =	vor.u32 $0xC00, v5;
	v8 =	vld [tilespmem:s5+$0xC0]  }
0x329: {  	v1 =	vmul.f32 v1, v2;
	v9 =	vld [tilespmem:s5+$0xD0]  }
0x32a: {  	v3 =	vmul.f32 v3, v2;
	v10 =	vld [tilespmem:s5+$0xE0]  }
0x32b: {  	[tilespmem:s5+$0x80] =	vst v1;
	v1 =	vmul.f32 v4, v2;
	v4 =	vld [tilespmem:s5+$0xF0]  }
0x32c: {  	[tilespmem:s5+$0x90] =	vst v3;
	v3 =	vmul.f32 v6, v2  }
0x32d: {  	[tilespmem:s5+$0xA0] =	vst v1;
	v1 =	vmul.f32 v8, v2  }
0x32e: {  	[tilespmem:s5+$0xB0] =	vst v3;
	v3 =	vmul.f32 v9, v2  }
0x32f: {  	[tilespmem:s5+$0xC0] =	vst v1;
	v1 =	vmul.f32 v10, v2  }
0x330: {  	[tilespmem:s5+$0xD0] =	vst v3;
	v2 =	vmul.f32 v4, v2  }
0x331: {  	[tilespmem:s5+$0xE0] =	vst v1  }
0x332: {  	[tilespmem:s5+$0xF0] =	vst v2;
	s5 =	smov.u32 s18  }
0x333: {  	v1 =	vld.idx.msk [tilespmem:v7+s26+$0x0], $0xffff;
	_ =	sdelay $0x1  }
0x334: {  	v2 =	vld.idx.msk [tilespmem:v5+s13+$0x0], $0xffff;
	_ =	sdelay $0x5  }
0x335: {  	[tilespmem:v1+s4+$0x0] =	vst.idx.add.f32.msk $0x1, v2  }
0x336: {  	v1 =	vld [tilespmem:s18+$0xFFFFFF70]  }
0x337: {  	v3 =	vld [tilespmem:s18+$0xFFFFFF40]  }
0x338: {  	v4 =	vld [tilespmem:s18+$0xFFFFFF30]  }
0x339: {  	v5 =	vld [tilespmem:s18+$0xFFFFFF20]  }
0x33a: {  	v6 =	vld [tilespmem:s18+$0xFFFFFF50]  }
0x33b: {  	v7 =	vld [tilespmem:s18+$0xFFFFFF10];
	v1 =	vmul.f32 v1, v2  }
0x33c: {  	v8 =	vld [tilespmem:s18+$0xFFFFFF00];
	v3 =	vmul.f32 v3, v2  }
0x33d: {  	v4 =	vmul.f32 v4, v2;
	v9 =	vld [tilespmem:s18+$0xFFFFFF60];
	[tilespmem:s18+$0xFFFFFF70] =	vst v1  }
0x33e: {  	s17 =	sadd.s32 $0x1, s6;
	v1 =	vmul.f32 v5, v2;
	[tilespmem:s18+$0xFFFFFF40] =	vst v3  }
0x33f: {  	[tilespmem:s18+$0xFFFFFF30] =	vst v4;
	v3 =	vmul.f32 v6, v2;
	v4 =	vmov s17  }
0x340: {  	v5 =	vmul.f32 v7, v2;
	[tilespmem:s18+$0xFFFFFF20] =	vst v1;
	v1 =	vor.u32 $0xC00, v4  }
0x341: {  	v6 =	vmul.f32 v8, v2;
	[tilespmem:s18+$0xFFFFFF50] =	vst v3  }
0x342: {  	[tilespmem:s18+$0xFFFFFF10] =	vst v5;
	v2 =	vmul.f32 v9, v2  }
0x343: {  	[tilespmem:s18+$0xFFFFFF00] =	vst v6  }
0x344: {  	[tilespmem:s18+$0xFFFFFF60] =	vst v2  }
0x345: {  	v1 =	vld.idx.msk [tilespmem:v1+s26+$0x0], $0xffff  }
0x346: {  	v2 =	vld.idx.msk [tilespmem:v4+s13+$0x0], $0xffff;
	_ =	sdelay $0x6  }
0x347: {  	[tilespmem:v1+s4+$0x0] =	vst.idx.add.f32.msk $0x1, v2  }
0x348: {  	v1 =	vld [tilespmem:s18+$0xFFFFFFF0]  }
0x349: {  	v3 =	vld [tilespmem:s18+$0xFFFFFFB0]  }
0x34a: {  	v4 =	vld [tilespmem:s18+$0xFFFFFFA0]  }
0x34b: {  	v5 =	vld [tilespmem:s18+$0xFFFFFF80]  }
0x34c: {  	v6 =	vld [tilespmem:s18+$0xFFFFFF90]  }
0x34d: {  	v7 =	vld [tilespmem:s18+$0xFFFFFFD0];
	v1 =	vmul.f32 v1, v2  }
0x34e: {  	v8 =	vld [tilespmem:s18+$0xFFFFFFE0]  }
0x34f: {  	v4 =	vmul.f32 v4, v2;
	v9 =	vld [tilespmem:s18+$0xFFFFFFC0];
	[tilespmem:s18+$0xFFFFFFF0] =	vst v1  }
0x350: {  	v1 =	vmul.f32 v5, v2  }
0x351: {  	s17 =	sadd.s32 $0x2, s6;
	v3 =	vmul.f32 v3, v2;
	v5 =	vmul.f32 v6, v2;
	[tilespmem:s18+$0xFFFFFFA0] =	vst v4  }
0x352: {  	v4 =	vmov s17;
	[tilespmem:s18+$0xFFFFFF80] =	vst v1;
	v1 =	vmul.f32 v7, v2  }
0x353: {  	v6 =	vor.u32 $0xC00, v4;
	[tilespmem:s18+$0xFFFFFFB0] =	vst v3;
	v3 =	vmul.f32 v8, v2  }
0x354: {  	v2 =	vmul.f32 v9, v2;
	[tilespmem:s18+$0xFFFFFFD0] =	vst v1  }
0x355: {  	[tilespmem:s18+$0xFFFFFFE0] =	vst v3  }
0x356: {  	[tilespmem:s18+$0xFFFFFFC0] =	vst v2  }
0x357: {  	[tilespmem:s18+$0xFFFFFF90] =	vst v5  }
0x358: {  	v2 =	vld.idx.msk [tilespmem:v6+s26+$0x0], $0xffff  }
0x359: {  	v1 =	vld.idx.msk [tilespmem:v4+s13+$0x0], $0xffff;
	_ =	sdelay $0x5  }
.Ltmp7:
0x35a: {  	(pc) =	sbr.rel @p1 .LBB2_16-.Ltmp7, $4  }
0x35b: {  	[tilespmem:v2+s4+$0x0] =	vst.idx.add.f32.msk $0x1, v1  }
0x35c: {  	v3 =	vld [tilespmem:s18+$0x60]  }
0x35d: {  	v4 =	vld [tilespmem:s18+$0x50]  }
0x35e: {  	v2 =	vld [tilespmem:s18+$0x0]  }
0x35f: {  	v5 =	vld [tilespmem:s5+$0x40]  }
0x360: {  	v6 =	vld [tilespmem:s5+$0x30]  }
0x361: {  	v7 =	vld [tilespmem:s5+$0x20];
	v3 =	vmul.f32 v3, v1  }
0x362: {  	v8 =	vld [tilespmem:s5+$0x70];
	v4 =	vmul.f32 v4, v1  }
0x363: {  	v9 =	vld [tilespmem:s5+$0x10];
	v2 =	vmul.f32 v2, v1;
	[tilespmem:s5+$0x60] =	vst v3  }
0x364: {  	s6 =	sadd.s32 $0x3, s6;
	v3 =	vmul.f32 v5, v1;
	[tilespmem:s5+$0x50] =	vst v4  }
0x365: {  	v56 =	vmov s6;
	[tilespmem:s5+$0x0] =	vst v2;
	v2 =	vmul.f32 v6, v1  }
0x366: {  	v57 =	vmul.f32 v7, v1;
	[tilespmem:s5+$0x40] =	vst v3;
	v3 =	vor.u32 $0xC00, v56  }
0x367: {  	[tilespmem:s5+$0x30] =	vst v2;
	v2 =	vmul.f32 v8, v1  }
0x368: {  	[tilespmem:s5+$0x20] =	vst v57;
	v1 =	vmul.f32 v9, v1  }
0x369: {  	[tilespmem:s5+$0x70] =	vst v2  }
0x36a: {  	[tilespmem:s5+$0x10] =	vst v1  }
0x36b: {  	v1 =	vld.idx.msk [tilespmem:v3+s26+$0x0], $0xffff;
	_ =	sdelay $0x2  }
0x36c: {  	v2 =	vld.idx.msk [tilespmem:v56+s13+$0x0], $0xffff;
	_ =	sdelay $0x4  }
0x36d: {  	[tilespmem:v1+s4+$0x0] =	vst.idx.add.f32.msk $0x1, v2  }
0x36e: {  	v1 =	vld [tilespmem:s5+$0x80]  }
0x36f: {  	v3 =	vld [tilespmem:s5+$0x90]  }
0x370: {  	v58 =	vld [tilespmem:s5+$0xA0]  }
0x371: {  	v59 =	vld [tilespmem:s5+$0xB0]  }
0x372: {  	v60 =	vld [tilespmem:s5+$0xC0]  }
0x373: {  	v61 =	vld [tilespmem:s5+$0xD0];
	v1 =	vmul.f32 v1, v2  }
0x374: {  	v62 =	vld [tilespmem:s5+$0xE0];
	v3 =	vmul.f32 v3, v2  }
0x375: {  	v63 =	vld [tilespmem:s5+$0xF0];
	[tilespmem:s5+$0x80] =	vst v1;
	v1 =	vmul.f32 v58, v2  }
0x376: {  	[tilespmem:s5+$0x90] =	vst v3;
	v3 =	vmul.f32 v59, v2  }
0x377: {  	[tilespmem:s5+$0xA0] =	vst v1;
	v1 =	vmul.f32 v60, v2  }
0x378: {  	[tilespmem:s5+$0xB0] =	vst v3;
	v3 =	vmul.f32 v61, v2  }
0x379: {  	[tilespmem:s5+$0xC0] =	vst v1;
	v1 =	vmul.f32 v62, v2  }
0x37a: {  	[tilespmem:s5+$0xD0] =	vst v3;
	v2 =	vmul.f32 v63, v2  }
0x37b: {  	[tilespmem:s5+$0xE0] =	vst v1  }
0x37c: {  	s25 =	simm.s32 $0x4380;
	[tilespmem:s5+$0xF0] =	vst v2  }
0x37d: {  	[spmem:s2] =	stream.indirect.scatter.add.f32 [tilespmem:s23], [sflag:$0x4], $0x80, s25, s28, $0xb8;
	[tilespmem:$0x1FB80] =	vst v63  }
0x37e: {  	_ =	swait.ge [sflag:s16], $0x2800  }
0x37f: {  	[sflag:s16] =	ssyncset.done $0x0  }
0x380: {  	s10 =	sadd.s32 $0x1, s10;
	[sflag:s16] =	ssyncadd.s32 $0xFFFFD800  }
0x381: {  	p1 =	sne.s32 s10, $0x5;
	_ =	swait.ge [sflag:s22], $0x2800  }
.Ltmp8:
0x382: {  	[sflag:s22] =	ssyncset.done $0x0;
	(pc) =	sbr.rel @p1 .LBB2_6-.Ltmp8, $4  }
0x383: {  	s31 =	simm.s32 $0x6;
	[sflag:s22] =	ssyncadd.s32 $0xFFFFD800  }
0x384: {  	_ =	swait.ge [sflag:s31], $0x2800  }
0x385: {  	[sflag:s31] =	ssyncset.done $0x0  }
0x386: {  	[sflag:s31] =	ssyncadd.s32 $0xFFFFD800  }
0x387: {  	s5 =	stileid.u32;
	[bflag:$0x0] =	sbarrier.arrive $0xFFFF  }
0x388: {  	s10 =	simm.s32 $0x7;
	s5 =	sshll.u32 s5, $0x6;
	s17 =	rddreg [dreg:$0x6]  }
0x389: {  	s9 =	rddreg [dreg:$0x10];
	s5 =	sor.u32 $0x1C07, s5;
	s6 =	sshrl.u32 s17, $0x3  }
0x38a: {  	[hbm:s9], [sflag:s5] =	dma.local [spmem:s6], $0x2700  }
0x38b: {  	_ =	swait.ge [sflag:s10], $0x2700  }
0x38c: {  	[sflag:s10] =	ssyncset.done $0x0;
	s18 =	rddreg [dreg:$0xe]  }
0x38d: {  	s9 =	rddreg [dreg:$0x11];
	[sflag:s10] =	ssyncadd.s32 $0xFFFFD900;
	s6 =	sshrl.u32 @!p0 s18, $0x3  }
0x38e: {  	[hbm:s9], [sflag:s5] =	dma.local @!p0 [spmem:s6], $0x100  }
0x38f: {  	s5 =	simm.s32 @!p0 $0x7  }
0x390: {  	_ =	swait.ge @!p0 [sflag:s5], $0x100  }
0x391: {  	[sflag:s5] =	ssyncset.done @!p0 $0x0  }
0x392: {  	s24 =	rddreg [dreg:$0x12];
	[sflag:s5] =	ssyncadd.s32 @!p0 $0xFFFFFF00  }
0x393: {  	[hbm4b:s24+s4] =	stream.linear.scatter [tilespmem:s4], [sflag:$0x7], $0x2710, $0x38;
	[tilespmem:$0x1FB80] =	vst v63  }
0x394: {  	_ =	swait.ge [sflag:s10], $0x2710  }
0x395: {  	s25 =	rddreg [dreg:$0x14]  }
0x396: {  	s31 =	rddreg [dreg:$0x13];
	s6 =	sadd.s32 $0x1, s25  }
0x397: {  	p1 =	sne.s32 s6, s31  }
.Ltmp9:
0x398: {  	_ = 	snop;
	(pc) =	sbr.rel @p1 .LBB2_1-.Ltmp9, $3  }
0x399: {  	_ =	sdelay $0x1  }
0x39a: {  	[sflag:s10] =	ssyncset.done $0x0  }
0x39b: {  	[sflag:s10] =	ssyncadd.s32 $0xFFFFD8F0  }
0x39c: {  	_ =	sfence.sel $0x180000  }
0x39d: {  	[bflag:$0x0] =	sbarrier.arrive $0xFFFF  }
0x39e: {  	_ =	strace $0x90000047  }
0x39f: {  	s0 =	stileid.u32;
	[bflag:$0x2] =	sbarrier.arrive $0xFFFF  }
0x3a0: {  	p0 =	sne.s32 s0, $0x0;
	s0 =	rddreg [dreg:$0x3]  }
0x3a1: {  	s0 =	sadd.s32 @!p0 $0x100000, s0  }
0x3a2: {  	[sflag:s0] =	ssyncadd.tile.s32 @!p0 $0x1;
	_ =	shalt  }
.Lfunc_end2:
_tile_overlayer_lowered:
.L_overlay_start_2:
0x3a3: {  	(tag) =	ssettag $0x2  }
0x3a4: {  	s0 =	rddreg [dreg:$0x0];
	s2 =	stileid.u32  }
0x3a5: {  	s1 =	rddreg [dreg:$0x1];
	p0 =	sne.s32 s2, $0x0  }
0x3a6: {  	s3 =	rddreg [dreg:$0x2];
	[bflag:$0x3] =	sbarrier.arrive $0xFFFF;
	s2 =	simm.s32 @!p0 $0x1C07  }
0x3a7: {  	[timem:s3], [sflag:s2] =	dma.local @!p0 [hbm:s0], s1  }
0x3a8: {  	s0 =	simm.s32 @!p0 $0x7  }
0x3a9: {  	_ =	swait.ge @!p0 [sflag:s0], s1  }
0x3aa: {  	s1 =	ssub.s32 @!p0 $0x0, s1;
	[sflag:s0] =	ssyncset.done @!p0 $0x0  }
0x3ab: {  	[sflag:s0] =	ssyncadd.s32 @!p0 s1  }
0x3ac: {  	[bflag:$0x3] =	sbarrier.arrive $0xFFFF  }
0x3ad: {  	_ =	shalt  }

</sc_bundles>
